<compile_context>
chip_gen: v7x
topology: tpu7x:2x2x1
jax: 0.10.2.dev20260603
libtpu: 0.0.44.dev20260713+nightly
codegen_flags: <defaults>
</compile_context>

<pallas_src>
import functools
import math

import jax
import jax.numpy as jnp
from jax import lax
from jax.experimental import pallas as pl
from jax.experimental.pallas import tpu as pltpu
from jax.experimental.pallas import tpu_sc as plsc

LANES = 16
NC = 2
NS = 16
NW = NC * NS
IDX_B = 128



def _mm_body(xt_ref, w_ref, o_ref):
    o_ref[...] = lax.dot_general(
        w_ref[...], xt_ref[...],
        dimension_numbers=(((1,), (0,)), ((), ())),
        preferred_element_type=jnp.float32,
    )


def _matmul(w, xt_pad, bj=128):
    ne = w.shape[0]
    return pl.pallas_call(
        _mm_body,
        grid=(ne // bj,),
        in_specs=[
            pl.BlockSpec((ne, LANES), lambda j: (0, 0)),
            pl.BlockSpec((bj, ne), lambda j: (j, 0)),
        ],
        out_specs=pl.BlockSpec((bj, LANES), lambda j: (j, 0)),
        out_shape=jax.ShapeDtypeStruct((ne, LANES), jnp.float32),
        compiler_params=pltpu.CompilerParams(
            dimension_semantics=("arbitrary",)),
    )(xt_pad, w)



def _make_spmm(ne, nb):
    rows_per_tile = ne // NS
    mesh = plsc.VectorSubcoreMesh(
        core_axis_name="c", subcore_axis_name="s",
        num_cores=NC, num_subcores=NS)

    @functools.partial(
        pl.kernel,
        mesh=mesh,
        compiler_params=pltpu.CompilerParams(use_tc_tiling_on_sc=False),
        out_type=jax.ShapeDtypeStruct((NC * ne, LANES), jnp.float32),
        scratch_types=[
            pltpu.VMEM((nb, IDX_B), jnp.int32),
            pltpu.VMEM((nb, IDX_B), jnp.int32),
            pltpu.VMEM((nb, IDX_B), jnp.float32),
            pltpu.VMEM((IDX_B, LANES), jnp.float32),
            pltpu.VMEM((IDX_B, LANES), jnp.float32),
            pltpu.VMEM((IDX_B, LANES), jnp.float32),
            pltpu.VMEM((IDX_B, LANES), jnp.float32),
            pltpu.VMEM_SHARED((ne, LANES), jnp.float32),
            pltpu.SemaphoreType.DMA,
            pltpu.SemaphoreType.DMA,
            pltpu.SemaphoreType.DMA,
            pltpu.SemaphoreType.DMA,
            pltpu.SemaphoreType.DMA,
        ],
    )
    def spmm(h_hbm, rows_hbm, cols_hbm, w_hbm, init_hbm, out_hbm,
             rows_v, cols_v, w_v, gbufa, gbufb, cbufa, cbufb, acc,
             stsem, gsema, gsemb, ssema, ssemb):
        c = lax.axis_index("c")
        s = lax.axis_index("s")
        wid = c * NS + s
        nh = nb // 2

        pltpu.async_copy(rows_hbm.at[wid], rows_v, stsem)
        pltpu.async_copy(cols_hbm.at[wid], cols_v, stsem)
        pltpu.async_copy(w_hbm.at[wid], w_v, stsem)
        init_slice = init_hbm.at[
            pl.ds(c * ne + s * rows_per_tile, rows_per_tile)]
        acc_slice = acc.at[pl.ds(s * rows_per_tile, rows_per_tile)]
        pltpu.async_copy(init_slice, acc_slice, stsem)

        pltpu.make_async_copy(rows_hbm.at[wid], rows_v, stsem).wait()
        pltpu.make_async_copy(cols_hbm.at[wid], cols_v, stsem).wait()
        pltpu.make_async_copy(w_hbm.at[wid], w_v, stsem).wait()
        pltpu.make_async_copy(init_slice, acc_slice, stsem).wait()
        plsc.subcore_barrier()

        def _compute(gb, cb, b):
            for g in range(IDX_B // LANES):
                wvec = w_v[b, pl.ds(g * LANES, LANES)]
                for j in range(LANES):
                    i = g * LANES + j
                    cb[i] = gb[i] * wvec[j]

        pltpu.async_copy(h_hbm.at[rows_v.at[0]], gbufa, gsema)

        def _pipe(g, carry):
            b0 = 2 * g
            b1 = b0 + 1
            pltpu.async_copy(h_hbm.at[rows_v.at[b1]], gbufb, gsemb)
            pltpu.make_async_copy(h_hbm.at[rows_v.at[0]], gbufa, gsema).wait()

            @pl.when(g > 0)
            def _():
                pltpu.make_async_copy(cbufa, acc.at[cols_v.at[0]], ssema).wait()
            _compute(gbufa, cbufa, b0)
            pltpu.async_copy(cbufa, acc.at[cols_v.at[b0]], ssema, add=True)

            @pl.when(g + 1 < nh)
            def _():
                pltpu.async_copy(h_hbm.at[rows_v.at[b0 + 2]], gbufa, gsema)
            pltpu.make_async_copy(h_hbm.at[rows_v.at[0]], gbufb, gsemb).wait()

            @pl.when(g > 0)
            def _():
                pltpu.make_async_copy(cbufb, acc.at[cols_v.at[0]], ssemb).wait()
            _compute(gbufb, cbufb, b1)
            pltpu.async_copy(cbufb, acc.at[cols_v.at[b1]], ssemb, add=True)
            return carry
        lax.fori_loop(0, nh, _pipe, 0)

        pltpu.make_async_copy(cbufa, acc.at[cols_v.at[0]], ssema).wait()
        pltpu.make_async_copy(cbufb, acc.at[cols_v.at[0]], ssemb).wait()

        plsc.subcore_barrier()
        pltpu.sync_copy(
            acc.at[pl.ds(s * rows_per_tile, rows_per_tile)],
            out_hbm.at[pl.ds(c * ne + s * rows_per_tile, rows_per_tile)])

    return spmm



def _make_combine(ne, b, bj=2048):
    def _body(p_ref, o_ref):
        t = p_ref[0] + p_ref[1]
        t = jnp.where(t >= 0, t, jnp.float32(0.001) * t)
        eye = jnp.eye(b, dtype=jnp.float32)
        o_ref[...] = lax.dot_general(
            eye, t[:, :b],
            dimension_numbers=(((1,), (1,)), ((), ())),
            preferred_element_type=jnp.float32,
        )

    return pl.pallas_call(
        _body,
        grid=(ne // bj,),
        in_specs=[pl.BlockSpec((2, bj, LANES), lambda j: (0, j, 0))],
        out_specs=pl.BlockSpec((b, bj), lambda j: (0, j)),
        out_shape=jax.ShapeDtypeStruct((b, ne), jnp.float32),
    )



def kernel(x, fc1_weight, sparse_weights, rows, cols):
    b, ne = x.shape
    nnz = rows.shape[0]

    xt_pad = jnp.zeros((ne, LANES), jnp.float32).at[:, :b].set(x.T)
    h = _matmul(fc1_weight, xt_pad)

    nb = 2 * math.ceil(nnz / (NW * IDX_B * 2))
    total = NW * nb * IDX_B
    pad = total - nnz
    rows_p = jnp.pad(rows.astype(jnp.int32), (0, pad)).reshape(NW, nb, IDX_B)
    cols_p = jnp.pad(cols.astype(jnp.int32), (0, pad)).reshape(NW, nb, IDX_B)
    w_p = jnp.pad(sparse_weights, (0, pad)).reshape(NW, nb, IDX_B)

    zeros = jnp.zeros((NC * ne, LANES), jnp.float32)
    parts = _make_spmm(ne, nb)(h, rows_p, cols_p, w_p, zeros)
    out = _make_combine(ne, b)(parts.reshape(2, ne, LANES))
    return out

# --- scband reference (transcript-rebuilt; emitter-appended) ---
"""Pipeline reference for scband-sensitivity-prediction-2-11716670783534 (READ-ONLY COPY).

The authoritative reference and input builder live on the scoring server;
editing this copy changes nothing except your own understanding.
"""

import jax, jax.numpy as jnp
import numpy as np

Ne = 16384
B = 8
NNZ = 268435  # Ne*Ne*0.001 density from connection rule

def setup_inputs(seed: int = 0) -> dict:
    key = jax.random.key(seed)
    k1, k2, k3, k4, k5 = jax.random.split(key, 5)
    x = jax.random.normal(k1, (B, Ne), dtype=jnp.float32)
    fc1_weight = jax.random.normal(k2, (Ne, Ne), dtype=jnp.float32) * 0.01
    rows = jax.random.randint(k3, (NNZ,), 0, Ne)
    cols = jax.random.randint(k4, (NNZ,), 0, Ne)
    bound = float(np.sqrt(2.0 / Ne))
    sparse_weights = jax.random.uniform(k5, (NNZ,), minval=-bound, maxval=bound, dtype=jnp.float32)
    return {"x": x, "fc1_weight": fc1_weight, "sparse_weights": sparse_weights, "rows": rows, "cols": cols}

def reference(x, fc1_weight, sparse_weights, rows, cols):
    # h = x @ fc1_weight.T
    h = x @ fc1_weight.T
    # sparse mm: out[b, j] = sum over nnz with col==j of h[b, row] * w
    contrib = h[:, rows] * sparse_weights[None, :]
    out = jnp.zeros((x.shape[0], Ne), dtype=x.dtype).at[:, cols].add(contrib)
    # leaky_relu with negative_slope=0.001
    out = jnp.where(out >= 0, out, 0.001 * out)
    return out

if __name__ == "__main__":
    import jax
    _d = setup_inputs()
    print(jax.jit(kernel)(*tuple(_d.values())))

</pallas_src>

<mosaic_0001>
#map = affine_map<(d0, d1) -> (0, 0)>
#map1 = affine_map<(d0, d1) -> (0, 0, 0)>
module attributes {stable_mosaic.version = 14 : i64} {
  func.func @spmm(%arg0: i32, %arg1: i32, %arg2: memref<16384x16xf32, #tpu.memory_space<hbm>>, %arg3: memref<32x66x128xi32, #tpu.memory_space<hbm>>, %arg4: memref<32x66x128xi32, #tpu.memory_space<hbm>>, %arg5: memref<32x66x128xf32, #tpu.memory_space<hbm>>, %arg6: memref<32768x16xf32, #tpu.memory_space<hbm>>, %arg7: memref<32768x16xf32, #tpu.memory_space<hbm>>, %arg8: memref<66x128xi32, #tpu.memory_space<vmem>>, %arg9: memref<66x128xi32, #tpu.memory_space<vmem>>, %arg10: memref<66x128xf32, #tpu.memory_space<vmem>>, %arg11: memref<128x16xf32, #tpu.memory_space<vmem>>, %arg12: memref<128x16xf32, #tpu.memory_space<vmem>>, %arg13: memref<128x16xf32, #tpu.memory_space<vmem>>, %arg14: memref<128x16xf32, #tpu.memory_space<vmem>>, %arg15: memref<16384x16xf32, #tpu.memory_space<vmem_shared>>, %arg16: memref<!tpu.dma_semaphore, #tpu.memory_space<semaphore_mem>>, %arg17: memref<!tpu.dma_semaphore, #tpu.memory_space<semaphore_mem>>, %arg18: memref<!tpu.dma_semaphore, #tpu.memory_space<semaphore_mem>>, %arg19: memref<!tpu.dma_semaphore, #tpu.memory_space<semaphore_mem>>, %arg20: memref<!tpu.dma_semaphore, #tpu.memory_space<semaphore_mem>>) attributes {dimension_semantics = [#tpu.dimension_semantics<core_parallel>, #tpu.dimension_semantics<subcore_parallel>], iteration_bounds = array<i64: 2, 16>, scalar_prefetch = 0 : i64, scratch_operands = 13 : i64, tpu.core_type = #tpu.core_type<sc_vector_subcore>, window_params = [{transform_indices = #map}, {transform_indices = #map1}, {transform_indices = #map1}, {transform_indices = #map1}, {transform_indices = #map}, {transform_indices = #map}]} {
    %mul3A = arith.constant 16 : i32
    %mul3A_0 = arith.muli %arg0, %mul3A : i32
    %add3A = arith.addi %mul3A_0, %arg1 : i32
    %dma_start3A = arith.constant 0 : i32
    %dma_start3A_1 = arith.constant 0 : i32
    %dma_start3A_2 = tpu.memref_slice %arg3[%add3A, %dma_start3A, %dma_start3A_1] : memref<32x66x128xi32, #tpu.memory_space<hbm>> -> memref<1x66x128xi32, #tpu.memory_space<hbm>>
    %dma_start3A_3 = tpu.memref_squeeze %dma_start3A_2 : memref<1x66x128xi32, #tpu.memory_space<hbm>> -> memref<66x128xi32, #tpu.memory_space<hbm>>
    %dma_start3A_4 = arith.constant 0 : i32
    %dma_start3A_5 = arith.constant 0 : i32
    %dma_start3A_6 = tpu.memref_slice %arg3[%add3A, %dma_start3A_4, %dma_start3A_5] : memref<32x66x128xi32, #tpu.memory_space<hbm>> -> memref<1x66x128xi32, #tpu.memory_space<hbm>>
    %dma_start3A_7 = tpu.memref_squeeze %dma_start3A_6 : memref<1x66x128xi32, #tpu.memory_space<hbm>> -> memref<66x128xi32, #tpu.memory_space<hbm>>
    tpu.enqueue_dma source(%dma_start3A_7 : memref<66x128xi32, #tpu.memory_space<hbm>>) target(%arg8 : memref<66x128xi32, #tpu.memory_space<vmem>>) target_semaphore(%arg16 : memref<!tpu.dma_semaphore, #tpu.memory_space<semaphore_mem>>)
    %dma_start3A_8 = arith.constant 0 : i32
    %dma_start3A_9 = arith.constant 0 : i32
    %dma_start3A_10 = tpu.memref_slice %arg4[%add3A, %dma_start3A_8, %dma_start3A_9] : memref<32x66x128xi32, #tpu.memory_space<hbm>> -> memref<1x66x128xi32, #tpu.memory_space<hbm>>
    %dma_start3A_11 = tpu.memref_squeeze %dma_start3A_10 : memref<1x66x128xi32, #tpu.memory_space<hbm>> -> memref<66x128xi32, #tpu.memory_space<hbm>>
    %dma_start3A_12 = arith.constant 0 : i32
    %dma_start3A_13 = arith.constant 0 : i32
    %dma_start3A_14 = tpu.memref_slice %arg4[%add3A, %dma_start3A_12, %dma_start3A_13] : memref<32x66x128xi32, #tpu.memory_space<hbm>> -> memref<1x66x128xi32, #tpu.memory_space<hbm>>
    %dma_start3A_15 = tpu.memref_squeeze %dma_start3A_14 : memref<1x66x128xi32, #tpu.memory_space<hbm>> -> memref<66x128xi32, #tpu.memory_space<hbm>>
    tpu.enqueue_dma source(%dma_start3A_15 : memref<66x128xi32, #tpu.memory_space<hbm>>) target(%arg9 : memref<66x128xi32, #tpu.memory_space<vmem>>) target_semaphore(%arg16 : memref<!tpu.dma_semaphore, #tpu.memory_space<semaphore_mem>>)
    %dma_start3A_16 = arith.constant 0 : i32
    %dma_start3A_17 = arith.constant 0 : i32
    %dma_start3A_18 = tpu.memref_slice %arg5[%add3A, %dma_start3A_16, %dma_start3A_17] : memref<32x66x128xf32, #tpu.memory_space<hbm>> -> memref<1x66x128xf32, #tpu.memory_space<hbm>>
    %dma_start3A_19 = tpu.memref_squeeze %dma_start3A_18 : memref<1x66x128xf32, #tpu.memory_space<hbm>> -> memref<66x128xf32, #tpu.memory_space<hbm>>
    %dma_start3A_20 = arith.constant 0 : i32
    %dma_start3A_21 = arith.constant 0 : i32
    %dma_start3A_22 = tpu.memref_slice %arg5[%add3A, %dma_start3A_20, %dma_start3A_21] : memref<32x66x128xf32, #tpu.memory_space<hbm>> -> memref<1x66x128xf32, #tpu.memory_space<hbm>>
    %dma_start3A_23 = tpu.memref_squeeze %dma_start3A_22 : memref<1x66x128xf32, #tpu.memory_space<hbm>> -> memref<66x128xf32, #tpu.memory_space<hbm>>
    tpu.enqueue_dma source(%dma_start3A_23 : memref<66x128xf32, #tpu.memory_space<hbm>>) target(%arg10 : memref<66x128xf32, #tpu.memory_space<vmem>>) target_semaphore(%arg16 : memref<!tpu.dma_semaphore, #tpu.memory_space<semaphore_mem>>)
    %mul3A_24 = arith.constant 16384 : i32
    %mul3A_25 = arith.muli %arg0, %mul3A_24 : i32
    %mul3A_26 = arith.constant 1024 : i32
    %mul3A_27 = arith.muli %arg1, %mul3A_26 : i32
    %add3A_28 = arith.addi %mul3A_25, %mul3A_27 : i32
    %mul3A_29 = arith.constant 1024 : i32
    %mul3A_30 = arith.muli %arg1, %mul3A_29 : i32
    %dma_start3A_31 = arith.constant 0 : i32
    %dma_start3A_32 = tpu.memref_slice %arg15[%mul3A_30, %dma_start3A_31] : memref<16384x16xf32, #tpu.memory_space<vmem_shared>> -> memref<1024x16xf32, #tpu.memory_space<vmem_shared>>
    %dma_start3A_33 = arith.constant 0 : i32
    %dma_start3A_34 = tpu.memref_slice %arg6[%add3A_28, %dma_start3A_33] : memref<32768x16xf32, #tpu.memory_space<hbm>> -> memref<1024x16xf32, #tpu.memory_space<hbm>>
    tpu.enqueue_dma source(%dma_start3A_34 : memref<1024x16xf32, #tpu.memory_space<hbm>>) target(%dma_start3A_32 : memref<1024x16xf32, #tpu.memory_space<vmem_shared>>) target_semaphore(%arg16 : memref<!tpu.dma_semaphore, #tpu.memory_space<semaphore_mem>>)
    %dma_wait3A = arith.constant 0 : i32
    %dma_wait3A_35 = arith.constant 0 : i32
    %dma_wait3A_36 = tpu.memref_slice %arg3[%add3A, %dma_wait3A, %dma_wait3A_35] : memref<32x66x128xi32, #tpu.memory_space<hbm>> -> memref<1x66x128xi32, #tpu.memory_space<hbm>>
    %dma_wait3A_37 = tpu.memref_squeeze %dma_wait3A_36 : memref<1x66x128xi32, #tpu.memory_space<hbm>> -> memref<66x128xi32, #tpu.memory_space<hbm>>
    %dma_wait3A_38 = arith.constant 0 : i32
    %dma_wait3A_39 = arith.constant 0 : i32
    %dma_wait3A_40 = tpu.memref_slice %arg3[%add3A, %dma_wait3A_38, %dma_wait3A_39] : memref<32x66x128xi32, #tpu.memory_space<hbm>> -> memref<1x66x128xi32, #tpu.memory_space<hbm>>
    %dma_wait3A_41 = tpu.memref_squeeze %dma_wait3A_40 : memref<1x66x128xi32, #tpu.memory_space<hbm>> -> memref<66x128xi32, #tpu.memory_space<hbm>>
    tpu.wait_dma2 semaphore(%arg16 : memref<!tpu.dma_semaphore, #tpu.memory_space<semaphore_mem>>) src(%dma_wait3A_41 : memref<66x128xi32, #tpu.memory_space<hbm>>) dst(%arg8 : memref<66x128xi32, #tpu.memory_space<vmem>>)
    %dma_wait3A_42 = arith.constant 0 : i32
    %dma_wait3A_43 = arith.constant 0 : i32
    %dma_wait3A_44 = tpu.memref_slice %arg4[%add3A, %dma_wait3A_42, %dma_wait3A_43] : memref<32x66x128xi32, #tpu.memory_space<hbm>> -> memref<1x66x128xi32, #tpu.memory_space<hbm>>
    %dma_wait3A_45 = tpu.memref_squeeze %dma_wait3A_44 : memref<1x66x128xi32, #tpu.memory_space<hbm>> -> memref<66x128xi32, #tpu.memory_space<hbm>>
    %dma_wait3A_46 = arith.constant 0 : i32
    %dma_wait3A_47 = arith.constant 0 : i32
    %dma_wait3A_48 = tpu.memref_slice %arg4[%add3A, %dma_wait3A_46, %dma_wait3A_47] : memref<32x66x128xi32, #tpu.memory_space<hbm>> -> memref<1x66x128xi32, #tpu.memory_space<hbm>>
    %dma_wait3A_49 = tpu.memref_squeeze %dma_wait3A_48 : memref<1x66x128xi32, #tpu.memory_space<hbm>> -> memref<66x128xi32, #tpu.memory_space<hbm>>
    tpu.wait_dma2 semaphore(%arg16 : memref<!tpu.dma_semaphore, #tpu.memory_space<semaphore_mem>>) src(%dma_wait3A_49 : memref<66x128xi32, #tpu.memory_space<hbm>>) dst(%arg9 : memref<66x128xi32, #tpu.memory_space<vmem>>)
    %dma_wait3A_50 = arith.constant 0 : i32
    %dma_wait3A_51 = arith.constant 0 : i32
    %dma_wait3A_52 = tpu.memref_slice %arg5[%add3A, %dma_wait3A_50, %dma_wait3A_51] : memref<32x66x128xf32, #tpu.memory_space<hbm>> -> memref<1x66x128xf32, #tpu.memory_space<hbm>>
    %dma_wait3A_53 = tpu.memref_squeeze %dma_wait3A_52 : memref<1x66x128xf32, #tpu.memory_space<hbm>> -> memref<66x128xf32, #tpu.memory_space<hbm>>
    %dma_wait3A_54 = arith.constant 0 : i32
    %dma_wait3A_55 = arith.constant 0 : i32
    %dma_wait3A_56 = tpu.memref_slice %arg5[%add3A, %dma_wait3A_54, %dma_wait3A_55] : memref<32x66x128xf32, #tpu.memory_space<hbm>> -> memref<1x66x128xf32, #tpu.memory_space<hbm>>
    %dma_wait3A_57 = tpu.memref_squeeze %dma_wait3A_56 : memref<1x66x128xf32, #tpu.memory_space<hbm>> -> memref<66x128xf32, #tpu.memory_space<hbm>>
    tpu.wait_dma2 semaphore(%arg16 : memref<!tpu.dma_semaphore, #tpu.memory_space<semaphore_mem>>) src(%dma_wait3A_57 : memref<66x128xf32, #tpu.memory_space<hbm>>) dst(%arg10 : memref<66x128xf32, #tpu.memory_space<vmem>>)
    %dma_wait3A_58 = arith.constant 0 : i32
    %dma_wait3A_59 = tpu.memref_slice %arg15[%mul3A_30, %dma_wait3A_58] : memref<16384x16xf32, #tpu.memory_space<vmem_shared>> -> memref<1024x16xf32, #tpu.memory_space<vmem_shared>>
    %dma_wait3A_60 = arith.constant 0 : i32
    %dma_wait3A_61 = tpu.memref_slice %arg6[%add3A_28, %dma_wait3A_60] : memref<32768x16xf32, #tpu.memory_space<hbm>> -> memref<1024x16xf32, #tpu.memory_space<hbm>>
    tpu.wait_dma2 semaphore(%arg16 : memref<!tpu.dma_semaphore, #tpu.memory_space<semaphore_mem>>) src(%dma_wait3A_61 : memref<1024x16xf32, #tpu.memory_space<hbm>>) dst(%dma_wait3A_59 : memref<1024x16xf32, #tpu.memory_space<vmem_shared>>)
    %barrier3A = arith.constant 0 : index
    tpu.barrier barrier_id(%barrier3A)
    %dma_start3A_62 = arith.constant 0 : i32
    %dma_start3A_63 = arith.constant 0 : i32
    %dma_start3A_64 = tpu.memref_slice %arg8[%dma_start3A_62, %dma_start3A_63] : memref<66x128xi32, #tpu.memory_space<vmem>> -> memref<1x128xi32, #tpu.memory_space<vmem>>
    %dma_start3A_65 = tpu.memref_squeeze %dma_start3A_64 : memref<1x128xi32, #tpu.memory_space<vmem>> -> memref<128xi32, #tpu.memory_space<vmem>>
    %dma_start3A_66 = arith.constant 0 : i32
    %dma_start3A_67 = arith.constant 0 : i32
    %dma_start3A_68 = tpu.memref_slice %arg2[%dma_start3A_66, %dma_start3A_67] : memref<16384x16xf32, #tpu.memory_space<hbm>> -> memref<16384x16xf32, #tpu.memory_space<hbm>>
    tpu.enqueue_indirect_dma source(%dma_start3A_68 : memref<16384x16xf32, #tpu.memory_space<hbm>>) target(%arg11 : memref<128x16xf32, #tpu.memory_space<vmem>>) offsets(%dma_start3A_65 : memref<128xi32, #tpu.memory_space<vmem>>) semaphore(%arg17 : memref<!tpu.dma_semaphore, #tpu.memory_space<semaphore_mem>>)
    %scan3A = arith.constant 0 : i32
    %scan3A_69 = arith.constant 0 : i32
    %scan3A_70 = arith.constant 33 : i32
    %scan3A_71 = arith.addi %scan3A_69, %scan3A_70 : i32
    %scan3A_72 = arith.constant 1 : i32
    scf.for %scan3A_96 = %scan3A_69 to %scan3A_71 step %scan3A_72  : i32 {
      %mul3A_97 = arith.constant 2 : i32
      %mul3A_98 = arith.muli %mul3A_97, %scan3A_96 : i32
      %add3A_99 = arith.constant 1 : i32
      %add3A_100 = arith.addi %mul3A_98, %add3A_99 : i32
      %dma_start3A_101 = arith.constant 0 : i32
      %dma_start3A_102 = tpu.memref_slice %arg8[%add3A_100, %dma_start3A_101] : memref<66x128xi32, #tpu.memory_space<vmem>> -> memref<1x128xi32, #tpu.memory_space<vmem>>
      %dma_start3A_103 = tpu.memref_squeeze %dma_start3A_102 : memref<1x128xi32, #tpu.memory_space<vmem>> -> memref<128xi32, #tpu.memory_space<vmem>>
      %dma_start3A_104 = arith.constant 0 : i32
      %dma_start3A_105 = arith.constant 0 : i32
      %dma_start3A_106 = tpu.memref_slice %arg2[%dma_start3A_104, %dma_start3A_105] : memref<16384x16xf32, #tpu.memory_space<hbm>> -> memref<16384x16xf32, #tpu.memory_space<hbm>>
      tpu.enqueue_indirect_dma source(%dma_start3A_106 : memref<16384x16xf32, #tpu.memory_space<hbm>>) target(%arg12 : memref<128x16xf32, #tpu.memory_space<vmem>>) offsets(%dma_start3A_103 : memref<128xi32, #tpu.memory_space<vmem>>) semaphore(%arg18 : memref<!tpu.dma_semaphore, #tpu.memory_space<semaphore_mem>>)
      %dma_wait3A_107 = arith.constant 0 : i32
      %dma_wait3A_108 = arith.constant 0 : i32
      %dma_wait3A_109 = tpu.memref_slice %arg8[%dma_wait3A_107, %dma_wait3A_108] : memref<66x128xi32, #tpu.memory_space<vmem>> -> memref<1x128xi32, #tpu.memory_space<vmem>>
      %dma_wait3A_110 = tpu.memref_squeeze %dma_wait3A_109 : memref<1x128xi32, #tpu.memory_space<vmem>> -> memref<128xi32, #tpu.memory_space<vmem>>
      %dma_wait3A_111 = arith.constant 0 : i32
      %dma_wait3A_112 = arith.constant 0 : i32
      %dma_wait3A_113 = tpu.memref_slice %arg2[%dma_wait3A_111, %dma_wait3A_112] : memref<16384x16xf32, #tpu.memory_space<hbm>> -> memref<16384x16xf32, #tpu.memory_space<hbm>>
      tpu.wait_indirect_dma semaphore(%arg17 : memref<!tpu.dma_semaphore, #tpu.memory_space<semaphore_mem>>) src(%dma_wait3A_113 : memref<16384x16xf32, #tpu.memory_space<hbm>>) dst(%arg11 : memref<128x16xf32, #tpu.memory_space<vmem>>)
      %gt3A = arith.constant 0 : i32
      %gt3A_114 = arith.cmpi sgt, %scan3A_96, %gt3A : i32
      %convert_element_type3A = arith.extui %gt3A_114 : i1 to i32
      %cond3A = arith.constant 0 : i32
      %cond3A_115 = arith.cmpi ne, %convert_element_type3A, %cond3A : i32
      scf.if %cond3A_115 {
        %dma_wait3A_4046 = arith.constant 0 : i32
        %dma_wait3A_4047 = arith.constant 0 : i32
        %dma_wait3A_4048 = tpu.memref_slice %arg9[%dma_wait3A_4046, %dma_wait3A_4047] : memref<66x128xi32, #tpu.memory_space<vmem>> -> memref<1x128xi32, #tpu.memory_space<vmem>>
        %dma_wait3A_4049 = tpu.memref_squeeze %dma_wait3A_4048 : memref<1x128xi32, #tpu.memory_space<vmem>> -> memref<128xi32, #tpu.memory_space<vmem>>
        %dma_wait3A_4050 = arith.constant 0 : i32
        %dma_wait3A_4051 = arith.constant 0 : i32
        %dma_wait3A_4052 = tpu.memref_slice %arg15[%dma_wait3A_4050, %dma_wait3A_4051] : memref<16384x16xf32, #tpu.memory_space<vmem_shared>> -> memref<16384x16xf32, #tpu.memory_space<vmem_shared>>
        tpu.wait_indirect_dma semaphore(%arg19 : memref<!tpu.dma_semaphore, #tpu.memory_space<semaphore_mem>>) src(%arg13 : memref<128x16xf32, #tpu.memory_space<vmem>>) dst(%dma_wait3A_4052 : memref<16384x16xf32, #tpu.memory_space<vmem_shared>>)
      } else {
      }
      %get3A = arith.index_cast %mul3A_98 : i32 to index
      %get3A_116 = arith.constant 0 : index
      %get3A_117 = tpu.vector_load %arg10[%get3A, %get3A_116] {strides = array<i32>} : memref<66x128xf32, #tpu.memory_space<vmem>>, vector<1x16xf32>,
      %get3A_118 = vector.shape_cast %get3A_117 : vector<1x16xf32> to vector<16xf32>
      %get3A_119 = arith.constant 0 : i32
      %get3A_120 = arith.index_cast %get3A_119 : i32 to index
      %get3A_121 = arith.constant 0 : index
      %get3A_122 = tpu.vector_load %arg11[%get3A_120, %get3A_121] {strides = array<i32>} : memref<128x16xf32, #tpu.memory_space<vmem>>, vector<1x16xf32>,
      %get3A_123 = vector.shape_cast %get3A_122 : vector<1x16xf32> to vector<16xf32>
      %slice3A = vector.extract_strided_slice %get3A_118 {offsets = [0], sizes = [1], strides = [1]} : vector<16xf32> to vector<1xf32>
      %squeeze3A = vector.extract %slice3A[0] : f32 from vector<1xf32>
      %mul3A_124 = vector.broadcast %squeeze3A : f32 to vector<16xf32>
      %mul3A_125 = arith.mulf %get3A_123, %mul3A_124 : vector<16xf32>
      %swap3A = arith.constant 0 : i32
      %swap3A_126 = arith.index_cast %swap3A : i32 to index
      %swap3A_127 = arith.constant 0 : index
      %swap3A_128 = tpu.vector_load %arg13[%swap3A_126, %swap3A_127] {strides = array<i32>} : memref<128x16xf32, #tpu.memory_space<vmem>>, vector<1x16xf32>,
      %swap3A_129 = vector.shape_cast %swap3A_128 : vector<1x16xf32> to vector<16xf32>
      %swap3A_130 = vector.shape_cast %mul3A_125 : vector<16xf32> to vector<1x16xf32>
      tpu.vector_store %arg13[%swap3A_126, %swap3A_127], %swap3A_130 {strides = array<i32>} : memref<128x16xf32, #tpu.memory_space<vmem>>, vector<1x16xf32>,
      %get3A_131 = arith.constant 1 : i32
      %get3A_132 = arith.index_cast %get3A_131 : i32 to index
      %get3A_133 = arith.constant 0 : index
      %get3A_134 = tpu.vector_load %arg11[%get3A_132, %get3A_133] {strides = array<i32>} : memref<128x16xf32, #tpu.memory_space<vmem>>, vector<1x16xf32>,
      %get3A_135 = vector.shape_cast %get3A_134 : vector<1x16xf32> to vector<16xf32>
      %slice3A_136 = vector.extract_strided_slice %get3A_118 {offsets = [1], sizes = [1], strides = [1]} : vector<16xf32> to vector<1xf32>
      %squeeze3A_137 = vector.extract %slice3A_136[0] : f32 from vector<1xf32>
      %mul3A_138 = vector.broadcast %squeeze3A_137 : f32 to vector<16xf32>
      %mul3A_139 = arith.mulf %get3A_135, %mul3A_138 : vector<16xf32>
      %swap3A_140 = arith.constant 1 : i32
      %swap3A_141 = arith.index_cast %swap3A_140 : i32 to index
      %swap3A_142 = arith.constant 0 : index
      %swap3A_143 = tpu.vector_load %arg13[%swap3A_141, %swap3A_142] {strides = array<i32>} : memref<128x16xf32, #tpu.memory_space<vmem>>, vector<1x16xf32>,
      %swap3A_144 = vector.shape_cast %swap3A_143 : vector<1x16xf32> to vector<16xf32>
      %swap3A_145 = vector.shape_cast %mul3A_139 : vector<16xf32> to vector<1x16xf32>
      tpu.vector_store %arg13[%swap3A_141, %swap3A_142], %swap3A_145 {strides = array<i32>} : memref<128x16xf32, #tpu.memory_space<vmem>>, vector<1x16xf32>,
      %get3A_146 = arith.constant 2 : i32
      %get3A_147 = arith.index_cast %get3A_146 : i32 to index
      %get3A_148 = arith.constant 0 : index
      %get3A_149 = tpu.vector_load %arg11[%get3A_147, %get3A_148] {strides = array<i32>} : memref<128x16xf32, #tpu.memory_space<vmem>>, vector<1x16xf32>,
      %get3A_150 = vector.shape_cast %get3A_149 : vector<1x16xf32> to vector<16xf32>
      %slice3A_151 = vector.extract_strided_slice %get3A_118 {offsets = [2], sizes = [1], strides = [1]} : vector<16xf32> to vector<1xf32>
      %squeeze3A_152 = vector.extract %slice3A_151[0] : f32 from vector<1xf32>
      %mul3A_153 = vector.broadcast %squeeze3A_152 : f32 to vector<16xf32>
      %mul3A_154 = arith.mulf %get3A_150, %mul3A_153 : vector<16xf32>
      %swap3A_155 = arith.constant 2 : i32
      %swap3A_156 = arith.index_cast %swap3A_155 : i32 to index
      %swap3A_157 = arith.constant 0 : index
      %swap3A_158 = tpu.vector_load %arg13[%swap3A_156, %swap3A_157] {strides = array<i32>} : memref<128x16xf32, #tpu.memory_space<vmem>>, vector<1x16xf32>,
      %swap3A_159 = vector.shape_cast %swap3A_158 : vector<1x16xf32> to vector<16xf32>
      %swap3A_160 = vector.shape_cast %mul3A_154 : vector<16xf32> to vector<1x16xf32>
      tpu.vector_store %arg13[%swap3A_156, %swap3A_157], %swap3A_160 {strides = array<i32>} : memref<128x16xf32, #tpu.memory_space<vmem>>, vector<1x16xf32>,
      %get3A_161 = arith.constant 3 : i32
      %get3A_162 = arith.index_cast %get3A_161 : i32 to index
      %get3A_163 = arith.constant 0 : index
      %get3A_164 = tpu.vector_load %arg11[%get3A_162, %get3A_163] {strides = array<i32>} : memref<128x16xf32, #tpu.memory_space<vmem>>, vector<1x16xf32>,
      %get3A_165 = vector.shape_cast %get3A_164 : vector<1x16xf32> to vector<16xf32>
      %slice3A_166 = vector.extract_strided_slice %get3A_118 {offsets = [3], sizes = [1], strides = [1]} : vector<16xf32> to vector<1xf32>
      %squeeze3A_167 = vector.extract %slice3A_166[0] : f32 from vector<1xf32>
      %mul3A_168 = vector.broadcast %squeeze3A_167 : f32 to vector<16xf32>
      %mul3A_169 = arith.mulf %get3A_165, %mul3A_168 : vector<16xf32>
      %swap3A_170 = arith.constant 3 : i32
      %swap3A_171 = arith.index_cast %swap3A_170 : i32 to index
      %swap3A_172 = arith.constant 0 : index
      %swap3A_173 = tpu.vector_load %arg13[%swap3A_171, %swap3A_172] {strides = array<i32>} : memref<128x16xf32, #tpu.memory_space<vmem>>, vector<1x16xf32>,
      %swap3A_174 = vector.shape_cast %swap3A_173 : vector<1x16xf32> to vector<16xf32>
      %swap3A_175 = vector.shape_cast %mul3A_169 : vector<16xf32> to vector<1x16xf32>
      tpu.vector_store %arg13[%swap3A_171, %swap3A_172], %swap3A_175 {strides = array<i32>} : memref<128x16xf32, #tpu.memory_space<vmem>>, vector<1x16xf32>,
      %get3A_176 = arith.constant 4 : i32
      %get3A_177 = arith.index_cast %get3A_176 : i32 to index
      %get3A_178 = arith.constant 0 : index
      %get3A_179 = tpu.vector_load %arg11[%get3A_177, %get3A_178] {strides = array<i32>} : memref<128x16xf32, #tpu.memory_space<vmem>>, vector<1x16xf32>,
      %get3A_180 = vector.shape_cast %get3A_179 : vector<1x16xf32> to vector<16xf32>
      %slice3A_181 = vector.extract_strided_slice %get3A_118 {offsets = [4], sizes = [1], strides = [1]} : vector<16xf32> to vector<1xf32>
      %squeeze3A_182 = vector.extract %slice3A_181[0] : f32 from vector<1xf32>
      %mul3A_183 = vector.broadcast %squeeze3A_182 : f32 to vector<16xf32>
      %mul3A_184 = arith.mulf %get3A_180, %mul3A_183 : vector<16xf32>
      %swap3A_185 = arith.constant 4 : i32
      %swap3A_186 = arith.index_cast %swap3A_185 : i32 to index
      %swap3A_187 = arith.constant 0 : index
      %swap3A_188 = tpu.vector_load %arg13[%swap3A_186, %swap3A_187] {strides = array<i32>} : memref<128x16xf32, #tpu.memory_space<vmem>>, vector<1x16xf32>,
      %swap3A_189 = vector.shape_cast %swap3A_188 : vector<1x16xf32> to vector<16xf32>
      %swap3A_190 = vector.shape_cast %mul3A_184 : vector<16xf32> to vector<1x16xf32>
      tpu.vector_store %arg13[%swap3A_186, %swap3A_187], %swap3A_190 {strides = array<i32>} : memref<128x16xf32, #tpu.memory_space<vmem>>, vector<1x16xf32>,
      %get3A_191 = arith.constant 5 : i32
      %get3A_192 = arith.index_cast %get3A_191 : i32 to index
      %get3A_193 = arith.constant 0 : index
      %get3A_194 = tpu.vector_load %arg11[%get3A_192, %get3A_193] {strides = array<i32>} : memref<128x16xf32, #tpu.memory_space<vmem>>, vector<1x16xf32>,
      %get3A_195 = vector.shape_cast %get3A_194 : vector<1x16xf32> to vector<16xf32>
      %slice3A_196 = vector.extract_strided_slice %get3A_118 {offsets = [5], sizes = [1], strides = [1]} : vector<16xf32> to vector<1xf32>
      %squeeze3A_197 = vector.extract %slice3A_196[0] : f32 from vector<1xf32>
      %mul3A_198 = vector.broadcast %squeeze3A_197 : f32 to vector<16xf32>
      %mul3A_199 = arith.mulf %get3A_195, %mul3A_198 : vector<16xf32>
      %swap3A_200 = arith.constant 5 : i32
      %swap3A_201 = arith.index_cast %swap3A_200 : i32 to index
      %swap3A_202 = arith.constant 0 : index
      %swap3A_203 = tpu.vector_load %arg13[%swap3A_201, %swap3A_202] {strides = array<i32>} : memref<128x16xf32, #tpu.memory_space<vmem>>, vector<1x16xf32>,
      %swap3A_204 = vector.shape_cast %swap3A_203 : vector<1x16xf32> to vector<16xf32>
      %swap3A_205 = vector.shape_cast %mul3A_199 : vector<16xf32> to vector<1x16xf32>
      tpu.vector_store %arg13[%swap3A_201, %swap3A_202], %swap3A_205 {strides = array<i32>} : memref<128x16xf32, #tpu.memory_space<vmem>>, vector<1x16xf32>,
      %get3A_206 = arith.constant 6 : i32
      %get3A_207 = arith.index_cast %get3A_206 : i32 to index
      %get3A_208 = arith.constant 0 : index
      %get3A_209 = tpu.vector_load %arg11[%get3A_207, %get3A_208] {strides = array<i32>} : memref<128x16xf32, #tpu.memory_space<vmem>>, vector<1x16xf32>,
      %get3A_210 = vector.shape_cast %get3A_209 : vector<1x16xf32> to vector<16xf32>
      %slice3A_211 = vector.extract_strided_slice %get3A_118 {offsets = [6], sizes = [1], strides = [1]} : vector<16xf32> to vector<1xf32>
      %squeeze3A_212 = vector.extract %slice3A_211[0] : f32 from vector<1xf32>
      %mul3A_213 = vector.broadcast %squeeze3A_212 : f32 to vector<16xf32>
      %mul3A_214 = arith.mulf %get3A_210, %mul3A_213 : vector<16xf32>
      %swap3A_215 = arith.constant 6 : i32
      %swap3A_216 = arith.index_cast %swap3A_215 : i32 to index
      %swap3A_217 = arith.constant 0 : index
      %swap3A_218 = tpu.vector_load %arg13[%swap3A_216, %swap3A_217] {strides = array<i32>} : memref<128x16xf32, #tpu.memory_space<vmem>>, vector<1x16xf32>,
      %swap3A_219 = vector.shape_cast %swap3A_218 : vector<1x16xf32> to vector<16xf32>
      %swap3A_220 = vector.shape_cast %mul3A_214 : vector<16xf32> to vector<1x16xf32>
      tpu.vector_store %arg13[%swap3A_216, %swap3A_217], %swap3A_220 {strides = array<i32>} : memref<128x16xf32, #tpu.memory_space<vmem>>, vector<1x16xf32>,
      %get3A_221 = arith.constant 7 : i32
      %get3A_222 = arith.index_cast %get3A_221 : i32 to index
      %get3A_223 = arith.constant 0 : index
      %get3A_224 = tpu.vector_load %arg11[%get3A_222, %get3A_223] {strides = array<i32>} : memref<128x16xf32, #tpu.memory_space<vmem>>, vector<1x16xf32>,
      %get3A_225 = vector.shape_cast %get3A_224 : vector<1x16xf32> to vector<16xf32>
      %slice3A_226 = vector.extract_strided_slice %get3A_118 {offsets = [7], sizes = [1], strides = [1]} : vector<16xf32> to vector<1xf32>
      %squeeze3A_227 = vector.extract %slice3A_226[0] : f32 from vector<1xf32>
      %mul3A_228 = vector.broadcast %squeeze3A_227 : f32 to vector<16xf32>
      %mul3A_229 = arith.mulf %get3A_225, %mul3A_228 : vector<16xf32>
      %swap3A_230 = arith.constant 7 : i32
      %swap3A_231 = arith.index_cast %swap3A_230 : i32 to index
      %swap3A_232 = arith.constant 0 : index
      %swap3A_233 = tpu.vector_load %arg13[%swap3A_231, %swap3A_232] {strides = array<i32>} : memref<128x16xf32, #tpu.memory_space<vmem>>, vector<1x16xf32>,
      %swap3A_234 = vector.shape_cast %swap3A_233 : vector<1x16xf32> to vector<16xf32>
      %swap3A_235 = vector.shape_cast %mul3A_229 : vector<16xf32> to vector<1x16xf32>
      tpu.vector_store %arg13[%swap3A_231, %swap3A_232], %swap3A_235 {strides = array<i32>} : memref<128x16xf32, #tpu.memory_space<vmem>>, vector<1x16xf32>,
      %get3A_236 = arith.constant 8 : i32
      %get3A_237 = arith.index_cast %get3A_236 : i32 to index
      %get3A_238 = arith.constant 0 : index
      %get3A_239 = tpu.vector_load %arg11[%get3A_237, %get3A_238] {strides = array<i32>} : memref<128x16xf32, #tpu.memory_space<vmem>>, vector<1x16xf32>,
      %get3A_240 = vector.shape_cast %get3A_239 : vector<1x16xf32> to vector<16xf32>
      %slice3A_241 = vector.extract_strided_slice %get3A_118 {offsets = [8], sizes = [1], strides = [1]} : vector<16xf32> to vector<1xf32>
      %squeeze3A_242 = vector.extract %slice3A_241[0] : f32 from vector<1xf32>
      %mul3A_243 = vector.broadcast %squeeze3A_242 : f32 to vector<16xf32>
      %mul3A_244 = arith.mulf %get3A_240, %mul3A_243 : vector<16xf32>
      %swap3A_245 = arith.constant 8 : i32
      %swap3A_246 = arith.index_cast %swap3A_245 : i32 to index
      %swap3A_247 = arith.constant 0 : index
      %swap3A_248 = tpu.vector_load %arg13[%swap3A_246, %swap3A_247] {strides = array<i32>} : memref<128x16xf32, #tpu.memory_space<vmem>>, vector<1x16xf32>,
      %swap3A_249 = vector.shape_cast %swap3A_248 : vector<1x16xf32> to vector<16xf32>
      %swap3A_250 = vector.shape_cast %mul3A_244 : vector<16xf32> to vector<1x16xf32>
      tpu.vector_store %arg13[%swap3A_246, %swap3A_247], %swap3A_250 {strides = array<i32>} : memref<128x16xf32, #tpu.memory_space<vmem>>, vector<1x16xf32>,
      %get3A_251 = arith.constant 9 : i32
      %get3A_252 = arith.index_cast %get3A_251 : i32 to index
      %get3A_253 = arith.constant 0 : index
      %get3A_254 = tpu.vector_load %arg11[%get3A_252, %get3A_253] {strides = array<i32>} : memref<128x16xf32, #tpu.memory_space<vmem>>, vector<1x16xf32>,
      %get3A_255 = vector.shape_cast %get3A_254 : vector<1x16xf32> to vector<16xf32>
      %slice3A_256 = vector.extract_strided_slice %get3A_118 {offsets = [9], sizes = [1], strides = [1]} : vector<16xf32> to vector<1xf32>
      %squeeze3A_257 = vector.extract %slice3A_256[0] : f32 from vector<1xf32>
      %mul3A_258 = vector.broadcast %squeeze3A_257 : f32 to vector<16xf32>
      %mul3A_259 = arith.mulf %get3A_255, %mul3A_258 : vector<16xf32>
      %swap3A_260 = arith.constant 9 : i32
      %swap3A_261 = arith.index_cast %swap3A_260 : i32 to index
      %swap3A_262 = arith.constant 0 : index
      %swap3A_263 = tpu.vector_load %arg13[%swap3A_261, %swap3A_262] {strides = array<i32>} : memref<128x16xf32, #tpu.memory_space<vmem>>, vector<1x16xf32>,
      %swap3A_264 = vector.shape_cast %swap3A_263 : vector<1x16xf32> to vector<16xf32>
      %swap3A_265 = vector.shape_cast %mul3A_259 : vector<16xf32> to vector<1x16xf32>
      tpu.vector_store %arg13[%swap3A_261, %swap3A_262], %swap3A_265 {strides = array<i32>} : memref<128x16xf32, #tpu.memory_space<vmem>>, vector<1x16xf32>,
      %get3A_266 = arith.constant 10 : i32
      %get3A_267 = arith.index_cast %get3A_266 : i32 to index
      %get3A_268 = arith.constant 0 : index
      %get3A_269 = tpu.vector_load %arg11[%get3A_267, %get3A_268] {strides = array<i32>} : memref<128x16xf32, #tpu.memory_space<vmem>>, vector<1x16xf32>,
      %get3A_270 = vector.shape_cast %get3A_269 : vector<1x16xf32> to vector<16xf32>
      %slice3A_271 = vector.extract_strided_slice %get3A_118 {offsets = [10], sizes = [1], strides = [1]} : vector<16xf32> to vector<1xf32>
      %squeeze3A_272 = vector.extract %slice3A_271[0] : f32 from vector<1xf32>
      %mul3A_273 = vector.broadcast %squeeze3A_272 : f32 to vector<16xf32>
      %mul3A_274 = arith.mulf %get3A_270, %mul3A_273 : vector<16xf32>
      %swap3A_275 = arith.constant 10 : i32
      %swap3A_276 = arith.index_cast %swap3A_275 : i32 to index
      %swap3A_277 = arith.constant 0 : index
      %swap3A_278 = tpu.vector_load %arg13[%swap3A_276, %swap3A_277] {strides = array<i32>} : memref<128x16xf32, #tpu.memory_space<vmem>>, vector<1x16xf32>,
      %swap3A_279 = vector.shape_cast %swap3A_278 : vector<1x16xf32> to vector<16xf32>
      %swap3A_280 = vector.shape_cast %mul3A_274 : vector<16xf32> to vector<1x16xf32>
      tpu.vector_store %arg13[%swap3A_276, %swap3A_277], %swap3A_280 {strides = array<i32>} : memref<128x16xf32, #tpu.memory_space<vmem>>, vector<1x16xf32>,
      %get3A_281 = arith.constant 11 : i32
      %get3A_282 = arith.index_cast %get3A_281 : i32 to index
      %get3A_283 = arith.constant 0 : index
      %get3A_284 = tpu.vector_load %arg11[%get3A_282, %get3A_283] {strides = array<i32>} : memref<128x16xf32, #tpu.memory_space<vmem>>, vector<1x16xf32>,
      %get3A_285 = vector.shape_cast %get3A_284 : vector<1x16xf32> to vector<16xf32>
      %slice3A_286 = vector.extract_strided_slice %get3A_118 {offsets = [11], sizes = [1], strides = [1]} : vector<16xf32> to vector<1xf32>
      %squeeze3A_287 = vector.extract %slice3A_286[0] : f32 from vector<1xf32>
      %mul3A_288 = vector.broadcast %squeeze3A_287 : f32 to vector<16xf32>
      %mul3A_289 = arith.mulf %get3A_285, %mul3A_288 : vector<16xf32>
      %swap3A_290 = arith.constant 11 : i32
      %swap3A_291 = arith.index_cast %swap3A_290 : i32 to index
      %swap3A_292 = arith.constant 0 : index
      %swap3A_293 = tpu.vector_load %arg13[%swap3A_291, %swap3A_292] {strides = array<i32>} : memref<128x16xf32, #tpu.memory_space<vmem>>, vector<1x16xf32>,
      %swap3A_294 = vector.shape_cast %swap3A_293 : vector<1x16xf32> to vector<16xf32>
      %swap3A_295 = vector.shape_cast %mul3A_289 : vector<16xf32> to vector<1x16xf32>
      tpu.vector_store %arg13[%swap3A_291, %swap3A_292], %swap3A_295 {strides = array<i32>} : memref<128x16xf32, #tpu.memory_space<vmem>>, vector<1x16xf32>,
      %get3A_296 = arith.constant 12 : i32
      %get3A_297 = arith.index_cast %get3A_296 : i32 to index
      %get3A_298 = arith.constant 0 : index
      %get3A_299 = tpu.vector_load %arg11[%get3A_297, %get3A_298] {strides = array<i32>} : memref<128x16xf32, #tpu.memory_space<vmem>>, vector<1x16xf32>,
      %get3A_300 = vector.shape_cast %get3A_299 : vector<1x16xf32> to vector<16xf32>
      %slice3A_301 = vector.extract_strided_slice %get3A_118 {offsets = [12], sizes = [1], strides = [1]} : vector<16xf32> to vector<1xf32>
      %squeeze3A_302 = vector.extract %slice3A_301[0] : f32 from vector<1xf32>
      %mul3A_303 = vector.broadcast %squeeze3A_302 : f32 to vector<16xf32>
      %mul3A_304 = arith.mulf %get3A_300, %mul3A_303 : vector<16xf32>
      %swap3A_305 = arith.constant 12 : i32
      %swap3A_306 = arith.index_cast %swap3A_305 : i32 to index
      %swap3A_307 = arith.constant 0 : index
      %swap3A_308 = tpu.vector_load %arg13[%swap3A_306, %swap3A_307] {strides = array<i32>} : memref<128x16xf32, #tpu.memory_space<vmem>>, vector<1x16xf32>,
      %swap3A_309 = vector.shape_cast %swap3A_308 : vector<1x16xf32> to vector<16xf32>
      %swap3A_310 = vector.shape_cast %mul3A_304 : vector<16xf32> to vector<1x16xf32>
      tpu.vector_store %arg13[%swap3A_306, %swap3A_307], %swap3A_310 {strides = array<i32>} : memref<128x16xf32, #tpu.memory_space<vmem>>, vector<1x16xf32>,
      %get3A_311 = arith.constant 13 : i32
      %get3A_312 = arith.index_cast %get3A_311 : i32 to index
      %get3A_313 = arith.constant 0 : index
      %get3A_314 = tpu.vector_load %arg11[%get3A_312, %get3A_313] {strides = array<i32>} : memref<128x16xf32, #tpu.memory_space<vmem>>, vector<1x16xf32>,
      %get3A_315 = vector.shape_cast %get3A_314 : vector<1x16xf32> to vector<16xf32>
      %slice3A_316 = vector.extract_strided_slice %get3A_118 {offsets = [13], sizes = [1], strides = [1]} : vector<16xf32> to vector<1xf32>
      %squeeze3A_317 = vector.extract %slice3A_316[0] : f32 from vector<1xf32>
      %mul3A_318 = vector.broadcast %squeeze3A_317 : f32 to vector<16xf32>
      %mul3A_319 = arith.mulf %get3A_315, %mul3A_318 : vector<16xf32>
      %swap3A_320 = arith.constant 13 : i32
      %swap3A_321 = arith.index_cast %swap3A_320 : i32 to index
      %swap3A_322 = arith.constant 0 : index
      %swap3A_323 = tpu.vector_load %arg13[%swap3A_321, %swap3A_322] {strides = array<i32>} : memref<128x16xf32, #tpu.memory_space<vmem>>, vector<1x16xf32>,
      %swap3A_324 = vector.shape_cast %swap3A_323 : vector<1x16xf32> to vector<16xf32>
      %swap3A_325 = vector.shape_cast %mul3A_319 : vector<16xf32> to vector<1x16xf32>
      tpu.vector_store %arg13[%swap3A_321, %swap3A_322], %swap3A_325 {strides = array<i32>} : memref<128x16xf32, #tpu.memory_space<vmem>>, vector<1x16xf32>,
      %get3A_326 = arith.constant 14 : i32
      %get3A_327 = arith.index_cast %get3A_326 : i32 to index
      %get3A_328 = arith.constant 0 : index
      %get3A_329 = tpu.vector_load %arg11[%get3A_327, %get3A_328] {strides = array<i32>} : memref<128x16xf32, #tpu.memory_space<vmem>>, vector<1x16xf32>,
      %get3A_330 = vector.shape_cast %get3A_329 : vector<1x16xf32> to vector<16xf32>
      %slice3A_331 = vector.extract_strided_slice %get3A_118 {offsets = [14], sizes = [1], strides = [1]} : vector<16xf32> to vector<1xf32>
      %squeeze3A_332 = vector.extract %slice3A_331[0] : f32 from vector<1xf32>
      %mul3A_333 = vector.broadcast %squeeze3A_332 : f32 to vector<16xf32>
      %mul3A_334 = arith.mulf %get3A_330, %mul3A_333 : vector<16xf32>
      %swap3A_335 = arith.constant 14 : i32
      %swap3A_336 = arith.index_cast %swap3A_335 : i32 to index
      %swap3A_337 = arith.constant 0 : index
      %swap3A_338 = tpu.vector_load %arg13[%swap3A_336, %swap3A_337] {strides = array<i32>} : memref<128x16xf32, #tpu.memory_space<vmem>>, vector<1x16xf32>,
      %swap3A_339 = vector.shape_cast %swap3A_338 : vector<1x16xf32> to vector<16xf32>
      %swap3A_340 = vector.shape_cast %mul3A_334 : vector<16xf32> to vector<1x16xf32>
      tpu.vector_store %arg13[%swap3A_336, %swap3A_337], %swap3A_340 {strides = array<i32>} : memref<128x16xf32, #tpu.memory_space<vmem>>, vector<1x16xf32>,
      %get3A_341 = arith.constant 15 : i32
      %get3A_342 = arith.index_cast %get3A_341 : i32 to index
      %get3A_343 = arith.constant 0 : index
      %get3A_344 = tpu.vector_load %arg11[%get3A_342, %get3A_343] {strides = array<i32>} : memref<128x16xf32, #tpu.memory_space<vmem>>, vector<1x16xf32>,
      %get3A_345 = vector.shape_cast %get3A_344 : vector<1x16xf32> to vector<16xf32>
      %slice3A_346 = vector.extract_strided_slice %get3A_118 {offsets = [15], sizes = [1], strides = [1]} : vector<16xf32> to vector<1xf32>
      %squeeze3A_347 = vector.extract %slice3A_346[0] : f32 from vector<1xf32>
      %mul3A_348 = vector.broadcast %squeeze3A_347 : f32 to vector<16xf32>
      %mul3A_349 = arith.mulf %get3A_345, %mul3A_348 : vector<16xf32>
      %swap3A_350 = arith.constant 15 : i32
      %swap3A_351 = arith.index_cast %swap3A_350 : i32 to index
      %swap3A_352 = arith.constant 0 : index
      %swap3A_353 = tpu.vector_load %arg13[%swap3A_351, %swap3A_352] {strides = array<i32>} : memref<128x16xf32, #tpu.memory_space<vmem>>, vector<1x16xf32>,
      %swap3A_354 = vector.shape_cast %swap3A_353 : vector<1x16xf32> to vector<16xf32>
      %swap3A_355 = vector.shape_cast %mul3A_349 : vector<16xf32> to vector<1x16xf32>
      tpu.vector_store %arg13[%swap3A_351, %swap3A_352], %swap3A_355 {strides = array<i32>} : memref<128x16xf32, #tpu.memory_space<vmem>>, vector<1x16xf32>,
      %get3A_356 = arith.index_cast %mul3A_98 : i32 to index
      %get3A_357 = arith.constant 16 : index
      %get3A_358 = tpu.vector_load %arg10[%get3A_356, %get3A_357] {strides = array<i32>} : memref<66x128xf32, #tpu.memory_space<vmem>>, vector<1x16xf32>,
      %get3A_359 = vector.shape_cast %get3A_358 : vector<1x16xf32> to vector<16xf32>
      %get3A_360 = arith.constant 16 : i32
      %get3A_361 = arith.index_cast %get3A_360 : i32 to index
      %get3A_362 = arith.constant 0 : index
      %get3A_363 = tpu.vector_load %arg11[%get3A_361, %get3A_362] {strides = array<i32>} : memref<128x16xf32, #tpu.memory_space<vmem>>, vector<1x16xf32>,
      %get3A_364 = vector.shape_cast %get3A_363 : vector<1x16xf32> to vector<16xf32>
      %slice3A_365 = vector.extract_strided_slice %get3A_359 {offsets = [0], sizes = [1], strides = [1]} : vector<16xf32> to vector<1xf32>
      %squeeze3A_366 = vector.extract %slice3A_365[0] : f32 from vector<1xf32>
      %mul3A_367 = vector.broadcast %squeeze3A_366 : f32 to vector<16xf32>
      %mul3A_368 = arith.mulf %get3A_364, %mul3A_367 : vector<16xf32>
      %swap3A_369 = arith.constant 16 : i32
      %swap3A_370 = arith.index_cast %swap3A_369 : i32 to index
      %swap3A_371 = arith.constant 0 : index
      %swap3A_372 = tpu.vector_load %arg13[%swap3A_370, %swap3A_371] {strides = array<i32>} : memref<128x16xf32, #tpu.memory_space<vmem>>, vector<1x16xf32>,
      %swap3A_373 = vector.shape_cast %swap3A_372 : vector<1x16xf32> to vector<16xf32>
      %swap3A_374 = vector.shape_cast %mul3A_368 : vector<16xf32> to vector<1x16xf32>
      tpu.vector_store %arg13[%swap3A_370, %swap3A_371], %swap3A_374 {strides = array<i32>} : memref<128x16xf32, #tpu.memory_space<vmem>>, vector<1x16xf32>,
      %get3A_375 = arith.constant 17 : i32
      %get3A_376 = arith.index_cast %get3A_375 : i32 to index
      %get3A_377 = arith.constant 0 : index
      %get3A_378 = tpu.vector_load %arg11[%get3A_376, %get3A_377] {strides = array<i32>} : memref<128x16xf32, #tpu.memory_space<vmem>>, vector<1x16xf32>,
      %get3A_379 = vector.shape_cast %get3A_378 : vector<1x16xf32> to vector<16xf32>
      %slice3A_380 = vector.extract_strided_slice %get3A_359 {offsets = [1], sizes = [1], strides = [1]} : vector<16xf32> to vector<1xf32>
      %squeeze3A_381 = vector.extract %slice3A_380[0] : f32 from vector<1xf32>
      %mul3A_382 = vector.broadcast %squeeze3A_381 : f32 to vector<16xf32>
      %mul3A_383 = arith.mulf %get3A_379, %mul3A_382 : vector<16xf32>
      %swap3A_384 = arith.constant 17 : i32
      %swap3A_385 = arith.index_cast %swap3A_384 : i32 to index
      %swap3A_386 = arith.constant 0 : index
      %swap3A_387 = tpu.vector_load %arg13[%swap3A_385, %swap3A_386] {strides = array<i32>} : memref<128x16xf32, #tpu.memory_space<vmem>>, vector<1x16xf32>,
      %swap3A_388 = vector.shape_cast %swap3A_387 : vector<1x16xf32> to vector<16xf32>
      %swap3A_389 = vector.shape_cast %mul3A_383 : vector<16xf32> to vector<1x16xf32>
      tpu.vector_store %arg13[%swap3A_385, %swap3A_386], %swap3A_389 {strides = array<i32>} : memref<128x16xf32, #tpu.memory_space<vmem>>, vector<1x16xf32>,
      %get3A_390 = arith.constant 18 : i32
      %get3A_391 = arith.index_cast %get3A_390 : i32 to index
      %get3A_392 = arith.constant 0 : index
      %get3A_393 = tpu.vector_load %arg11[%get3A_391, %get3A_392] {strides = array<i32>} : memref<128x16xf32, #tpu.memory_space<vmem>>, vector<1x16xf32>,
      %get3A_394 = vector.shape_cast %get3A_393 : vector<1x16xf32> to vector<16xf32>
      %slice3A_395 = vector.extract_strided_slice %get3A_359 {offsets = [2], sizes = [1], strides = [1]} : vector<16xf32> to vector<1xf32>
      %squeeze3A_396 = vector.extract %slice3A_395[0] : f32 from vector<1xf32>
      %mul3A_397 = vector.broadcast %squeeze3A_396 : f32 to vector<16xf32>
      %mul3A_398 = arith.mulf %get3A_394, %mul3A_397 : vector<16xf32>
      %swap3A_399 = arith.constant 18 : i32
      %swap3A_400 = arith.index_cast %swap3A_399 : i32 to index
      %swap3A_401 = arith.constant 0 : index
      %swap3A_402 = tpu.vector_load %arg13[%swap3A_400, %swap3A_401] {strides = array<i32>} : memref<128x16xf32, #tpu.memory_space<vmem>>, vector<1x16xf32>,
      %swap3A_403 = vector.shape_cast %swap3A_402 : vector<1x16xf32> to vector<16xf32>
      %swap3A_404 = vector.shape_cast %mul3A_398 : vector<16xf32> to vector<1x16xf32>
      tpu.vector_store %arg13[%swap3A_400, %swap3A_401], %swap3A_404 {strides = array<i32>} : memref<128x16xf32, #tpu.memory_space<vmem>>, vector<1x16xf32>,
      %get3A_405 = arith.constant 19 : i32
      %get3A_406 = arith.index_cast %get3A_405 : i32 to index
      %get3A_407 = arith.constant 0 : index
      %get3A_408 = tpu.vector_load %arg11[%get3A_406, %get3A_407] {strides = array<i32>} : memref<128x16xf32, #tpu.memory_space<vmem>>, vector<1x16xf32>,
      %get3A_409 = vector.shape_cast %get3A_408 : vector<1x16xf32> to vector<16xf32>
      %slice3A_410 = vector.extract_strided_slice %get3A_359 {offsets = [3], sizes = [1], strides = [1]} : vector<16xf32> to vector<1xf32>
      %squeeze3A_411 = vector.extract %slice3A_410[0] : f32 from vector<1xf32>
      %mul3A_412 = vector.broadcast %squeeze3A_411 : f32 to vector<16xf32>
      %mul3A_413 = arith.mulf %get3A_409, %mul3A_412 : vector<16xf32>
      %swap3A_414 = arith.constant 19 : i32
      %swap3A_415 = arith.index_cast %swap3A_414 : i32 to index
      %swap3A_416 = arith.constant 0 : index
      %swap3A_417 = tpu.vector_load %arg13[%swap3A_415, %swap3A_416] {strides = array<i32>} : memref<128x16xf32, #tpu.memory_space<vmem>>, vector<1x16xf32>,
      %swap3A_418 = vector.shape_cast %swap3A_417 : vector<1x16xf32> to vector<16xf32>
      %swap3A_419 = vector.shape_cast %mul3A_413 : vector<16xf32> to vector<1x16xf32>
      tpu.vector_store %arg13[%swap3A_415, %swap3A_416], %swap3A_419 {strides = array<i32>} : memref<128x16xf32, #tpu.memory_space<vmem>>, vector<1x16xf32>,
      %get3A_420 = arith.constant 20 : i32
      %get3A_421 = arith.index_cast %get3A_420 : i32 to index
      %get3A_422 = arith.constant 0 : index
      %get3A_423 = tpu.vector_load %arg11[%get3A_421, %get3A_422] {strides = array<i32>} : memref<128x16xf32, #tpu.memory_space<vmem>>, vector<1x16xf32>,
      %get3A_424 = vector.shape_cast %get3A_423 : vector<1x16xf32> to vector<16xf32>
      %slice3A_425 = vector.extract_strided_slice %get3A_359 {offsets = [4], sizes = [1], strides = [1]} : vector<16xf32> to vector<1xf32>
      %squeeze3A_426 = vector.extract %slice3A_425[0] : f32 from vector<1xf32>
      %mul3A_427 = vector.broadcast %squeeze3A_426 : f32 to vector<16xf32>
      %mul3A_428 = arith.mulf %get3A_424, %mul3A_427 : vector<16xf32>
      %swap3A_429 = arith.constant 20 : i32
      %swap3A_430 = arith.index_cast %swap3A_429 : i32 to index
      %swap3A_431 = arith.constant 0 : index
      %swap3A_432 = tpu.vector_load %arg13[%swap3A_430, %swap3A_431] {strides = array<i32>} : memref<128x16xf32, #tpu.memory_space<vmem>>, vector<1x16xf32>,
      %swap3A_433 = vector.shape_cast %swap3A_432 : vector<1x16xf32> to vector<16xf32>
      %swap3A_434 = vector.shape_cast %mul3A_428 : vector<16xf32> to vector<1x16xf32>
      tpu.vector_store %arg13[%swap3A_430, %swap3A_431], %swap3A_434 {strides = array<i32>} : memref<128x16xf32, #tpu.memory_space<vmem>>, vector<1x16xf32>,
      %get3A_435 = arith.constant 21 : i32
      %get3A_436 = arith.index_cast %get3A_435 : i32 to index
      %get3A_437 = arith.constant 0 : index
      %get3A_438 = tpu.vector_load %arg11[%get3A_436, %get3A_437] {strides = array<i32>} : memref<128x16xf32, #tpu.memory_space<vmem>>, vector<1x16xf32>,
      %get3A_439 = vector.shape_cast %get3A_438 : vector<1x16xf32> to vector<16xf32>
      %slice3A_440 = vector.extract_strided_slice %get3A_359 {offsets = [5], sizes = [1], strides = [1]} : vector<16xf32> to vector<1xf32>
      %squeeze3A_441 = vector.extract %slice3A_440[0] : f32 from vector<1xf32>
      %mul3A_442 = vector.broadcast %squeeze3A_441 : f32 to vector<16xf32>
      %mul3A_443 = arith.mulf %get3A_439, %mul3A_442 : vector<16xf32>
      %swap3A_444 = arith.constant 21 : i32
      %swap3A_445 = arith.index_cast %swap3A_444 : i32 to index
      %swap3A_446 = arith.constant 0 : index
      %swap3A_447 = tpu.vector_load %arg13[%swap3A_445, %swap3A_446] {strides = array<i32>} : memref<128x16xf32, #tpu.memory_space<vmem>>, vector<1x16xf32>,
      %swap3A_448 = vector.shape_cast %swap3A_447 : vector<1x16xf32> to vector<16xf32>
      %swap3A_449 = vector.shape_cast %mul3A_443 : vector<16xf32> to vector<1x16xf32>
      tpu.vector_store %arg13[%swap3A_445, %swap3A_446], %swap3A_449 {strides = array<i32>} : memref<128x16xf32, #tpu.memory_space<vmem>>, vector<1x16xf32>,
      %get3A_450 = arith.constant 22 : i32
      %get3A_451 = arith.index_cast %get3A_450 : i32 to index
      %get3A_452 = arith.constant 0 : index
      %get3A_453 = tpu.vector_load %arg11[%get3A_451, %get3A_452] {strides = array<i32>} : memref<128x16xf32, #tpu.memory_space<vmem>>, vector<1x16xf32>,
      %get3A_454 = vector.shape_cast %get3A_453 : vector<1x16xf32> to vector<16xf32>
      %slice3A_455 = vector.extract_strided_slice %get3A_359 {offsets = [6], sizes = [1], strides = [1]} : vector<16xf32> to vector<1xf32>
      %squeeze3A_456 = vector.extract %slice3A_455[0] : f32 from vector<1xf32>
      %mul3A_457 = vector.broadcast %squeeze3A_456 : f32 to vector<16xf32>
      %mul3A_458 = arith.mulf %get3A_454, %mul3A_457 : vector<16xf32>
      %swap3A_459 = arith.constant 22 : i32
      %swap3A_460 = arith.index_cast %swap3A_459 : i32 to index
      %swap3A_461 = arith.constant 0 : index
      %swap3A_462 = tpu.vector_load %arg13[%swap3A_460, %swap3A_461] {strides = array<i32>} : memref<128x16xf32, #tpu.memory_space<vmem>>, vector<1x16xf32>,
      %swap3A_463 = vector.shape_cast %swap3A_462 : vector<1x16xf32> to vector<16xf32>
      %swap3A_464 = vector.shape_cast %mul3A_458 : vector<16xf32> to vector<1x16xf32>
      tpu.vector_store %arg13[%swap3A_460, %swap3A_461], %swap3A_464 {strides = array<i32>} : memref<128x16xf32, #tpu.memory_space<vmem>>, vector<1x16xf32>,
      %get3A_465 = arith.constant 23 : i32
      %get3A_466 = arith.index_cast %get3A_465 : i32 to index
      %get3A_467 = arith.constant 0 : index
      %get3A_468 = tpu.vector_load %arg11[%get3A_466, %get3A_467] {strides = array<i32>} : memref<128x16xf32, #tpu.memory_space<vmem>>, vector<1x16xf32>,
      %get3A_469 = vector.shape_cast %get3A_468 : vector<1x16xf32> to vector<16xf32>
      %slice3A_470 = vector.extract_strided_slice %get3A_359 {offsets = [7], sizes = [1], strides = [1]} : vector<16xf32> to vector<1xf32>
      %squeeze3A_471 = vector.extract %slice3A_470[0] : f32 from vector<1xf32>
      %mul3A_472 = vector.broadcast %squeeze3A_471 : f32 to vector<16xf32>
      %mul3A_473 = arith.mulf %get3A_469, %mul3A_472 : vector<16xf32>
      %swap3A_474 = arith.constant 23 : i32
      %swap3A_475 = arith.index_cast %swap3A_474 : i32 to index
      %swap3A_476 = arith.constant 0 : index
      %swap3A_477 = tpu.vector_load %arg13[%swap3A_475, %swap3A_476] {strides = array<i32>} : memref<128x16xf32, #tpu.memory_space<vmem>>, vector<1x16xf32>,
      %swap3A_478 = vector.shape_cast %swap3A_477 : vector<1x16xf32> to vector<16xf32>
      %swap3A_479 = vector.shape_cast %mul3A_473 : vector<16xf32> to vector<1x16xf32>
      tpu.vector_store %arg13[%swap3A_475, %swap3A_476], %swap3A_479 {strides = array<i32>} : memref<128x16xf32, #tpu.memory_space<vmem>>, vector<1x16xf32>,
      %get3A_480 = arith.constant 24 : i32
      %get3A_481 = arith.index_cast %get3A_480 : i32 to index
      %get3A_482 = arith.constant 0 : index
      %get3A_483 = tpu.vector_load %arg11[%get3A_481, %get3A_482] {strides = array<i32>} : memref<128x16xf32, #tpu.memory_space<vmem>>, vector<1x16xf32>,
      %get3A_484 = vector.shape_cast %get3A_483 : vector<1x16xf32> to vector<16xf32>
      %slice3A_485 = vector.extract_strided_slice %get3A_359 {offsets = [8], sizes = [1], strides = [1]} : vector<16xf32> to vector<1xf32>
      %squeeze3A_486 = vector.extract %slice3A_485[0] : f32 from vector<1xf32>
      %mul3A_487 = vector.broadcast %squeeze3A_486 : f32 to vector<16xf32>
      %mul3A_488 = arith.mulf %get3A_484, %mul3A_487 : vector<16xf32>
      %swap3A_489 = arith.constant 24 : i32
      %swap3A_490 = arith.index_cast %swap3A_489 : i32 to index
      %swap3A_491 = arith.constant 0 : index
      %swap3A_492 = tpu.vector_load %arg13[%swap3A_490, %swap3A_491] {strides = array<i32>} : memref<128x16xf32, #tpu.memory_space<vmem>>, vector<1x16xf32>,
      %swap3A_493 = vector.shape_cast %swap3A_492 : vector<1x16xf32> to vector<16xf32>
      %swap3A_494 = vector.shape_cast %mul3A_488 : vector<16xf32> to vector<1x16xf32>
      tpu.vector_store %arg13[%swap3A_490, %swap3A_491], %swap3A_494 {strides = array<i32>} : memref<128x16xf32, #tpu.memory_space<vmem>>, vector<1x16xf32>,
      %get3A_495 = arith.constant 25 : i32
      %get3A_496 = arith.index_cast %get3A_495 : i32 to index
      %get3A_497 = arith.constant 0 : index
      %get3A_498 = tpu.vector_load %arg11[%get3A_496, %get3A_497] {strides = array<i32>} : memref<128x16xf32, #tpu.memory_space<vmem>>, vector<1x16xf32>,
      %get3A_499 = vector.shape_cast %get3A_498 : vector<1x16xf32> to vector<16xf32>
      %slice3A_500 = vector.extract_strided_slice %get3A_359 {offsets = [9], sizes = [1], strides = [1]} : vector<16xf32> to vector<1xf32>
      %squeeze3A_501 = vector.extract %slice3A_500[0] : f32 from vector<1xf32>
      %mul3A_502 = vector.broadcast %squeeze3A_501 : f32 to vector<16xf32>
      %mul3A_503 = arith.mulf %get3A_499, %mul3A_502 : vector<16xf32>
      %swap3A_504 = arith.constant 25 : i32
      %swap3A_505 = arith.index_cast %swap3A_504 : i32 to index
      %swap3A_506 = arith.constant 0 : index
      %swap3A_507 = tpu.vector_load %arg13[%swap3A_505, %swap3A_506] {strides = array<i32>} : memref<128x16xf32, #tpu.memory_space<vmem>>, vector<1x16xf32>,
      %swap3A_508 = vector.shape_cast %swap3A_507 : vector<1x16xf32> to vector<16xf32>
      %swap3A_509 = vector.shape_cast %mul3A_503 : vector<16xf32> to vector<1x16xf32>
      tpu.vector_store %arg13[%swap3A_505, %swap3A_506], %swap3A_509 {strides = array<i32>} : memref<128x16xf32, #tpu.memory_space<vmem>>, vector<1x16xf32>,
      %get3A_510 = arith.constant 26 : i32
      %get3A_511 = arith.index_cast %get3A_510 : i32 to index
      %get3A_512 = arith.constant 0 : index
      %get3A_513 = tpu.vector_load %arg11[%get3A_511, %get3A_512] {strides = array<i32>} : memref<128x16xf32, #tpu.memory_space<vmem>>, vector<1x16xf32>,
      %get3A_514 = vector.shape_cast %get3A_513 : vector<1x16xf32> to vector<16xf32>
      %slice3A_515 = vector.extract_strided_slice %get3A_359 {offsets = [10], sizes = [1], strides = [1]} : vector<16xf32> to vector<1xf32>
      %squeeze3A_516 = vector.extract %slice3A_515[0] : f32 from vector<1xf32>
      %mul3A_517 = vector.broadcast %squeeze3A_516 : f32 to vector<16xf32>
      %mul3A_518 = arith.mulf %get3A_514, %mul3A_517 : vector<16xf32>
      %swap3A_519 = arith.constant 26 : i32
      %swap3A_520 = arith.index_cast %swap3A_519 : i32 to index
      %swap3A_521 = arith.constant 0 : index
      %swap3A_522 = tpu.vector_load %arg13[%swap3A_520, %swap3A_521] {strides = array<i32>} : memref<128x16xf32, #tpu.memory_space<vmem>>, vector<1x16xf32>,
      %swap3A_523 = vector.shape_cast %swap3A_522 : vector<1x16xf32> to vector<16xf32>
      %swap3A_524 = vector.shape_cast %mul3A_518 : vector<16xf32> to vector<1x16xf32>
      tpu.vector_store %arg13[%swap3A_520, %swap3A_521], %swap3A_524 {strides = array<i32>} : memref<128x16xf32, #tpu.memory_space<vmem>>, vector<1x16xf32>,
      %get3A_525 = arith.constant 27 : i32
      %get3A_526 = arith.index_cast %get3A_525 : i32 to index
      %get3A_527 = arith.constant 0 : index
      %get3A_528 = tpu.vector_load %arg11[%get3A_526, %get3A_527] {strides = array<i32>} : memref<128x16xf32, #tpu.memory_space<vmem>>, vector<1x16xf32>,
      %get3A_529 = vector.shape_cast %get3A_528 : vector<1x16xf32> to vector<16xf32>
      %slice3A_530 = vector.extract_strided_slice %get3A_359 {offsets = [11], sizes = [1], strides = [1]} : vector<16xf32> to vector<1xf32>
      %squeeze3A_531 = vector.extract %slice3A_530[0] : f32 from vector<1xf32>
      %mul3A_532 = vector.broadcast %squeeze3A_531 : f32 to vector<16xf32>
      %mul3A_533 = arith.mulf %get3A_529, %mul3A_532 : vector<16xf32>
      %swap3A_534 = arith.constant 27 : i32
      %swap3A_535 = arith.index_cast %swap3A_534 : i32 to index
      %swap3A_536 = arith.constant 0 : index
      %swap3A_537 = tpu.vector_load %arg13[%swap3A_535, %swap3A_536] {strides = array<i32>} : memref<128x16xf32, #tpu.memory_space<vmem>>, vector<1x16xf32>,
      %swap3A_538 = vector.shape_cast %swap3A_537 : vector<1x16xf32> to vector<16xf32>
      %swap3A_539 = vector.shape_cast %mul3A_533 : vector<16xf32> to vector<1x16xf32>
      tpu.vector_store %arg13[%swap3A_535, %swap3A_536], %swap3A_539 {strides = array<i32>} : memref<128x16xf32, #tpu.memory_space<vmem>>, vector<1x16xf32>,
      %get3A_540 = arith.constant 28 : i32
      %get3A_541 = arith.index_cast %get3A_540 : i32 to index
      %get3A_542 = arith.constant 0 : index
      %get3A_543 = tpu.vector_load %arg11[%get3A_541, %get3A_542] {strides = array<i32>} : memref<128x16xf32, #tpu.memory_space<vmem>>, vector<1x16xf32>,
      %get3A_544 = vector.shape_cast %get3A_543 : vector<1x16xf32> to vector<16xf32>
      %slice3A_545 = vector.extract_strided_slice %get3A_359 {offsets = [12], sizes = [1], strides = [1]} : vector<16xf32> to vector<1xf32>
      %squeeze3A_546 = vector.extract %slice3A_545[0] : f32 from vector<1xf32>
      %mul3A_547 = vector.broadcast %squeeze3A_546 : f32 to vector<16xf32>
      %mul3A_548 = arith.mulf %get3A_544, %mul3A_547 : vector<16xf32>
      %swap3A_549 = arith.constant 28 : i32
      %swap3A_550 = arith.index_cast %swap3A_549 : i32 to index
      %swap3A_551 = arith.constant 0 : index
      %swap3A_552 = tpu.vector_load %arg13[%swap3A_550, %swap3A_551] {strides = array<i32>} : memref<128x16xf32, #tpu.memory_space<vmem>>, vector<1x16xf32>,
      %swap3A_553 = vector.shape_cast %swap3A_552 : vector<1x16xf32> to vector<16xf32>
      %swap3A_554 = vector.shape_cast %mul3A_548 : vector<16xf32> to vector<1x16xf32>
      tpu.vector_store %arg13[%swap3A_550, %swap3A_551], %swap3A_554 {strides = array<i32>} : memref<128x16xf32, #tpu.memory_space<vmem>>, vector<1x16xf32>,
      %get3A_555 = arith.constant 29 : i32
      %get3A_556 = arith.index_cast %get3A_555 : i32 to index
      %get3A_557 = arith.constant 0 : index
      %get3A_558 = tpu.vector_load %arg11[%get3A_556, %get3A_557] {strides = array<i32>} : memref<128x16xf32, #tpu.memory_space<vmem>>, vector<1x16xf32>,
      %get3A_559 = vector.shape_cast %get3A_558 : vector<1x16xf32> to vector<16xf32>
      %slice3A_560 = vector.extract_strided_slice %get3A_359 {offsets = [13], sizes = [1], strides = [1]} : vector<16xf32> to vector<1xf32>
      %squeeze3A_561 = vector.extract %slice3A_560[0] : f32 from vector<1xf32>
      %mul3A_562 = vector.broadcast %squeeze3A_561 : f32 to vector<16xf32>
      %mul3A_563 = arith.mulf %get3A_559, %mul3A_562 : vector<16xf32>
      %swap3A_564 = arith.constant 29 : i32
      %swap3A_565 = arith.index_cast %swap3A_564 : i32 to index
      %swap3A_566 = arith.constant 0 : index
      %swap3A_567 = tpu.vector_load %arg13[%swap3A_565, %swap3A_566] {strides = array<i32>} : memref<128x16xf32, #tpu.memory_space<vmem>>, vector<1x16xf32>,
      %swap3A_568 = vector.shape_cast %swap3A_567 : vector<1x16xf32> to vector<16xf32>
      %swap3A_569 = vector.shape_cast %mul3A_563 : vector<16xf32> to vector<1x16xf32>
      tpu.vector_store %arg13[%swap3A_565, %swap3A_566], %swap3A_569 {strides = array<i32>} : memref<128x16xf32, #tpu.memory_space<vmem>>, vector<1x16xf32>,
      %get3A_570 = arith.constant 30 : i32
      %get3A_571 = arith.index_cast %get3A_570 : i32 to index
      %get3A_572 = arith.constant 0 : index
      %get3A_573 = tpu.vector_load %arg11[%get3A_571, %get3A_572] {strides = array<i32>} : memref<128x16xf32, #tpu.memory_space<vmem>>, vector<1x16xf32>,
      %get3A_574 = vector.shape_cast %get3A_573 : vector<1x16xf32> to vector<16xf32>
      %slice3A_575 = vector.extract_strided_slice %get3A_359 {offsets = [14], sizes = [1], strides = [1]} : vector<16xf32> to vector<1xf32>
      %squeeze3A_576 = vector.extract %slice3A_575[0] : f32 from vector<1xf32>
      %mul3A_577 = vector.broadcast %squeeze3A_576 : f32 to vector<16xf32>
      %mul3A_578 = arith.mulf %get3A_574, %mul3A_577 : vector<16xf32>
      %swap3A_579 = arith.constant 30 : i32
      %swap3A_580 = arith.index_cast %swap3A_579 : i32 to index
      %swap3A_581 = arith.constant 0 : index
      %swap3A_582 = tpu.vector_load %arg13[%swap3A_580, %swap3A_581] {strides = array<i32>} : memref<128x16xf32, #tpu.memory_space<vmem>>, vector<1x16xf32>,
      %swap3A_583 = vector.shape_cast %swap3A_582 : vector<1x16xf32> to vector<16xf32>
      %swap3A_584 = vector.shape_cast %mul3A_578 : vector<16xf32> to vector<1x16xf32>
      tpu.vector_store %arg13[%swap3A_580, %swap3A_581], %swap3A_584 {strides = array<i32>} : memref<128x16xf32, #tpu.memory_space<vmem>>, vector<1x16xf32>,
      %get3A_585 = arith.constant 31 : i32
      %get3A_586 = arith.index_cast %get3A_585 : i32 to index
      %get3A_587 = arith.constant 0 : index
      %get3A_588 = tpu.vector_load %arg11[%get3A_586, %get3A_587] {strides = array<i32>} : memref<128x16xf32, #tpu.memory_space<vmem>>, vector<1x16xf32>,
      %get3A_589 = vector.shape_cast %get3A_588 : vector<1x16xf32> to vector<16xf32>
      %slice3A_590 = vector.extract_strided_slice %get3A_359 {offsets = [15], sizes = [1], strides = [1]} : vector<16xf32> to vector<1xf32>
      %squeeze3A_591 = vector.extract %slice3A_590[0] : f32 from vector<1xf32>
      %mul3A_592 = vector.broadcast %squeeze3A_591 : f32 to vector<16xf32>
      %mul3A_593 = arith.mulf %get3A_589, %mul3A_592 : vector<16xf32>
      %swap3A_594 = arith.constant 31 : i32
      %swap3A_595 = arith.index_cast %swap3A_594 : i32 to index
      %swap3A_596 = arith.constant 0 : index
      %swap3A_597 = tpu.vector_load %arg13[%swap3A_595, %swap3A_596] {strides = array<i32>} : memref<128x16xf32, #tpu.memory_space<vmem>>, vector<1x16xf32>,
      %swap3A_598 = vector.shape_cast %swap3A_597 : vector<1x16xf32> to vector<16xf32>
      %swap3A_599 = vector.shape_cast %mul3A_593 : vector<16xf32> to vector<1x16xf32>
      tpu.vector_store %arg13[%swap3A_595, %swap3A_596], %swap3A_599 {strides = array<i32>} : memref<128x16xf32, #tpu.memory_space<vmem>>, vector<1x16xf32>,
      %get3A_600 = arith.index_cast %mul3A_98 : i32 to index
      %get3A_601 = arith.constant 32 : index
      %get3A_602 = tpu.vector_load %arg10[%get3A_600, %get3A_601] {strides = array<i32>} : memref<66x128xf32, #tpu.memory_space<vmem>>, vector<1x16xf32>,
      %get3A_603 = vector.shape_cast %get3A_602 : vector<1x16xf32> to vector<16xf32>
      %get3A_604 = arith.constant 32 : i32
      %get3A_605 = arith.index_cast %get3A_604 : i32 to index
      %get3A_606 = arith.constant 0 : index
      %get3A_607 = tpu.vector_load %arg11[%get3A_605, %get3A_606] {strides = array<i32>} : memref<128x16xf32, #tpu.memory_space<vmem>>, vector<1x16xf32>,
      %get3A_608 = vector.shape_cast %get3A_607 : vector<1x16xf32> to vector<16xf32>
      %slice3A_609 = vector.extract_strided_slice %get3A_603 {offsets = [0], sizes = [1], strides = [1]} : vector<16xf32> to vector<1xf32>
      %squeeze3A_610 = vector.extract %slice3A_609[0] : f32 from vector<1xf32>
      %mul3A_611 = vector.broadcast %squeeze3A_610 : f32 to vector<16xf32>
      %mul3A_612 = arith.mulf %get3A_608, %mul3A_611 : vector<16xf32>
      %swap3A_613 = arith.constant 32 : i32
      %swap3A_614 = arith.index_cast %swap3A_613 : i32 to index
      %swap3A_615 = arith.constant 0 : index
      %swap3A_616 = tpu.vector_load %arg13[%swap3A_614, %swap3A_615] {strides = array<i32>} : memref<128x16xf32, #tpu.memory_space<vmem>>, vector<1x16xf32>,
      %swap3A_617 = vector.shape_cast %swap3A_616 : vector<1x16xf32> to vector<16xf32>
      %swap3A_618 = vector.shape_cast %mul3A_612 : vector<16xf32> to vector<1x16xf32>
      tpu.vector_store %arg13[%swap3A_614, %swap3A_615], %swap3A_618 {strides = array<i32>} : memref<128x16xf32, #tpu.memory_space<vmem>>, vector<1x16xf32>,
      %get3A_619 = arith.constant 33 : i32
      %get3A_620 = arith.index_cast %get3A_619 : i32 to index
      %get3A_621 = arith.constant 0 : index
      %get3A_622 = tpu.vector_load %arg11[%get3A_620, %get3A_621] {strides = array<i32>} : memref<128x16xf32, #tpu.memory_space<vmem>>, vector<1x16xf32>,
      %get3A_623 = vector.shape_cast %get3A_622 : vector<1x16xf32> to vector<16xf32>
      %slice3A_624 = vector.extract_strided_slice %get3A_603 {offsets = [1], sizes = [1], strides = [1]} : vector<16xf32> to vector<1xf32>
      %squeeze3A_625 = vector.extract %slice3A_624[0] : f32 from vector<1xf32>
      %mul3A_626 = vector.broadcast %squeeze3A_625 : f32 to vector<16xf32>
      %mul3A_627 = arith.mulf %get3A_623, %mul3A_626 : vector<16xf32>
      %swap3A_628 = arith.constant 33 : i32
      %swap3A_629 = arith.index_cast %swap3A_628 : i32 to index
      %swap3A_630 = arith.constant 0 : index
      %swap3A_631 = tpu.vector_load %arg13[%swap3A_629, %swap3A_630] {strides = array<i32>} : memref<128x16xf32, #tpu.memory_space<vmem>>, vector<1x16xf32>,
      %swap3A_632 = vector.shape_cast %swap3A_631 : vector<1x16xf32> to vector<16xf32>
      %swap3A_633 = vector.shape_cast %mul3A_627 : vector<16xf32> to vector<1x16xf32>
      tpu.vector_store %arg13[%swap3A_629, %swap3A_630], %swap3A_633 {strides = array<i32>} : memref<128x16xf32, #tpu.memory_space<vmem>>, vector<1x16xf32>,
      %get3A_634 = arith.constant 34 : i32
      %get3A_635 = arith.index_cast %get3A_634 : i32 to index
      %get3A_636 = arith.constant 0 : index
      %get3A_637 = tpu.vector_load %arg11[%get3A_635, %get3A_636] {strides = array<i32>} : memref<128x16xf32, #tpu.memory_space<vmem>>, vector<1x16xf32>,
      %get3A_638 = vector.shape_cast %get3A_637 : vector<1x16xf32> to vector<16xf32>
      %slice3A_639 = vector.extract_strided_slice %get3A_603 {offsets = [2], sizes = [1], strides = [1]} : vector<16xf32> to vector<1xf32>
      %squeeze3A_640 = vector.extract %slice3A_639[0] : f32 from vector<1xf32>
      %mul3A_641 = vector.broadcast %squeeze3A_640 : f32 to vector<16xf32>
      %mul3A_642 = arith.mulf %get3A_638, %mul3A_641 : vector<16xf32>
      %swap3A_643 = arith.constant 34 : i32
      %swap3A_644 = arith.index_cast %swap3A_643 : i32 to index
      %swap3A_645 = arith.constant 0 : index
      %swap3A_646 = tpu.vector_load %arg13[%swap3A_644, %swap3A_645] {strides = array<i32>} : memref<128x16xf32, #tpu.memory_space<vmem>>, vector<1x16xf32>,
      %swap3A_647 = vector.shape_cast %swap3A_646 : vector<1x16xf32> to vector<16xf32>
      %swap3A_648 = vector.shape_cast %mul3A_642 : vector<16xf32> to vector<1x16xf32>
      tpu.vector_store %arg13[%swap3A_644, %swap3A_645], %swap3A_648 {strides = array<i32>} : memref<128x16xf32, #tpu.memory_space<vmem>>, vector<1x16xf32>,
      %get3A_649 = arith.constant 35 : i32
      %get3A_650 = arith.index_cast %get3A_649 : i32 to index
      %get3A_651 = arith.constant 0 : index
      %get3A_652 = tpu.vector_load %arg11[%get3A_650, %get3A_651] {strides = array<i32>} : memref<128x16xf32, #tpu.memory_space<vmem>>, vector<1x16xf32>,
      %get3A_653 = vector.shape_cast %get3A_652 : vector<1x16xf32> to vector<16xf32>
      %slice3A_654 = vector.extract_strided_slice %get3A_603 {offsets = [3], sizes = [1], strides = [1]} : vector<16xf32> to vector<1xf32>
      %squeeze3A_655 = vector.extract %slice3A_654[0] : f32 from vector<1xf32>
      %mul3A_656 = vector.broadcast %squeeze3A_655 : f32 to vector<16xf32>
      %mul3A_657 = arith.mulf %get3A_653, %mul3A_656 : vector<16xf32>
      %swap3A_658 = arith.constant 35 : i32
      %swap3A_659 = arith.index_cast %swap3A_658 : i32 to index
      %swap3A_660 = arith.constant 0 : index
      %swap3A_661 = tpu.vector_load %arg13[%swap3A_659, %swap3A_660] {strides = array<i32>} : memref<128x16xf32, #tpu.memory_space<vmem>>, vector<1x16xf32>,
      %swap3A_662 = vector.shape_cast %swap3A_661 : vector<1x16xf32> to vector<16xf32>
      %swap3A_663 = vector.shape_cast %mul3A_657 : vector<16xf32> to vector<1x16xf32>
      tpu.vector_store %arg13[%swap3A_659, %swap3A_660], %swap3A_663 {strides = array<i32>} : memref<128x16xf32, #tpu.memory_space<vmem>>, vector<1x16xf32>,
      %get3A_664 = arith.constant 36 : i32
      %get3A_665 = arith.index_cast %get3A_664 : i32 to index
      %get3A_666 = arith.constant 0 : index
      %get3A_667 = tpu.vector_load %arg11[%get3A_665, %get3A_666] {strides = array<i32>} : memref<128x16xf32, #tpu.memory_space<vmem>>, vector<1x16xf32>,
      %get3A_668 = vector.shape_cast %get3A_667 : vector<1x16xf32> to vector<16xf32>
      %slice3A_669 = vector.extract_strided_slice %get3A_603 {offsets = [4], sizes = [1], strides = [1]} : vector<16xf32> to vector<1xf32>
      %squeeze3A_670 = vector.extract %slice3A_669[0] : f32 from vector<1xf32>
      %mul3A_671 = vector.broadcast %squeeze3A_670 : f32 to vector<16xf32>
      %mul3A_672 = arith.mulf %get3A_668, %mul3A_671 : vector<16xf32>
      %swap3A_673 = arith.constant 36 : i32
      %swap3A_674 = arith.index_cast %swap3A_673 : i32 to index
      %swap3A_675 = arith.constant 0 : index
      %swap3A_676 = tpu.vector_load %arg13[%swap3A_674, %swap3A_675] {strides = array<i32>} : memref<128x16xf32, #tpu.memory_space<vmem>>, vector<1x16xf32>,
      %swap3A_677 = vector.shape_cast %swap3A_676 : vector<1x16xf32> to vector<16xf32>
      %swap3A_678 = vector.shape_cast %mul3A_672 : vector<16xf32> to vector<1x16xf32>
      tpu.vector_store %arg13[%swap3A_674, %swap3A_675], %swap3A_678 {strides = array<i32>} : memref<128x16xf32, #tpu.memory_space<vmem>>, vector<1x16xf32>,
      %get3A_679 = arith.constant 37 : i32
      %get3A_680 = arith.index_cast %get3A_679 : i32 to index
      %get3A_681 = arith.constant 0 : index
      %get3A_682 = tpu.vector_load %arg11[%get3A_680, %get3A_681] {strides = array<i32>} : memref<128x16xf32, #tpu.memory_space<vmem>>, vector<1x16xf32>,
      %get3A_683 = vector.shape_cast %get3A_682 : vector<1x16xf32> to vector<16xf32>
      %slice3A_684 = vector.extract_strided_slice %get3A_603 {offsets = [5], sizes = [1], strides = [1]} : vector<16xf32> to vector<1xf32>
      %squeeze3A_685 = vector.extract %slice3A_684[0] : f32 from vector<1xf32>
      %mul3A_686 = vector.broadcast %squeeze3A_685 : f32 to vector<16xf32>
      %mul3A_687 = arith.mulf %get3A_683, %mul3A_686 : vector<16xf32>
      %swap3A_688 = arith.constant 37 : i32
      %swap3A_689 = arith.index_cast %swap3A_688 : i32 to index
      %swap3A_690 = arith.constant 0 : index
      %swap3A_691 = tpu.vector_load %arg13[%swap3A_689, %swap3A_690] {strides = array<i32>} : memref<128x16xf32, #tpu.memory_space<vmem>>, vector<1x16xf32>,
      %swap3A_692 = vector.shape_cast %swap3A_691 : vector<1x16xf32> to vector<16xf32>
      %swap3A_693 = vector.shape_cast %mul3A_687 : vector<16xf32> to vector<1x16xf32>
      tpu.vector_store %arg13[%swap3A_689, %swap3A_690], %swap3A_693 {strides = array<i32>} : memref<128x16xf32, #tpu.memory_space<vmem>>, vector<1x16xf32>,
      %get3A_694 = arith.constant 38 : i32
      %get3A_695 = arith.index_cast %get3A_694 : i32 to index
      %get3A_696 = arith.constant 0 : index
      %get3A_697 = tpu.vector_load %arg11[%get3A_695, %get3A_696] {strides = array<i32>} : memref<128x16xf32, #tpu.memory_space<vmem>>, vector<1x16xf32>,
      %get3A_698 = vector.shape_cast %get3A_697 : vector<1x16xf32> to vector<16xf32>
      %slice3A_699 = vector.extract_strided_slice %get3A_603 {offsets = [6], sizes = [1], strides = [1]} : vector<16xf32> to vector<1xf32>
      %squeeze3A_700 = vector.extract %slice3A_699[0] : f32 from vector<1xf32>
      %mul3A_701 = vector.broadcast %squeeze3A_700 : f32 to vector<16xf32>
      %mul3A_702 = arith.mulf %get3A_698, %mul3A_701 : vector<16xf32>
      %swap3A_703 = arith.constant 38 : i32
      %swap3A_704 = arith.index_cast %swap3A_703 : i32 to index
      %swap3A_705 = arith.constant 0 : index
      %swap3A_706 = tpu.vector_load %arg13[%swap3A_704, %swap3A_705] {strides = array<i32>} : memref<128x16xf32, #tpu.memory_space<vmem>>, vector<1x16xf32>,
      %swap3A_707 = vector.shape_cast %swap3A_706 : vector<1x16xf32> to vector<16xf32>
      %swap3A_708 = vector.shape_cast %mul3A_702 : vector<16xf32> to vector<1x16xf32>
      tpu.vector_store %arg13[%swap3A_704, %swap3A_705], %swap3A_708 {strides = array<i32>} : memref<128x16xf32, #tpu.memory_space<vmem>>, vector<1x16xf32>,
      %get3A_709 = arith.constant 39 : i32
      %get3A_710 = arith.index_cast %get3A_709 : i32 to index
      %get3A_711 = arith.constant 0 : index
      %get3A_712 = tpu.vector_load %arg11[%get3A_710, %get3A_711] {strides = array<i32>} : memref<128x16xf32, #tpu.memory_space<vmem>>, vector<1x16xf32>,
      %get3A_713 = vector.shape_cast %get3A_712 : vector<1x16xf32> to vector<16xf32>
      %slice3A_714 = vector.extract_strided_slice %get3A_603 {offsets = [7], sizes = [1], strides = [1]} : vector<16xf32> to vector<1xf32>
      %squeeze3A_715 = vector.extract %slice3A_714[0] : f32 from vector<1xf32>
      %mul3A_716 = vector.broadcast %squeeze3A_715 : f32 to vector<16xf32>
      %mul3A_717 = arith.mulf %get3A_713, %mul3A_716 : vector<16xf32>
      %swap3A_718 = arith.constant 39 : i32
      %swap3A_719 = arith.index_cast %swap3A_718 : i32 to index
      %swap3A_720 = arith.constant 0 : index
      %swap3A_721 = tpu.vector_load %arg13[%swap3A_719, %swap3A_720] {strides = array<i32>} : memref<128x16xf32, #tpu.memory_space<vmem>>, vector<1x16xf32>,
      %swap3A_722 = vector.shape_cast %swap3A_721 : vector<1x16xf32> to vector<16xf32>
      %swap3A_723 = vector.shape_cast %mul3A_717 : vector<16xf32> to vector<1x16xf32>
      tpu.vector_store %arg13[%swap3A_719, %swap3A_720], %swap3A_723 {strides = array<i32>} : memref<128x16xf32, #tpu.memory_space<vmem>>, vector<1x16xf32>,
      %get3A_724 = arith.constant 40 : i32
      %get3A_725 = arith.index_cast %get3A_724 : i32 to index
      %get3A_726 = arith.constant 0 : index
      %get3A_727 = tpu.vector_load %arg11[%get3A_725, %get3A_726] {strides = array<i32>} : memref<128x16xf32, #tpu.memory_space<vmem>>, vector<1x16xf32>,
      %get3A_728 = vector.shape_cast %get3A_727 : vector<1x16xf32> to vector<16xf32>
      %slice3A_729 = vector.extract_strided_slice %get3A_603 {offsets = [8], sizes = [1], strides = [1]} : vector<16xf32> to vector<1xf32>
      %squeeze3A_730 = vector.extract %slice3A_729[0] : f32 from vector<1xf32>
      %mul3A_731 = vector.broadcast %squeeze3A_730 : f32 to vector<16xf32>
      %mul3A_732 = arith.mulf %get3A_728, %mul3A_731 : vector<16xf32>
      %swap3A_733 = arith.constant 40 : i32
      %swap3A_734 = arith.index_cast %swap3A_733 : i32 to index
      %swap3A_735 = arith.constant 0 : index
      %swap3A_736 = tpu.vector_load %arg13[%swap3A_734, %swap3A_735] {strides = array<i32>} : memref<128x16xf32, #tpu.memory_space<vmem>>, vector<1x16xf32>,
      %swap3A_737 = vector.shape_cast %swap3A_736 : vector<1x16xf32> to vector<16xf32>
      %swap3A_738 = vector.shape_cast %mul3A_732 : vector<16xf32> to vector<1x16xf32>
      tpu.vector_store %arg13[%swap3A_734, %swap3A_735], %swap3A_738 {strides = array<i32>} : memref<128x16xf32, #tpu.memory_space<vmem>>, vector<1x16xf32>,
      %get3A_739 = arith.constant 41 : i32
      %get3A_740 = arith.index_cast %get3A_739 : i32 to index
      %get3A_741 = arith.constant 0 : index
      %get3A_742 = tpu.vector_load %arg11[%get3A_740, %get3A_741] {strides = array<i32>} : memref<128x16xf32, #tpu.memory_space<vmem>>, vector<1x16xf32>,
      %get3A_743 = vector.shape_cast %get3A_742 : vector<1x16xf32> to vector<16xf32>
      %slice3A_744 = vector.extract_strided_slice %get3A_603 {offsets = [9], sizes = [1], strides = [1]} : vector<16xf32> to vector<1xf32>
      %squeeze3A_745 = vector.extract %slice3A_744[0] : f32 from vector<1xf32>
      %mul3A_746 = vector.broadcast %squeeze3A_745 : f32 to vector<16xf32>
      %mul3A_747 = arith.mulf %get3A_743, %mul3A_746 : vector<16xf32>
      %swap3A_748 = arith.constant 41 : i32
      %swap3A_749 = arith.index_cast %swap3A_748 : i32 to index
      %swap3A_750 = arith.constant 0 : index
      %swap3A_751 = tpu.vector_load %arg13[%swap3A_749, %swap3A_750] {strides = array<i32>} : memref<128x16xf32, #tpu.memory_space<vmem>>, vector<1x16xf32>,
      %swap3A_752 = vector.shape_cast %swap3A_751 : vector<1x16xf32> to vector<16xf32>
      %swap3A_753 = vector.shape_cast %mul3A_747 : vector<16xf32> to vector<1x16xf32>
      tpu.vector_store %arg13[%swap3A_749, %swap3A_750], %swap3A_753 {strides = array<i32>} : memref<128x16xf32, #tpu.memory_space<vmem>>, vector<1x16xf32>,
      %get3A_754 = arith.constant 42 : i32
      %get3A_755 = arith.index_cast %get3A_754 : i32 to index
      %get3A_756 = arith.constant 0 : index
      %get3A_757 = tpu.vector_load %arg11[%get3A_755, %get3A_756] {strides = array<i32>} : memref<128x16xf32, #tpu.memory_space<vmem>>, vector<1x16xf32>,
      %get3A_758 = vector.shape_cast %get3A_757 : vector<1x16xf32> to vector<16xf32>
      %slice3A_759 = vector.extract_strided_slice %get3A_603 {offsets = [10], sizes = [1], strides = [1]} : vector<16xf32> to vector<1xf32>
      %squeeze3A_760 = vector.extract %slice3A_759[0] : f32 from vector<1xf32>
      %mul3A_761 = vector.broadcast %squeeze3A_760 : f32 to vector<16xf32>
      %mul3A_762 = arith.mulf %get3A_758, %mul3A_761 : vector<16xf32>
      %swap3A_763 = arith.constant 42 : i32
      %swap3A_764 = arith.index_cast %swap3A_763 : i32 to index
      %swap3A_765 = arith.constant 0 : index
      %swap3A_766 = tpu.vector_load %arg13[%swap3A_764, %swap3A_765] {strides = array<i32>} : memref<128x16xf32, #tpu.memory_space<vmem>>, vector<1x16xf32>,
      %swap3A_767 = vector.shape_cast %swap3A_766 : vector<1x16xf32> to vector<16xf32>
      %swap3A_768 = vector.shape_cast %mul3A_762 : vector<16xf32> to vector<1x16xf32>
      tpu.vector_store %arg13[%swap3A_764, %swap3A_765], %swap3A_768 {strides = array<i32>} : memref<128x16xf32, #tpu.memory_space<vmem>>, vector<1x16xf32>,
      %get3A_769 = arith.constant 43 : i32
      %get3A_770 = arith.index_cast %get3A_769 : i32 to index
      %get3A_771 = arith.constant 0 : index
      %get3A_772 = tpu.vector_load %arg11[%get3A_770, %get3A_771] {strides = array<i32>} : memref<128x16xf32, #tpu.memory_space<vmem>>, vector<1x16xf32>,
      %get3A_773 = vector.shape_cast %get3A_772 : vector<1x16xf32> to vector<16xf32>
      %slice3A_774 = vector.extract_strided_slice %get3A_603 {offsets = [11], sizes = [1], strides = [1]} : vector<16xf32> to vector<1xf32>
      %squeeze3A_775 = vector.extract %slice3A_774[0] : f32 from vector<1xf32>
      %mul3A_776 = vector.broadcast %squeeze3A_775 : f32 to vector<16xf32>
      %mul3A_777 = arith.mulf %get3A_773, %mul3A_776 : vector<16xf32>
      %swap3A_778 = arith.constant 43 : i32
      %swap3A_779 = arith.index_cast %swap3A_778 : i32 to index
      %swap3A_780 = arith.constant 0 : index
      %swap3A_781 = tpu.vector_load %arg13[%swap3A_779, %swap3A_780] {strides = array<i32>} : memref<128x16xf32, #tpu.memory_space<vmem>>, vector<1x16xf32>,
      %swap3A_782 = vector.shape_cast %swap3A_781 : vector<1x16xf32> to vector<16xf32>
      %swap3A_783 = vector.shape_cast %mul3A_777 : vector<16xf32> to vector<1x16xf32>
      tpu.vector_store %arg13[%swap3A_779, %swap3A_780], %swap3A_783 {strides = array<i32>} : memref<128x16xf32, #tpu.memory_space<vmem>>, vector<1x16xf32>,
      %get3A_784 = arith.constant 44 : i32
      %get3A_785 = arith.index_cast %get3A_784 : i32 to index
      %get3A_786 = arith.constant 0 : index
      %get3A_787 = tpu.vector_load %arg11[%get3A_785, %get3A_786] {strides = array<i32>} : memref<128x16xf32, #tpu.memory_space<vmem>>, vector<1x16xf32>,
      %get3A_788 = vector.shape_cast %get3A_787 : vector<1x16xf32> to vector<16xf32>
      %slice3A_789 = vector.extract_strided_slice %get3A_603 {offsets = [12], sizes = [1], strides = [1]} : vector<16xf32> to vector<1xf32>
      %squeeze3A_790 = vector.extract %slice3A_789[0] : f32 from vector<1xf32>
      %mul3A_791 = vector.broadcast %squeeze3A_790 : f32 to vector<16xf32>
      %mul3A_792 = arith.mulf %get3A_788, %mul3A_791 : vector<16xf32>
      %swap3A_793 = arith.constant 44 : i32
      %swap3A_794 = arith.index_cast %swap3A_793 : i32 to index
      %swap3A_795 = arith.constant 0 : index
      %swap3A_796 = tpu.vector_load %arg13[%swap3A_794, %swap3A_795] {strides = array<i32>} : memref<128x16xf32, #tpu.memory_space<vmem>>, vector<1x16xf32>,
      %swap3A_797 = vector.shape_cast %swap3A_796 : vector<1x16xf32> to vector<16xf32>
      %swap3A_798 = vector.shape_cast %mul3A_792 : vector<16xf32> to vector<1x16xf32>
      tpu.vector_store %arg13[%swap3A_794, %swap3A_795], %swap3A_798 {strides = array<i32>} : memref<128x16xf32, #tpu.memory_space<vmem>>, vector<1x16xf32>,
      %get3A_799 = arith.constant 45 : i32
      %get3A_800 = arith.index_cast %get3A_799 : i32 to index
      %get3A_801 = arith.constant 0 : index
      %get3A_802 = tpu.vector_load %arg11[%get3A_800, %get3A_801] {strides = array<i32>} : memref<128x16xf32, #tpu.memory_space<vmem>>, vector<1x16xf32>,
      %get3A_803 = vector.shape_cast %get3A_802 : vector<1x16xf32> to vector<16xf32>
      %slice3A_804 = vector.extract_strided_slice %get3A_603 {offsets = [13], sizes = [1], strides = [1]} : vector<16xf32> to vector<1xf32>
      %squeeze3A_805 = vector.extract %slice3A_804[0] : f32 from vector<1xf32>
      %mul3A_806 = vector.broadcast %squeeze3A_805 : f32 to vector<16xf32>
      %mul3A_807 = arith.mulf %get3A_803, %mul3A_806 : vector<16xf32>
      %swap3A_808 = arith.constant 45 : i32
      %swap3A_809 = arith.index_cast %swap3A_808 : i32 to index
      %swap3A_810 = arith.constant 0 : index
      %swap3A_811 = tpu.vector_load %arg13[%swap3A_809, %swap3A_810] {strides = array<i32>} : memref<128x16xf32, #tpu.memory_space<vmem>>, vector<1x16xf32>,
      %swap3A_812 = vector.shape_cast %swap3A_811 : vector<1x16xf32> to vector<16xf32>
      %swap3A_813 = vector.shape_cast %mul3A_807 : vector<16xf32> to vector<1x16xf32>
      tpu.vector_store %arg13[%swap3A_809, %swap3A_810], %swap3A_813 {strides = array<i32>} : memref<128x16xf32, #tpu.memory_space<vmem>>, vector<1x16xf32>,
      %get3A_814 = arith.constant 46 : i32
      %get3A_815 = arith.index_cast %get3A_814 : i32 to index
      %get3A_816 = arith.constant 0 : index
      %get3A_817 = tpu.vector_load %arg11[%get3A_815, %get3A_816] {strides = array<i32>} : memref<128x16xf32, #tpu.memory_space<vmem>>, vector<1x16xf32>,
      %get3A_818 = vector.shape_cast %get3A_817 : vector<1x16xf32> to vector<16xf32>
      %slice3A_819 = vector.extract_strided_slice %get3A_603 {offsets = [14], sizes = [1], strides = [1]} : vector<16xf32> to vector<1xf32>
      %squeeze3A_820 = vector.extract %slice3A_819[0] : f32 from vector<1xf32>
      %mul3A_821 = vector.broadcast %squeeze3A_820 : f32 to vector<16xf32>
      %mul3A_822 = arith.mulf %get3A_818, %mul3A_821 : vector<16xf32>
      %swap3A_823 = arith.constant 46 : i32
      %swap3A_824 = arith.index_cast %swap3A_823 : i32 to index
      %swap3A_825 = arith.constant 0 : index
      %swap3A_826 = tpu.vector_load %arg13[%swap3A_824, %swap3A_825] {strides = array<i32>} : memref<128x16xf32, #tpu.memory_space<vmem>>, vector<1x16xf32>,
      %swap3A_827 = vector.shape_cast %swap3A_826 : vector<1x16xf32> to vector<16xf32>
      %swap3A_828 = vector.shape_cast %mul3A_822 : vector<16xf32> to vector<1x16xf32>
      tpu.vector_store %arg13[%swap3A_824, %swap3A_825], %swap3A_828 {strides = array<i32>} : memref<128x16xf32, #tpu.memory_space<vmem>>, vector<1x16xf32>,
      %get3A_829 = arith.constant 47 : i32
      %get3A_830 = arith.index_cast %get3A_829 : i32 to index
      %get3A_831 = arith.constant 0 : index
      %get3A_832 = tpu.vector_load %arg11[%get3A_830, %get3A_831] {strides = array<i32>} : memref<128x16xf32, #tpu.memory_space<vmem>>, vector<1x16xf32>,
      %get3A_833 = vector.shape_cast %get3A_832 : vector<1x16xf32> to vector<16xf32>
      %slice3A_834 = vector.extract_strided_slice %get3A_603 {offsets = [15], sizes = [1], strides = [1]} : vector<16xf32> to vector<1xf32>
      %squeeze3A_835 = vector.extract %slice3A_834[0] : f32 from vector<1xf32>
      %mul3A_836 = vector.broadcast %squeeze3A_835 : f32 to vector<16xf32>
      %mul3A_837 = arith.mulf %get3A_833, %mul3A_836 : vector<16xf32>
      %swap3A_838 = arith.constant 47 : i32
      %swap3A_839 = arith.index_cast %swap3A_838 : i32 to index
      %swap3A_840 = arith.constant 0 : index
      %swap3A_841 = tpu.vector_load %arg13[%swap3A_839, %swap3A_840] {strides = array<i32>} : memref<128x16xf32, #tpu.memory_space<vmem>>, vector<1x16xf32>,
      %swap3A_842 = vector.shape_cast %swap3A_841 : vector<1x16xf32> to vector<16xf32>
      %swap3A_843 = vector.shape_cast %mul3A_837 : vector<16xf32> to vector<1x16xf32>
      tpu.vector_store %arg13[%swap3A_839, %swap3A_840], %swap3A_843 {strides = array<i32>} : memref<128x16xf32, #tpu.memory_space<vmem>>, vector<1x16xf32>,
      %get3A_844 = arith.index_cast %mul3A_98 : i32 to index
      %get3A_845 = arith.constant 48 : index
      %get3A_846 = tpu.vector_load %arg10[%get3A_844, %get3A_845] {strides = array<i32>} : memref<66x128xf32, #tpu.memory_space<vmem>>, vector<1x16xf32>,
      %get3A_847 = vector.shape_cast %get3A_846 : vector<1x16xf32> to vector<16xf32>
      %get3A_848 = arith.constant 48 : i32
      %get3A_849 = arith.index_cast %get3A_848 : i32 to index
      %get3A_850 = arith.constant 0 : index
      %get3A_851 = tpu.vector_load %arg11[%get3A_849, %get3A_850] {strides = array<i32>} : memref<128x16xf32, #tpu.memory_space<vmem>>, vector<1x16xf32>,
      %get3A_852 = vector.shape_cast %get3A_851 : vector<1x16xf32> to vector<16xf32>
      %slice3A_853 = vector.extract_strided_slice %get3A_847 {offsets = [0], sizes = [1], strides = [1]} : vector<16xf32> to vector<1xf32>
      %squeeze3A_854 = vector.extract %slice3A_853[0] : f32 from vector<1xf32>
      %mul3A_855 = vector.broadcast %squeeze3A_854 : f32 to vector<16xf32>
      %mul3A_856 = arith.mulf %get3A_852, %mul3A_855 : vector<16xf32>
      %swap3A_857 = arith.constant 48 : i32
      %swap3A_858 = arith.index_cast %swap3A_857 : i32 to index
      %swap3A_859 = arith.constant 0 : index
      %swap3A_860 = tpu.vector_load %arg13[%swap3A_858, %swap3A_859] {strides = array<i32>} : memref<128x16xf32, #tpu.memory_space<vmem>>, vector<1x16xf32>,
      %swap3A_861 = vector.shape_cast %swap3A_860 : vector<1x16xf32> to vector<16xf32>
      %swap3A_862 = vector.shape_cast %mul3A_856 : vector<16xf32> to vector<1x16xf32>
      tpu.vector_store %arg13[%swap3A_858, %swap3A_859], %swap3A_862 {strides = array<i32>} : memref<128x16xf32, #tpu.memory_space<vmem>>, vector<1x16xf32>,
      %get3A_863 = arith.constant 49 : i32
      %get3A_864 = arith.index_cast %get3A_863 : i32 to index
      %get3A_865 = arith.constant 0 : index
      %get3A_866 = tpu.vector_load %arg11[%get3A_864, %get3A_865] {strides = array<i32>} : memref<128x16xf32, #tpu.memory_space<vmem>>, vector<1x16xf32>,
      %get3A_867 = vector.shape_cast %get3A_866 : vector<1x16xf32> to vector<16xf32>
      %slice3A_868 = vector.extract_strided_slice %get3A_847 {offsets = [1], sizes = [1], strides = [1]} : vector<16xf32> to vector<1xf32>
      %squeeze3A_869 = vector.extract %slice3A_868[0] : f32 from vector<1xf32>
      %mul3A_870 = vector.broadcast %squeeze3A_869 : f32 to vector<16xf32>
      %mul3A_871 = arith.mulf %get3A_867, %mul3A_870 : vector<16xf32>
      %swap3A_872 = arith.constant 49 : i32
      %swap3A_873 = arith.index_cast %swap3A_872 : i32 to index
      %swap3A_874 = arith.constant 0 : index
      %swap3A_875 = tpu.vector_load %arg13[%swap3A_873, %swap3A_874] {strides = array<i32>} : memref<128x16xf32, #tpu.memory_space<vmem>>, vector<1x16xf32>,
      %swap3A_876 = vector.shape_cast %swap3A_875 : vector<1x16xf32> to vector<16xf32>
      %swap3A_877 = vector.shape_cast %mul3A_871 : vector<16xf32> to vector<1x16xf32>
      tpu.vector_store %arg13[%swap3A_873, %swap3A_874], %swap3A_877 {strides = array<i32>} : memref<128x16xf32, #tpu.memory_space<vmem>>, vector<1x16xf32>,
      %get3A_878 = arith.constant 50 : i32
      %get3A_879 = arith.index_cast %get3A_878 : i32 to index
      %get3A_880 = arith.constant 0 : index
      %get3A_881 = tpu.vector_load %arg11[%get3A_879, %get3A_880] {strides = array<i32>} : memref<128x16xf32, #tpu.memory_space<vmem>>, vector<1x16xf32>,
      %get3A_882 = vector.shape_cast %get3A_881 : vector<1x16xf32> to vector<16xf32>
      %slice3A_883 = vector.extract_strided_slice %get3A_847 {offsets = [2], sizes = [1], strides = [1]} : vector<16xf32> to vector<1xf32>
      %squeeze3A_884 = vector.extract %slice3A_883[0] : f32 from vector<1xf32>
      %mul3A_885 = vector.broadcast %squeeze3A_884 : f32 to vector<16xf32>
      %mul3A_886 = arith.mulf %get3A_882, %mul3A_885 : vector<16xf32>
      %swap3A_887 = arith.constant 50 : i32
      %swap3A_888 = arith.index_cast %swap3A_887 : i32 to index
      %swap3A_889 = arith.constant 0 : index
      %swap3A_890 = tpu.vector_load %arg13[%swap3A_888, %swap3A_889] {strides = array<i32>} : memref<128x16xf32, #tpu.memory_space<vmem>>, vector<1x16xf32>,
      %swap3A_891 = vector.shape_cast %swap3A_890 : vector<1x16xf32> to vector<16xf32>
      %swap3A_892 = vector.shape_cast %mul3A_886 : vector<16xf32> to vector<1x16xf32>
      tpu.vector_store %arg13[%swap3A_888, %swap3A_889], %swap3A_892 {strides = array<i32>} : memref<128x16xf32, #tpu.memory_space<vmem>>, vector<1x16xf32>,
      %get3A_893 = arith.constant 51 : i32
      %get3A_894 = arith.index_cast %get3A_893 : i32 to index
      %get3A_895 = arith.constant 0 : index
      %get3A_896 = tpu.vector_load %arg11[%get3A_894, %get3A_895] {strides = array<i32>} : memref<128x16xf32, #tpu.memory_space<vmem>>, vector<1x16xf32>,
      %get3A_897 = vector.shape_cast %get3A_896 : vector<1x16xf32> to vector<16xf32>
      %slice3A_898 = vector.extract_strided_slice %get3A_847 {offsets = [3], sizes = [1], strides = [1]} : vector<16xf32> to vector<1xf32>
      %squeeze3A_899 = vector.extract %slice3A_898[0] : f32 from vector<1xf32>
      %mul3A_900 = vector.broadcast %squeeze3A_899 : f32 to vector<16xf32>
      %mul3A_901 = arith.mulf %get3A_897, %mul3A_900 : vector<16xf32>
      %swap3A_902 = arith.constant 51 : i32
      %swap3A_903 = arith.index_cast %swap3A_902 : i32 to index
      %swap3A_904 = arith.constant 0 : index
      %swap3A_905 = tpu.vector_load %arg13[%swap3A_903, %swap3A_904] {strides = array<i32>} : memref<128x16xf32, #tpu.memory_space<vmem>>, vector<1x16xf32>,
      %swap3A_906 = vector.shape_cast %swap3A_905 : vector<1x16xf32> to vector<16xf32>
      %swap3A_907 = vector.shape_cast %mul3A_901 : vector<16xf32> to vector<1x16xf32>
      tpu.vector_store %arg13[%swap3A_903, %swap3A_904], %swap3A_907 {strides = array<i32>} : memref<128x16xf32, #tpu.memory_space<vmem>>, vector<1x16xf32>,
      %get3A_908 = arith.constant 52 : i32
      %get3A_909 = arith.index_cast %get3A_908 : i32 to index
      %get3A_910 = arith.constant 0 : index
      %get3A_911 = tpu.vector_load %arg11[%get3A_909, %get3A_910] {strides = array<i32>} : memref<128x16xf32, #tpu.memory_space<vmem>>, vector<1x16xf32>,
      %get3A_912 = vector.shape_cast %get3A_911 : vector<1x16xf32> to vector<16xf32>
      %slice3A_913 = vector.extract_strided_slice %get3A_847 {offsets = [4], sizes = [1], strides = [1]} : vector<16xf32> to vector<1xf32>
      %squeeze3A_914 = vector.extract %slice3A_913[0] : f32 from vector<1xf32>
      %mul3A_915 = vector.broadcast %squeeze3A_914 : f32 to vector<16xf32>
      %mul3A_916 = arith.mulf %get3A_912, %mul3A_915 : vector<16xf32>
      %swap3A_917 = arith.constant 52 : i32
      %swap3A_918 = arith.index_cast %swap3A_917 : i32 to index
      %swap3A_919 = arith.constant 0 : index
      %swap3A_920 = tpu.vector_load %arg13[%swap3A_918, %swap3A_919] {strides = array<i32>} : memref<128x16xf32, #tpu.memory_space<vmem>>, vector<1x16xf32>,
      %swap3A_921 = vector.shape_cast %swap3A_920 : vector<1x16xf32> to vector<16xf32>
      %swap3A_922 = vector.shape_cast %mul3A_916 : vector<16xf32> to vector<1x16xf32>
      tpu.vector_store %arg13[%swap3A_918, %swap3A_919], %swap3A_922 {strides = array<i32>} : memref<128x16xf32, #tpu.memory_space<vmem>>, vector<1x16xf32>,
      %get3A_923 = arith.constant 53 : i32
      %get3A_924 = arith.index_cast %get3A_923 : i32 to index
      %get3A_925 = arith.constant 0 : index
      %get3A_926 = tpu.vector_load %arg11[%get3A_924, %get3A_925] {strides = array<i32>} : memref<128x16xf32, #tpu.memory_space<vmem>>, vector<1x16xf32>,
      %get3A_927 = vector.shape_cast %get3A_926 : vector<1x16xf32> to vector<16xf32>
      %slice3A_928 = vector.extract_strided_slice %get3A_847 {offsets = [5], sizes = [1], strides = [1]} : vector<16xf32> to vector<1xf32>
      %squeeze3A_929 = vector.extract %slice3A_928[0] : f32 from vector<1xf32>
      %mul3A_930 = vector.broadcast %squeeze3A_929 : f32 to vector<16xf32>
      %mul3A_931 = arith.mulf %get3A_927, %mul3A_930 : vector<16xf32>
      %swap3A_932 = arith.constant 53 : i32
      %swap3A_933 = arith.index_cast %swap3A_932 : i32 to index
      %swap3A_934 = arith.constant 0 : index
      %swap3A_935 = tpu.vector_load %arg13[%swap3A_933, %swap3A_934] {strides = array<i32>} : memref<128x16xf32, #tpu.memory_space<vmem>>, vector<1x16xf32>,
      %swap3A_936 = vector.shape_cast %swap3A_935 : vector<1x16xf32> to vector<16xf32>
      %swap3A_937 = vector.shape_cast %mul3A_931 : vector<16xf32> to vector<1x16xf32>
      tpu.vector_store %arg13[%swap3A_933, %swap3A_934], %swap3A_937 {strides = array<i32>} : memref<128x16xf32, #tpu.memory_space<vmem>>, vector<1x16xf32>,
      %get3A_938 = arith.constant 54 : i32
      %get3A_939 = arith.index_cast %get3A_938 : i32 to index
      %get3A_940 = arith.constant 0 : index
      %get3A_941 = tpu.vector_load %arg11[%get3A_939, %get3A_940] {strides = array<i32>} : memref<128x16xf32, #tpu.memory_space<vmem>>, vector<1x16xf32>,
      %get3A_942 = vector.shape_cast %get3A_941 : vector<1x16xf32> to vector<16xf32>
      %slice3A_943 = vector.extract_strided_slice %get3A_847 {offsets = [6], sizes = [1], strides = [1]} : vector<16xf32> to vector<1xf32>
      %squeeze3A_944 = vector.extract %slice3A_943[0] : f32 from vector<1xf32>
      %mul3A_945 = vector.broadcast %squeeze3A_944 : f32 to vector<16xf32>
      %mul3A_946 = arith.mulf %get3A_942, %mul3A_945 : vector<16xf32>
      %swap3A_947 = arith.constant 54 : i32
      %swap3A_948 = arith.index_cast %swap3A_947 : i32 to index
      %swap3A_949 = arith.constant 0 : index
      %swap3A_950 = tpu.vector_load %arg13[%swap3A_948, %swap3A_949] {strides = array<i32>} : memref<128x16xf32, #tpu.memory_space<vmem>>, vector<1x16xf32>,
      %swap3A_951 = vector.shape_cast %swap3A_950 : vector<1x16xf32> to vector<16xf32>
      %swap3A_952 = vector.shape_cast %mul3A_946 : vector<16xf32> to vector<1x16xf32>
      tpu.vector_store %arg13[%swap3A_948, %swap3A_949], %swap3A_952 {strides = array<i32>} : memref<128x16xf32, #tpu.memory_space<vmem>>, vector<1x16xf32>,
      %get3A_953 = arith.constant 55 : i32
      %get3A_954 = arith.index_cast %get3A_953 : i32 to index
      %get3A_955 = arith.constant 0 : index
      %get3A_956 = tpu.vector_load %arg11[%get3A_954, %get3A_955] {strides = array<i32>} : memref<128x16xf32, #tpu.memory_space<vmem>>, vector<1x16xf32>,
      %get3A_957 = vector.shape_cast %get3A_956 : vector<1x16xf32> to vector<16xf32>
      %slice3A_958 = vector.extract_strided_slice %get3A_847 {offsets = [7], sizes = [1], strides = [1]} : vector<16xf32> to vector<1xf32>
      %squeeze3A_959 = vector.extract %slice3A_958[0] : f32 from vector<1xf32>
      %mul3A_960 = vector.broadcast %squeeze3A_959 : f32 to vector<16xf32>
      %mul3A_961 = arith.mulf %get3A_957, %mul3A_960 : vector<16xf32>
      %swap3A_962 = arith.constant 55 : i32
      %swap3A_963 = arith.index_cast %swap3A_962 : i32 to index
      %swap3A_964 = arith.constant 0 : index
      %swap3A_965 = tpu.vector_load %arg13[%swap3A_963, %swap3A_964] {strides = array<i32>} : memref<128x16xf32, #tpu.memory_space<vmem>>, vector<1x16xf32>,
      %swap3A_966 = vector.shape_cast %swap3A_965 : vector<1x16xf32> to vector<16xf32>
      %swap3A_967 = vector.shape_cast %mul3A_961 : vector<16xf32> to vector<1x16xf32>
      tpu.vector_store %arg13[%swap3A_963, %swap3A_964], %swap3A_967 {strides = array<i32>} : memref<128x16xf32, #tpu.memory_space<vmem>>, vector<1x16xf32>,
      %get3A_968 = arith.constant 56 : i32
      %get3A_969 = arith.index_cast %get3A_968 : i32 to index
      %get3A_970 = arith.constant 0 : index
      %get3A_971 = tpu.vector_load %arg11[%get3A_969, %get3A_970] {strides = array<i32>} : memref<128x16xf32, #tpu.memory_space<vmem>>, vector<1x16xf32>,
      %get3A_972 = vector.shape_cast %get3A_971 : vector<1x16xf32> to vector<16xf32>
      %slice3A_973 = vector.extract_strided_slice %get3A_847 {offsets = [8], sizes = [1], strides = [1]} : vector<16xf32> to vector<1xf32>
      %squeeze3A_974 = vector.extract %slice3A_973[0] : f32 from vector<1xf32>
      %mul3A_975 = vector.broadcast %squeeze3A_974 : f32 to vector<16xf32>
      %mul3A_976 = arith.mulf %get3A_972, %mul3A_975 : vector<16xf32>
      %swap3A_977 = arith.constant 56 : i32
      %swap3A_978 = arith.index_cast %swap3A_977 : i32 to index
      %swap3A_979 = arith.constant 0 : index
      %swap3A_980 = tpu.vector_load %arg13[%swap3A_978, %swap3A_979] {strides = array<i32>} : memref<128x16xf32, #tpu.memory_space<vmem>>, vector<1x16xf32>,
      %swap3A_981 = vector.shape_cast %swap3A_980 : vector<1x16xf32> to vector<16xf32>
      %swap3A_982 = vector.shape_cast %mul3A_976 : vector<16xf32> to vector<1x16xf32>
      tpu.vector_store %arg13[%swap3A_978, %swap3A_979], %swap3A_982 {strides = array<i32>} : memref<128x16xf32, #tpu.memory_space<vmem>>, vector<1x16xf32>,
      %get3A_983 = arith.constant 57 : i32
      %get3A_984 = arith.index_cast %get3A_983 : i32 to index
      %get3A_985 = arith.constant 0 : index
      %get3A_986 = tpu.vector_load %arg11[%get3A_984, %get3A_985] {strides = array<i32>} : memref<128x16xf32, #tpu.memory_space<vmem>>, vector<1x16xf32>,
      %get3A_987 = vector.shape_cast %get3A_986 : vector<1x16xf32> to vector<16xf32>
      %slice3A_988 = vector.extract_strided_slice %get3A_847 {offsets = [9], sizes = [1], strides = [1]} : vector<16xf32> to vector<1xf32>
      %squeeze3A_989 = vector.extract %slice3A_988[0] : f32 from vector<1xf32>
      %mul3A_990 = vector.broadcast %squeeze3A_989 : f32 to vector<16xf32>
      %mul3A_991 = arith.mulf %get3A_987, %mul3A_990 : vector<16xf32>
      %swap3A_992 = arith.constant 57 : i32
      %swap3A_993 = arith.index_cast %swap3A_992 : i32 to index
      %swap3A_994 = arith.constant 0 : index
      %swap3A_995 = tpu.vector_load %arg13[%swap3A_993, %swap3A_994] {strides = array<i32>} : memref<128x16xf32, #tpu.memory_space<vmem>>, vector<1x16xf32>,
      %swap3A_996 = vector.shape_cast %swap3A_995 : vector<1x16xf32> to vector<16xf32>
      %swap3A_997 = vector.shape_cast %mul3A_991 : vector<16xf32> to vector<1x16xf32>
      tpu.vector_store %arg13[%swap3A_993, %swap3A_994], %swap3A_997 {strides = array<i32>} : memref<128x16xf32, #tpu.memory_space<vmem>>, vector<1x16xf32>,
      %get3A_998 = arith.constant 58 : i32
      %get3A_999 = arith.index_cast %get3A_998 : i32 to index
      %get3A_1000 = arith.constant 0 : index
      %get3A_1001 = tpu.vector_load %arg11[%get3A_999, %get3A_1000] {strides = array<i32>} : memref<128x16xf32, #tpu.memory_space<vmem>>, vector<1x16xf32>,
      %get3A_1002 = vector.shape_cast %get3A_1001 : vector<1x16xf32> to vector<16xf32>
      %slice3A_1003 = vector.extract_strided_slice %get3A_847 {offsets = [10], sizes = [1], strides = [1]} : vector<16xf32> to vector<1xf32>
      %squeeze3A_1004 = vector.extract %slice3A_1003[0] : f32 from vector<1xf32>
      %mul3A_1005 = vector.broadcast %squeeze3A_1004 : f32 to vector<16xf32>
      %mul3A_1006 = arith.mulf %get3A_1002, %mul3A_1005 : vector<16xf32>
      %swap3A_1007 = arith.constant 58 : i32
      %swap3A_1008 = arith.index_cast %swap3A_1007 : i32 to index
      %swap3A_1009 = arith.constant 0 : index
      %swap3A_1010 = tpu.vector_load %arg13[%swap3A_1008, %swap3A_1009] {strides = array<i32>} : memref<128x16xf32, #tpu.memory_space<vmem>>, vector<1x16xf32>,
      %swap3A_1011 = vector.shape_cast %swap3A_1010 : vector<1x16xf32> to vector<16xf32>
      %swap3A_1012 = vector.shape_cast %mul3A_1006 : vector<16xf32> to vector<1x16xf32>
      tpu.vector_store %arg13[%swap3A_1008, %swap3A_1009], %swap3A_1012 {strides = array<i32>} : memref<128x16xf32, #tpu.memory_space<vmem>>, vector<1x16xf32>,
      %get3A_1013 = arith.constant 59 : i32
      %get3A_1014 = arith.index_cast %get3A_1013 : i32 to index
      %get3A_1015 = arith.constant 0 : index
      %get3A_1016 = tpu.vector_load %arg11[%get3A_1014, %get3A_1015] {strides = array<i32>} : memref<128x16xf32, #tpu.memory_space<vmem>>, vector<1x16xf32>,
      %get3A_1017 = vector.shape_cast %get3A_1016 : vector<1x16xf32> to vector<16xf32>
      %slice3A_1018 = vector.extract_strided_slice %get3A_847 {offsets = [11], sizes = [1], strides = [1]} : vector<16xf32> to vector<1xf32>
      %squeeze3A_1019 = vector.extract %slice3A_1018[0] : f32 from vector<1xf32>
      %mul3A_1020 = vector.broadcast %squeeze3A_1019 : f32 to vector<16xf32>
      %mul3A_1021 = arith.mulf %get3A_1017, %mul3A_1020 : vector<16xf32>
      %swap3A_1022 = arith.constant 59 : i32
      %swap3A_1023 = arith.index_cast %swap3A_1022 : i32 to index
      %swap3A_1024 = arith.constant 0 : index
      %swap3A_1025 = tpu.vector_load %arg13[%swap3A_1023, %swap3A_1024] {strides = array<i32>} : memref<128x16xf32, #tpu.memory_space<vmem>>, vector<1x16xf32>,
      %swap3A_1026 = vector.shape_cast %swap3A_1025 : vector<1x16xf32> to vector<16xf32>
      %swap3A_1027 = vector.shape_cast %mul3A_1021 : vector<16xf32> to vector<1x16xf32>
      tpu.vector_store %arg13[%swap3A_1023, %swap3A_1024], %swap3A_1027 {strides = array<i32>} : memref<128x16xf32, #tpu.memory_space<vmem>>, vector<1x16xf32>,
      %get3A_1028 = arith.constant 60 : i32
      %get3A_1029 = arith.index_cast %get3A_1028 : i32 to index
      %get3A_1030 = arith.constant 0 : index
      %get3A_1031 = tpu.vector_load %arg11[%get3A_1029, %get3A_1030] {strides = array<i32>} : memref<128x16xf32, #tpu.memory_space<vmem>>, vector<1x16xf32>,
      %get3A_1032 = vector.shape_cast %get3A_1031 : vector<1x16xf32> to vector<16xf32>
      %slice3A_1033 = vector.extract_strided_slice %get3A_847 {offsets = [12], sizes = [1], strides = [1]} : vector<16xf32> to vector<1xf32>
      %squeeze3A_1034 = vector.extract %slice3A_1033[0] : f32 from vector<1xf32>
      %mul3A_1035 = vector.broadcast %squeeze3A_1034 : f32 to vector<16xf32>
      %mul3A_1036 = arith.mulf %get3A_1032, %mul3A_1035 : vector<16xf32>
      %swap3A_1037 = arith.constant 60 : i32
      %swap3A_1038 = arith.index_cast %swap3A_1037 : i32 to index
      %swap3A_1039 = arith.constant 0 : index
      %swap3A_1040 = tpu.vector_load %arg13[%swap3A_1038, %swap3A_1039] {strides = array<i32>} : memref<128x16xf32, #tpu.memory_space<vmem>>, vector<1x16xf32>,
      %swap3A_1041 = vector.shape_cast %swap3A_1040 : vector<1x16xf32> to vector<16xf32>
      %swap3A_1042 = vector.shape_cast %mul3A_1036 : vector<16xf32> to vector<1x16xf32>
      tpu.vector_store %arg13[%swap3A_1038, %swap3A_1039], %swap3A_1042 {strides = array<i32>} : memref<128x16xf32, #tpu.memory_space<vmem>>, vector<1x16xf32>,
      %get3A_1043 = arith.constant 61 : i32
      %get3A_1044 = arith.index_cast %get3A_1043 : i32 to index
      %get3A_1045 = arith.constant 0 : index
      %get3A_1046 = tpu.vector_load %arg11[%get3A_1044, %get3A_1045] {strides = array<i32>} : memref<128x16xf32, #tpu.memory_space<vmem>>, vector<1x16xf32>,
      %get3A_1047 = vector.shape_cast %get3A_1046 : vector<1x16xf32> to vector<16xf32>
      %slice3A_1048 = vector.extract_strided_slice %get3A_847 {offsets = [13], sizes = [1], strides = [1]} : vector<16xf32> to vector<1xf32>
      %squeeze3A_1049 = vector.extract %slice3A_1048[0] : f32 from vector<1xf32>
      %mul3A_1050 = vector.broadcast %squeeze3A_1049 : f32 to vector<16xf32>
      %mul3A_1051 = arith.mulf %get3A_1047, %mul3A_1050 : vector<16xf32>
      %swap3A_1052 = arith.constant 61 : i32
      %swap3A_1053 = arith.index_cast %swap3A_1052 : i32 to index
      %swap3A_1054 = arith.constant 0 : index
      %swap3A_1055 = tpu.vector_load %arg13[%swap3A_1053, %swap3A_1054] {strides = array<i32>} : memref<128x16xf32, #tpu.memory_space<vmem>>, vector<1x16xf32>,
      %swap3A_1056 = vector.shape_cast %swap3A_1055 : vector<1x16xf32> to vector<16xf32>
      %swap3A_1057 = vector.shape_cast %mul3A_1051 : vector<16xf32> to vector<1x16xf32>
      tpu.vector_store %arg13[%swap3A_1053, %swap3A_1054], %swap3A_1057 {strides = array<i32>} : memref<128x16xf32, #tpu.memory_space<vmem>>, vector<1x16xf32>,
      %get3A_1058 = arith.constant 62 : i32
      %get3A_1059 = arith.index_cast %get3A_1058 : i32 to index
      %get3A_1060 = arith.constant 0 : index
      %get3A_1061 = tpu.vector_load %arg11[%get3A_1059, %get3A_1060] {strides = array<i32>} : memref<128x16xf32, #tpu.memory_space<vmem>>, vector<1x16xf32>,
      %get3A_1062 = vector.shape_cast %get3A_1061 : vector<1x16xf32> to vector<16xf32>
      %slice3A_1063 = vector.extract_strided_slice %get3A_847 {offsets = [14], sizes = [1], strides = [1]} : vector<16xf32> to vector<1xf32>
      %squeeze3A_1064 = vector.extract %slice3A_1063[0] : f32 from vector<1xf32>
      %mul3A_1065 = vector.broadcast %squeeze3A_1064 : f32 to vector<16xf32>
      %mul3A_1066 = arith.mulf %get3A_1062, %mul3A_1065 : vector<16xf32>
      %swap3A_1067 = arith.constant 62 : i32
      %swap3A_1068 = arith.index_cast %swap3A_1067 : i32 to index
      %swap3A_1069 = arith.constant 0 : index
      %swap3A_1070 = tpu.vector_load %arg13[%swap3A_1068, %swap3A_1069] {strides = array<i32>} : memref<128x16xf32, #tpu.memory_space<vmem>>, vector<1x16xf32>,
      %swap3A_1071 = vector.shape_cast %swap3A_1070 : vector<1x16xf32> to vector<16xf32>
      %swap3A_1072 = vector.shape_cast %mul3A_1066 : vector<16xf32> to vector<1x16xf32>
      tpu.vector_store %arg13[%swap3A_1068, %swap3A_1069], %swap3A_1072 {strides = array<i32>} : memref<128x16xf32, #tpu.memory_space<vmem>>, vector<1x16xf32>,
      %get3A_1073 = arith.constant 63 : i32
      %get3A_1074 = arith.index_cast %get3A_1073 : i32 to index
      %get3A_1075 = arith.constant 0 : index
      %get3A_1076 = tpu.vector_load %arg11[%get3A_1074, %get3A_1075] {strides = array<i32>} : memref<128x16xf32, #tpu.memory_space<vmem>>, vector<1x16xf32>,
      %get3A_1077 = vector.shape_cast %get3A_1076 : vector<1x16xf32> to vector<16xf32>
      %slice3A_1078 = vector.extract_strided_slice %get3A_847 {offsets = [15], sizes = [1], strides = [1]} : vector<16xf32> to vector<1xf32>
      %squeeze3A_1079 = vector.extract %slice3A_1078[0] : f32 from vector<1xf32>
      %mul3A_1080 = vector.broadcast %squeeze3A_1079 : f32 to vector<16xf32>
      %mul3A_1081 = arith.mulf %get3A_1077, %mul3A_1080 : vector<16xf32>
      %swap3A_1082 = arith.constant 63 : i32
      %swap3A_1083 = arith.index_cast %swap3A_1082 : i32 to index
      %swap3A_1084 = arith.constant 0 : index
      %swap3A_1085 = tpu.vector_load %arg13[%swap3A_1083, %swap3A_1084] {strides = array<i32>} : memref<128x16xf32, #tpu.memory_space<vmem>>, vector<1x16xf32>,
      %swap3A_1086 = vector.shape_cast %swap3A_1085 : vector<1x16xf32> to vector<16xf32>
      %swap3A_1087 = vector.shape_cast %mul3A_1081 : vector<16xf32> to vector<1x16xf32>
      tpu.vector_store %arg13[%swap3A_1083, %swap3A_1084], %swap3A_1087 {strides = array<i32>} : memref<128x16xf32, #tpu.memory_space<vmem>>, vector<1x16xf32>,
      %get3A_1088 = arith.index_cast %mul3A_98 : i32 to index
      %get3A_1089 = arith.constant 64 : index
      %get3A_1090 = tpu.vector_load %arg10[%get3A_1088, %get3A_1089] {strides = array<i32>} : memref<66x128xf32, #tpu.memory_space<vmem>>, vector<1x16xf32>,
      %get3A_1091 = vector.shape_cast %get3A_1090 : vector<1x16xf32> to vector<16xf32>
      %get3A_1092 = arith.constant 64 : i32
      %get3A_1093 = arith.index_cast %get3A_1092 : i32 to index
      %get3A_1094 = arith.constant 0 : index
      %get3A_1095 = tpu.vector_load %arg11[%get3A_1093, %get3A_1094] {strides = array<i32>} : memref<128x16xf32, #tpu.memory_space<vmem>>, vector<1x16xf32>,
      %get3A_1096 = vector.shape_cast %get3A_1095 : vector<1x16xf32> to vector<16xf32>
      %slice3A_1097 = vector.extract_strided_slice %get3A_1091 {offsets = [0], sizes = [1], strides = [1]} : vector<16xf32> to vector<1xf32>
      %squeeze3A_1098 = vector.extract %slice3A_1097[0] : f32 from vector<1xf32>
      %mul3A_1099 = vector.broadcast %squeeze3A_1098 : f32 to vector<16xf32>
      %mul3A_1100 = arith.mulf %get3A_1096, %mul3A_1099 : vector<16xf32>
      %swap3A_1101 = arith.constant 64 : i32
      %swap3A_1102 = arith.index_cast %swap3A_1101 : i32 to index
      %swap3A_1103 = arith.constant 0 : index
      %swap3A_1104 = tpu.vector_load %arg13[%swap3A_1102, %swap3A_1103] {strides = array<i32>} : memref<128x16xf32, #tpu.memory_space<vmem>>, vector<1x16xf32>,
      %swap3A_1105 = vector.shape_cast %swap3A_1104 : vector<1x16xf32> to vector<16xf32>
      %swap3A_1106 = vector.shape_cast %mul3A_1100 : vector<16xf32> to vector<1x16xf32>
      tpu.vector_store %arg13[%swap3A_1102, %swap3A_1103], %swap3A_1106 {strides = array<i32>} : memref<128x16xf32, #tpu.memory_space<vmem>>, vector<1x16xf32>,
      %get3A_1107 = arith.constant 65 : i32
      %get3A_1108 = arith.index_cast %get3A_1107 : i32 to index
      %get3A_1109 = arith.constant 0 : index
      %get3A_1110 = tpu.vector_load %arg11[%get3A_1108, %get3A_1109] {strides = array<i32>} : memref<128x16xf32, #tpu.memory_space<vmem>>, vector<1x16xf32>,
      %get3A_1111 = vector.shape_cast %get3A_1110 : vector<1x16xf32> to vector<16xf32>
      %slice3A_1112 = vector.extract_strided_slice %get3A_1091 {offsets = [1], sizes = [1], strides = [1]} : vector<16xf32> to vector<1xf32>
      %squeeze3A_1113 = vector.extract %slice3A_1112[0] : f32 from vector<1xf32>
      %mul3A_1114 = vector.broadcast %squeeze3A_1113 : f32 to vector<16xf32>
      %mul3A_1115 = arith.mulf %get3A_1111, %mul3A_1114 : vector<16xf32>
      %swap3A_1116 = arith.constant 65 : i32
      %swap3A_1117 = arith.index_cast %swap3A_1116 : i32 to index
      %swap3A_1118 = arith.constant 0 : index
      %swap3A_1119 = tpu.vector_load %arg13[%swap3A_1117, %swap3A_1118] {strides = array<i32>} : memref<128x16xf32, #tpu.memory_space<vmem>>, vector<1x16xf32>,
      %swap3A_1120 = vector.shape_cast %swap3A_1119 : vector<1x16xf32> to vector<16xf32>
      %swap3A_1121 = vector.shape_cast %mul3A_1115 : vector<16xf32> to vector<1x16xf32>
      tpu.vector_store %arg13[%swap3A_1117, %swap3A_1118], %swap3A_1121 {strides = array<i32>} : memref<128x16xf32, #tpu.memory_space<vmem>>, vector<1x16xf32>,
      %get3A_1122 = arith.constant 66 : i32
      %get3A_1123 = arith.index_cast %get3A_1122 : i32 to index
      %get3A_1124 = arith.constant 0 : index
      %get3A_1125 = tpu.vector_load %arg11[%get3A_1123, %get3A_1124] {strides = array<i32>} : memref<128x16xf32, #tpu.memory_space<vmem>>, vector<1x16xf32>,
      %get3A_1126 = vector.shape_cast %get3A_1125 : vector<1x16xf32> to vector<16xf32>
      %slice3A_1127 = vector.extract_strided_slice %get3A_1091 {offsets = [2], sizes = [1], strides = [1]} : vector<16xf32> to vector<1xf32>
      %squeeze3A_1128 = vector.extract %slice3A_1127[0] : f32 from vector<1xf32>
      %mul3A_1129 = vector.broadcast %squeeze3A_1128 : f32 to vector<16xf32>
      %mul3A_1130 = arith.mulf %get3A_1126, %mul3A_1129 : vector<16xf32>
      %swap3A_1131 = arith.constant 66 : i32
      %swap3A_1132 = arith.index_cast %swap3A_1131 : i32 to index
      %swap3A_1133 = arith.constant 0 : index
      %swap3A_1134 = tpu.vector_load %arg13[%swap3A_1132, %swap3A_1133] {strides = array<i32>} : memref<128x16xf32, #tpu.memory_space<vmem>>, vector<1x16xf32>,
      %swap3A_1135 = vector.shape_cast %swap3A_1134 : vector<1x16xf32> to vector<16xf32>
      %swap3A_1136 = vector.shape_cast %mul3A_1130 : vector<16xf32> to vector<1x16xf32>
      tpu.vector_store %arg13[%swap3A_1132, %swap3A_1133], %swap3A_1136 {strides = array<i32>} : memref<128x16xf32, #tpu.memory_space<vmem>>, vector<1x16xf32>,
      %get3A_1137 = arith.constant 67 : i32
      %get3A_1138 = arith.index_cast %get3A_1137 : i32 to index
      %get3A_1139 = arith.constant 0 : index
      %get3A_1140 = tpu.vector_load %arg11[%get3A_1138, %get3A_1139] {strides = array<i32>} : memref<128x16xf32, #tpu.memory_space<vmem>>, vector<1x16xf32>,
      %get3A_1141 = vector.shape_cast %get3A_1140 : vector<1x16xf32> to vector<16xf32>
      %slice3A_1142 = vector.extract_strided_slice %get3A_1091 {offsets = [3], sizes = [1], strides = [1]} : vector<16xf32> to vector<1xf32>
      %squeeze3A_1143 = vector.extract %slice3A_1142[0] : f32 from vector<1xf32>
      %mul3A_1144 = vector.broadcast %squeeze3A_1143 : f32 to vector<16xf32>
      %mul3A_1145 = arith.mulf %get3A_1141, %mul3A_1144 : vector<16xf32>
      %swap3A_1146 = arith.constant 67 : i32
      %swap3A_1147 = arith.index_cast %swap3A_1146 : i32 to index
      %swap3A_1148 = arith.constant 0 : index
      %swap3A_1149 = tpu.vector_load %arg13[%swap3A_1147, %swap3A_1148] {strides = array<i32>} : memref<128x16xf32, #tpu.memory_space<vmem>>, vector<1x16xf32>,
      %swap3A_1150 = vector.shape_cast %swap3A_1149 : vector<1x16xf32> to vector<16xf32>
      %swap3A_1151 = vector.shape_cast %mul3A_1145 : vector<16xf32> to vector<1x16xf32>
      tpu.vector_store %arg13[%swap3A_1147, %swap3A_1148], %swap3A_1151 {strides = array<i32>} : memref<128x16xf32, #tpu.memory_space<vmem>>, vector<1x16xf32>,
      %get3A_1152 = arith.constant 68 : i32
      %get3A_1153 = arith.index_cast %get3A_1152 : i32 to index
      %get3A_1154 = arith.constant 0 : index
      %get3A_1155 = tpu.vector_load %arg11[%get3A_1153, %get3A_1154] {strides = array<i32>} : memref<128x16xf32, #tpu.memory_space<vmem>>, vector<1x16xf32>,
      %get3A_1156 = vector.shape_cast %get3A_1155 : vector<1x16xf32> to vector<16xf32>
      %slice3A_1157 = vector.extract_strided_slice %get3A_1091 {offsets = [4], sizes = [1], strides = [1]} : vector<16xf32> to vector<1xf32>
      %squeeze3A_1158 = vector.extract %slice3A_1157[0] : f32 from vector<1xf32>
      %mul3A_1159 = vector.broadcast %squeeze3A_1158 : f32 to vector<16xf32>
      %mul3A_1160 = arith.mulf %get3A_1156, %mul3A_1159 : vector<16xf32>
      %swap3A_1161 = arith.constant 68 : i32
      %swap3A_1162 = arith.index_cast %swap3A_1161 : i32 to index
      %swap3A_1163 = arith.constant 0 : index
      %swap3A_1164 = tpu.vector_load %arg13[%swap3A_1162, %swap3A_1163] {strides = array<i32>} : memref<128x16xf32, #tpu.memory_space<vmem>>, vector<1x16xf32>,
      %swap3A_1165 = vector.shape_cast %swap3A_1164 : vector<1x16xf32> to vector<16xf32>
      %swap3A_1166 = vector.shape_cast %mul3A_1160 : vector<16xf32> to vector<1x16xf32>
      tpu.vector_store %arg13[%swap3A_1162, %swap3A_1163], %swap3A_1166 {strides = array<i32>} : memref<128x16xf32, #tpu.memory_space<vmem>>, vector<1x16xf32>,
      %get3A_1167 = arith.constant 69 : i32
      %get3A_1168 = arith.index_cast %get3A_1167 : i32 to index
      %get3A_1169 = arith.constant 0 : index
      %get3A_1170 = tpu.vector_load %arg11[%get3A_1168, %get3A_1169] {strides = array<i32>} : memref<128x16xf32, #tpu.memory_space<vmem>>, vector<1x16xf32>,
      %get3A_1171 = vector.shape_cast %get3A_1170 : vector<1x16xf32> to vector<16xf32>
      %slice3A_1172 = vector.extract_strided_slice %get3A_1091 {offsets = [5], sizes = [1], strides = [1]} : vector<16xf32> to vector<1xf32>
      %squeeze3A_1173 = vector.extract %slice3A_1172[0] : f32 from vector<1xf32>
      %mul3A_1174 = vector.broadcast %squeeze3A_1173 : f32 to vector<16xf32>
      %mul3A_1175 = arith.mulf %get3A_1171, %mul3A_1174 : vector<16xf32>
      %swap3A_1176 = arith.constant 69 : i32
      %swap3A_1177 = arith.index_cast %swap3A_1176 : i32 to index
      %swap3A_1178 = arith.constant 0 : index
      %swap3A_1179 = tpu.vector_load %arg13[%swap3A_1177, %swap3A_1178] {strides = array<i32>} : memref<128x16xf32, #tpu.memory_space<vmem>>, vector<1x16xf32>,
      %swap3A_1180 = vector.shape_cast %swap3A_1179 : vector<1x16xf32> to vector<16xf32>
      %swap3A_1181 = vector.shape_cast %mul3A_1175 : vector<16xf32> to vector<1x16xf32>
      tpu.vector_store %arg13[%swap3A_1177, %swap3A_1178], %swap3A_1181 {strides = array<i32>} : memref<128x16xf32, #tpu.memory_space<vmem>>, vector<1x16xf32>,
      %get3A_1182 = arith.constant 70 : i32
      %get3A_1183 = arith.index_cast %get3A_1182 : i32 to index
      %get3A_1184 = arith.constant 0 : index
      %get3A_1185 = tpu.vector_load %arg11[%get3A_1183, %get3A_1184] {strides = array<i32>} : memref<128x16xf32, #tpu.memory_space<vmem>>, vector<1x16xf32>,
      %get3A_1186 = vector.shape_cast %get3A_1185 : vector<1x16xf32> to vector<16xf32>
      %slice3A_1187 = vector.extract_strided_slice %get3A_1091 {offsets = [6], sizes = [1], strides = [1]} : vector<16xf32> to vector<1xf32>
      %squeeze3A_1188 = vector.extract %slice3A_1187[0] : f32 from vector<1xf32>
      %mul3A_1189 = vector.broadcast %squeeze3A_1188 : f32 to vector<16xf32>
      %mul3A_1190 = arith.mulf %get3A_1186, %mul3A_1189 : vector<16xf32>
      %swap3A_1191 = arith.constant 70 : i32
      %swap3A_1192 = arith.index_cast %swap3A_1191 : i32 to index
      %swap3A_1193 = arith.constant 0 : index
      %swap3A_1194 = tpu.vector_load %arg13[%swap3A_1192, %swap3A_1193] {strides = array<i32>} : memref<128x16xf32, #tpu.memory_space<vmem>>, vector<1x16xf32>,
      %swap3A_1195 = vector.shape_cast %swap3A_1194 : vector<1x16xf32> to vector<16xf32>
      %swap3A_1196 = vector.shape_cast %mul3A_1190 : vector<16xf32> to vector<1x16xf32>
      tpu.vector_store %arg13[%swap3A_1192, %swap3A_1193], %swap3A_1196 {strides = array<i32>} : memref<128x16xf32, #tpu.memory_space<vmem>>, vector<1x16xf32>,
      %get3A_1197 = arith.constant 71 : i32
      %get3A_1198 = arith.index_cast %get3A_1197 : i32 to index
      %get3A_1199 = arith.constant 0 : index
      %get3A_1200 = tpu.vector_load %arg11[%get3A_1198, %get3A_1199] {strides = array<i32>} : memref<128x16xf32, #tpu.memory_space<vmem>>, vector<1x16xf32>,
      %get3A_1201 = vector.shape_cast %get3A_1200 : vector<1x16xf32> to vector<16xf32>
      %slice3A_1202 = vector.extract_strided_slice %get3A_1091 {offsets = [7], sizes = [1], strides = [1]} : vector<16xf32> to vector<1xf32>
      %squeeze3A_1203 = vector.extract %slice3A_1202[0] : f32 from vector<1xf32>
      %mul3A_1204 = vector.broadcast %squeeze3A_1203 : f32 to vector<16xf32>
      %mul3A_1205 = arith.mulf %get3A_1201, %mul3A_1204 : vector<16xf32>
      %swap3A_1206 = arith.constant 71 : i32
      %swap3A_1207 = arith.index_cast %swap3A_1206 : i32 to index
      %swap3A_1208 = arith.constant 0 : index
      %swap3A_1209 = tpu.vector_load %arg13[%swap3A_1207, %swap3A_1208] {strides = array<i32>} : memref<128x16xf32, #tpu.memory_space<vmem>>, vector<1x16xf32>,
      %swap3A_1210 = vector.shape_cast %swap3A_1209 : vector<1x16xf32> to vector<16xf32>
      %swap3A_1211 = vector.shape_cast %mul3A_1205 : vector<16xf32> to vector<1x16xf32>
      tpu.vector_store %arg13[%swap3A_1207, %swap3A_1208], %swap3A_1211 {strides = array<i32>} : memref<128x16xf32, #tpu.memory_space<vmem>>, vector<1x16xf32>,
      %get3A_1212 = arith.constant 72 : i32
      %get3A_1213 = arith.index_cast %get3A_1212 : i32 to index
      %get3A_1214 = arith.constant 0 : index
      %get3A_1215 = tpu.vector_load %arg11[%get3A_1213, %get3A_1214] {strides = array<i32>} : memref<128x16xf32, #tpu.memory_space<vmem>>, vector<1x16xf32>,
      %get3A_1216 = vector.shape_cast %get3A_1215 : vector<1x16xf32> to vector<16xf32>
      %slice3A_1217 = vector.extract_strided_slice %get3A_1091 {offsets = [8], sizes = [1], strides = [1]} : vector<16xf32> to vector<1xf32>
      %squeeze3A_1218 = vector.extract %slice3A_1217[0] : f32 from vector<1xf32>
      %mul3A_1219 = vector.broadcast %squeeze3A_1218 : f32 to vector<16xf32>
      %mul3A_1220 = arith.mulf %get3A_1216, %mul3A_1219 : vector<16xf32>
      %swap3A_1221 = arith.constant 72 : i32
      %swap3A_1222 = arith.index_cast %swap3A_1221 : i32 to index
      %swap3A_1223 = arith.constant 0 : index
      %swap3A_1224 = tpu.vector_load %arg13[%swap3A_1222, %swap3A_1223] {strides = array<i32>} : memref<128x16xf32, #tpu.memory_space<vmem>>, vector<1x16xf32>,
      %swap3A_1225 = vector.shape_cast %swap3A_1224 : vector<1x16xf32> to vector<16xf32>
      %swap3A_1226 = vector.shape_cast %mul3A_1220 : vector<16xf32> to vector<1x16xf32>
      tpu.vector_store %arg13[%swap3A_1222, %swap3A_1223], %swap3A_1226 {strides = array<i32>} : memref<128x16xf32, #tpu.memory_space<vmem>>, vector<1x16xf32>,
      %get3A_1227 = arith.constant 73 : i32
      %get3A_1228 = arith.index_cast %get3A_1227 : i32 to index
      %get3A_1229 = arith.constant 0 : index
      %get3A_1230 = tpu.vector_load %arg11[%get3A_1228, %get3A_1229] {strides = array<i32>} : memref<128x16xf32, #tpu.memory_space<vmem>>, vector<1x16xf32>,
      %get3A_1231 = vector.shape_cast %get3A_1230 : vector<1x16xf32> to vector<16xf32>
      %slice3A_1232 = vector.extract_strided_slice %get3A_1091 {offsets = [9], sizes = [1], strides = [1]} : vector<16xf32> to vector<1xf32>
      %squeeze3A_1233 = vector.extract %slice3A_1232[0] : f32 from vector<1xf32>
      %mul3A_1234 = vector.broadcast %squeeze3A_1233 : f32 to vector<16xf32>
      %mul3A_1235 = arith.mulf %get3A_1231, %mul3A_1234 : vector<16xf32>
      %swap3A_1236 = arith.constant 73 : i32
      %swap3A_1237 = arith.index_cast %swap3A_1236 : i32 to index
      %swap3A_1238 = arith.constant 0 : index
      %swap3A_1239 = tpu.vector_load %arg13[%swap3A_1237, %swap3A_1238] {strides = array<i32>} : memref<128x16xf32, #tpu.memory_space<vmem>>, vector<1x16xf32>,
      %swap3A_1240 = vector.shape_cast %swap3A_1239 : vector<1x16xf32> to vector<16xf32>
      %swap3A_1241 = vector.shape_cast %mul3A_1235 : vector<16xf32> to vector<1x16xf32>
      tpu.vector_store %arg13[%swap3A_1237, %swap3A_1238], %swap3A_1241 {strides = array<i32>} : memref<128x16xf32, #tpu.memory_space<vmem>>, vector<1x16xf32>,
      %get3A_1242 = arith.constant 74 : i32
      %get3A_1243 = arith.index_cast %get3A_1242 : i32 to index
      %get3A_1244 = arith.constant 0 : index
      %get3A_1245 = tpu.vector_load %arg11[%get3A_1243, %get3A_1244] {strides = array<i32>} : memref<128x16xf32, #tpu.memory_space<vmem>>, vector<1x16xf32>,
      %get3A_1246 = vector.shape_cast %get3A_1245 : vector<1x16xf32> to vector<16xf32>
      %slice3A_1247 = vector.extract_strided_slice %get3A_1091 {offsets = [10], sizes = [1], strides = [1]} : vector<16xf32> to vector<1xf32>
      %squeeze3A_1248 = vector.extract %slice3A_1247[0] : f32 from vector<1xf32>
      %mul3A_1249 = vector.broadcast %squeeze3A_1248 : f32 to vector<16xf32>
      %mul3A_1250 = arith.mulf %get3A_1246, %mul3A_1249 : vector<16xf32>
      %swap3A_1251 = arith.constant 74 : i32
      %swap3A_1252 = arith.index_cast %swap3A_1251 : i32 to index
      %swap3A_1253 = arith.constant 0 : index
      %swap3A_1254 = tpu.vector_load %arg13[%swap3A_1252, %swap3A_1253] {strides = array<i32>} : memref<128x16xf32, #tpu.memory_space<vmem>>, vector<1x16xf32>,
      %swap3A_1255 = vector.shape_cast %swap3A_1254 : vector<1x16xf32> to vector<16xf32>
      %swap3A_1256 = vector.shape_cast %mul3A_1250 : vector<16xf32> to vector<1x16xf32>
      tpu.vector_store %arg13[%swap3A_1252, %swap3A_1253], %swap3A_1256 {strides = array<i32>} : memref<128x16xf32, #tpu.memory_space<vmem>>, vector<1x16xf32>,
      %get3A_1257 = arith.constant 75 : i32
      %get3A_1258 = arith.index_cast %get3A_1257 : i32 to index
      %get3A_1259 = arith.constant 0 : index
      %get3A_1260 = tpu.vector_load %arg11[%get3A_1258, %get3A_1259] {strides = array<i32>} : memref<128x16xf32, #tpu.memory_space<vmem>>, vector<1x16xf32>,
      %get3A_1261 = vector.shape_cast %get3A_1260 : vector<1x16xf32> to vector<16xf32>
      %slice3A_1262 = vector.extract_strided_slice %get3A_1091 {offsets = [11], sizes = [1], strides = [1]} : vector<16xf32> to vector<1xf32>
      %squeeze3A_1263 = vector.extract %slice3A_1262[0] : f32 from vector<1xf32>
      %mul3A_1264 = vector.broadcast %squeeze3A_1263 : f32 to vector<16xf32>
      %mul3A_1265 = arith.mulf %get3A_1261, %mul3A_1264 : vector<16xf32>
      %swap3A_1266 = arith.constant 75 : i32
      %swap3A_1267 = arith.index_cast %swap3A_1266 : i32 to index
      %swap3A_1268 = arith.constant 0 : index
      %swap3A_1269 = tpu.vector_load %arg13[%swap3A_1267, %swap3A_1268] {strides = array<i32>} : memref<128x16xf32, #tpu.memory_space<vmem>>, vector<1x16xf32>,
      %swap3A_1270 = vector.shape_cast %swap3A_1269 : vector<1x16xf32> to vector<16xf32>
      %swap3A_1271 = vector.shape_cast %mul3A_1265 : vector<16xf32> to vector<1x16xf32>
      tpu.vector_store %arg13[%swap3A_1267, %swap3A_1268], %swap3A_1271 {strides = array<i32>} : memref<128x16xf32, #tpu.memory_space<vmem>>, vector<1x16xf32>,
      %get3A_1272 = arith.constant 76 : i32
      %get3A_1273 = arith.index_cast %get3A_1272 : i32 to index
      %get3A_1274 = arith.constant 0 : index
      %get3A_1275 = tpu.vector_load %arg11[%get3A_1273, %get3A_1274] {strides = array<i32>} : memref<128x16xf32, #tpu.memory_space<vmem>>, vector<1x16xf32>,
      %get3A_1276 = vector.shape_cast %get3A_1275 : vector<1x16xf32> to vector<16xf32>
      %slice3A_1277 = vector.extract_strided_slice %get3A_1091 {offsets = [12], sizes = [1], strides = [1]} : vector<16xf32> to vector<1xf32>
      %squeeze3A_1278 = vector.extract %slice3A_1277[0] : f32 from vector<1xf32>
      %mul3A_1279 = vector.broadcast %squeeze3A_1278 : f32 to vector<16xf32>
      %mul3A_1280 = arith.mulf %get3A_1276, %mul3A_1279 : vector<16xf32>
      %swap3A_1281 = arith.constant 76 : i32
      %swap3A_1282 = arith.index_cast %swap3A_1281 : i32 to index
      %swap3A_1283 = arith.constant 0 : index
      %swap3A_1284 = tpu.vector_load %arg13[%swap3A_1282, %swap3A_1283] {strides = array<i32>} : memref<128x16xf32, #tpu.memory_space<vmem>>, vector<1x16xf32>,
      %swap3A_1285 = vector.shape_cast %swap3A_1284 : vector<1x16xf32> to vector<16xf32>
      %swap3A_1286 = vector.shape_cast %mul3A_1280 : vector<16xf32> to vector<1x16xf32>
      tpu.vector_store %arg13[%swap3A_1282, %swap3A_1283], %swap3A_1286 {strides = array<i32>} : memref<128x16xf32, #tpu.memory_space<vmem>>, vector<1x16xf32>,
      %get3A_1287 = arith.constant 77 : i32
      %get3A_1288 = arith.index_cast %get3A_1287 : i32 to index
      %get3A_1289 = arith.constant 0 : index
      %get3A_1290 = tpu.vector_load %arg11[%get3A_1288, %get3A_1289] {strides = array<i32>} : memref<128x16xf32, #tpu.memory_space<vmem>>, vector<1x16xf32>,
      %get3A_1291 = vector.shape_cast %get3A_1290 : vector<1x16xf32> to vector<16xf32>
      %slice3A_1292 = vector.extract_strided_slice %get3A_1091 {offsets = [13], sizes = [1], strides = [1]} : vector<16xf32> to vector<1xf32>
      %squeeze3A_1293 = vector.extract %slice3A_1292[0] : f32 from vector<1xf32>
      %mul3A_1294 = vector.broadcast %squeeze3A_1293 : f32 to vector<16xf32>
      %mul3A_1295 = arith.mulf %get3A_1291, %mul3A_1294 : vector<16xf32>
      %swap3A_1296 = arith.constant 77 : i32
      %swap3A_1297 = arith.index_cast %swap3A_1296 : i32 to index
      %swap3A_1298 = arith.constant 0 : index
      %swap3A_1299 = tpu.vector_load %arg13[%swap3A_1297, %swap3A_1298] {strides = array<i32>} : memref<128x16xf32, #tpu.memory_space<vmem>>, vector<1x16xf32>,
      %swap3A_1300 = vector.shape_cast %swap3A_1299 : vector<1x16xf32> to vector<16xf32>
      %swap3A_1301 = vector.shape_cast %mul3A_1295 : vector<16xf32> to vector<1x16xf32>
      tpu.vector_store %arg13[%swap3A_1297, %swap3A_1298], %swap3A_1301 {strides = array<i32>} : memref<128x16xf32, #tpu.memory_space<vmem>>, vector<1x16xf32>,
      %get3A_1302 = arith.constant 78 : i32
      %get3A_1303 = arith.index_cast %get3A_1302 : i32 to index
      %get3A_1304 = arith.constant 0 : index
      %get3A_1305 = tpu.vector_load %arg11[%get3A_1303, %get3A_1304] {strides = array<i32>} : memref<128x16xf32, #tpu.memory_space<vmem>>, vector<1x16xf32>,
      %get3A_1306 = vector.shape_cast %get3A_1305 : vector<1x16xf32> to vector<16xf32>
      %slice3A_1307 = vector.extract_strided_slice %get3A_1091 {offsets = [14], sizes = [1], strides = [1]} : vector<16xf32> to vector<1xf32>
      %squeeze3A_1308 = vector.extract %slice3A_1307[0] : f32 from vector<1xf32>
      %mul3A_1309 = vector.broadcast %squeeze3A_1308 : f32 to vector<16xf32>
      %mul3A_1310 = arith.mulf %get3A_1306, %mul3A_1309 : vector<16xf32>
      %swap3A_1311 = arith.constant 78 : i32
      %swap3A_1312 = arith.index_cast %swap3A_1311 : i32 to index
      %swap3A_1313 = arith.constant 0 : index
      %swap3A_1314 = tpu.vector_load %arg13[%swap3A_1312, %swap3A_1313] {strides = array<i32>} : memref<128x16xf32, #tpu.memory_space<vmem>>, vector<1x16xf32>,
      %swap3A_1315 = vector.shape_cast %swap3A_1314 : vector<1x16xf32> to vector<16xf32>
      %swap3A_1316 = vector.shape_cast %mul3A_1310 : vector<16xf32> to vector<1x16xf32>
      tpu.vector_store %arg13[%swap3A_1312, %swap3A_1313], %swap3A_1316 {strides = array<i32>} : memref<128x16xf32, #tpu.memory_space<vmem>>, vector<1x16xf32>,
      %get3A_1317 = arith.constant 79 : i32
      %get3A_1318 = arith.index_cast %get3A_1317 : i32 to index
      %get3A_1319 = arith.constant 0 : index
      %get3A_1320 = tpu.vector_load %arg11[%get3A_1318, %get3A_1319] {strides = array<i32>} : memref<128x16xf32, #tpu.memory_space<vmem>>, vector<1x16xf32>,
      %get3A_1321 = vector.shape_cast %get3A_1320 : vector<1x16xf32> to vector<16xf32>
      %slice3A_1322 = vector.extract_strided_slice %get3A_1091 {offsets = [15], sizes = [1], strides = [1]} : vector<16xf32> to vector<1xf32>
      %squeeze3A_1323 = vector.extract %slice3A_1322[0] : f32 from vector<1xf32>
      %mul3A_1324 = vector.broadcast %squeeze3A_1323 : f32 to vector<16xf32>
      %mul3A_1325 = arith.mulf %get3A_1321, %mul3A_1324 : vector<16xf32>
      %swap3A_1326 = arith.constant 79 : i32
      %swap3A_1327 = arith.index_cast %swap3A_1326 : i32 to index
      %swap3A_1328 = arith.constant 0 : index
      %swap3A_1329 = tpu.vector_load %arg13[%swap3A_1327, %swap3A_1328] {strides = array<i32>} : memref<128x16xf32, #tpu.memory_space<vmem>>, vector<1x16xf32>,
      %swap3A_1330 = vector.shape_cast %swap3A_1329 : vector<1x16xf32> to vector<16xf32>
      %swap3A_1331 = vector.shape_cast %mul3A_1325 : vector<16xf32> to vector<1x16xf32>
      tpu.vector_store %arg13[%swap3A_1327, %swap3A_1328], %swap3A_1331 {strides = array<i32>} : memref<128x16xf32, #tpu.memory_space<vmem>>, vector<1x16xf32>,
      %get3A_1332 = arith.index_cast %mul3A_98 : i32 to index
      %get3A_1333 = arith.constant 80 : index
      %get3A_1334 = tpu.vector_load %arg10[%get3A_1332, %get3A_1333] {strides = array<i32>} : memref<66x128xf32, #tpu.memory_space<vmem>>, vector<1x16xf32>,
      %get3A_1335 = vector.shape_cast %get3A_1334 : vector<1x16xf32> to vector<16xf32>
      %get3A_1336 = arith.constant 80 : i32
      %get3A_1337 = arith.index_cast %get3A_1336 : i32 to index
      %get3A_1338 = arith.constant 0 : index
      %get3A_1339 = tpu.vector_load %arg11[%get3A_1337, %get3A_1338] {strides = array<i32>} : memref<128x16xf32, #tpu.memory_space<vmem>>, vector<1x16xf32>,
      %get3A_1340 = vector.shape_cast %get3A_1339 : vector<1x16xf32> to vector<16xf32>
      %slice3A_1341 = vector.extract_strided_slice %get3A_1335 {offsets = [0], sizes = [1], strides = [1]} : vector<16xf32> to vector<1xf32>
      %squeeze3A_1342 = vector.extract %slice3A_1341[0] : f32 from vector<1xf32>
      %mul3A_1343 = vector.broadcast %squeeze3A_1342 : f32 to vector<16xf32>
      %mul3A_1344 = arith.mulf %get3A_1340, %mul3A_1343 : vector<16xf32>
      %swap3A_1345 = arith.constant 80 : i32
      %swap3A_1346 = arith.index_cast %swap3A_1345 : i32 to index
      %swap3A_1347 = arith.constant 0 : index
      %swap3A_1348 = tpu.vector_load %arg13[%swap3A_1346, %swap3A_1347] {strides = array<i32>} : memref<128x16xf32, #tpu.memory_space<vmem>>, vector<1x16xf32>,
      %swap3A_1349 = vector.shape_cast %swap3A_1348 : vector<1x16xf32> to vector<16xf32>
      %swap3A_1350 = vector.shape_cast %mul3A_1344 : vector<16xf32> to vector<1x16xf32>
      tpu.vector_store %arg13[%swap3A_1346, %swap3A_1347], %swap3A_1350 {strides = array<i32>} : memref<128x16xf32, #tpu.memory_space<vmem>>, vector<1x16xf32>,
      %get3A_1351 = arith.constant 81 : i32
      %get3A_1352 = arith.index_cast %get3A_1351 : i32 to index
      %get3A_1353 = arith.constant 0 : index
      %get3A_1354 = tpu.vector_load %arg11[%get3A_1352, %get3A_1353] {strides = array<i32>} : memref<128x16xf32, #tpu.memory_space<vmem>>, vector<1x16xf32>,
      %get3A_1355 = vector.shape_cast %get3A_1354 : vector<1x16xf32> to vector<16xf32>
      %slice3A_1356 = vector.extract_strided_slice %get3A_1335 {offsets = [1], sizes = [1], strides = [1]} : vector<16xf32> to vector<1xf32>
      %squeeze3A_1357 = vector.extract %slice3A_1356[0] : f32 from vector<1xf32>
      %mul3A_1358 = vector.broadcast %squeeze3A_1357 : f32 to vector<16xf32>
      %mul3A_1359 = arith.mulf %get3A_1355, %mul3A_1358 : vector<16xf32>
      %swap3A_1360 = arith.constant 81 : i32
      %swap3A_1361 = arith.index_cast %swap3A_1360 : i32 to index
      %swap3A_1362 = arith.constant 0 : index
      %swap3A_1363 = tpu.vector_load %arg13[%swap3A_1361, %swap3A_1362] {strides = array<i32>} : memref<128x16xf32, #tpu.memory_space<vmem>>, vector<1x16xf32>,
      %swap3A_1364 = vector.shape_cast %swap3A_1363 : vector<1x16xf32> to vector<16xf32>
      %swap3A_1365 = vector.shape_cast %mul3A_1359 : vector<16xf32> to vector<1x16xf32>
      tpu.vector_store %arg13[%swap3A_1361, %swap3A_1362], %swap3A_1365 {strides = array<i32>} : memref<128x16xf32, #tpu.memory_space<vmem>>, vector<1x16xf32>,
      %get3A_1366 = arith.constant 82 : i32
      %get3A_1367 = arith.index_cast %get3A_1366 : i32 to index
      %get3A_1368 = arith.constant 0 : index
      %get3A_1369 = tpu.vector_load %arg11[%get3A_1367, %get3A_1368] {strides = array<i32>} : memref<128x16xf32, #tpu.memory_space<vmem>>, vector<1x16xf32>,
      %get3A_1370 = vector.shape_cast %get3A_1369 : vector<1x16xf32> to vector<16xf32>
      %slice3A_1371 = vector.extract_strided_slice %get3A_1335 {offsets = [2], sizes = [1], strides = [1]} : vector<16xf32> to vector<1xf32>
      %squeeze3A_1372 = vector.extract %slice3A_1371[0] : f32 from vector<1xf32>
      %mul3A_1373 = vector.broadcast %squeeze3A_1372 : f32 to vector<16xf32>
      %mul3A_1374 = arith.mulf %get3A_1370, %mul3A_1373 : vector<16xf32>
      %swap3A_1375 = arith.constant 82 : i32
      %swap3A_1376 = arith.index_cast %swap3A_1375 : i32 to index
      %swap3A_1377 = arith.constant 0 : index
      %swap3A_1378 = tpu.vector_load %arg13[%swap3A_1376, %swap3A_1377] {strides = array<i32>} : memref<128x16xf32, #tpu.memory_space<vmem>>, vector<1x16xf32>,
      %swap3A_1379 = vector.shape_cast %swap3A_1378 : vector<1x16xf32> to vector<16xf32>
      %swap3A_1380 = vector.shape_cast %mul3A_1374 : vector<16xf32> to vector<1x16xf32>
      tpu.vector_store %arg13[%swap3A_1376, %swap3A_1377], %swap3A_1380 {strides = array<i32>} : memref<128x16xf32, #tpu.memory_space<vmem>>, vector<1x16xf32>,
      %get3A_1381 = arith.constant 83 : i32
      %get3A_1382 = arith.index_cast %get3A_1381 : i32 to index
      %get3A_1383 = arith.constant 0 : index
      %get3A_1384 = tpu.vector_load %arg11[%get3A_1382, %get3A_1383] {strides = array<i32>} : memref<128x16xf32, #tpu.memory_space<vmem>>, vector<1x16xf32>,
      %get3A_1385 = vector.shape_cast %get3A_1384 : vector<1x16xf32> to vector<16xf32>
      %slice3A_1386 = vector.extract_strided_slice %get3A_1335 {offsets = [3], sizes = [1], strides = [1]} : vector<16xf32> to vector<1xf32>
      %squeeze3A_1387 = vector.extract %slice3A_1386[0] : f32 from vector<1xf32>
      %mul3A_1388 = vector.broadcast %squeeze3A_1387 : f32 to vector<16xf32>
      %mul3A_1389 = arith.mulf %get3A_1385, %mul3A_1388 : vector<16xf32>
      %swap3A_1390 = arith.constant 83 : i32
      %swap3A_1391 = arith.index_cast %swap3A_1390 : i32 to index
      %swap3A_1392 = arith.constant 0 : index
      %swap3A_1393 = tpu.vector_load %arg13[%swap3A_1391, %swap3A_1392] {strides = array<i32>} : memref<128x16xf32, #tpu.memory_space<vmem>>, vector<1x16xf32>,
      %swap3A_1394 = vector.shape_cast %swap3A_1393 : vector<1x16xf32> to vector<16xf32>
      %swap3A_1395 = vector.shape_cast %mul3A_1389 : vector<16xf32> to vector<1x16xf32>
      tpu.vector_store %arg13[%swap3A_1391, %swap3A_1392], %swap3A_1395 {strides = array<i32>} : memref<128x16xf32, #tpu.memory_space<vmem>>, vector<1x16xf32>,
      %get3A_1396 = arith.constant 84 : i32
      %get3A_1397 = arith.index_cast %get3A_1396 : i32 to index
      %get3A_1398 = arith.constant 0 : index
      %get3A_1399 = tpu.vector_load %arg11[%get3A_1397, %get3A_1398] {strides = array<i32>} : memref<128x16xf32, #tpu.memory_space<vmem>>, vector<1x16xf32>,
      %get3A_1400 = vector.shape_cast %get3A_1399 : vector<1x16xf32> to vector<16xf32>
      %slice3A_1401 = vector.extract_strided_slice %get3A_1335 {offsets = [4], sizes = [1], strides = [1]} : vector<16xf32> to vector<1xf32>
      %squeeze3A_1402 = vector.extract %slice3A_1401[0] : f32 from vector<1xf32>
      %mul3A_1403 = vector.broadcast %squeeze3A_1402 : f32 to vector<16xf32>
      %mul3A_1404 = arith.mulf %get3A_1400, %mul3A_1403 : vector<16xf32>
      %swap3A_1405 = arith.constant 84 : i32
      %swap3A_1406 = arith.index_cast %swap3A_1405 : i32 to index
      %swap3A_1407 = arith.constant 0 : index
      %swap3A_1408 = tpu.vector_load %arg13[%swap3A_1406, %swap3A_1407] {strides = array<i32>} : memref<128x16xf32, #tpu.memory_space<vmem>>, vector<1x16xf32>,
      %swap3A_1409 = vector.shape_cast %swap3A_1408 : vector<1x16xf32> to vector<16xf32>
      %swap3A_1410 = vector.shape_cast %mul3A_1404 : vector<16xf32> to vector<1x16xf32>
      tpu.vector_store %arg13[%swap3A_1406, %swap3A_1407], %swap3A_1410 {strides = array<i32>} : memref<128x16xf32, #tpu.memory_space<vmem>>, vector<1x16xf32>,
      %get3A_1411 = arith.constant 85 : i32
      %get3A_1412 = arith.index_cast %get3A_1411 : i32 to index
      %get3A_1413 = arith.constant 0 : index
      %get3A_1414 = tpu.vector_load %arg11[%get3A_1412, %get3A_1413] {strides = array<i32>} : memref<128x16xf32, #tpu.memory_space<vmem>>, vector<1x16xf32>,
      %get3A_1415 = vector.shape_cast %get3A_1414 : vector<1x16xf32> to vector<16xf32>
      %slice3A_1416 = vector.extract_strided_slice %get3A_1335 {offsets = [5], sizes = [1], strides = [1]} : vector<16xf32> to vector<1xf32>
      %squeeze3A_1417 = vector.extract %slice3A_1416[0] : f32 from vector<1xf32>
      %mul3A_1418 = vector.broadcast %squeeze3A_1417 : f32 to vector<16xf32>
      %mul3A_1419 = arith.mulf %get3A_1415, %mul3A_1418 : vector<16xf32>
      %swap3A_1420 = arith.constant 85 : i32
      %swap3A_1421 = arith.index_cast %swap3A_1420 : i32 to index
      %swap3A_1422 = arith.constant 0 : index
      %swap3A_1423 = tpu.vector_load %arg13[%swap3A_1421, %swap3A_1422] {strides = array<i32>} : memref<128x16xf32, #tpu.memory_space<vmem>>, vector<1x16xf32>,
      %swap3A_1424 = vector.shape_cast %swap3A_1423 : vector<1x16xf32> to vector<16xf32>
      %swap3A_1425 = vector.shape_cast %mul3A_1419 : vector<16xf32> to vector<1x16xf32>
      tpu.vector_store %arg13[%swap3A_1421, %swap3A_1422], %swap3A_1425 {strides = array<i32>} : memref<128x16xf32, #tpu.memory_space<vmem>>, vector<1x16xf32>,
      %get3A_1426 = arith.constant 86 : i32
      %get3A_1427 = arith.index_cast %get3A_1426 : i32 to index
      %get3A_1428 = arith.constant 0 : index
      %get3A_1429 = tpu.vector_load %arg11[%get3A_1427, %get3A_1428] {strides = array<i32>} : memref<128x16xf32, #tpu.memory_space<vmem>>, vector<1x16xf32>,
      %get3A_1430 = vector.shape_cast %get3A_1429 : vector<1x16xf32> to vector<16xf32>
      %slice3A_1431 = vector.extract_strided_slice %get3A_1335 {offsets = [6], sizes = [1], strides = [1]} : vector<16xf32> to vector<1xf32>
      %squeeze3A_1432 = vector.extract %slice3A_1431[0] : f32 from vector<1xf32>
      %mul3A_1433 = vector.broadcast %squeeze3A_1432 : f32 to vector<16xf32>
      %mul3A_1434 = arith.mulf %get3A_1430, %mul3A_1433 : vector<16xf32>
      %swap3A_1435 = arith.constant 86 : i32
      %swap3A_1436 = arith.index_cast %swap3A_1435 : i32 to index
      %swap3A_1437 = arith.constant 0 : index
      %swap3A_1438 = tpu.vector_load %arg13[%swap3A_1436, %swap3A_1437] {strides = array<i32>} : memref<128x16xf32, #tpu.memory_space<vmem>>, vector<1x16xf32>,
      %swap3A_1439 = vector.shape_cast %swap3A_1438 : vector<1x16xf32> to vector<16xf32>
      %swap3A_1440 = vector.shape_cast %mul3A_1434 : vector<16xf32> to vector<1x16xf32>
      tpu.vector_store %arg13[%swap3A_1436, %swap3A_1437], %swap3A_1440 {strides = array<i32>} : memref<128x16xf32, #tpu.memory_space<vmem>>, vector<1x16xf32>,
      %get3A_1441 = arith.constant 87 : i32
      %get3A_1442 = arith.index_cast %get3A_1441 : i32 to index
      %get3A_1443 = arith.constant 0 : index
      %get3A_1444 = tpu.vector_load %arg11[%get3A_1442, %get3A_1443] {strides = array<i32>} : memref<128x16xf32, #tpu.memory_space<vmem>>, vector<1x16xf32>,
      %get3A_1445 = vector.shape_cast %get3A_1444 : vector<1x16xf32> to vector<16xf32>
      %slice3A_1446 = vector.extract_strided_slice %get3A_1335 {offsets = [7], sizes = [1], strides = [1]} : vector<16xf32> to vector<1xf32>
      %squeeze3A_1447 = vector.extract %slice3A_1446[0] : f32 from vector<1xf32>
      %mul3A_1448 = vector.broadcast %squeeze3A_1447 : f32 to vector<16xf32>
      %mul3A_1449 = arith.mulf %get3A_1445, %mul3A_1448 : vector<16xf32>
      %swap3A_1450 = arith.constant 87 : i32
      %swap3A_1451 = arith.index_cast %swap3A_1450 : i32 to index
      %swap3A_1452 = arith.constant 0 : index
      %swap3A_1453 = tpu.vector_load %arg13[%swap3A_1451, %swap3A_1452] {strides = array<i32>} : memref<128x16xf32, #tpu.memory_space<vmem>>, vector<1x16xf32>,
      %swap3A_1454 = vector.shape_cast %swap3A_1453 : vector<1x16xf32> to vector<16xf32>
      %swap3A_1455 = vector.shape_cast %mul3A_1449 : vector<16xf32> to vector<1x16xf32>
      tpu.vector_store %arg13[%swap3A_1451, %swap3A_1452], %swap3A_1455 {strides = array<i32>} : memref<128x16xf32, #tpu.memory_space<vmem>>, vector<1x16xf32>,
      %get3A_1456 = arith.constant 88 : i32
      %get3A_1457 = arith.index_cast %get3A_1456 : i32 to index
      %get3A_1458 = arith.constant 0 : index
      %get3A_1459 = tpu.vector_load %arg11[%get3A_1457, %get3A_1458] {strides = array<i32>} : memref<128x16xf32, #tpu.memory_space<vmem>>, vector<1x16xf32>,
      %get3A_1460 = vector.shape_cast %get3A_1459 : vector<1x16xf32> to vector<16xf32>
      %slice3A_1461 = vector.extract_strided_slice %get3A_1335 {offsets = [8], sizes = [1], strides = [1]} : vector<16xf32> to vector<1xf32>
      %squeeze3A_1462 = vector.extract %slice3A_1461[0] : f32 from vector<1xf32>
      %mul3A_1463 = vector.broadcast %squeeze3A_1462 : f32 to vector<16xf32>
      %mul3A_1464 = arith.mulf %get3A_1460, %mul3A_1463 : vector<16xf32>
      %swap3A_1465 = arith.constant 88 : i32
      %swap3A_1466 = arith.index_cast %swap3A_1465 : i32 to index
      %swap3A_1467 = arith.constant 0 : index
      %swap3A_1468 = tpu.vector_load %arg13[%swap3A_1466, %swap3A_1467] {strides = array<i32>} : memref<128x16xf32, #tpu.memory_space<vmem>>, vector<1x16xf32>,
      %swap3A_1469 = vector.shape_cast %swap3A_1468 : vector<1x16xf32> to vector<16xf32>
      %swap3A_1470 = vector.shape_cast %mul3A_1464 : vector<16xf32> to vector<1x16xf32>
      tpu.vector_store %arg13[%swap3A_1466, %swap3A_1467], %swap3A_1470 {strides = array<i32>} : memref<128x16xf32, #tpu.memory_space<vmem>>, vector<1x16xf32>,
      %get3A_1471 = arith.constant 89 : i32
      %get3A_1472 = arith.index_cast %get3A_1471 : i32 to index
      %get3A_1473 = arith.constant 0 : index
      %get3A_1474 = tpu.vector_load %arg11[%get3A_1472, %get3A_1473] {strides = array<i32>} : memref<128x16xf32, #tpu.memory_space<vmem>>, vector<1x16xf32>,
      %get3A_1475 = vector.shape_cast %get3A_1474 : vector<1x16xf32> to vector<16xf32>
      %slice3A_1476 = vector.extract_strided_slice %get3A_1335 {offsets = [9], sizes = [1], strides = [1]} : vector<16xf32> to vector<1xf32>
      %squeeze3A_1477 = vector.extract %slice3A_1476[0] : f32 from vector<1xf32>
      %mul3A_1478 = vector.broadcast %squeeze3A_1477 : f32 to vector<16xf32>
      %mul3A_1479 = arith.mulf %get3A_1475, %mul3A_1478 : vector<16xf32>
      %swap3A_1480 = arith.constant 89 : i32
      %swap3A_1481 = arith.index_cast %swap3A_1480 : i32 to index
      %swap3A_1482 = arith.constant 0 : index
      %swap3A_1483 = tpu.vector_load %arg13[%swap3A_1481, %swap3A_1482] {strides = array<i32>} : memref<128x16xf32, #tpu.memory_space<vmem>>, vector<1x16xf32>,
      %swap3A_1484 = vector.shape_cast %swap3A_1483 : vector<1x16xf32> to vector<16xf32>
      %swap3A_1485 = vector.shape_cast %mul3A_1479 : vector<16xf32> to vector<1x16xf32>
      tpu.vector_store %arg13[%swap3A_1481, %swap3A_1482], %swap3A_1485 {strides = array<i32>} : memref<128x16xf32, #tpu.memory_space<vmem>>, vector<1x16xf32>,
      %get3A_1486 = arith.constant 90 : i32
      %get3A_1487 = arith.index_cast %get3A_1486 : i32 to index
      %get3A_1488 = arith.constant 0 : index
      %get3A_1489 = tpu.vector_load %arg11[%get3A_1487, %get3A_1488] {strides = array<i32>} : memref<128x16xf32, #tpu.memory_space<vmem>>, vector<1x16xf32>,
      %get3A_1490 = vector.shape_cast %get3A_1489 : vector<1x16xf32> to vector<16xf32>
      %slice3A_1491 = vector.extract_strided_slice %get3A_1335 {offsets = [10], sizes = [1], strides = [1]} : vector<16xf32> to vector<1xf32>
      %squeeze3A_1492 = vector.extract %slice3A_1491[0] : f32 from vector<1xf32>
      %mul3A_1493 = vector.broadcast %squeeze3A_1492 : f32 to vector<16xf32>
      %mul3A_1494 = arith.mulf %get3A_1490, %mul3A_1493 : vector<16xf32>
      %swap3A_1495 = arith.constant 90 : i32
      %swap3A_1496 = arith.index_cast %swap3A_1495 : i32 to index
      %swap3A_1497 = arith.constant 0 : index
      %swap3A_1498 = tpu.vector_load %arg13[%swap3A_1496, %swap3A_1497] {strides = array<i32>} : memref<128x16xf32, #tpu.memory_space<vmem>>, vector<1x16xf32>,
      %swap3A_1499 = vector.shape_cast %swap3A_1498 : vector<1x16xf32> to vector<16xf32>
      %swap3A_1500 = vector.shape_cast %mul3A_1494 : vector<16xf32> to vector<1x16xf32>
      tpu.vector_store %arg13[%swap3A_1496, %swap3A_1497], %swap3A_1500 {strides = array<i32>} : memref<128x16xf32, #tpu.memory_space<vmem>>, vector<1x16xf32>,
      %get3A_1501 = arith.constant 91 : i32
      %get3A_1502 = arith.index_cast %get3A_1501 : i32 to index
      %get3A_1503 = arith.constant 0 : index
      %get3A_1504 = tpu.vector_load %arg11[%get3A_1502, %get3A_1503] {strides = array<i32>} : memref<128x16xf32, #tpu.memory_space<vmem>>, vector<1x16xf32>,
      %get3A_1505 = vector.shape_cast %get3A_1504 : vector<1x16xf32> to vector<16xf32>
      %slice3A_1506 = vector.extract_strided_slice %get3A_1335 {offsets = [11], sizes = [1], strides = [1]} : vector<16xf32> to vector<1xf32>
      %squeeze3A_1507 = vector.extract %slice3A_1506[0] : f32 from vector<1xf32>
      %mul3A_1508 = vector.broadcast %squeeze3A_1507 : f32 to vector<16xf32>
      %mul3A_1509 = arith.mulf %get3A_1505, %mul3A_1508 : vector<16xf32>
      %swap3A_1510 = arith.constant 91 : i32
      %swap3A_1511 = arith.index_cast %swap3A_1510 : i32 to index
      %swap3A_1512 = arith.constant 0 : index
      %swap3A_1513 = tpu.vector_load %arg13[%swap3A_1511, %swap3A_1512] {strides = array<i32>} : memref<128x16xf32, #tpu.memory_space<vmem>>, vector<1x16xf32>,
      %swap3A_1514 = vector.shape_cast %swap3A_1513 : vector<1x16xf32> to vector<16xf32>
      %swap3A_1515 = vector.shape_cast %mul3A_1509 : vector<16xf32> to vector<1x16xf32>
      tpu.vector_store %arg13[%swap3A_1511, %swap3A_1512], %swap3A_1515 {strides = array<i32>} : memref<128x16xf32, #tpu.memory_space<vmem>>, vector<1x16xf32>,
      %get3A_1516 = arith.constant 92 : i32
      %get3A_1517 = arith.index_cast %get3A_1516 : i32 to index
      %get3A_1518 = arith.constant 0 : index
      %get3A_1519 = tpu.vector_load %arg11[%get3A_1517, %get3A_1518] {strides = array<i32>} : memref<128x16xf32, #tpu.memory_space<vmem>>, vector<1x16xf32>,
      %get3A_1520 = vector.shape_cast %get3A_1519 : vector<1x16xf32> to vector<16xf32>
      %slice3A_1521 = vector.extract_strided_slice %get3A_1335 {offsets = [12], sizes = [1], strides = [1]} : vector<16xf32> to vector<1xf32>
      %squeeze3A_1522 = vector.extract %slice3A_1521[0] : f32 from vector<1xf32>
      %mul3A_1523 = vector.broadcast %squeeze3A_1522 : f32 to vector<16xf32>
      %mul3A_1524 = arith.mulf %get3A_1520, %mul3A_1523 : vector<16xf32>
      %swap3A_1525 = arith.constant 92 : i32
      %swap3A_1526 = arith.index_cast %swap3A_1525 : i32 to index
      %swap3A_1527 = arith.constant 0 : index
      %swap3A_1528 = tpu.vector_load %arg13[%swap3A_1526, %swap3A_1527] {strides = array<i32>} : memref<128x16xf32, #tpu.memory_space<vmem>>, vector<1x16xf32>,
      %swap3A_1529 = vector.shape_cast %swap3A_1528 : vector<1x16xf32> to vector<16xf32>
      %swap3A_1530 = vector.shape_cast %mul3A_1524 : vector<16xf32> to vector<1x16xf32>
      tpu.vector_store %arg13[%swap3A_1526, %swap3A_1527], %swap3A_1530 {strides = array<i32>} : memref<128x16xf32, #tpu.memory_space<vmem>>, vector<1x16xf32>,
      %get3A_1531 = arith.constant 93 : i32
      %get3A_1532 = arith.index_cast %get3A_1531 : i32 to index
      %get3A_1533 = arith.constant 0 : index
      %get3A_1534 = tpu.vector_load %arg11[%get3A_1532, %get3A_1533] {strides = array<i32>} : memref<128x16xf32, #tpu.memory_space<vmem>>, vector<1x16xf32>,
      %get3A_1535 = vector.shape_cast %get3A_1534 : vector<1x16xf32> to vector<16xf32>
      %slice3A_1536 = vector.extract_strided_slice %get3A_1335 {offsets = [13], sizes = [1], strides = [1]} : vector<16xf32> to vector<1xf32>
      %squeeze3A_1537 = vector.extract %slice3A_1536[0] : f32 from vector<1xf32>
      %mul3A_1538 = vector.broadcast %squeeze3A_1537 : f32 to vector<16xf32>
      %mul3A_1539 = arith.mulf %get3A_1535, %mul3A_1538 : vector<16xf32>
      %swap3A_1540 = arith.constant 93 : i32
      %swap3A_1541 = arith.index_cast %swap3A_1540 : i32 to index
      %swap3A_1542 = arith.constant 0 : index
      %swap3A_1543 = tpu.vector_load %arg13[%swap3A_1541, %swap3A_1542] {strides = array<i32>} : memref<128x16xf32, #tpu.memory_space<vmem>>, vector<1x16xf32>,
      %swap3A_1544 = vector.shape_cast %swap3A_1543 : vector<1x16xf32> to vector<16xf32>
      %swap3A_1545 = vector.shape_cast %mul3A_1539 : vector<16xf32> to vector<1x16xf32>
      tpu.vector_store %arg13[%swap3A_1541, %swap3A_1542], %swap3A_1545 {strides = array<i32>} : memref<128x16xf32, #tpu.memory_space<vmem>>, vector<1x16xf32>,
      %get3A_1546 = arith.constant 94 : i32
      %get3A_1547 = arith.index_cast %get3A_1546 : i32 to index
      %get3A_1548 = arith.constant 0 : index
      %get3A_1549 = tpu.vector_load %arg11[%get3A_1547, %get3A_1548] {strides = array<i32>} : memref<128x16xf32, #tpu.memory_space<vmem>>, vector<1x16xf32>,
      %get3A_1550 = vector.shape_cast %get3A_1549 : vector<1x16xf32> to vector<16xf32>
      %slice3A_1551 = vector.extract_strided_slice %get3A_1335 {offsets = [14], sizes = [1], strides = [1]} : vector<16xf32> to vector<1xf32>
      %squeeze3A_1552 = vector.extract %slice3A_1551[0] : f32 from vector<1xf32>
      %mul3A_1553 = vector.broadcast %squeeze3A_1552 : f32 to vector<16xf32>
      %mul3A_1554 = arith.mulf %get3A_1550, %mul3A_1553 : vector<16xf32>
      %swap3A_1555 = arith.constant 94 : i32
      %swap3A_1556 = arith.index_cast %swap3A_1555 : i32 to index
      %swap3A_1557 = arith.constant 0 : index
      %swap3A_1558 = tpu.vector_load %arg13[%swap3A_1556, %swap3A_1557] {strides = array<i32>} : memref<128x16xf32, #tpu.memory_space<vmem>>, vector<1x16xf32>,
      %swap3A_1559 = vector.shape_cast %swap3A_1558 : vector<1x16xf32> to vector<16xf32>
      %swap3A_1560 = vector.shape_cast %mul3A_1554 : vector<16xf32> to vector<1x16xf32>
      tpu.vector_store %arg13[%swap3A_1556, %swap3A_1557], %swap3A_1560 {strides = array<i32>} : memref<128x16xf32, #tpu.memory_space<vmem>>, vector<1x16xf32>,
      %get3A_1561 = arith.constant 95 : i32
      %get3A_1562 = arith.index_cast %get3A_1561 : i32 to index
      %get3A_1563 = arith.constant 0 : index
      %get3A_1564 = tpu.vector_load %arg11[%get3A_1562, %get3A_1563] {strides = array<i32>} : memref<128x16xf32, #tpu.memory_space<vmem>>, vector<1x16xf32>,
      %get3A_1565 = vector.shape_cast %get3A_1564 : vector<1x16xf32> to vector<16xf32>
      %slice3A_1566 = vector.extract_strided_slice %get3A_1335 {offsets = [15], sizes = [1], strides = [1]} : vector<16xf32> to vector<1xf32>
      %squeeze3A_1567 = vector.extract %slice3A_1566[0] : f32 from vector<1xf32>
      %mul3A_1568 = vector.broadcast %squeeze3A_1567 : f32 to vector<16xf32>
      %mul3A_1569 = arith.mulf %get3A_1565, %mul3A_1568 : vector<16xf32>
      %swap3A_1570 = arith.constant 95 : i32
      %swap3A_1571 = arith.index_cast %swap3A_1570 : i32 to index
      %swap3A_1572 = arith.constant 0 : index
      %swap3A_1573 = tpu.vector_load %arg13[%swap3A_1571, %swap3A_1572] {strides = array<i32>} : memref<128x16xf32, #tpu.memory_space<vmem>>, vector<1x16xf32>,
      %swap3A_1574 = vector.shape_cast %swap3A_1573 : vector<1x16xf32> to vector<16xf32>
      %swap3A_1575 = vector.shape_cast %mul3A_1569 : vector<16xf32> to vector<1x16xf32>
      tpu.vector_store %arg13[%swap3A_1571, %swap3A_1572], %swap3A_1575 {strides = array<i32>} : memref<128x16xf32, #tpu.memory_space<vmem>>, vector<1x16xf32>,
      %get3A_1576 = arith.index_cast %mul3A_98 : i32 to index
      %get3A_1577 = arith.constant 96 : index
      %get3A_1578 = tpu.vector_load %arg10[%get3A_1576, %get3A_1577] {strides = array<i32>} : memref<66x128xf32, #tpu.memory_space<vmem>>, vector<1x16xf32>,
      %get3A_1579 = vector.shape_cast %get3A_1578 : vector<1x16xf32> to vector<16xf32>
      %get3A_1580 = arith.constant 96 : i32
      %get3A_1581 = arith.index_cast %get3A_1580 : i32 to index
      %get3A_1582 = arith.constant 0 : index
      %get3A_1583 = tpu.vector_load %arg11[%get3A_1581, %get3A_1582] {strides = array<i32>} : memref<128x16xf32, #tpu.memory_space<vmem>>, vector<1x16xf32>,
      %get3A_1584 = vector.shape_cast %get3A_1583 : vector<1x16xf32> to vector<16xf32>
      %slice3A_1585 = vector.extract_strided_slice %get3A_1579 {offsets = [0], sizes = [1], strides = [1]} : vector<16xf32> to vector<1xf32>
      %squeeze3A_1586 = vector.extract %slice3A_1585[0] : f32 from vector<1xf32>
      %mul3A_1587 = vector.broadcast %squeeze3A_1586 : f32 to vector<16xf32>
      %mul3A_1588 = arith.mulf %get3A_1584, %mul3A_1587 : vector<16xf32>
      %swap3A_1589 = arith.constant 96 : i32
      %swap3A_1590 = arith.index_cast %swap3A_1589 : i32 to index
      %swap3A_1591 = arith.constant 0 : index
      %swap3A_1592 = tpu.vector_load %arg13[%swap3A_1590, %swap3A_1591] {strides = array<i32>} : memref<128x16xf32, #tpu.memory_space<vmem>>, vector<1x16xf32>,
      %swap3A_1593 = vector.shape_cast %swap3A_1592 : vector<1x16xf32> to vector<16xf32>
      %swap3A_1594 = vector.shape_cast %mul3A_1588 : vector<16xf32> to vector<1x16xf32>
      tpu.vector_store %arg13[%swap3A_1590, %swap3A_1591], %swap3A_1594 {strides = array<i32>} : memref<128x16xf32, #tpu.memory_space<vmem>>, vector<1x16xf32>,
      %get3A_1595 = arith.constant 97 : i32
      %get3A_1596 = arith.index_cast %get3A_1595 : i32 to index
      %get3A_1597 = arith.constant 0 : index
      %get3A_1598 = tpu.vector_load %arg11[%get3A_1596, %get3A_1597] {strides = array<i32>} : memref<128x16xf32, #tpu.memory_space<vmem>>, vector<1x16xf32>,
      %get3A_1599 = vector.shape_cast %get3A_1598 : vector<1x16xf32> to vector<16xf32>
      %slice3A_1600 = vector.extract_strided_slice %get3A_1579 {offsets = [1], sizes = [1], strides = [1]} : vector<16xf32> to vector<1xf32>
      %squeeze3A_1601 = vector.extract %slice3A_1600[0] : f32 from vector<1xf32>
      %mul3A_1602 = vector.broadcast %squeeze3A_1601 : f32 to vector<16xf32>
      %mul3A_1603 = arith.mulf %get3A_1599, %mul3A_1602 : vector<16xf32>
      %swap3A_1604 = arith.constant 97 : i32
      %swap3A_1605 = arith.index_cast %swap3A_1604 : i32 to index
      %swap3A_1606 = arith.constant 0 : index
      %swap3A_1607 = tpu.vector_load %arg13[%swap3A_1605, %swap3A_1606] {strides = array<i32>} : memref<128x16xf32, #tpu.memory_space<vmem>>, vector<1x16xf32>,
      %swap3A_1608 = vector.shape_cast %swap3A_1607 : vector<1x16xf32> to vector<16xf32>
      %swap3A_1609 = vector.shape_cast %mul3A_1603 : vector<16xf32> to vector<1x16xf32>
      tpu.vector_store %arg13[%swap3A_1605, %swap3A_1606], %swap3A_1609 {strides = array<i32>} : memref<128x16xf32, #tpu.memory_space<vmem>>, vector<1x16xf32>,
      %get3A_1610 = arith.constant 98 : i32
      %get3A_1611 = arith.index_cast %get3A_1610 : i32 to index
      %get3A_1612 = arith.constant 0 : index
      %get3A_1613 = tpu.vector_load %arg11[%get3A_1611, %get3A_1612] {strides = array<i32>} : memref<128x16xf32, #tpu.memory_space<vmem>>, vector<1x16xf32>,
      %get3A_1614 = vector.shape_cast %get3A_1613 : vector<1x16xf32> to vector<16xf32>
      %slice3A_1615 = vector.extract_strided_slice %get3A_1579 {offsets = [2], sizes = [1], strides = [1]} : vector<16xf32> to vector<1xf32>
      %squeeze3A_1616 = vector.extract %slice3A_1615[0] : f32 from vector<1xf32>
      %mul3A_1617 = vector.broadcast %squeeze3A_1616 : f32 to vector<16xf32>
      %mul3A_1618 = arith.mulf %get3A_1614, %mul3A_1617 : vector<16xf32>
      %swap3A_1619 = arith.constant 98 : i32
      %swap3A_1620 = arith.index_cast %swap3A_1619 : i32 to index
      %swap3A_1621 = arith.constant 0 : index
      %swap3A_1622 = tpu.vector_load %arg13[%swap3A_1620, %swap3A_1621] {strides = array<i32>} : memref<128x16xf32, #tpu.memory_space<vmem>>, vector<1x16xf32>,
      %swap3A_1623 = vector.shape_cast %swap3A_1622 : vector<1x16xf32> to vector<16xf32>
      %swap3A_1624 = vector.shape_cast %mul3A_1618 : vector<16xf32> to vector<1x16xf32>
      tpu.vector_store %arg13[%swap3A_1620, %swap3A_1621], %swap3A_1624 {strides = array<i32>} : memref<128x16xf32, #tpu.memory_space<vmem>>, vector<1x16xf32>,
      %get3A_1625 = arith.constant 99 : i32
      %get3A_1626 = arith.index_cast %get3A_1625 : i32 to index
      %get3A_1627 = arith.constant 0 : index
      %get3A_1628 = tpu.vector_load %arg11[%get3A_1626, %get3A_1627] {strides = array<i32>} : memref<128x16xf32, #tpu.memory_space<vmem>>, vector<1x16xf32>,
      %get3A_1629 = vector.shape_cast %get3A_1628 : vector<1x16xf32> to vector<16xf32>
      %slice3A_1630 = vector.extract_strided_slice %get3A_1579 {offsets = [3], sizes = [1], strides = [1]} : vector<16xf32> to vector<1xf32>
      %squeeze3A_1631 = vector.extract %slice3A_1630[0] : f32 from vector<1xf32>
      %mul3A_1632 = vector.broadcast %squeeze3A_1631 : f32 to vector<16xf32>
      %mul3A_1633 = arith.mulf %get3A_1629, %mul3A_1632 : vector<16xf32>
      %swap3A_1634 = arith.constant 99 : i32
      %swap3A_1635 = arith.index_cast %swap3A_1634 : i32 to index
      %swap3A_1636 = arith.constant 0 : index
      %swap3A_1637 = tpu.vector_load %arg13[%swap3A_1635, %swap3A_1636] {strides = array<i32>} : memref<128x16xf32, #tpu.memory_space<vmem>>, vector<1x16xf32>,
      %swap3A_1638 = vector.shape_cast %swap3A_1637 : vector<1x16xf32> to vector<16xf32>
      %swap3A_1639 = vector.shape_cast %mul3A_1633 : vector<16xf32> to vector<1x16xf32>
      tpu.vector_store %arg13[%swap3A_1635, %swap3A_1636], %swap3A_1639 {strides = array<i32>} : memref<128x16xf32, #tpu.memory_space<vmem>>, vector<1x16xf32>,
      %get3A_1640 = arith.constant 100 : i32
      %get3A_1641 = arith.index_cast %get3A_1640 : i32 to index
      %get3A_1642 = arith.constant 0 : index
      %get3A_1643 = tpu.vector_load %arg11[%get3A_1641, %get3A_1642] {strides = array<i32>} : memref<128x16xf32, #tpu.memory_space<vmem>>, vector<1x16xf32>,
      %get3A_1644 = vector.shape_cast %get3A_1643 : vector<1x16xf32> to vector<16xf32>
      %slice3A_1645 = vector.extract_strided_slice %get3A_1579 {offsets = [4], sizes = [1], strides = [1]} : vector<16xf32> to vector<1xf32>
      %squeeze3A_1646 = vector.extract %slice3A_1645[0] : f32 from vector<1xf32>
      %mul3A_1647 = vector.broadcast %squeeze3A_1646 : f32 to vector<16xf32>
      %mul3A_1648 = arith.mulf %get3A_1644, %mul3A_1647 : vector<16xf32>
      %swap3A_1649 = arith.constant 100 : i32
      %swap3A_1650 = arith.index_cast %swap3A_1649 : i32 to index
      %swap3A_1651 = arith.constant 0 : index
      %swap3A_1652 = tpu.vector_load %arg13[%swap3A_1650, %swap3A_1651] {strides = array<i32>} : memref<128x16xf32, #tpu.memory_space<vmem>>, vector<1x16xf32>,
      %swap3A_1653 = vector.shape_cast %swap3A_1652 : vector<1x16xf32> to vector<16xf32>
      %swap3A_1654 = vector.shape_cast %mul3A_1648 : vector<16xf32> to vector<1x16xf32>
      tpu.vector_store %arg13[%swap3A_1650, %swap3A_1651], %swap3A_1654 {strides = array<i32>} : memref<128x16xf32, #tpu.memory_space<vmem>>, vector<1x16xf32>,
      %get3A_1655 = arith.constant 101 : i32
      %get3A_1656 = arith.index_cast %get3A_1655 : i32 to index
      %get3A_1657 = arith.constant 0 : index
      %get3A_1658 = tpu.vector_load %arg11[%get3A_1656, %get3A_1657] {strides = array<i32>} : memref<128x16xf32, #tpu.memory_space<vmem>>, vector<1x16xf32>,
      %get3A_1659 = vector.shape_cast %get3A_1658 : vector<1x16xf32> to vector<16xf32>
      %slice3A_1660 = vector.extract_strided_slice %get3A_1579 {offsets = [5], sizes = [1], strides = [1]} : vector<16xf32> to vector<1xf32>
      %squeeze3A_1661 = vector.extract %slice3A_1660[0] : f32 from vector<1xf32>
      %mul3A_1662 = vector.broadcast %squeeze3A_1661 : f32 to vector<16xf32>
      %mul3A_1663 = arith.mulf %get3A_1659, %mul3A_1662 : vector<16xf32>
      %swap3A_1664 = arith.constant 101 : i32
      %swap3A_1665 = arith.index_cast %swap3A_1664 : i32 to index
      %swap3A_1666 = arith.constant 0 : index
      %swap3A_1667 = tpu.vector_load %arg13[%swap3A_1665, %swap3A_1666] {strides = array<i32>} : memref<128x16xf32, #tpu.memory_space<vmem>>, vector<1x16xf32>,
      %swap3A_1668 = vector.shape_cast %swap3A_1667 : vector<1x16xf32> to vector<16xf32>
      %swap3A_1669 = vector.shape_cast %mul3A_1663 : vector<16xf32> to vector<1x16xf32>
      tpu.vector_store %arg13[%swap3A_1665, %swap3A_1666], %swap3A_1669 {strides = array<i32>} : memref<128x16xf32, #tpu.memory_space<vmem>>, vector<1x16xf32>,
      %get3A_1670 = arith.constant 102 : i32
      %get3A_1671 = arith.index_cast %get3A_1670 : i32 to index
      %get3A_1672 = arith.constant 0 : index
      %get3A_1673 = tpu.vector_load %arg11[%get3A_1671, %get3A_1672] {strides = array<i32>} : memref<128x16xf32, #tpu.memory_space<vmem>>, vector<1x16xf32>,
      %get3A_1674 = vector.shape_cast %get3A_1673 : vector<1x16xf32> to vector<16xf32>
      %slice3A_1675 = vector.extract_strided_slice %get3A_1579 {offsets = [6], sizes = [1], strides = [1]} : vector<16xf32> to vector<1xf32>
      %squeeze3A_1676 = vector.extract %slice3A_1675[0] : f32 from vector<1xf32>
      %mul3A_1677 = vector.broadcast %squeeze3A_1676 : f32 to vector<16xf32>
      %mul3A_1678 = arith.mulf %get3A_1674, %mul3A_1677 : vector<16xf32>
      %swap3A_1679 = arith.constant 102 : i32
      %swap3A_1680 = arith.index_cast %swap3A_1679 : i32 to index
      %swap3A_1681 = arith.constant 0 : index
      %swap3A_1682 = tpu.vector_load %arg13[%swap3A_1680, %swap3A_1681] {strides = array<i32>} : memref<128x16xf32, #tpu.memory_space<vmem>>, vector<1x16xf32>,
      %swap3A_1683 = vector.shape_cast %swap3A_1682 : vector<1x16xf32> to vector<16xf32>
      %swap3A_1684 = vector.shape_cast %mul3A_1678 : vector<16xf32> to vector<1x16xf32>
      tpu.vector_store %arg13[%swap3A_1680, %swap3A_1681], %swap3A_1684 {strides = array<i32>} : memref<128x16xf32, #tpu.memory_space<vmem>>, vector<1x16xf32>,
      %get3A_1685 = arith.constant 103 : i32
      %get3A_1686 = arith.index_cast %get3A_1685 : i32 to index
      %get3A_1687 = arith.constant 0 : index
      %get3A_1688 = tpu.vector_load %arg11[%get3A_1686, %get3A_1687] {strides = array<i32>} : memref<128x16xf32, #tpu.memory_space<vmem>>, vector<1x16xf32>,
      %get3A_1689 = vector.shape_cast %get3A_1688 : vector<1x16xf32> to vector<16xf32>
      %slice3A_1690 = vector.extract_strided_slice %get3A_1579 {offsets = [7], sizes = [1], strides = [1]} : vector<16xf32> to vector<1xf32>
      %squeeze3A_1691 = vector.extract %slice3A_1690[0] : f32 from vector<1xf32>
      %mul3A_1692 = vector.broadcast %squeeze3A_1691 : f32 to vector<16xf32>
      %mul3A_1693 = arith.mulf %get3A_1689, %mul3A_1692 : vector<16xf32>
      %swap3A_1694 = arith.constant 103 : i32
      %swap3A_1695 = arith.index_cast %swap3A_1694 : i32 to index
      %swap3A_1696 = arith.constant 0 : index
      %swap3A_1697 = tpu.vector_load %arg13[%swap3A_1695, %swap3A_1696] {strides = array<i32>} : memref<128x16xf32, #tpu.memory_space<vmem>>, vector<1x16xf32>,
      %swap3A_1698 = vector.shape_cast %swap3A_1697 : vector<1x16xf32> to vector<16xf32>
      %swap3A_1699 = vector.shape_cast %mul3A_1693 : vector<16xf32> to vector<1x16xf32>
      tpu.vector_store %arg13[%swap3A_1695, %swap3A_1696], %swap3A_1699 {strides = array<i32>} : memref<128x16xf32, #tpu.memory_space<vmem>>, vector<1x16xf32>,
      %get3A_1700 = arith.constant 104 : i32
      %get3A_1701 = arith.index_cast %get3A_1700 : i32 to index
      %get3A_1702 = arith.constant 0 : index
      %get3A_1703 = tpu.vector_load %arg11[%get3A_1701, %get3A_1702] {strides = array<i32>} : memref<128x16xf32, #tpu.memory_space<vmem>>, vector<1x16xf32>,
      %get3A_1704 = vector.shape_cast %get3A_1703 : vector<1x16xf32> to vector<16xf32>
      %slice3A_1705 = vector.extract_strided_slice %get3A_1579 {offsets = [8], sizes = [1], strides = [1]} : vector<16xf32> to vector<1xf32>
      %squeeze3A_1706 = vector.extract %slice3A_1705[0] : f32 from vector<1xf32>
      %mul3A_1707 = vector.broadcast %squeeze3A_1706 : f32 to vector<16xf32>
      %mul3A_1708 = arith.mulf %get3A_1704, %mul3A_1707 : vector<16xf32>
      %swap3A_1709 = arith.constant 104 : i32
      %swap3A_1710 = arith.index_cast %swap3A_1709 : i32 to index
      %swap3A_1711 = arith.constant 0 : index
      %swap3A_1712 = tpu.vector_load %arg13[%swap3A_1710, %swap3A_1711] {strides = array<i32>} : memref<128x16xf32, #tpu.memory_space<vmem>>, vector<1x16xf32>,
      %swap3A_1713 = vector.shape_cast %swap3A_1712 : vector<1x16xf32> to vector<16xf32>
      %swap3A_1714 = vector.shape_cast %mul3A_1708 : vector<16xf32> to vector<1x16xf32>
      tpu.vector_store %arg13[%swap3A_1710, %swap3A_1711], %swap3A_1714 {strides = array<i32>} : memref<128x16xf32, #tpu.memory_space<vmem>>, vector<1x16xf32>,
      %get3A_1715 = arith.constant 105 : i32
      %get3A_1716 = arith.index_cast %get3A_1715 : i32 to index
      %get3A_1717 = arith.constant 0 : index
      %get3A_1718 = tpu.vector_load %arg11[%get3A_1716, %get3A_1717] {strides = array<i32>} : memref<128x16xf32, #tpu.memory_space<vmem>>, vector<1x16xf32>,
      %get3A_1719 = vector.shape_cast %get3A_1718 : vector<1x16xf32> to vector<16xf32>
      %slice3A_1720 = vector.extract_strided_slice %get3A_1579 {offsets = [9], sizes = [1], strides = [1]} : vector<16xf32> to vector<1xf32>
      %squeeze3A_1721 = vector.extract %slice3A_1720[0] : f32 from vector<1xf32>
      %mul3A_1722 = vector.broadcast %squeeze3A_1721 : f32 to vector<16xf32>
      %mul3A_1723 = arith.mulf %get3A_1719, %mul3A_1722 : vector<16xf32>
      %swap3A_1724 = arith.constant 105 : i32
      %swap3A_1725 = arith.index_cast %swap3A_1724 : i32 to index
      %swap3A_1726 = arith.constant 0 : index
      %swap3A_1727 = tpu.vector_load %arg13[%swap3A_1725, %swap3A_1726] {strides = array<i32>} : memref<128x16xf32, #tpu.memory_space<vmem>>, vector<1x16xf32>,
      %swap3A_1728 = vector.shape_cast %swap3A_1727 : vector<1x16xf32> to vector<16xf32>
      %swap3A_1729 = vector.shape_cast %mul3A_1723 : vector<16xf32> to vector<1x16xf32>
      tpu.vector_store %arg13[%swap3A_1725, %swap3A_1726], %swap3A_1729 {strides = array<i32>} : memref<128x16xf32, #tpu.memory_space<vmem>>, vector<1x16xf32>,
      %get3A_1730 = arith.constant 106 : i32
      %get3A_1731 = arith.index_cast %get3A_1730 : i32 to index
      %get3A_1732 = arith.constant 0 : index
      %get3A_1733 = tpu.vector_load %arg11[%get3A_1731, %get3A_1732] {strides = array<i32>} : memref<128x16xf32, #tpu.memory_space<vmem>>, vector<1x16xf32>,
      %get3A_1734 = vector.shape_cast %get3A_1733 : vector<1x16xf32> to vector<16xf32>
      %slice3A_1735 = vector.extract_strided_slice %get3A_1579 {offsets = [10], sizes = [1], strides = [1]} : vector<16xf32> to vector<1xf32>
      %squeeze3A_1736 = vector.extract %slice3A_1735[0] : f32 from vector<1xf32>
      %mul3A_1737 = vector.broadcast %squeeze3A_1736 : f32 to vector<16xf32>
      %mul3A_1738 = arith.mulf %get3A_1734, %mul3A_1737 : vector<16xf32>
      %swap3A_1739 = arith.constant 106 : i32
      %swap3A_1740 = arith.index_cast %swap3A_1739 : i32 to index
      %swap3A_1741 = arith.constant 0 : index
      %swap3A_1742 = tpu.vector_load %arg13[%swap3A_1740, %swap3A_1741] {strides = array<i32>} : memref<128x16xf32, #tpu.memory_space<vmem>>, vector<1x16xf32>,
      %swap3A_1743 = vector.shape_cast %swap3A_1742 : vector<1x16xf32> to vector<16xf32>
      %swap3A_1744 = vector.shape_cast %mul3A_1738 : vector<16xf32> to vector<1x16xf32>
      tpu.vector_store %arg13[%swap3A_1740, %swap3A_1741], %swap3A_1744 {strides = array<i32>} : memref<128x16xf32, #tpu.memory_space<vmem>>, vector<1x16xf32>,
      %get3A_1745 = arith.constant 107 : i32
      %get3A_1746 = arith.index_cast %get3A_1745 : i32 to index
      %get3A_1747 = arith.constant 0 : index
      %get3A_1748 = tpu.vector_load %arg11[%get3A_1746, %get3A_1747] {strides = array<i32>} : memref<128x16xf32, #tpu.memory_space<vmem>>, vector<1x16xf32>,
      %get3A_1749 = vector.shape_cast %get3A_1748 : vector<1x16xf32> to vector<16xf32>
      %slice3A_1750 = vector.extract_strided_slice %get3A_1579 {offsets = [11], sizes = [1], strides = [1]} : vector<16xf32> to vector<1xf32>
      %squeeze3A_1751 = vector.extract %slice3A_1750[0] : f32 from vector<1xf32>
      %mul3A_1752 = vector.broadcast %squeeze3A_1751 : f32 to vector<16xf32>
      %mul3A_1753 = arith.mulf %get3A_1749, %mul3A_1752 : vector<16xf32>
      %swap3A_1754 = arith.constant 107 : i32
      %swap3A_1755 = arith.index_cast %swap3A_1754 : i32 to index
      %swap3A_1756 = arith.constant 0 : index
      %swap3A_1757 = tpu.vector_load %arg13[%swap3A_1755, %swap3A_1756] {strides = array<i32>} : memref<128x16xf32, #tpu.memory_space<vmem>>, vector<1x16xf32>,
      %swap3A_1758 = vector.shape_cast %swap3A_1757 : vector<1x16xf32> to vector<16xf32>
      %swap3A_1759 = vector.shape_cast %mul3A_1753 : vector<16xf32> to vector<1x16xf32>
      tpu.vector_store %arg13[%swap3A_1755, %swap3A_1756], %swap3A_1759 {strides = array<i32>} : memref<128x16xf32, #tpu.memory_space<vmem>>, vector<1x16xf32>,
      %get3A_1760 = arith.constant 108 : i32
      %get3A_1761 = arith.index_cast %get3A_1760 : i32 to index
      %get3A_1762 = arith.constant 0 : index
      %get3A_1763 = tpu.vector_load %arg11[%get3A_1761, %get3A_1762] {strides = array<i32>} : memref<128x16xf32, #tpu.memory_space<vmem>>, vector<1x16xf32>,
      %get3A_1764 = vector.shape_cast %get3A_1763 : vector<1x16xf32> to vector<16xf32>
      %slice3A_1765 = vector.extract_strided_slice %get3A_1579 {offsets = [12], sizes = [1], strides = [1]} : vector<16xf32> to vector<1xf32>
      %squeeze3A_1766 = vector.extract %slice3A_1765[0] : f32 from vector<1xf32>
      %mul3A_1767 = vector.broadcast %squeeze3A_1766 : f32 to vector<16xf32>
      %mul3A_1768 = arith.mulf %get3A_1764, %mul3A_1767 : vector<16xf32>
      %swap3A_1769 = arith.constant 108 : i32
      %swap3A_1770 = arith.index_cast %swap3A_1769 : i32 to index
      %swap3A_1771 = arith.constant 0 : index
      %swap3A_1772 = tpu.vector_load %arg13[%swap3A_1770, %swap3A_1771] {strides = array<i32>} : memref<128x16xf32, #tpu.memory_space<vmem>>, vector<1x16xf32>,
      %swap3A_1773 = vector.shape_cast %swap3A_1772 : vector<1x16xf32> to vector<16xf32>
      %swap3A_1774 = vector.shape_cast %mul3A_1768 : vector<16xf32> to vector<1x16xf32>
      tpu.vector_store %arg13[%swap3A_1770, %swap3A_1771], %swap3A_1774 {strides = array<i32>} : memref<128x16xf32, #tpu.memory_space<vmem>>, vector<1x16xf32>,
      %get3A_1775 = arith.constant 109 : i32
      %get3A_1776 = arith.index_cast %get3A_1775 : i32 to index
      %get3A_1777 = arith.constant 0 : index
      %get3A_1778 = tpu.vector_load %arg11[%get3A_1776, %get3A_1777] {strides = array<i32>} : memref<128x16xf32, #tpu.memory_space<vmem>>, vector<1x16xf32>,
      %get3A_1779 = vector.shape_cast %get3A_1778 : vector<1x16xf32> to vector<16xf32>
      %slice3A_1780 = vector.extract_strided_slice %get3A_1579 {offsets = [13], sizes = [1], strides = [1]} : vector<16xf32> to vector<1xf32>
      %squeeze3A_1781 = vector.extract %slice3A_1780[0] : f32 from vector<1xf32>
      %mul3A_1782 = vector.broadcast %squeeze3A_1781 : f32 to vector<16xf32>
      %mul3A_1783 = arith.mulf %get3A_1779, %mul3A_1782 : vector<16xf32>
      %swap3A_1784 = arith.constant 109 : i32
      %swap3A_1785 = arith.index_cast %swap3A_1784 : i32 to index
      %swap3A_1786 = arith.constant 0 : index
      %swap3A_1787 = tpu.vector_load %arg13[%swap3A_1785, %swap3A_1786] {strides = array<i32>} : memref<128x16xf32, #tpu.memory_space<vmem>>, vector<1x16xf32>,
      %swap3A_1788 = vector.shape_cast %swap3A_1787 : vector<1x16xf32> to vector<16xf32>
      %swap3A_1789 = vector.shape_cast %mul3A_1783 : vector<16xf32> to vector<1x16xf32>
      tpu.vector_store %arg13[%swap3A_1785, %swap3A_1786], %swap3A_1789 {strides = array<i32>} : memref<128x16xf32, #tpu.memory_space<vmem>>, vector<1x16xf32>,
      %get3A_1790 = arith.constant 110 : i32
      %get3A_1791 = arith.index_cast %get3A_1790 : i32 to index
      %get3A_1792 = arith.constant 0 : index
      %get3A_1793 = tpu.vector_load %arg11[%get3A_1791, %get3A_1792] {strides = array<i32>} : memref<128x16xf32, #tpu.memory_space<vmem>>, vector<1x16xf32>,
      %get3A_1794 = vector.shape_cast %get3A_1793 : vector<1x16xf32> to vector<16xf32>
      %slice3A_1795 = vector.extract_strided_slice %get3A_1579 {offsets = [14], sizes = [1], strides = [1]} : vector<16xf32> to vector<1xf32>
      %squeeze3A_1796 = vector.extract %slice3A_1795[0] : f32 from vector<1xf32>
      %mul3A_1797 = vector.broadcast %squeeze3A_1796 : f32 to vector<16xf32>
      %mul3A_1798 = arith.mulf %get3A_1794, %mul3A_1797 : vector<16xf32>
      %swap3A_1799 = arith.constant 110 : i32
      %swap3A_1800 = arith.index_cast %swap3A_1799 : i32 to index
      %swap3A_1801 = arith.constant 0 : index
      %swap3A_1802 = tpu.vector_load %arg13[%swap3A_1800, %swap3A_1801] {strides = array<i32>} : memref<128x16xf32, #tpu.memory_space<vmem>>, vector<1x16xf32>,
      %swap3A_1803 = vector.shape_cast %swap3A_1802 : vector<1x16xf32> to vector<16xf32>
      %swap3A_1804 = vector.shape_cast %mul3A_1798 : vector<16xf32> to vector<1x16xf32>
      tpu.vector_store %arg13[%swap3A_1800, %swap3A_1801], %swap3A_1804 {strides = array<i32>} : memref<128x16xf32, #tpu.memory_space<vmem>>, vector<1x16xf32>,
      %get3A_1805 = arith.constant 111 : i32
      %get3A_1806 = arith.index_cast %get3A_1805 : i32 to index
      %get3A_1807 = arith.constant 0 : index
      %get3A_1808 = tpu.vector_load %arg11[%get3A_1806, %get3A_1807] {strides = array<i32>} : memref<128x16xf32, #tpu.memory_space<vmem>>, vector<1x16xf32>,
      %get3A_1809 = vector.shape_cast %get3A_1808 : vector<1x16xf32> to vector<16xf32>
      %slice3A_1810 = vector.extract_strided_slice %get3A_1579 {offsets = [15], sizes = [1], strides = [1]} : vector<16xf32> to vector<1xf32>
      %squeeze3A_1811 = vector.extract %slice3A_1810[0] : f32 from vector<1xf32>
      %mul3A_1812 = vector.broadcast %squeeze3A_1811 : f32 to vector<16xf32>
      %mul3A_1813 = arith.mulf %get3A_1809, %mul3A_1812 : vector<16xf32>
      %swap3A_1814 = arith.constant 111 : i32
      %swap3A_1815 = arith.index_cast %swap3A_1814 : i32 to index
      %swap3A_1816 = arith.constant 0 : index
      %swap3A_1817 = tpu.vector_load %arg13[%swap3A_1815, %swap3A_1816] {strides = array<i32>} : memref<128x16xf32, #tpu.memory_space<vmem>>, vector<1x16xf32>,
      %swap3A_1818 = vector.shape_cast %swap3A_1817 : vector<1x16xf32> to vector<16xf32>
      %swap3A_1819 = vector.shape_cast %mul3A_1813 : vector<16xf32> to vector<1x16xf32>
      tpu.vector_store %arg13[%swap3A_1815, %swap3A_1816], %swap3A_1819 {strides = array<i32>} : memref<128x16xf32, #tpu.memory_space<vmem>>, vector<1x16xf32>,
      %get3A_1820 = arith.index_cast %mul3A_98 : i32 to index
      %get3A_1821 = arith.constant 112 : index
      %get3A_1822 = tpu.vector_load %arg10[%get3A_1820, %get3A_1821] {strides = array<i32>} : memref<66x128xf32, #tpu.memory_space<vmem>>, vector<1x16xf32>,
      %get3A_1823 = vector.shape_cast %get3A_1822 : vector<1x16xf32> to vector<16xf32>
      %get3A_1824 = arith.constant 112 : i32
      %get3A_1825 = arith.index_cast %get3A_1824 : i32 to index
      %get3A_1826 = arith.constant 0 : index
      %get3A_1827 = tpu.vector_load %arg11[%get3A_1825, %get3A_1826] {strides = array<i32>} : memref<128x16xf32, #tpu.memory_space<vmem>>, vector<1x16xf32>,
      %get3A_1828 = vector.shape_cast %get3A_1827 : vector<1x16xf32> to vector<16xf32>
      %slice3A_1829 = vector.extract_strided_slice %get3A_1823 {offsets = [0], sizes = [1], strides = [1]} : vector<16xf32> to vector<1xf32>
      %squeeze3A_1830 = vector.extract %slice3A_1829[0] : f32 from vector<1xf32>
      %mul3A_1831 = vector.broadcast %squeeze3A_1830 : f32 to vector<16xf32>
      %mul3A_1832 = arith.mulf %get3A_1828, %mul3A_1831 : vector<16xf32>
      %swap3A_1833 = arith.constant 112 : i32
      %swap3A_1834 = arith.index_cast %swap3A_1833 : i32 to index
      %swap3A_1835 = arith.constant 0 : index
      %swap3A_1836 = tpu.vector_load %arg13[%swap3A_1834, %swap3A_1835] {strides = array<i32>} : memref<128x16xf32, #tpu.memory_space<vmem>>, vector<1x16xf32>,
      %swap3A_1837 = vector.shape_cast %swap3A_1836 : vector<1x16xf32> to vector<16xf32>
      %swap3A_1838 = vector.shape_cast %mul3A_1832 : vector<16xf32> to vector<1x16xf32>
      tpu.vector_store %arg13[%swap3A_1834, %swap3A_1835], %swap3A_1838 {strides = array<i32>} : memref<128x16xf32, #tpu.memory_space<vmem>>, vector<1x16xf32>,
      %get3A_1839 = arith.constant 113 : i32
      %get3A_1840 = arith.index_cast %get3A_1839 : i32 to index
      %get3A_1841 = arith.constant 0 : index
      %get3A_1842 = tpu.vector_load %arg11[%get3A_1840, %get3A_1841] {strides = array<i32>} : memref<128x16xf32, #tpu.memory_space<vmem>>, vector<1x16xf32>,
      %get3A_1843 = vector.shape_cast %get3A_1842 : vector<1x16xf32> to vector<16xf32>
      %slice3A_1844 = vector.extract_strided_slice %get3A_1823 {offsets = [1], sizes = [1], strides = [1]} : vector<16xf32> to vector<1xf32>
      %squeeze3A_1845 = vector.extract %slice3A_1844[0] : f32 from vector<1xf32>
      %mul3A_1846 = vector.broadcast %squeeze3A_1845 : f32 to vector<16xf32>
      %mul3A_1847 = arith.mulf %get3A_1843, %mul3A_1846 : vector<16xf32>
      %swap3A_1848 = arith.constant 113 : i32
      %swap3A_1849 = arith.index_cast %swap3A_1848 : i32 to index
      %swap3A_1850 = arith.constant 0 : index
      %swap3A_1851 = tpu.vector_load %arg13[%swap3A_1849, %swap3A_1850] {strides = array<i32>} : memref<128x16xf32, #tpu.memory_space<vmem>>, vector<1x16xf32>,
      %swap3A_1852 = vector.shape_cast %swap3A_1851 : vector<1x16xf32> to vector<16xf32>
      %swap3A_1853 = vector.shape_cast %mul3A_1847 : vector<16xf32> to vector<1x16xf32>
      tpu.vector_store %arg13[%swap3A_1849, %swap3A_1850], %swap3A_1853 {strides = array<i32>} : memref<128x16xf32, #tpu.memory_space<vmem>>, vector<1x16xf32>,
      %get3A_1854 = arith.constant 114 : i32
      %get3A_1855 = arith.index_cast %get3A_1854 : i32 to index
      %get3A_1856 = arith.constant 0 : index
      %get3A_1857 = tpu.vector_load %arg11[%get3A_1855, %get3A_1856] {strides = array<i32>} : memref<128x16xf32, #tpu.memory_space<vmem>>, vector<1x16xf32>,
      %get3A_1858 = vector.shape_cast %get3A_1857 : vector<1x16xf32> to vector<16xf32>
      %slice3A_1859 = vector.extract_strided_slice %get3A_1823 {offsets = [2], sizes = [1], strides = [1]} : vector<16xf32> to vector<1xf32>
      %squeeze3A_1860 = vector.extract %slice3A_1859[0] : f32 from vector<1xf32>
      %mul3A_1861 = vector.broadcast %squeeze3A_1860 : f32 to vector<16xf32>
      %mul3A_1862 = arith.mulf %get3A_1858, %mul3A_1861 : vector<16xf32>
      %swap3A_1863 = arith.constant 114 : i32
      %swap3A_1864 = arith.index_cast %swap3A_1863 : i32 to index
      %swap3A_1865 = arith.constant 0 : index
      %swap3A_1866 = tpu.vector_load %arg13[%swap3A_1864, %swap3A_1865] {strides = array<i32>} : memref<128x16xf32, #tpu.memory_space<vmem>>, vector<1x16xf32>,
      %swap3A_1867 = vector.shape_cast %swap3A_1866 : vector<1x16xf32> to vector<16xf32>
      %swap3A_1868 = vector.shape_cast %mul3A_1862 : vector<16xf32> to vector<1x16xf32>
      tpu.vector_store %arg13[%swap3A_1864, %swap3A_1865], %swap3A_1868 {strides = array<i32>} : memref<128x16xf32, #tpu.memory_space<vmem>>, vector<1x16xf32>,
      %get3A_1869 = arith.constant 115 : i32
      %get3A_1870 = arith.index_cast %get3A_1869 : i32 to index
      %get3A_1871 = arith.constant 0 : index
      %get3A_1872 = tpu.vector_load %arg11[%get3A_1870, %get3A_1871] {strides = array<i32>} : memref<128x16xf32, #tpu.memory_space<vmem>>, vector<1x16xf32>,
      %get3A_1873 = vector.shape_cast %get3A_1872 : vector<1x16xf32> to vector<16xf32>
      %slice3A_1874 = vector.extract_strided_slice %get3A_1823 {offsets = [3], sizes = [1], strides = [1]} : vector<16xf32> to vector<1xf32>
      %squeeze3A_1875 = vector.extract %slice3A_1874[0] : f32 from vector<1xf32>
      %mul3A_1876 = vector.broadcast %squeeze3A_1875 : f32 to vector<16xf32>
      %mul3A_1877 = arith.mulf %get3A_1873, %mul3A_1876 : vector<16xf32>
      %swap3A_1878 = arith.constant 115 : i32
      %swap3A_1879 = arith.index_cast %swap3A_1878 : i32 to index
      %swap3A_1880 = arith.constant 0 : index
      %swap3A_1881 = tpu.vector_load %arg13[%swap3A_1879, %swap3A_1880] {strides = array<i32>} : memref<128x16xf32, #tpu.memory_space<vmem>>, vector<1x16xf32>,
      %swap3A_1882 = vector.shape_cast %swap3A_1881 : vector<1x16xf32> to vector<16xf32>
      %swap3A_1883 = vector.shape_cast %mul3A_1877 : vector<16xf32> to vector<1x16xf32>
      tpu.vector_store %arg13[%swap3A_1879, %swap3A_1880], %swap3A_1883 {strides = array<i32>} : memref<128x16xf32, #tpu.memory_space<vmem>>, vector<1x16xf32>,
      %get3A_1884 = arith.constant 116 : i32
      %get3A_1885 = arith.index_cast %get3A_1884 : i32 to index
      %get3A_1886 = arith.constant 0 : index
      %get3A_1887 = tpu.vector_load %arg11[%get3A_1885, %get3A_1886] {strides = array<i32>} : memref<128x16xf32, #tpu.memory_space<vmem>>, vector<1x16xf32>,
      %get3A_1888 = vector.shape_cast %get3A_1887 : vector<1x16xf32> to vector<16xf32>
      %slice3A_1889 = vector.extract_strided_slice %get3A_1823 {offsets = [4], sizes = [1], strides = [1]} : vector<16xf32> to vector<1xf32>
      %squeeze3A_1890 = vector.extract %slice3A_1889[0] : f32 from vector<1xf32>
      %mul3A_1891 = vector.broadcast %squeeze3A_1890 : f32 to vector<16xf32>
      %mul3A_1892 = arith.mulf %get3A_1888, %mul3A_1891 : vector<16xf32>
      %swap3A_1893 = arith.constant 116 : i32
      %swap3A_1894 = arith.index_cast %swap3A_1893 : i32 to index
      %swap3A_1895 = arith.constant 0 : index
      %swap3A_1896 = tpu.vector_load %arg13[%swap3A_1894, %swap3A_1895] {strides = array<i32>} : memref<128x16xf32, #tpu.memory_space<vmem>>, vector<1x16xf32>,
      %swap3A_1897 = vector.shape_cast %swap3A_1896 : vector<1x16xf32> to vector<16xf32>
      %swap3A_1898 = vector.shape_cast %mul3A_1892 : vector<16xf32> to vector<1x16xf32>
      tpu.vector_store %arg13[%swap3A_1894, %swap3A_1895], %swap3A_1898 {strides = array<i32>} : memref<128x16xf32, #tpu.memory_space<vmem>>, vector<1x16xf32>,
      %get3A_1899 = arith.constant 117 : i32
      %get3A_1900 = arith.index_cast %get3A_1899 : i32 to index
      %get3A_1901 = arith.constant 0 : index
      %get3A_1902 = tpu.vector_load %arg11[%get3A_1900, %get3A_1901] {strides = array<i32>} : memref<128x16xf32, #tpu.memory_space<vmem>>, vector<1x16xf32>,
      %get3A_1903 = vector.shape_cast %get3A_1902 : vector<1x16xf32> to vector<16xf32>
      %slice3A_1904 = vector.extract_strided_slice %get3A_1823 {offsets = [5], sizes = [1], strides = [1]} : vector<16xf32> to vector<1xf32>
      %squeeze3A_1905 = vector.extract %slice3A_1904[0] : f32 from vector<1xf32>
      %mul3A_1906 = vector.broadcast %squeeze3A_1905 : f32 to vector<16xf32>
      %mul3A_1907 = arith.mulf %get3A_1903, %mul3A_1906 : vector<16xf32>
      %swap3A_1908 = arith.constant 117 : i32
      %swap3A_1909 = arith.index_cast %swap3A_1908 : i32 to index
      %swap3A_1910 = arith.constant 0 : index
      %swap3A_1911 = tpu.vector_load %arg13[%swap3A_1909, %swap3A_1910] {strides = array<i32>} : memref<128x16xf32, #tpu.memory_space<vmem>>, vector<1x16xf32>,
      %swap3A_1912 = vector.shape_cast %swap3A_1911 : vector<1x16xf32> to vector<16xf32>
      %swap3A_1913 = vector.shape_cast %mul3A_1907 : vector<16xf32> to vector<1x16xf32>
      tpu.vector_store %arg13[%swap3A_1909, %swap3A_1910], %swap3A_1913 {strides = array<i32>} : memref<128x16xf32, #tpu.memory_space<vmem>>, vector<1x16xf32>,
      %get3A_1914 = arith.constant 118 : i32
      %get3A_1915 = arith.index_cast %get3A_1914 : i32 to index
      %get3A_1916 = arith.constant 0 : index
      %get3A_1917 = tpu.vector_load %arg11[%get3A_1915, %get3A_1916] {strides = array<i32>} : memref<128x16xf32, #tpu.memory_space<vmem>>, vector<1x16xf32>,
      %get3A_1918 = vector.shape_cast %get3A_1917 : vector<1x16xf32> to vector<16xf32>
      %slice3A_1919 = vector.extract_strided_slice %get3A_1823 {offsets = [6], sizes = [1], strides = [1]} : vector<16xf32> to vector<1xf32>
      %squeeze3A_1920 = vector.extract %slice3A_1919[0] : f32 from vector<1xf32>
      %mul3A_1921 = vector.broadcast %squeeze3A_1920 : f32 to vector<16xf32>
      %mul3A_1922 = arith.mulf %get3A_1918, %mul3A_1921 : vector<16xf32>
      %swap3A_1923 = arith.constant 118 : i32
      %swap3A_1924 = arith.index_cast %swap3A_1923 : i32 to index
      %swap3A_1925 = arith.constant 0 : index
      %swap3A_1926 = tpu.vector_load %arg13[%swap3A_1924, %swap3A_1925] {strides = array<i32>} : memref<128x16xf32, #tpu.memory_space<vmem>>, vector<1x16xf32>,
      %swap3A_1927 = vector.shape_cast %swap3A_1926 : vector<1x16xf32> to vector<16xf32>
      %swap3A_1928 = vector.shape_cast %mul3A_1922 : vector<16xf32> to vector<1x16xf32>
      tpu.vector_store %arg13[%swap3A_1924, %swap3A_1925], %swap3A_1928 {strides = array<i32>} : memref<128x16xf32, #tpu.memory_space<vmem>>, vector<1x16xf32>,
      %get3A_1929 = arith.constant 119 : i32
      %get3A_1930 = arith.index_cast %get3A_1929 : i32 to index
      %get3A_1931 = arith.constant 0 : index
      %get3A_1932 = tpu.vector_load %arg11[%get3A_1930, %get3A_1931] {strides = array<i32>} : memref<128x16xf32, #tpu.memory_space<vmem>>, vector<1x16xf32>,
      %get3A_1933 = vector.shape_cast %get3A_1932 : vector<1x16xf32> to vector<16xf32>
      %slice3A_1934 = vector.extract_strided_slice %get3A_1823 {offsets = [7], sizes = [1], strides = [1]} : vector<16xf32> to vector<1xf32>
      %squeeze3A_1935 = vector.extract %slice3A_1934[0] : f32 from vector<1xf32>
      %mul3A_1936 = vector.broadcast %squeeze3A_1935 : f32 to vector<16xf32>
      %mul3A_1937 = arith.mulf %get3A_1933, %mul3A_1936 : vector<16xf32>
      %swap3A_1938 = arith.constant 119 : i32
      %swap3A_1939 = arith.index_cast %swap3A_1938 : i32 to index
      %swap3A_1940 = arith.constant 0 : index
      %swap3A_1941 = tpu.vector_load %arg13[%swap3A_1939, %swap3A_1940] {strides = array<i32>} : memref<128x16xf32, #tpu.memory_space<vmem>>, vector<1x16xf32>,
      %swap3A_1942 = vector.shape_cast %swap3A_1941 : vector<1x16xf32> to vector<16xf32>
      %swap3A_1943 = vector.shape_cast %mul3A_1937 : vector<16xf32> to vector<1x16xf32>
      tpu.vector_store %arg13[%swap3A_1939, %swap3A_1940], %swap3A_1943 {strides = array<i32>} : memref<128x16xf32, #tpu.memory_space<vmem>>, vector<1x16xf32>,
      %get3A_1944 = arith.constant 120 : i32
      %get3A_1945 = arith.index_cast %get3A_1944 : i32 to index
      %get3A_1946 = arith.constant 0 : index
      %get3A_1947 = tpu.vector_load %arg11[%get3A_1945, %get3A_1946] {strides = array<i32>} : memref<128x16xf32, #tpu.memory_space<vmem>>, vector<1x16xf32>,
      %get3A_1948 = vector.shape_cast %get3A_1947 : vector<1x16xf32> to vector<16xf32>
      %slice3A_1949 = vector.extract_strided_slice %get3A_1823 {offsets = [8], sizes = [1], strides = [1]} : vector<16xf32> to vector<1xf32>
      %squeeze3A_1950 = vector.extract %slice3A_1949[0] : f32 from vector<1xf32>
      %mul3A_1951 = vector.broadcast %squeeze3A_1950 : f32 to vector<16xf32>
      %mul3A_1952 = arith.mulf %get3A_1948, %mul3A_1951 : vector<16xf32>
      %swap3A_1953 = arith.constant 120 : i32
      %swap3A_1954 = arith.index_cast %swap3A_1953 : i32 to index
      %swap3A_1955 = arith.constant 0 : index
      %swap3A_1956 = tpu.vector_load %arg13[%swap3A_1954, %swap3A_1955] {strides = array<i32>} : memref<128x16xf32, #tpu.memory_space<vmem>>, vector<1x16xf32>,
      %swap3A_1957 = vector.shape_cast %swap3A_1956 : vector<1x16xf32> to vector<16xf32>
      %swap3A_1958 = vector.shape_cast %mul3A_1952 : vector<16xf32> to vector<1x16xf32>
      tpu.vector_store %arg13[%swap3A_1954, %swap3A_1955], %swap3A_1958 {strides = array<i32>} : memref<128x16xf32, #tpu.memory_space<vmem>>, vector<1x16xf32>,
      %get3A_1959 = arith.constant 121 : i32
      %get3A_1960 = arith.index_cast %get3A_1959 : i32 to index
      %get3A_1961 = arith.constant 0 : index
      %get3A_1962 = tpu.vector_load %arg11[%get3A_1960, %get3A_1961] {strides = array<i32>} : memref<128x16xf32, #tpu.memory_space<vmem>>, vector<1x16xf32>,
      %get3A_1963 = vector.shape_cast %get3A_1962 : vector<1x16xf32> to vector<16xf32>
      %slice3A_1964 = vector.extract_strided_slice %get3A_1823 {offsets = [9], sizes = [1], strides = [1]} : vector<16xf32> to vector<1xf32>
      %squeeze3A_1965 = vector.extract %slice3A_1964[0] : f32 from vector<1xf32>
      %mul3A_1966 = vector.broadcast %squeeze3A_1965 : f32 to vector<16xf32>
      %mul3A_1967 = arith.mulf %get3A_1963, %mul3A_1966 : vector<16xf32>
      %swap3A_1968 = arith.constant 121 : i32
      %swap3A_1969 = arith.index_cast %swap3A_1968 : i32 to index
      %swap3A_1970 = arith.constant 0 : index
      %swap3A_1971 = tpu.vector_load %arg13[%swap3A_1969, %swap3A_1970] {strides = array<i32>} : memref<128x16xf32, #tpu.memory_space<vmem>>, vector<1x16xf32>,
      %swap3A_1972 = vector.shape_cast %swap3A_1971 : vector<1x16xf32> to vector<16xf32>
      %swap3A_1973 = vector.shape_cast %mul3A_1967 : vector<16xf32> to vector<1x16xf32>
      tpu.vector_store %arg13[%swap3A_1969, %swap3A_1970], %swap3A_1973 {strides = array<i32>} : memref<128x16xf32, #tpu.memory_space<vmem>>, vector<1x16xf32>,
      %get3A_1974 = arith.constant 122 : i32
      %get3A_1975 = arith.index_cast %get3A_1974 : i32 to index
      %get3A_1976 = arith.constant 0 : index
      %get3A_1977 = tpu.vector_load %arg11[%get3A_1975, %get3A_1976] {strides = array<i32>} : memref<128x16xf32, #tpu.memory_space<vmem>>, vector<1x16xf32>,
      %get3A_1978 = vector.shape_cast %get3A_1977 : vector<1x16xf32> to vector<16xf32>
      %slice3A_1979 = vector.extract_strided_slice %get3A_1823 {offsets = [10], sizes = [1], strides = [1]} : vector<16xf32> to vector<1xf32>
      %squeeze3A_1980 = vector.extract %slice3A_1979[0] : f32 from vector<1xf32>
      %mul3A_1981 = vector.broadcast %squeeze3A_1980 : f32 to vector<16xf32>
      %mul3A_1982 = arith.mulf %get3A_1978, %mul3A_1981 : vector<16xf32>
      %swap3A_1983 = arith.constant 122 : i32
      %swap3A_1984 = arith.index_cast %swap3A_1983 : i32 to index
      %swap3A_1985 = arith.constant 0 : index
      %swap3A_1986 = tpu.vector_load %arg13[%swap3A_1984, %swap3A_1985] {strides = array<i32>} : memref<128x16xf32, #tpu.memory_space<vmem>>, vector<1x16xf32>,
      %swap3A_1987 = vector.shape_cast %swap3A_1986 : vector<1x16xf32> to vector<16xf32>
      %swap3A_1988 = vector.shape_cast %mul3A_1982 : vector<16xf32> to vector<1x16xf32>
      tpu.vector_store %arg13[%swap3A_1984, %swap3A_1985], %swap3A_1988 {strides = array<i32>} : memref<128x16xf32, #tpu.memory_space<vmem>>, vector<1x16xf32>,
      %get3A_1989 = arith.constant 123 : i32
      %get3A_1990 = arith.index_cast %get3A_1989 : i32 to index
      %get3A_1991 = arith.constant 0 : index
      %get3A_1992 = tpu.vector_load %arg11[%get3A_1990, %get3A_1991] {strides = array<i32>} : memref<128x16xf32, #tpu.memory_space<vmem>>, vector<1x16xf32>,
      %get3A_1993 = vector.shape_cast %get3A_1992 : vector<1x16xf32> to vector<16xf32>
      %slice3A_1994 = vector.extract_strided_slice %get3A_1823 {offsets = [11], sizes = [1], strides = [1]} : vector<16xf32> to vector<1xf32>
      %squeeze3A_1995 = vector.extract %slice3A_1994[0] : f32 from vector<1xf32>
      %mul3A_1996 = vector.broadcast %squeeze3A_1995 : f32 to vector<16xf32>
      %mul3A_1997 = arith.mulf %get3A_1993, %mul3A_1996 : vector<16xf32>
      %swap3A_1998 = arith.constant 123 : i32
      %swap3A_1999 = arith.index_cast %swap3A_1998 : i32 to index
      %swap3A_2000 = arith.constant 0 : index
      %swap3A_2001 = tpu.vector_load %arg13[%swap3A_1999, %swap3A_2000] {strides = array<i32>} : memref<128x16xf32, #tpu.memory_space<vmem>>, vector<1x16xf32>,
      %swap3A_2002 = vector.shape_cast %swap3A_2001 : vector<1x16xf32> to vector<16xf32>
      %swap3A_2003 = vector.shape_cast %mul3A_1997 : vector<16xf32> to vector<1x16xf32>
      tpu.vector_store %arg13[%swap3A_1999, %swap3A_2000], %swap3A_2003 {strides = array<i32>} : memref<128x16xf32, #tpu.memory_space<vmem>>, vector<1x16xf32>,
      %get3A_2004 = arith.constant 124 : i32
      %get3A_2005 = arith.index_cast %get3A_2004 : i32 to index
      %get3A_2006 = arith.constant 0 : index
      %get3A_2007 = tpu.vector_load %arg11[%get3A_2005, %get3A_2006] {strides = array<i32>} : memref<128x16xf32, #tpu.memory_space<vmem>>, vector<1x16xf32>,
      %get3A_2008 = vector.shape_cast %get3A_2007 : vector<1x16xf32> to vector<16xf32>
      %slice3A_2009 = vector.extract_strided_slice %get3A_1823 {offsets = [12], sizes = [1], strides = [1]} : vector<16xf32> to vector<1xf32>
      %squeeze3A_2010 = vector.extract %slice3A_2009[0] : f32 from vector<1xf32>
      %mul3A_2011 = vector.broadcast %squeeze3A_2010 : f32 to vector<16xf32>
      %mul3A_2012 = arith.mulf %get3A_2008, %mul3A_2011 : vector<16xf32>
      %swap3A_2013 = arith.constant 124 : i32
      %swap3A_2014 = arith.index_cast %swap3A_2013 : i32 to index
      %swap3A_2015 = arith.constant 0 : index
      %swap3A_2016 = tpu.vector_load %arg13[%swap3A_2014, %swap3A_2015] {strides = array<i32>} : memref<128x16xf32, #tpu.memory_space<vmem>>, vector<1x16xf32>,
      %swap3A_2017 = vector.shape_cast %swap3A_2016 : vector<1x16xf32> to vector<16xf32>
      %swap3A_2018 = vector.shape_cast %mul3A_2012 : vector<16xf32> to vector<1x16xf32>
      tpu.vector_store %arg13[%swap3A_2014, %swap3A_2015], %swap3A_2018 {strides = array<i32>} : memref<128x16xf32, #tpu.memory_space<vmem>>, vector<1x16xf32>,
      %get3A_2019 = arith.constant 125 : i32
      %get3A_2020 = arith.index_cast %get3A_2019 : i32 to index
      %get3A_2021 = arith.constant 0 : index
      %get3A_2022 = tpu.vector_load %arg11[%get3A_2020, %get3A_2021] {strides = array<i32>} : memref<128x16xf32, #tpu.memory_space<vmem>>, vector<1x16xf32>,
      %get3A_2023 = vector.shape_cast %get3A_2022 : vector<1x16xf32> to vector<16xf32>
      %slice3A_2024 = vector.extract_strided_slice %get3A_1823 {offsets = [13], sizes = [1], strides = [1]} : vector<16xf32> to vector<1xf32>
      %squeeze3A_2025 = vector.extract %slice3A_2024[0] : f32 from vector<1xf32>
      %mul3A_2026 = vector.broadcast %squeeze3A_2025 : f32 to vector<16xf32>
      %mul3A_2027 = arith.mulf %get3A_2023, %mul3A_2026 : vector<16xf32>
      %swap3A_2028 = arith.constant 125 : i32
      %swap3A_2029 = arith.index_cast %swap3A_2028 : i32 to index
      %swap3A_2030 = arith.constant 0 : index
      %swap3A_2031 = tpu.vector_load %arg13[%swap3A_2029, %swap3A_2030] {strides = array<i32>} : memref<128x16xf32, #tpu.memory_space<vmem>>, vector<1x16xf32>,
      %swap3A_2032 = vector.shape_cast %swap3A_2031 : vector<1x16xf32> to vector<16xf32>
      %swap3A_2033 = vector.shape_cast %mul3A_2027 : vector<16xf32> to vector<1x16xf32>
      tpu.vector_store %arg13[%swap3A_2029, %swap3A_2030], %swap3A_2033 {strides = array<i32>} : memref<128x16xf32, #tpu.memory_space<vmem>>, vector<1x16xf32>,
      %get3A_2034 = arith.constant 126 : i32
      %get3A_2035 = arith.index_cast %get3A_2034 : i32 to index
      %get3A_2036 = arith.constant 0 : index
      %get3A_2037 = tpu.vector_load %arg11[%get3A_2035, %get3A_2036] {strides = array<i32>} : memref<128x16xf32, #tpu.memory_space<vmem>>, vector<1x16xf32>,
      %get3A_2038 = vector.shape_cast %get3A_2037 : vector<1x16xf32> to vector<16xf32>
      %slice3A_2039 = vector.extract_strided_slice %get3A_1823 {offsets = [14], sizes = [1], strides = [1]} : vector<16xf32> to vector<1xf32>
      %squeeze3A_2040 = vector.extract %slice3A_2039[0] : f32 from vector<1xf32>
      %mul3A_2041 = vector.broadcast %squeeze3A_2040 : f32 to vector<16xf32>
      %mul3A_2042 = arith.mulf %get3A_2038, %mul3A_2041 : vector<16xf32>
      %swap3A_2043 = arith.constant 126 : i32
      %swap3A_2044 = arith.index_cast %swap3A_2043 : i32 to index
      %swap3A_2045 = arith.constant 0 : index
      %swap3A_2046 = tpu.vector_load %arg13[%swap3A_2044, %swap3A_2045] {strides = array<i32>} : memref<128x16xf32, #tpu.memory_space<vmem>>, vector<1x16xf32>,
      %swap3A_2047 = vector.shape_cast %swap3A_2046 : vector<1x16xf32> to vector<16xf32>
      %swap3A_2048 = vector.shape_cast %mul3A_2042 : vector<16xf32> to vector<1x16xf32>
      tpu.vector_store %arg13[%swap3A_2044, %swap3A_2045], %swap3A_2048 {strides = array<i32>} : memref<128x16xf32, #tpu.memory_space<vmem>>, vector<1x16xf32>,
      %get3A_2049 = arith.constant 127 : i32
      %get3A_2050 = arith.index_cast %get3A_2049 : i32 to index
      %get3A_2051 = arith.constant 0 : index
      %get3A_2052 = tpu.vector_load %arg11[%get3A_2050, %get3A_2051] {strides = array<i32>} : memref<128x16xf32, #tpu.memory_space<vmem>>, vector<1x16xf32>,
      %get3A_2053 = vector.shape_cast %get3A_2052 : vector<1x16xf32> to vector<16xf32>
      %slice3A_2054 = vector.extract_strided_slice %get3A_1823 {offsets = [15], sizes = [1], strides = [1]} : vector<16xf32> to vector<1xf32>
      %squeeze3A_2055 = vector.extract %slice3A_2054[0] : f32 from vector<1xf32>
      %mul3A_2056 = vector.broadcast %squeeze3A_2055 : f32 to vector<16xf32>
      %mul3A_2057 = arith.mulf %get3A_2053, %mul3A_2056 : vector<16xf32>
      %swap3A_2058 = arith.constant 127 : i32
      %swap3A_2059 = arith.index_cast %swap3A_2058 : i32 to index
      %swap3A_2060 = arith.constant 0 : index
      %swap3A_2061 = tpu.vector_load %arg13[%swap3A_2059, %swap3A_2060] {strides = array<i32>} : memref<128x16xf32, #tpu.memory_space<vmem>>, vector<1x16xf32>,
      %swap3A_2062 = vector.shape_cast %swap3A_2061 : vector<1x16xf32> to vector<16xf32>
      %swap3A_2063 = vector.shape_cast %mul3A_2057 : vector<16xf32> to vector<1x16xf32>
      tpu.vector_store %arg13[%swap3A_2059, %swap3A_2060], %swap3A_2063 {strides = array<i32>} : memref<128x16xf32, #tpu.memory_space<vmem>>, vector<1x16xf32>,
      %dma_start3A_2064 = arith.constant 0 : i32
      %dma_start3A_2065 = tpu.memref_slice %arg9[%mul3A_98, %dma_start3A_2064] : memref<66x128xi32, #tpu.memory_space<vmem>> -> memref<1x128xi32, #tpu.memory_space<vmem>>
      %dma_start3A_2066 = tpu.memref_squeeze %dma_start3A_2065 : memref<1x128xi32, #tpu.memory_space<vmem>> -> memref<128xi32, #tpu.memory_space<vmem>>
      %dma_start3A_2067 = arith.constant 0 : i32
      %dma_start3A_2068 = arith.constant 0 : i32
      %dma_start3A_2069 = tpu.memref_slice %arg15[%dma_start3A_2067, %dma_start3A_2068] : memref<16384x16xf32, #tpu.memory_space<vmem_shared>> -> memref<16384x16xf32, #tpu.memory_space<vmem_shared>>
      tpu.enqueue_indirect_dma source(%arg13 : memref<128x16xf32, #tpu.memory_space<vmem>>) target(%dma_start3A_2069 : memref<16384x16xf32, #tpu.memory_space<vmem_shared>>) offsets(%dma_start3A_2066 : memref<128xi32, #tpu.memory_space<vmem>>) semaphore(%arg19 : memref<!tpu.dma_semaphore, #tpu.memory_space<semaphore_mem>>) {add = true}
      %add3A_2070 = arith.constant 1 : i32
      %add3A_2071 = arith.addi %scan3A_96, %add3A_2070 : i32
      %lt3A = arith.constant 33 : i32
      %lt3A_2072 = arith.cmpi slt, %add3A_2071, %lt3A : i32
      %convert_element_type3A_2073 = arith.extui %lt3A_2072 : i1 to i32
      %cond3A_2074 = arith.constant 0 : i32
      %cond3A_2075 = arith.cmpi ne, %convert_element_type3A_2073, %cond3A_2074 : i32
      scf.if %cond3A_2075 {
        %add3A_4046 = arith.constant 2 : i32
        %add3A_4047 = arith.addi %mul3A_98, %add3A_4046 : i32
        %dma_start3A_4048 = arith.constant 0 : i32
        %dma_start3A_4049 = tpu.memref_slice %arg8[%add3A_4047, %dma_start3A_4048] : memref<66x128xi32, #tpu.memory_space<vmem>> -> memref<1x128xi32, #tpu.memory_space<vmem>>
        %dma_start3A_4050 = tpu.memref_squeeze %dma_start3A_4049 : memref<1x128xi32, #tpu.memory_space<vmem>> -> memref<128xi32, #tpu.memory_space<vmem>>
        %dma_start3A_4051 = arith.constant 0 : i32
        %dma_start3A_4052 = arith.constant 0 : i32
        %dma_start3A_4053 = tpu.memref_slice %arg2[%dma_start3A_4051, %dma_start3A_4052] : memref<16384x16xf32, #tpu.memory_space<hbm>> -> memref<16384x16xf32, #tpu.memory_space<hbm>>
        tpu.enqueue_indirect_dma source(%dma_start3A_4053 : memref<16384x16xf32, #tpu.memory_space<hbm>>) target(%arg11 : memref<128x16xf32, #tpu.memory_space<vmem>>) offsets(%dma_start3A_4050 : memref<128xi32, #tpu.memory_space<vmem>>) semaphore(%arg17 : memref<!tpu.dma_semaphore, #tpu.memory_space<semaphore_mem>>)
      } else {
      }
      %dma_wait3A_2076 = arith.constant 0 : i32
      %dma_wait3A_2077 = arith.constant 0 : i32
      %dma_wait3A_2078 = tpu.memref_slice %arg8[%dma_wait3A_2076, %dma_wait3A_2077] : memref<66x128xi32, #tpu.memory_space<vmem>> -> memref<1x128xi32, #tpu.memory_space<vmem>>
      %dma_wait3A_2079 = tpu.memref_squeeze %dma_wait3A_2078 : memref<1x128xi32, #tpu.memory_space<vmem>> -> memref<128xi32, #tpu.memory_space<vmem>>
      %dma_wait3A_2080 = arith.constant 0 : i32
      %dma_wait3A_2081 = arith.constant 0 : i32
      %dma_wait3A_2082 = tpu.memref_slice %arg2[%dma_wait3A_2080, %dma_wait3A_2081] : memref<16384x16xf32, #tpu.memory_space<hbm>> -> memref<16384x16xf32, #tpu.memory_space<hbm>>
      tpu.wait_indirect_dma semaphore(%arg18 : memref<!tpu.dma_semaphore, #tpu.memory_space<semaphore_mem>>) src(%dma_wait3A_2082 : memref<16384x16xf32, #tpu.memory_space<hbm>>) dst(%arg12 : memref<128x16xf32, #tpu.memory_space<vmem>>)
      %gt3A_2083 = arith.constant 0 : i32
      %gt3A_2084 = arith.cmpi sgt, %scan3A_96, %gt3A_2083 : i32
      %convert_element_type3A_2085 = arith.extui %gt3A_2084 : i1 to i32
      %cond3A_2086 = arith.constant 0 : i32
      %cond3A_2087 = arith.cmpi ne, %convert_element_type3A_2085, %cond3A_2086 : i32
      scf.if %cond3A_2087 {
        %dma_wait3A_4046 = arith.constant 0 : i32
        %dma_wait3A_4047 = arith.constant 0 : i32
        %dma_wait3A_4048 = tpu.memref_slice %arg9[%dma_wait3A_4046, %dma_wait3A_4047] : memref<66x128xi32, #tpu.memory_space<vmem>> -> memref<1x128xi32, #tpu.memory_space<vmem>>
        %dma_wait3A_4049 = tpu.memref_squeeze %dma_wait3A_4048 : memref<1x128xi32, #tpu.memory_space<vmem>> -> memref<128xi32, #tpu.memory_space<vmem>>
        %dma_wait3A_4050 = arith.constant 0 : i32
        %dma_wait3A_4051 = arith.constant 0 : i32
        %dma_wait3A_4052 = tpu.memref_slice %arg15[%dma_wait3A_4050, %dma_wait3A_4051] : memref<16384x16xf32, #tpu.memory_space<vmem_shared>> -> memref<16384x16xf32, #tpu.memory_space<vmem_shared>>
        tpu.wait_indirect_dma semaphore(%arg20 : memref<!tpu.dma_semaphore, #tpu.memory_space<semaphore_mem>>) src(%arg14 : memref<128x16xf32, #tpu.memory_space<vmem>>) dst(%dma_wait3A_4052 : memref<16384x16xf32, #tpu.memory_space<vmem_shared>>)
      } else {
      }
      %get3A_2088 = arith.index_cast %add3A_100 : i32 to index
      %get3A_2089 = arith.constant 0 : index
      %get3A_2090 = tpu.vector_load %arg10[%get3A_2088, %get3A_2089] {strides = array<i32>} : memref<66x128xf32, #tpu.memory_space<vmem>>, vector<1x16xf32>,
      %get3A_2091 = vector.shape_cast %get3A_2090 : vector<1x16xf32> to vector<16xf32>
      %get3A_2092 = arith.constant 0 : i32
      %get3A_2093 = arith.index_cast %get3A_2092 : i32 to index
      %get3A_2094 = arith.constant 0 : index
      %get3A_2095 = tpu.vector_load %arg12[%get3A_2093, %get3A_2094] {strides = array<i32>} : memref<128x16xf32, #tpu.memory_space<vmem>>, vector<1x16xf32>,
      %get3A_2096 = vector.shape_cast %get3A_2095 : vector<1x16xf32> to vector<16xf32>
      %slice3A_2097 = vector.extract_strided_slice %get3A_2091 {offsets = [0], sizes = [1], strides = [1]} : vector<16xf32> to vector<1xf32>
      %squeeze3A_2098 = vector.extract %slice3A_2097[0] : f32 from vector<1xf32>
      %mul3A_2099 = vector.broadcast %squeeze3A_2098 : f32 to vector<16xf32>
      %mul3A_2100 = arith.mulf %get3A_2096, %mul3A_2099 : vector<16xf32>
      %swap3A_2101 = arith.constant 0 : i32
      %swap3A_2102 = arith.index_cast %swap3A_2101 : i32 to index
      %swap3A_2103 = arith.constant 0 : index
      %swap3A_2104 = tpu.vector_load %arg14[%swap3A_2102, %swap3A_2103] {strides = array<i32>} : memref<128x16xf32, #tpu.memory_space<vmem>>, vector<1x16xf32>,
      %swap3A_2105 = vector.shape_cast %swap3A_2104 : vector<1x16xf32> to vector<16xf32>
      %swap3A_2106 = vector.shape_cast %mul3A_2100 : vector<16xf32> to vector<1x16xf32>
      tpu.vector_store %arg14[%swap3A_2102, %swap3A_2103], %swap3A_2106 {strides = array<i32>} : memref<128x16xf32, #tpu.memory_space<vmem>>, vector<1x16xf32>,
      %get3A_2107 = arith.constant 1 : i32
      %get3A_2108 = arith.index_cast %get3A_2107 : i32 to index
      %get3A_2109 = arith.constant 0 : index
      %get3A_2110 = tpu.vector_load %arg12[%get3A_2108, %get3A_2109] {strides = array<i32>} : memref<128x16xf32, #tpu.memory_space<vmem>>, vector<1x16xf32>,
      %get3A_2111 = vector.shape_cast %get3A_2110 : vector<1x16xf32> to vector<16xf32>
      %slice3A_2112 = vector.extract_strided_slice %get3A_2091 {offsets = [1], sizes = [1], strides = [1]} : vector<16xf32> to vector<1xf32>
      %squeeze3A_2113 = vector.extract %slice3A_2112[0] : f32 from vector<1xf32>
      %mul3A_2114 = vector.broadcast %squeeze3A_2113 : f32 to vector<16xf32>
      %mul3A_2115 = arith.mulf %get3A_2111, %mul3A_2114 : vector<16xf32>
      %swap3A_2116 = arith.constant 1 : i32
      %swap3A_2117 = arith.index_cast %swap3A_2116 : i32 to index
      %swap3A_2118 = arith.constant 0 : index
      %swap3A_2119 = tpu.vector_load %arg14[%swap3A_2117, %swap3A_2118] {strides = array<i32>} : memref<128x16xf32, #tpu.memory_space<vmem>>, vector<1x16xf32>,
      %swap3A_2120 = vector.shape_cast %swap3A_2119 : vector<1x16xf32> to vector<16xf32>
      %swap3A_2121 = vector.shape_cast %mul3A_2115 : vector<16xf32> to vector<1x16xf32>
      tpu.vector_store %arg14[%swap3A_2117, %swap3A_2118], %swap3A_2121 {strides = array<i32>} : memref<128x16xf32, #tpu.memory_space<vmem>>, vector<1x16xf32>,
      %get3A_2122 = arith.constant 2 : i32
      %get3A_2123 = arith.index_cast %get3A_2122 : i32 to index
      %get3A_2124 = arith.constant 0 : index
      %get3A_2125 = tpu.vector_load %arg12[%get3A_2123, %get3A_2124] {strides = array<i32>} : memref<128x16xf32, #tpu.memory_space<vmem>>, vector<1x16xf32>,
      %get3A_2126 = vector.shape_cast %get3A_2125 : vector<1x16xf32> to vector<16xf32>
      %slice3A_2127 = vector.extract_strided_slice %get3A_2091 {offsets = [2], sizes = [1], strides = [1]} : vector<16xf32> to vector<1xf32>
      %squeeze3A_2128 = vector.extract %slice3A_2127[0] : f32 from vector<1xf32>
      %mul3A_2129 = vector.broadcast %squeeze3A_2128 : f32 to vector<16xf32>
      %mul3A_2130 = arith.mulf %get3A_2126, %mul3A_2129 : vector<16xf32>
      %swap3A_2131 = arith.constant 2 : i32
      %swap3A_2132 = arith.index_cast %swap3A_2131 : i32 to index
      %swap3A_2133 = arith.constant 0 : index
      %swap3A_2134 = tpu.vector_load %arg14[%swap3A_2132, %swap3A_2133] {strides = array<i32>} : memref<128x16xf32, #tpu.memory_space<vmem>>, vector<1x16xf32>,
      %swap3A_2135 = vector.shape_cast %swap3A_2134 : vector<1x16xf32> to vector<16xf32>
      %swap3A_2136 = vector.shape_cast %mul3A_2130 : vector<16xf32> to vector<1x16xf32>
      tpu.vector_store %arg14[%swap3A_2132, %swap3A_2133], %swap3A_2136 {strides = array<i32>} : memref<128x16xf32, #tpu.memory_space<vmem>>, vector<1x16xf32>,
      %get3A_2137 = arith.constant 3 : i32
      %get3A_2138 = arith.index_cast %get3A_2137 : i32 to index
      %get3A_2139 = arith.constant 0 : index
      %get3A_2140 = tpu.vector_load %arg12[%get3A_2138, %get3A_2139] {strides = array<i32>} : memref<128x16xf32, #tpu.memory_space<vmem>>, vector<1x16xf32>,
      %get3A_2141 = vector.shape_cast %get3A_2140 : vector<1x16xf32> to vector<16xf32>
      %slice3A_2142 = vector.extract_strided_slice %get3A_2091 {offsets = [3], sizes = [1], strides = [1]} : vector<16xf32> to vector<1xf32>
      %squeeze3A_2143 = vector.extract %slice3A_2142[0] : f32 from vector<1xf32>
      %mul3A_2144 = vector.broadcast %squeeze3A_2143 : f32 to vector<16xf32>
      %mul3A_2145 = arith.mulf %get3A_2141, %mul3A_2144 : vector<16xf32>
      %swap3A_2146 = arith.constant 3 : i32
      %swap3A_2147 = arith.index_cast %swap3A_2146 : i32 to index
      %swap3A_2148 = arith.constant 0 : index
      %swap3A_2149 = tpu.vector_load %arg14[%swap3A_2147, %swap3A_2148] {strides = array<i32>} : memref<128x16xf32, #tpu.memory_space<vmem>>, vector<1x16xf32>,
      %swap3A_2150 = vector.shape_cast %swap3A_2149 : vector<1x16xf32> to vector<16xf32>
      %swap3A_2151 = vector.shape_cast %mul3A_2145 : vector<16xf32> to vector<1x16xf32>
      tpu.vector_store %arg14[%swap3A_2147, %swap3A_2148], %swap3A_2151 {strides = array<i32>} : memref<128x16xf32, #tpu.memory_space<vmem>>, vector<1x16xf32>,
      %get3A_2152 = arith.constant 4 : i32
      %get3A_2153 = arith.index_cast %get3A_2152 : i32 to index
      %get3A_2154 = arith.constant 0 : index
      %get3A_2155 = tpu.vector_load %arg12[%get3A_2153, %get3A_2154] {strides = array<i32>} : memref<128x16xf32, #tpu.memory_space<vmem>>, vector<1x16xf32>,
      %get3A_2156 = vector.shape_cast %get3A_2155 : vector<1x16xf32> to vector<16xf32>
      %slice3A_2157 = vector.extract_strided_slice %get3A_2091 {offsets = [4], sizes = [1], strides = [1]} : vector<16xf32> to vector<1xf32>
      %squeeze3A_2158 = vector.extract %slice3A_2157[0] : f32 from vector<1xf32>
      %mul3A_2159 = vector.broadcast %squeeze3A_2158 : f32 to vector<16xf32>
      %mul3A_2160 = arith.mulf %get3A_2156, %mul3A_2159 : vector<16xf32>
      %swap3A_2161 = arith.constant 4 : i32
      %swap3A_2162 = arith.index_cast %swap3A_2161 : i32 to index
      %swap3A_2163 = arith.constant 0 : index
      %swap3A_2164 = tpu.vector_load %arg14[%swap3A_2162, %swap3A_2163] {strides = array<i32>} : memref<128x16xf32, #tpu.memory_space<vmem>>, vector<1x16xf32>,
      %swap3A_2165 = vector.shape_cast %swap3A_2164 : vector<1x16xf32> to vector<16xf32>
      %swap3A_2166 = vector.shape_cast %mul3A_2160 : vector<16xf32> to vector<1x16xf32>
      tpu.vector_store %arg14[%swap3A_2162, %swap3A_2163], %swap3A_2166 {strides = array<i32>} : memref<128x16xf32, #tpu.memory_space<vmem>>, vector<1x16xf32>,
      %get3A_2167 = arith.constant 5 : i32
      %get3A_2168 = arith.index_cast %get3A_2167 : i32 to index
      %get3A_2169 = arith.constant 0 : index
      %get3A_2170 = tpu.vector_load %arg12[%get3A_2168, %get3A_2169] {strides = array<i32>} : memref<128x16xf32, #tpu.memory_space<vmem>>, vector<1x16xf32>,
      %get3A_2171 = vector.shape_cast %get3A_2170 : vector<1x16xf32> to vector<16xf32>
      %slice3A_2172 = vector.extract_strided_slice %get3A_2091 {offsets = [5], sizes = [1], strides = [1]} : vector<16xf32> to vector<1xf32>
      %squeeze3A_2173 = vector.extract %slice3A_2172[0] : f32 from vector<1xf32>
      %mul3A_2174 = vector.broadcast %squeeze3A_2173 : f32 to vector<16xf32>
      %mul3A_2175 = arith.mulf %get3A_2171, %mul3A_2174 : vector<16xf32>
      %swap3A_2176 = arith.constant 5 : i32
      %swap3A_2177 = arith.index_cast %swap3A_2176 : i32 to index
      %swap3A_2178 = arith.constant 0 : index
      %swap3A_2179 = tpu.vector_load %arg14[%swap3A_2177, %swap3A_2178] {strides = array<i32>} : memref<128x16xf32, #tpu.memory_space<vmem>>, vector<1x16xf32>,
      %swap3A_2180 = vector.shape_cast %swap3A_2179 : vector<1x16xf32> to vector<16xf32>
      %swap3A_2181 = vector.shape_cast %mul3A_2175 : vector<16xf32> to vector<1x16xf32>
      tpu.vector_store %arg14[%swap3A_2177, %swap3A_2178], %swap3A_2181 {strides = array<i32>} : memref<128x16xf32, #tpu.memory_space<vmem>>, vector<1x16xf32>,
      %get3A_2182 = arith.constant 6 : i32
      %get3A_2183 = arith.index_cast %get3A_2182 : i32 to index
      %get3A_2184 = arith.constant 0 : index
      %get3A_2185 = tpu.vector_load %arg12[%get3A_2183, %get3A_2184] {strides = array<i32>} : memref<128x16xf32, #tpu.memory_space<vmem>>, vector<1x16xf32>,
      %get3A_2186 = vector.shape_cast %get3A_2185 : vector<1x16xf32> to vector<16xf32>
      %slice3A_2187 = vector.extract_strided_slice %get3A_2091 {offsets = [6], sizes = [1], strides = [1]} : vector<16xf32> to vector<1xf32>
      %squeeze3A_2188 = vector.extract %slice3A_2187[0] : f32 from vector<1xf32>
      %mul3A_2189 = vector.broadcast %squeeze3A_2188 : f32 to vector<16xf32>
      %mul3A_2190 = arith.mulf %get3A_2186, %mul3A_2189 : vector<16xf32>
      %swap3A_2191 = arith.constant 6 : i32
      %swap3A_2192 = arith.index_cast %swap3A_2191 : i32 to index
      %swap3A_2193 = arith.constant 0 : index
      %swap3A_2194 = tpu.vector_load %arg14[%swap3A_2192, %swap3A_2193] {strides = array<i32>} : memref<128x16xf32, #tpu.memory_space<vmem>>, vector<1x16xf32>,
      %swap3A_2195 = vector.shape_cast %swap3A_2194 : vector<1x16xf32> to vector<16xf32>
      %swap3A_2196 = vector.shape_cast %mul3A_2190 : vector<16xf32> to vector<1x16xf32>
      tpu.vector_store %arg14[%swap3A_2192, %swap3A_2193], %swap3A_2196 {strides = array<i32>} : memref<128x16xf32, #tpu.memory_space<vmem>>, vector<1x16xf32>,
      %get3A_2197 = arith.constant 7 : i32
      %get3A_2198 = arith.index_cast %get3A_2197 : i32 to index
      %get3A_2199 = arith.constant 0 : index
      %get3A_2200 = tpu.vector_load %arg12[%get3A_2198, %get3A_2199] {strides = array<i32>} : memref<128x16xf32, #tpu.memory_space<vmem>>, vector<1x16xf32>,
      %get3A_2201 = vector.shape_cast %get3A_2200 : vector<1x16xf32> to vector<16xf32>
      %slice3A_2202 = vector.extract_strided_slice %get3A_2091 {offsets = [7], sizes = [1], strides = [1]} : vector<16xf32> to vector<1xf32>
      %squeeze3A_2203 = vector.extract %slice3A_2202[0] : f32 from vector<1xf32>
      %mul3A_2204 = vector.broadcast %squeeze3A_2203 : f32 to vector<16xf32>
      %mul3A_2205 = arith.mulf %get3A_2201, %mul3A_2204 : vector<16xf32>
      %swap3A_2206 = arith.constant 7 : i32
      %swap3A_2207 = arith.index_cast %swap3A_2206 : i32 to index
      %swap3A_2208 = arith.constant 0 : index
      %swap3A_2209 = tpu.vector_load %arg14[%swap3A_2207, %swap3A_2208] {strides = array<i32>} : memref<128x16xf32, #tpu.memory_space<vmem>>, vector<1x16xf32>,
      %swap3A_2210 = vector.shape_cast %swap3A_2209 : vector<1x16xf32> to vector<16xf32>
      %swap3A_2211 = vector.shape_cast %mul3A_2205 : vector<16xf32> to vector<1x16xf32>
      tpu.vector_store %arg14[%swap3A_2207, %swap3A_2208], %swap3A_2211 {strides = array<i32>} : memref<128x16xf32, #tpu.memory_space<vmem>>, vector<1x16xf32>,
      %get3A_2212 = arith.constant 8 : i32
      %get3A_2213 = arith.index_cast %get3A_2212 : i32 to index
      %get3A_2214 = arith.constant 0 : index
      %get3A_2215 = tpu.vector_load %arg12[%get3A_2213, %get3A_2214] {strides = array<i32>} : memref<128x16xf32, #tpu.memory_space<vmem>>, vector<1x16xf32>,
      %get3A_2216 = vector.shape_cast %get3A_2215 : vector<1x16xf32> to vector<16xf32>
      %slice3A_2217 = vector.extract_strided_slice %get3A_2091 {offsets = [8], sizes = [1], strides = [1]} : vector<16xf32> to vector<1xf32>
      %squeeze3A_2218 = vector.extract %slice3A_2217[0] : f32 from vector<1xf32>
      %mul3A_2219 = vector.broadcast %squeeze3A_2218 : f32 to vector<16xf32>
      %mul3A_2220 = arith.mulf %get3A_2216, %mul3A_2219 : vector<16xf32>
      %swap3A_2221 = arith.constant 8 : i32
      %swap3A_2222 = arith.index_cast %swap3A_2221 : i32 to index
      %swap3A_2223 = arith.constant 0 : index
      %swap3A_2224 = tpu.vector_load %arg14[%swap3A_2222, %swap3A_2223] {strides = array<i32>} : memref<128x16xf32, #tpu.memory_space<vmem>>, vector<1x16xf32>,
      %swap3A_2225 = vector.shape_cast %swap3A_2224 : vector<1x16xf32> to vector<16xf32>
      %swap3A_2226 = vector.shape_cast %mul3A_2220 : vector<16xf32> to vector<1x16xf32>
      tpu.vector_store %arg14[%swap3A_2222, %swap3A_2223], %swap3A_2226 {strides = array<i32>} : memref<128x16xf32, #tpu.memory_space<vmem>>, vector<1x16xf32>,
      %get3A_2227 = arith.constant 9 : i32
      %get3A_2228 = arith.index_cast %get3A_2227 : i32 to index
      %get3A_2229 = arith.constant 0 : index
      %get3A_2230 = tpu.vector_load %arg12[%get3A_2228, %get3A_2229] {strides = array<i32>} : memref<128x16xf32, #tpu.memory_space<vmem>>, vector<1x16xf32>,
      %get3A_2231 = vector.shape_cast %get3A_2230 : vector<1x16xf32> to vector<16xf32>
      %slice3A_2232 = vector.extract_strided_slice %get3A_2091 {offsets = [9], sizes = [1], strides = [1]} : vector<16xf32> to vector<1xf32>
      %squeeze3A_2233 = vector.extract %slice3A_2232[0] : f32 from vector<1xf32>
      %mul3A_2234 = vector.broadcast %squeeze3A_2233 : f32 to vector<16xf32>
      %mul3A_2235 = arith.mulf %get3A_2231, %mul3A_2234 : vector<16xf32>
      %swap3A_2236 = arith.constant 9 : i32
      %swap3A_2237 = arith.index_cast %swap3A_2236 : i32 to index
      %swap3A_2238 = arith.constant 0 : index
      %swap3A_2239 = tpu.vector_load %arg14[%swap3A_2237, %swap3A_2238] {strides = array<i32>} : memref<128x16xf32, #tpu.memory_space<vmem>>, vector<1x16xf32>,
      %swap3A_2240 = vector.shape_cast %swap3A_2239 : vector<1x16xf32> to vector<16xf32>
      %swap3A_2241 = vector.shape_cast %mul3A_2235 : vector<16xf32> to vector<1x16xf32>
      tpu.vector_store %arg14[%swap3A_2237, %swap3A_2238], %swap3A_2241 {strides = array<i32>} : memref<128x16xf32, #tpu.memory_space<vmem>>, vector<1x16xf32>,
      %get3A_2242 = arith.constant 10 : i32
      %get3A_2243 = arith.index_cast %get3A_2242 : i32 to index
      %get3A_2244 = arith.constant 0 : index
      %get3A_2245 = tpu.vector_load %arg12[%get3A_2243, %get3A_2244] {strides = array<i32>} : memref<128x16xf32, #tpu.memory_space<vmem>>, vector<1x16xf32>,
      %get3A_2246 = vector.shape_cast %get3A_2245 : vector<1x16xf32> to vector<16xf32>
      %slice3A_2247 = vector.extract_strided_slice %get3A_2091 {offsets = [10], sizes = [1], strides = [1]} : vector<16xf32> to vector<1xf32>
      %squeeze3A_2248 = vector.extract %slice3A_2247[0] : f32 from vector<1xf32>
      %mul3A_2249 = vector.broadcast %squeeze3A_2248 : f32 to vector<16xf32>
      %mul3A_2250 = arith.mulf %get3A_2246, %mul3A_2249 : vector<16xf32>
      %swap3A_2251 = arith.constant 10 : i32
      %swap3A_2252 = arith.index_cast %swap3A_2251 : i32 to index
      %swap3A_2253 = arith.constant 0 : index
      %swap3A_2254 = tpu.vector_load %arg14[%swap3A_2252, %swap3A_2253] {strides = array<i32>} : memref<128x16xf32, #tpu.memory_space<vmem>>, vector<1x16xf32>,
      %swap3A_2255 = vector.shape_cast %swap3A_2254 : vector<1x16xf32> to vector<16xf32>
      %swap3A_2256 = vector.shape_cast %mul3A_2250 : vector<16xf32> to vector<1x16xf32>
      tpu.vector_store %arg14[%swap3A_2252, %swap3A_2253], %swap3A_2256 {strides = array<i32>} : memref<128x16xf32, #tpu.memory_space<vmem>>, vector<1x16xf32>,
      %get3A_2257 = arith.constant 11 : i32
      %get3A_2258 = arith.index_cast %get3A_2257 : i32 to index
      %get3A_2259 = arith.constant 0 : index
      %get3A_2260 = tpu.vector_load %arg12[%get3A_2258, %get3A_2259] {strides = array<i32>} : memref<128x16xf32, #tpu.memory_space<vmem>>, vector<1x16xf32>,
      %get3A_2261 = vector.shape_cast %get3A_2260 : vector<1x16xf32> to vector<16xf32>
      %slice3A_2262 = vector.extract_strided_slice %get3A_2091 {offsets = [11], sizes = [1], strides = [1]} : vector<16xf32> to vector<1xf32>
      %squeeze3A_2263 = vector.extract %slice3A_2262[0] : f32 from vector<1xf32>
      %mul3A_2264 = vector.broadcast %squeeze3A_2263 : f32 to vector<16xf32>
      %mul3A_2265 = arith.mulf %get3A_2261, %mul3A_2264 : vector<16xf32>
      %swap3A_2266 = arith.constant 11 : i32
      %swap3A_2267 = arith.index_cast %swap3A_2266 : i32 to index
      %swap3A_2268 = arith.constant 0 : index
      %swap3A_2269 = tpu.vector_load %arg14[%swap3A_2267, %swap3A_2268] {strides = array<i32>} : memref<128x16xf32, #tpu.memory_space<vmem>>, vector<1x16xf32>,
      %swap3A_2270 = vector.shape_cast %swap3A_2269 : vector<1x16xf32> to vector<16xf32>
      %swap3A_2271 = vector.shape_cast %mul3A_2265 : vector<16xf32> to vector<1x16xf32>
      tpu.vector_store %arg14[%swap3A_2267, %swap3A_2268], %swap3A_2271 {strides = array<i32>} : memref<128x16xf32, #tpu.memory_space<vmem>>, vector<1x16xf32>,
      %get3A_2272 = arith.constant 12 : i32
      %get3A_2273 = arith.index_cast %get3A_2272 : i32 to index
      %get3A_2274 = arith.constant 0 : index
      %get3A_2275 = tpu.vector_load %arg12[%get3A_2273, %get3A_2274] {strides = array<i32>} : memref<128x16xf32, #tpu.memory_space<vmem>>, vector<1x16xf32>,
      %get3A_2276 = vector.shape_cast %get3A_2275 : vector<1x16xf32> to vector<16xf32>
      %slice3A_2277 = vector.extract_strided_slice %get3A_2091 {offsets = [12], sizes = [1], strides = [1]} : vector<16xf32> to vector<1xf32>
      %squeeze3A_2278 = vector.extract %slice3A_2277[0] : f32 from vector<1xf32>
      %mul3A_2279 = vector.broadcast %squeeze3A_2278 : f32 to vector<16xf32>
      %mul3A_2280 = arith.mulf %get3A_2276, %mul3A_2279 : vector<16xf32>
      %swap3A_2281 = arith.constant 12 : i32
      %swap3A_2282 = arith.index_cast %swap3A_2281 : i32 to index
      %swap3A_2283 = arith.constant 0 : index
      %swap3A_2284 = tpu.vector_load %arg14[%swap3A_2282, %swap3A_2283] {strides = array<i32>} : memref<128x16xf32, #tpu.memory_space<vmem>>, vector<1x16xf32>,
      %swap3A_2285 = vector.shape_cast %swap3A_2284 : vector<1x16xf32> to vector<16xf32>
      %swap3A_2286 = vector.shape_cast %mul3A_2280 : vector<16xf32> to vector<1x16xf32>
      tpu.vector_store %arg14[%swap3A_2282, %swap3A_2283], %swap3A_2286 {strides = array<i32>} : memref<128x16xf32, #tpu.memory_space<vmem>>, vector<1x16xf32>,
      %get3A_2287 = arith.constant 13 : i32
      %get3A_2288 = arith.index_cast %get3A_2287 : i32 to index
      %get3A_2289 = arith.constant 0 : index
      %get3A_2290 = tpu.vector_load %arg12[%get3A_2288, %get3A_2289] {strides = array<i32>} : memref<128x16xf32, #tpu.memory_space<vmem>>, vector<1x16xf32>,
      %get3A_2291 = vector.shape_cast %get3A_2290 : vector<1x16xf32> to vector<16xf32>
      %slice3A_2292 = vector.extract_strided_slice %get3A_2091 {offsets = [13], sizes = [1], strides = [1]} : vector<16xf32> to vector<1xf32>
      %squeeze3A_2293 = vector.extract %slice3A_2292[0] : f32 from vector<1xf32>
      %mul3A_2294 = vector.broadcast %squeeze3A_2293 : f32 to vector<16xf32>
      %mul3A_2295 = arith.mulf %get3A_2291, %mul3A_2294 : vector<16xf32>
      %swap3A_2296 = arith.constant 13 : i32
      %swap3A_2297 = arith.index_cast %swap3A_2296 : i32 to index
      %swap3A_2298 = arith.constant 0 : index
      %swap3A_2299 = tpu.vector_load %arg14[%swap3A_2297, %swap3A_2298] {strides = array<i32>} : memref<128x16xf32, #tpu.memory_space<vmem>>, vector<1x16xf32>,
      %swap3A_2300 = vector.shape_cast %swap3A_2299 : vector<1x16xf32> to vector<16xf32>
      %swap3A_2301 = vector.shape_cast %mul3A_2295 : vector<16xf32> to vector<1x16xf32>
      tpu.vector_store %arg14[%swap3A_2297, %swap3A_2298], %swap3A_2301 {strides = array<i32>} : memref<128x16xf32, #tpu.memory_space<vmem>>, vector<1x16xf32>,
      %get3A_2302 = arith.constant 14 : i32
      %get3A_2303 = arith.index_cast %get3A_2302 : i32 to index
      %get3A_2304 = arith.constant 0 : index
      %get3A_2305 = tpu.vector_load %arg12[%get3A_2303, %get3A_2304] {strides = array<i32>} : memref<128x16xf32, #tpu.memory_space<vmem>>, vector<1x16xf32>,
      %get3A_2306 = vector.shape_cast %get3A_2305 : vector<1x16xf32> to vector<16xf32>
      %slice3A_2307 = vector.extract_strided_slice %get3A_2091 {offsets = [14], sizes = [1], strides = [1]} : vector<16xf32> to vector<1xf32>
      %squeeze3A_2308 = vector.extract %slice3A_2307[0] : f32 from vector<1xf32>
      %mul3A_2309 = vector.broadcast %squeeze3A_2308 : f32 to vector<16xf32>
      %mul3A_2310 = arith.mulf %get3A_2306, %mul3A_2309 : vector<16xf32>
      %swap3A_2311 = arith.constant 14 : i32
      %swap3A_2312 = arith.index_cast %swap3A_2311 : i32 to index
      %swap3A_2313 = arith.constant 0 : index
      %swap3A_2314 = tpu.vector_load %arg14[%swap3A_2312, %swap3A_2313] {strides = array<i32>} : memref<128x16xf32, #tpu.memory_space<vmem>>, vector<1x16xf32>,
      %swap3A_2315 = vector.shape_cast %swap3A_2314 : vector<1x16xf32> to vector<16xf32>
      %swap3A_2316 = vector.shape_cast %mul3A_2310 : vector<16xf32> to vector<1x16xf32>
      tpu.vector_store %arg14[%swap3A_2312, %swap3A_2313], %swap3A_2316 {strides = array<i32>} : memref<128x16xf32, #tpu.memory_space<vmem>>, vector<1x16xf32>,
      %get3A_2317 = arith.constant 15 : i32
      %get3A_2318 = arith.index_cast %get3A_2317 : i32 to index
      %get3A_2319 = arith.constant 0 : index
      %get3A_2320 = tpu.vector_load %arg12[%get3A_2318, %get3A_2319] {strides = array<i32>} : memref<128x16xf32, #tpu.memory_space<vmem>>, vector<1x16xf32>,
      %get3A_2321 = vector.shape_cast %get3A_2320 : vector<1x16xf32> to vector<16xf32>
      %slice3A_2322 = vector.extract_strided_slice %get3A_2091 {offsets = [15], sizes = [1], strides = [1]} : vector<16xf32> to vector<1xf32>
      %squeeze3A_2323 = vector.extract %slice3A_2322[0] : f32 from vector<1xf32>
      %mul3A_2324 = vector.broadcast %squeeze3A_2323 : f32 to vector<16xf32>
      %mul3A_2325 = arith.mulf %get3A_2321, %mul3A_2324 : vector<16xf32>
      %swap3A_2326 = arith.constant 15 : i32
      %swap3A_2327 = arith.index_cast %swap3A_2326 : i32 to index
      %swap3A_2328 = arith.constant 0 : index
      %swap3A_2329 = tpu.vector_load %arg14[%swap3A_2327, %swap3A_2328] {strides = array<i32>} : memref<128x16xf32, #tpu.memory_space<vmem>>, vector<1x16xf32>,
      %swap3A_2330 = vector.shape_cast %swap3A_2329 : vector<1x16xf32> to vector<16xf32>
      %swap3A_2331 = vector.shape_cast %mul3A_2325 : vector<16xf32> to vector<1x16xf32>
      tpu.vector_store %arg14[%swap3A_2327, %swap3A_2328], %swap3A_2331 {strides = array<i32>} : memref<128x16xf32, #tpu.memory_space<vmem>>, vector<1x16xf32>,
      %get3A_2332 = arith.index_cast %add3A_100 : i32 to index
      %get3A_2333 = arith.constant 16 : index
      %get3A_2334 = tpu.vector_load %arg10[%get3A_2332, %get3A_2333] {strides = array<i32>} : memref<66x128xf32, #tpu.memory_space<vmem>>, vector<1x16xf32>,
      %get3A_2335 = vector.shape_cast %get3A_2334 : vector<1x16xf32> to vector<16xf32>
      %get3A_2336 = arith.constant 16 : i32
      %get3A_2337 = arith.index_cast %get3A_2336 : i32 to index
      %get3A_2338 = arith.constant 0 : index
      %get3A_2339 = tpu.vector_load %arg12[%get3A_2337, %get3A_2338] {strides = array<i32>} : memref<128x16xf32, #tpu.memory_space<vmem>>, vector<1x16xf32>,
      %get3A_2340 = vector.shape_cast %get3A_2339 : vector<1x16xf32> to vector<16xf32>
      %slice3A_2341 = vector.extract_strided_slice %get3A_2335 {offsets = [0], sizes = [1], strides = [1]} : vector<16xf32> to vector<1xf32>
      %squeeze3A_2342 = vector.extract %slice3A_2341[0] : f32 from vector<1xf32>
      %mul3A_2343 = vector.broadcast %squeeze3A_2342 : f32 to vector<16xf32>
      %mul3A_2344 = arith.mulf %get3A_2340, %mul3A_2343 : vector<16xf32>
      %swap3A_2345 = arith.constant 16 : i32
      %swap3A_2346 = arith.index_cast %swap3A_2345 : i32 to index
      %swap3A_2347 = arith.constant 0 : index
      %swap3A_2348 = tpu.vector_load %arg14[%swap3A_2346, %swap3A_2347] {strides = array<i32>} : memref<128x16xf32, #tpu.memory_space<vmem>>, vector<1x16xf32>,
      %swap3A_2349 = vector.shape_cast %swap3A_2348 : vector<1x16xf32> to vector<16xf32>
      %swap3A_2350 = vector.shape_cast %mul3A_2344 : vector<16xf32> to vector<1x16xf32>
      tpu.vector_store %arg14[%swap3A_2346, %swap3A_2347], %swap3A_2350 {strides = array<i32>} : memref<128x16xf32, #tpu.memory_space<vmem>>, vector<1x16xf32>,
      %get3A_2351 = arith.constant 17 : i32
      %get3A_2352 = arith.index_cast %get3A_2351 : i32 to index
      %get3A_2353 = arith.constant 0 : index
      %get3A_2354 = tpu.vector_load %arg12[%get3A_2352, %get3A_2353] {strides = array<i32>} : memref<128x16xf32, #tpu.memory_space<vmem>>, vector<1x16xf32>,
      %get3A_2355 = vector.shape_cast %get3A_2354 : vector<1x16xf32> to vector<16xf32>
      %slice3A_2356 = vector.extract_strided_slice %get3A_2335 {offsets = [1], sizes = [1], strides = [1]} : vector<16xf32> to vector<1xf32>
      %squeeze3A_2357 = vector.extract %slice3A_2356[0] : f32 from vector<1xf32>
      %mul3A_2358 = vector.broadcast %squeeze3A_2357 : f32 to vector<16xf32>
      %mul3A_2359 = arith.mulf %get3A_2355, %mul3A_2358 : vector<16xf32>
      %swap3A_2360 = arith.constant 17 : i32
      %swap3A_2361 = arith.index_cast %swap3A_2360 : i32 to index
      %swap3A_2362 = arith.constant 0 : index
      %swap3A_2363 = tpu.vector_load %arg14[%swap3A_2361, %swap3A_2362] {strides = array<i32>} : memref<128x16xf32, #tpu.memory_space<vmem>>, vector<1x16xf32>,
      %swap3A_2364 = vector.shape_cast %swap3A_2363 : vector<1x16xf32> to vector<16xf32>
      %swap3A_2365 = vector.shape_cast %mul3A_2359 : vector<16xf32> to vector<1x16xf32>
      tpu.vector_store %arg14[%swap3A_2361, %swap3A_2362], %swap3A_2365 {strides = array<i32>} : memref<128x16xf32, #tpu.memory_space<vmem>>, vector<1x16xf32>,
      %get3A_2366 = arith.constant 18 : i32
      %get3A_2367 = arith.index_cast %get3A_2366 : i32 to index
      %get3A_2368 = arith.constant 0 : index
      %get3A_2369 = tpu.vector_load %arg12[%get3A_2367, %get3A_2368] {strides = array<i32>} : memref<128x16xf32, #tpu.memory_space<vmem>>, vector<1x16xf32>,
      %get3A_2370 = vector.shape_cast %get3A_2369 : vector<1x16xf32> to vector<16xf32>
      %slice3A_2371 = vector.extract_strided_slice %get3A_2335 {offsets = [2], sizes = [1], strides = [1]} : vector<16xf32> to vector<1xf32>
      %squeeze3A_2372 = vector.extract %slice3A_2371[0] : f32 from vector<1xf32>
      %mul3A_2373 = vector.broadcast %squeeze3A_2372 : f32 to vector<16xf32>
      %mul3A_2374 = arith.mulf %get3A_2370, %mul3A_2373 : vector<16xf32>
      %swap3A_2375 = arith.constant 18 : i32
      %swap3A_2376 = arith.index_cast %swap3A_2375 : i32 to index
      %swap3A_2377 = arith.constant 0 : index
      %swap3A_2378 = tpu.vector_load %arg14[%swap3A_2376, %swap3A_2377] {strides = array<i32>} : memref<128x16xf32, #tpu.memory_space<vmem>>, vector<1x16xf32>,
      %swap3A_2379 = vector.shape_cast %swap3A_2378 : vector<1x16xf32> to vector<16xf32>
      %swap3A_2380 = vector.shape_cast %mul3A_2374 : vector<16xf32> to vector<1x16xf32>
      tpu.vector_store %arg14[%swap3A_2376, %swap3A_2377], %swap3A_2380 {strides = array<i32>} : memref<128x16xf32, #tpu.memory_space<vmem>>, vector<1x16xf32>,
      %get3A_2381 = arith.constant 19 : i32
      %get3A_2382 = arith.index_cast %get3A_2381 : i32 to index
      %get3A_2383 = arith.constant 0 : index
      %get3A_2384 = tpu.vector_load %arg12[%get3A_2382, %get3A_2383] {strides = array<i32>} : memref<128x16xf32, #tpu.memory_space<vmem>>, vector<1x16xf32>,
      %get3A_2385 = vector.shape_cast %get3A_2384 : vector<1x16xf32> to vector<16xf32>
      %slice3A_2386 = vector.extract_strided_slice %get3A_2335 {offsets = [3], sizes = [1], strides = [1]} : vector<16xf32> to vector<1xf32>
      %squeeze3A_2387 = vector.extract %slice3A_2386[0] : f32 from vector<1xf32>
      %mul3A_2388 = vector.broadcast %squeeze3A_2387 : f32 to vector<16xf32>
      %mul3A_2389 = arith.mulf %get3A_2385, %mul3A_2388 : vector<16xf32>
      %swap3A_2390 = arith.constant 19 : i32
      %swap3A_2391 = arith.index_cast %swap3A_2390 : i32 to index
      %swap3A_2392 = arith.constant 0 : index
      %swap3A_2393 = tpu.vector_load %arg14[%swap3A_2391, %swap3A_2392] {strides = array<i32>} : memref<128x16xf32, #tpu.memory_space<vmem>>, vector<1x16xf32>,
      %swap3A_2394 = vector.shape_cast %swap3A_2393 : vector<1x16xf32> to vector<16xf32>
      %swap3A_2395 = vector.shape_cast %mul3A_2389 : vector<16xf32> to vector<1x16xf32>
      tpu.vector_store %arg14[%swap3A_2391, %swap3A_2392], %swap3A_2395 {strides = array<i32>} : memref<128x16xf32, #tpu.memory_space<vmem>>, vector<1x16xf32>,
      %get3A_2396 = arith.constant 20 : i32
      %get3A_2397 = arith.index_cast %get3A_2396 : i32 to index
      %get3A_2398 = arith.constant 0 : index
      %get3A_2399 = tpu.vector_load %arg12[%get3A_2397, %get3A_2398] {strides = array<i32>} : memref<128x16xf32, #tpu.memory_space<vmem>>, vector<1x16xf32>,
      %get3A_2400 = vector.shape_cast %get3A_2399 : vector<1x16xf32> to vector<16xf32>
      %slice3A_2401 = vector.extract_strided_slice %get3A_2335 {offsets = [4], sizes = [1], strides = [1]} : vector<16xf32> to vector<1xf32>
      %squeeze3A_2402 = vector.extract %slice3A_2401[0] : f32 from vector<1xf32>
      %mul3A_2403 = vector.broadcast %squeeze3A_2402 : f32 to vector<16xf32>
      %mul3A_2404 = arith.mulf %get3A_2400, %mul3A_2403 : vector<16xf32>
      %swap3A_2405 = arith.constant 20 : i32
      %swap3A_2406 = arith.index_cast %swap3A_2405 : i32 to index
      %swap3A_2407 = arith.constant 0 : index
      %swap3A_2408 = tpu.vector_load %arg14[%swap3A_2406, %swap3A_2407] {strides = array<i32>} : memref<128x16xf32, #tpu.memory_space<vmem>>, vector<1x16xf32>,
      %swap3A_2409 = vector.shape_cast %swap3A_2408 : vector<1x16xf32> to vector<16xf32>
      %swap3A_2410 = vector.shape_cast %mul3A_2404 : vector<16xf32> to vector<1x16xf32>
      tpu.vector_store %arg14[%swap3A_2406, %swap3A_2407], %swap3A_2410 {strides = array<i32>} : memref<128x16xf32, #tpu.memory_space<vmem>>, vector<1x16xf32>,
      %get3A_2411 = arith.constant 21 : i32
      %get3A_2412 = arith.index_cast %get3A_2411 : i32 to index
      %get3A_2413 = arith.constant 0 : index
      %get3A_2414 = tpu.vector_load %arg12[%get3A_2412, %get3A_2413] {strides = array<i32>} : memref<128x16xf32, #tpu.memory_space<vmem>>, vector<1x16xf32>,
      %get3A_2415 = vector.shape_cast %get3A_2414 : vector<1x16xf32> to vector<16xf32>
      %slice3A_2416 = vector.extract_strided_slice %get3A_2335 {offsets = [5], sizes = [1], strides = [1]} : vector<16xf32> to vector<1xf32>
      %squeeze3A_2417 = vector.extract %slice3A_2416[0] : f32 from vector<1xf32>
      %mul3A_2418 = vector.broadcast %squeeze3A_2417 : f32 to vector<16xf32>
      %mul3A_2419 = arith.mulf %get3A_2415, %mul3A_2418 : vector<16xf32>
      %swap3A_2420 = arith.constant 21 : i32
      %swap3A_2421 = arith.index_cast %swap3A_2420 : i32 to index
      %swap3A_2422 = arith.constant 0 : index
      %swap3A_2423 = tpu.vector_load %arg14[%swap3A_2421, %swap3A_2422] {strides = array<i32>} : memref<128x16xf32, #tpu.memory_space<vmem>>, vector<1x16xf32>,
      %swap3A_2424 = vector.shape_cast %swap3A_2423 : vector<1x16xf32> to vector<16xf32>
      %swap3A_2425 = vector.shape_cast %mul3A_2419 : vector<16xf32> to vector<1x16xf32>
      tpu.vector_store %arg14[%swap3A_2421, %swap3A_2422], %swap3A_2425 {strides = array<i32>} : memref<128x16xf32, #tpu.memory_space<vmem>>, vector<1x16xf32>,
      %get3A_2426 = arith.constant 22 : i32
      %get3A_2427 = arith.index_cast %get3A_2426 : i32 to index
      %get3A_2428 = arith.constant 0 : index
      %get3A_2429 = tpu.vector_load %arg12[%get3A_2427, %get3A_2428] {strides = array<i32>} : memref<128x16xf32, #tpu.memory_space<vmem>>, vector<1x16xf32>,
      %get3A_2430 = vector.shape_cast %get3A_2429 : vector<1x16xf32> to vector<16xf32>
      %slice3A_2431 = vector.extract_strided_slice %get3A_2335 {offsets = [6], sizes = [1], strides = [1]} : vector<16xf32> to vector<1xf32>
      %squeeze3A_2432 = vector.extract %slice3A_2431[0] : f32 from vector<1xf32>
      %mul3A_2433 = vector.broadcast %squeeze3A_2432 : f32 to vector<16xf32>
      %mul3A_2434 = arith.mulf %get3A_2430, %mul3A_2433 : vector<16xf32>
      %swap3A_2435 = arith.constant 22 : i32
      %swap3A_2436 = arith.index_cast %swap3A_2435 : i32 to index
      %swap3A_2437 = arith.constant 0 : index
      %swap3A_2438 = tpu.vector_load %arg14[%swap3A_2436, %swap3A_2437] {strides = array<i32>} : memref<128x16xf32, #tpu.memory_space<vmem>>, vector<1x16xf32>,
      %swap3A_2439 = vector.shape_cast %swap3A_2438 : vector<1x16xf32> to vector<16xf32>
      %swap3A_2440 = vector.shape_cast %mul3A_2434 : vector<16xf32> to vector<1x16xf32>
      tpu.vector_store %arg14[%swap3A_2436, %swap3A_2437], %swap3A_2440 {strides = array<i32>} : memref<128x16xf32, #tpu.memory_space<vmem>>, vector<1x16xf32>,
      %get3A_2441 = arith.constant 23 : i32
      %get3A_2442 = arith.index_cast %get3A_2441 : i32 to index
      %get3A_2443 = arith.constant 0 : index
      %get3A_2444 = tpu.vector_load %arg12[%get3A_2442, %get3A_2443] {strides = array<i32>} : memref<128x16xf32, #tpu.memory_space<vmem>>, vector<1x16xf32>,
      %get3A_2445 = vector.shape_cast %get3A_2444 : vector<1x16xf32> to vector<16xf32>
      %slice3A_2446 = vector.extract_strided_slice %get3A_2335 {offsets = [7], sizes = [1], strides = [1]} : vector<16xf32> to vector<1xf32>
      %squeeze3A_2447 = vector.extract %slice3A_2446[0] : f32 from vector<1xf32>
      %mul3A_2448 = vector.broadcast %squeeze3A_2447 : f32 to vector<16xf32>
      %mul3A_2449 = arith.mulf %get3A_2445, %mul3A_2448 : vector<16xf32>
      %swap3A_2450 = arith.constant 23 : i32
      %swap3A_2451 = arith.index_cast %swap3A_2450 : i32 to index
      %swap3A_2452 = arith.constant 0 : index
      %swap3A_2453 = tpu.vector_load %arg14[%swap3A_2451, %swap3A_2452] {strides = array<i32>} : memref<128x16xf32, #tpu.memory_space<vmem>>, vector<1x16xf32>,
      %swap3A_2454 = vector.shape_cast %swap3A_2453 : vector<1x16xf32> to vector<16xf32>
      %swap3A_2455 = vector.shape_cast %mul3A_2449 : vector<16xf32> to vector<1x16xf32>
      tpu.vector_store %arg14[%swap3A_2451, %swap3A_2452], %swap3A_2455 {strides = array<i32>} : memref<128x16xf32, #tpu.memory_space<vmem>>, vector<1x16xf32>,
      %get3A_2456 = arith.constant 24 : i32
      %get3A_2457 = arith.index_cast %get3A_2456 : i32 to index
      %get3A_2458 = arith.constant 0 : index
      %get3A_2459 = tpu.vector_load %arg12[%get3A_2457, %get3A_2458] {strides = array<i32>} : memref<128x16xf32, #tpu.memory_space<vmem>>, vector<1x16xf32>,
      %get3A_2460 = vector.shape_cast %get3A_2459 : vector<1x16xf32> to vector<16xf32>
      %slice3A_2461 = vector.extract_strided_slice %get3A_2335 {offsets = [8], sizes = [1], strides = [1]} : vector<16xf32> to vector<1xf32>
      %squeeze3A_2462 = vector.extract %slice3A_2461[0] : f32 from vector<1xf32>
      %mul3A_2463 = vector.broadcast %squeeze3A_2462 : f32 to vector<16xf32>
      %mul3A_2464 = arith.mulf %get3A_2460, %mul3A_2463 : vector<16xf32>
      %swap3A_2465 = arith.constant 24 : i32
      %swap3A_2466 = arith.index_cast %swap3A_2465 : i32 to index
      %swap3A_2467 = arith.constant 0 : index
      %swap3A_2468 = tpu.vector_load %arg14[%swap3A_2466, %swap3A_2467] {strides = array<i32>} : memref<128x16xf32, #tpu.memory_space<vmem>>, vector<1x16xf32>,
      %swap3A_2469 = vector.shape_cast %swap3A_2468 : vector<1x16xf32> to vector<16xf32>
      %swap3A_2470 = vector.shape_cast %mul3A_2464 : vector<16xf32> to vector<1x16xf32>
      tpu.vector_store %arg14[%swap3A_2466, %swap3A_2467], %swap3A_2470 {strides = array<i32>} : memref<128x16xf32, #tpu.memory_space<vmem>>, vector<1x16xf32>,
      %get3A_2471 = arith.constant 25 : i32
      %get3A_2472 = arith.index_cast %get3A_2471 : i32 to index
      %get3A_2473 = arith.constant 0 : index
      %get3A_2474 = tpu.vector_load %arg12[%get3A_2472, %get3A_2473] {strides = array<i32>} : memref<128x16xf32, #tpu.memory_space<vmem>>, vector<1x16xf32>,
      %get3A_2475 = vector.shape_cast %get3A_2474 : vector<1x16xf32> to vector<16xf32>
      %slice3A_2476 = vector.extract_strided_slice %get3A_2335 {offsets = [9], sizes = [1], strides = [1]} : vector<16xf32> to vector<1xf32>
      %squeeze3A_2477 = vector.extract %slice3A_2476[0] : f32 from vector<1xf32>
      %mul3A_2478 = vector.broadcast %squeeze3A_2477 : f32 to vector<16xf32>
      %mul3A_2479 = arith.mulf %get3A_2475, %mul3A_2478 : vector<16xf32>
      %swap3A_2480 = arith.constant 25 : i32
      %swap3A_2481 = arith.index_cast %swap3A_2480 : i32 to index
      %swap3A_2482 = arith.constant 0 : index
      %swap3A_2483 = tpu.vector_load %arg14[%swap3A_2481, %swap3A_2482] {strides = array<i32>} : memref<128x16xf32, #tpu.memory_space<vmem>>, vector<1x16xf32>,
      %swap3A_2484 = vector.shape_cast %swap3A_2483 : vector<1x16xf32> to vector<16xf32>
      %swap3A_2485 = vector.shape_cast %mul3A_2479 : vector<16xf32> to vector<1x16xf32>
      tpu.vector_store %arg14[%swap3A_2481, %swap3A_2482], %swap3A_2485 {strides = array<i32>} : memref<128x16xf32, #tpu.memory_space<vmem>>, vector<1x16xf32>,
      %get3A_2486 = arith.constant 26 : i32
      %get3A_2487 = arith.index_cast %get3A_2486 : i32 to index
      %get3A_2488 = arith.constant 0 : index
      %get3A_2489 = tpu.vector_load %arg12[%get3A_2487, %get3A_2488] {strides = array<i32>} : memref<128x16xf32, #tpu.memory_space<vmem>>, vector<1x16xf32>,
      %get3A_2490 = vector.shape_cast %get3A_2489 : vector<1x16xf32> to vector<16xf32>
      %slice3A_2491 = vector.extract_strided_slice %get3A_2335 {offsets = [10], sizes = [1], strides = [1]} : vector<16xf32> to vector<1xf32>
      %squeeze3A_2492 = vector.extract %slice3A_2491[0] : f32 from vector<1xf32>
      %mul3A_2493 = vector.broadcast %squeeze3A_2492 : f32 to vector<16xf32>
      %mul3A_2494 = arith.mulf %get3A_2490, %mul3A_2493 : vector<16xf32>
      %swap3A_2495 = arith.constant 26 : i32
      %swap3A_2496 = arith.index_cast %swap3A_2495 : i32 to index
      %swap3A_2497 = arith.constant 0 : index
      %swap3A_2498 = tpu.vector_load %arg14[%swap3A_2496, %swap3A_2497] {strides = array<i32>} : memref<128x16xf32, #tpu.memory_space<vmem>>, vector<1x16xf32>,
      %swap3A_2499 = vector.shape_cast %swap3A_2498 : vector<1x16xf32> to vector<16xf32>
      %swap3A_2500 = vector.shape_cast %mul3A_2494 : vector<16xf32> to vector<1x16xf32>
      tpu.vector_store %arg14[%swap3A_2496, %swap3A_2497], %swap3A_2500 {strides = array<i32>} : memref<128x16xf32, #tpu.memory_space<vmem>>, vector<1x16xf32>,
      %get3A_2501 = arith.constant 27 : i32
      %get3A_2502 = arith.index_cast %get3A_2501 : i32 to index
      %get3A_2503 = arith.constant 0 : index
      %get3A_2504 = tpu.vector_load %arg12[%get3A_2502, %get3A_2503] {strides = array<i32>} : memref<128x16xf32, #tpu.memory_space<vmem>>, vector<1x16xf32>,
      %get3A_2505 = vector.shape_cast %get3A_2504 : vector<1x16xf32> to vector<16xf32>
      %slice3A_2506 = vector.extract_strided_slice %get3A_2335 {offsets = [11], sizes = [1], strides = [1]} : vector<16xf32> to vector<1xf32>
      %squeeze3A_2507 = vector.extract %slice3A_2506[0] : f32 from vector<1xf32>
      %mul3A_2508 = vector.broadcast %squeeze3A_2507 : f32 to vector<16xf32>
      %mul3A_2509 = arith.mulf %get3A_2505, %mul3A_2508 : vector<16xf32>
      %swap3A_2510 = arith.constant 27 : i32
      %swap3A_2511 = arith.index_cast %swap3A_2510 : i32 to index
      %swap3A_2512 = arith.constant 0 : index
      %swap3A_2513 = tpu.vector_load %arg14[%swap3A_2511, %swap3A_2512] {strides = array<i32>} : memref<128x16xf32, #tpu.memory_space<vmem>>, vector<1x16xf32>,
      %swap3A_2514 = vector.shape_cast %swap3A_2513 : vector<1x16xf32> to vector<16xf32>
      %swap3A_2515 = vector.shape_cast %mul3A_2509 : vector<16xf32> to vector<1x16xf32>
      tpu.vector_store %arg14[%swap3A_2511, %swap3A_2512], %swap3A_2515 {strides = array<i32>} : memref<128x16xf32, #tpu.memory_space<vmem>>, vector<1x16xf32>,
      %get3A_2516 = arith.constant 28 : i32
      %get3A_2517 = arith.index_cast %get3A_2516 : i32 to index
      %get3A_2518 = arith.constant 0 : index
      %get3A_2519 = tpu.vector_load %arg12[%get3A_2517, %get3A_2518] {strides = array<i32>} : memref<128x16xf32, #tpu.memory_space<vmem>>, vector<1x16xf32>,
      %get3A_2520 = vector.shape_cast %get3A_2519 : vector<1x16xf32> to vector<16xf32>
      %slice3A_2521 = vector.extract_strided_slice %get3A_2335 {offsets = [12], sizes = [1], strides = [1]} : vector<16xf32> to vector<1xf32>
      %squeeze3A_2522 = vector.extract %slice3A_2521[0] : f32 from vector<1xf32>
      %mul3A_2523 = vector.broadcast %squeeze3A_2522 : f32 to vector<16xf32>
      %mul3A_2524 = arith.mulf %get3A_2520, %mul3A_2523 : vector<16xf32>
      %swap3A_2525 = arith.constant 28 : i32
      %swap3A_2526 = arith.index_cast %swap3A_2525 : i32 to index
      %swap3A_2527 = arith.constant 0 : index
      %swap3A_2528 = tpu.vector_load %arg14[%swap3A_2526, %swap3A_2527] {strides = array<i32>} : memref<128x16xf32, #tpu.memory_space<vmem>>, vector<1x16xf32>,
      %swap3A_2529 = vector.shape_cast %swap3A_2528 : vector<1x16xf32> to vector<16xf32>
      %swap3A_2530 = vector.shape_cast %mul3A_2524 : vector<16xf32> to vector<1x16xf32>
      tpu.vector_store %arg14[%swap3A_2526, %swap3A_2527], %swap3A_2530 {strides = array<i32>} : memref<128x16xf32, #tpu.memory_space<vmem>>, vector<1x16xf32>,
      %get3A_2531 = arith.constant 29 : i32
      %get3A_2532 = arith.index_cast %get3A_2531 : i32 to index
      %get3A_2533 = arith.constant 0 : index
      %get3A_2534 = tpu.vector_load %arg12[%get3A_2532, %get3A_2533] {strides = array<i32>} : memref<128x16xf32, #tpu.memory_space<vmem>>, vector<1x16xf32>,
      %get3A_2535 = vector.shape_cast %get3A_2534 : vector<1x16xf32> to vector<16xf32>
      %slice3A_2536 = vector.extract_strided_slice %get3A_2335 {offsets = [13], sizes = [1], strides = [1]} : vector<16xf32> to vector<1xf32>
      %squeeze3A_2537 = vector.extract %slice3A_2536[0] : f32 from vector<1xf32>
      %mul3A_2538 = vector.broadcast %squeeze3A_2537 : f32 to vector<16xf32>
      %mul3A_2539 = arith.mulf %get3A_2535, %mul3A_2538 : vector<16xf32>
      %swap3A_2540 = arith.constant 29 : i32
      %swap3A_2541 = arith.index_cast %swap3A_2540 : i32 to index
      %swap3A_2542 = arith.constant 0 : index
      %swap3A_2543 = tpu.vector_load %arg14[%swap3A_2541, %swap3A_2542] {strides = array<i32>} : memref<128x16xf32, #tpu.memory_space<vmem>>, vector<1x16xf32>,
      %swap3A_2544 = vector.shape_cast %swap3A_2543 : vector<1x16xf32> to vector<16xf32>
      %swap3A_2545 = vector.shape_cast %mul3A_2539 : vector<16xf32> to vector<1x16xf32>
      tpu.vector_store %arg14[%swap3A_2541, %swap3A_2542], %swap3A_2545 {strides = array<i32>} : memref<128x16xf32, #tpu.memory_space<vmem>>, vector<1x16xf32>,
      %get3A_2546 = arith.constant 30 : i32
      %get3A_2547 = arith.index_cast %get3A_2546 : i32 to index
      %get3A_2548 = arith.constant 0 : index
      %get3A_2549 = tpu.vector_load %arg12[%get3A_2547, %get3A_2548] {strides = array<i32>} : memref<128x16xf32, #tpu.memory_space<vmem>>, vector<1x16xf32>,
      %get3A_2550 = vector.shape_cast %get3A_2549 : vector<1x16xf32> to vector<16xf32>
      %slice3A_2551 = vector.extract_strided_slice %get3A_2335 {offsets = [14], sizes = [1], strides = [1]} : vector<16xf32> to vector<1xf32>
      %squeeze3A_2552 = vector.extract %slice3A_2551[0] : f32 from vector<1xf32>
      %mul3A_2553 = vector.broadcast %squeeze3A_2552 : f32 to vector<16xf32>
      %mul3A_2554 = arith.mulf %get3A_2550, %mul3A_2553 : vector<16xf32>
      %swap3A_2555 = arith.constant 30 : i32
      %swap3A_2556 = arith.index_cast %swap3A_2555 : i32 to index
      %swap3A_2557 = arith.constant 0 : index
      %swap3A_2558 = tpu.vector_load %arg14[%swap3A_2556, %swap3A_2557] {strides = array<i32>} : memref<128x16xf32, #tpu.memory_space<vmem>>, vector<1x16xf32>,
      %swap3A_2559 = vector.shape_cast %swap3A_2558 : vector<1x16xf32> to vector<16xf32>
      %swap3A_2560 = vector.shape_cast %mul3A_2554 : vector<16xf32> to vector<1x16xf32>
      tpu.vector_store %arg14[%swap3A_2556, %swap3A_2557], %swap3A_2560 {strides = array<i32>} : memref<128x16xf32, #tpu.memory_space<vmem>>, vector<1x16xf32>,
      %get3A_2561 = arith.constant 31 : i32
      %get3A_2562 = arith.index_cast %get3A_2561 : i32 to index
      %get3A_2563 = arith.constant 0 : index
      %get3A_2564 = tpu.vector_load %arg12[%get3A_2562, %get3A_2563] {strides = array<i32>} : memref<128x16xf32, #tpu.memory_space<vmem>>, vector<1x16xf32>,
      %get3A_2565 = vector.shape_cast %get3A_2564 : vector<1x16xf32> to vector<16xf32>
      %slice3A_2566 = vector.extract_strided_slice %get3A_2335 {offsets = [15], sizes = [1], strides = [1]} : vector<16xf32> to vector<1xf32>
      %squeeze3A_2567 = vector.extract %slice3A_2566[0] : f32 from vector<1xf32>
      %mul3A_2568 = vector.broadcast %squeeze3A_2567 : f32 to vector<16xf32>
      %mul3A_2569 = arith.mulf %get3A_2565, %mul3A_2568 : vector<16xf32>
      %swap3A_2570 = arith.constant 31 : i32
      %swap3A_2571 = arith.index_cast %swap3A_2570 : i32 to index
      %swap3A_2572 = arith.constant 0 : index
      %swap3A_2573 = tpu.vector_load %arg14[%swap3A_2571, %swap3A_2572] {strides = array<i32>} : memref<128x16xf32, #tpu.memory_space<vmem>>, vector<1x16xf32>,
      %swap3A_2574 = vector.shape_cast %swap3A_2573 : vector<1x16xf32> to vector<16xf32>
      %swap3A_2575 = vector.shape_cast %mul3A_2569 : vector<16xf32> to vector<1x16xf32>
      tpu.vector_store %arg14[%swap3A_2571, %swap3A_2572], %swap3A_2575 {strides = array<i32>} : memref<128x16xf32, #tpu.memory_space<vmem>>, vector<1x16xf32>,
      %get3A_2576 = arith.index_cast %add3A_100 : i32 to index
      %get3A_2577 = arith.constant 32 : index
      %get3A_2578 = tpu.vector_load %arg10[%get3A_2576, %get3A_2577] {strides = array<i32>} : memref<66x128xf32, #tpu.memory_space<vmem>>, vector<1x16xf32>,
      %get3A_2579 = vector.shape_cast %get3A_2578 : vector<1x16xf32> to vector<16xf32>
      %get3A_2580 = arith.constant 32 : i32
      %get3A_2581 = arith.index_cast %get3A_2580 : i32 to index
      %get3A_2582 = arith.constant 0 : index
      %get3A_2583 = tpu.vector_load %arg12[%get3A_2581, %get3A_2582] {strides = array<i32>} : memref<128x16xf32, #tpu.memory_space<vmem>>, vector<1x16xf32>,
      %get3A_2584 = vector.shape_cast %get3A_2583 : vector<1x16xf32> to vector<16xf32>
      %slice3A_2585 = vector.extract_strided_slice %get3A_2579 {offsets = [0], sizes = [1], strides = [1]} : vector<16xf32> to vector<1xf32>
      %squeeze3A_2586 = vector.extract %slice3A_2585[0] : f32 from vector<1xf32>
      %mul3A_2587 = vector.broadcast %squeeze3A_2586 : f32 to vector<16xf32>
      %mul3A_2588 = arith.mulf %get3A_2584, %mul3A_2587 : vector<16xf32>
      %swap3A_2589 = arith.constant 32 : i32
      %swap3A_2590 = arith.index_cast %swap3A_2589 : i32 to index
      %swap3A_2591 = arith.constant 0 : index
      %swap3A_2592 = tpu.vector_load %arg14[%swap3A_2590, %swap3A_2591] {strides = array<i32>} : memref<128x16xf32, #tpu.memory_space<vmem>>, vector<1x16xf32>,
      %swap3A_2593 = vector.shape_cast %swap3A_2592 : vector<1x16xf32> to vector<16xf32>
      %swap3A_2594 = vector.shape_cast %mul3A_2588 : vector<16xf32> to vector<1x16xf32>
      tpu.vector_store %arg14[%swap3A_2590, %swap3A_2591], %swap3A_2594 {strides = array<i32>} : memref<128x16xf32, #tpu.memory_space<vmem>>, vector<1x16xf32>,
      %get3A_2595 = arith.constant 33 : i32
      %get3A_2596 = arith.index_cast %get3A_2595 : i32 to index
      %get3A_2597 = arith.constant 0 : index
      %get3A_2598 = tpu.vector_load %arg12[%get3A_2596, %get3A_2597] {strides = array<i32>} : memref<128x16xf32, #tpu.memory_space<vmem>>, vector<1x16xf32>,
      %get3A_2599 = vector.shape_cast %get3A_2598 : vector<1x16xf32> to vector<16xf32>
      %slice3A_2600 = vector.extract_strided_slice %get3A_2579 {offsets = [1], sizes = [1], strides = [1]} : vector<16xf32> to vector<1xf32>
      %squeeze3A_2601 = vector.extract %slice3A_2600[0] : f32 from vector<1xf32>
      %mul3A_2602 = vector.broadcast %squeeze3A_2601 : f32 to vector<16xf32>
      %mul3A_2603 = arith.mulf %get3A_2599, %mul3A_2602 : vector<16xf32>
      %swap3A_2604 = arith.constant 33 : i32
      %swap3A_2605 = arith.index_cast %swap3A_2604 : i32 to index
      %swap3A_2606 = arith.constant 0 : index
      %swap3A_2607 = tpu.vector_load %arg14[%swap3A_2605, %swap3A_2606] {strides = array<i32>} : memref<128x16xf32, #tpu.memory_space<vmem>>, vector<1x16xf32>,
      %swap3A_2608 = vector.shape_cast %swap3A_2607 : vector<1x16xf32> to vector<16xf32>
      %swap3A_2609 = vector.shape_cast %mul3A_2603 : vector<16xf32> to vector<1x16xf32>
      tpu.vector_store %arg14[%swap3A_2605, %swap3A_2606], %swap3A_2609 {strides = array<i32>} : memref<128x16xf32, #tpu.memory_space<vmem>>, vector<1x16xf32>,
      %get3A_2610 = arith.constant 34 : i32
      %get3A_2611 = arith.index_cast %get3A_2610 : i32 to index
      %get3A_2612 = arith.constant 0 : index
      %get3A_2613 = tpu.vector_load %arg12[%get3A_2611, %get3A_2612] {strides = array<i32>} : memref<128x16xf32, #tpu.memory_space<vmem>>, vector<1x16xf32>,
      %get3A_2614 = vector.shape_cast %get3A_2613 : vector<1x16xf32> to vector<16xf32>
      %slice3A_2615 = vector.extract_strided_slice %get3A_2579 {offsets = [2], sizes = [1], strides = [1]} : vector<16xf32> to vector<1xf32>
      %squeeze3A_2616 = vector.extract %slice3A_2615[0] : f32 from vector<1xf32>
      %mul3A_2617 = vector.broadcast %squeeze3A_2616 : f32 to vector<16xf32>
      %mul3A_2618 = arith.mulf %get3A_2614, %mul3A_2617 : vector<16xf32>
      %swap3A_2619 = arith.constant 34 : i32
      %swap3A_2620 = arith.index_cast %swap3A_2619 : i32 to index
      %swap3A_2621 = arith.constant 0 : index
      %swap3A_2622 = tpu.vector_load %arg14[%swap3A_2620, %swap3A_2621] {strides = array<i32>} : memref<128x16xf32, #tpu.memory_space<vmem>>, vector<1x16xf32>,
      %swap3A_2623 = vector.shape_cast %swap3A_2622 : vector<1x16xf32> to vector<16xf32>
      %swap3A_2624 = vector.shape_cast %mul3A_2618 : vector<16xf32> to vector<1x16xf32>
      tpu.vector_store %arg14[%swap3A_2620, %swap3A_2621], %swap3A_2624 {strides = array<i32>} : memref<128x16xf32, #tpu.memory_space<vmem>>, vector<1x16xf32>,
      %get3A_2625 = arith.constant 35 : i32
      %get3A_2626 = arith.index_cast %get3A_2625 : i32 to index
      %get3A_2627 = arith.constant 0 : index
      %get3A_2628 = tpu.vector_load %arg12[%get3A_2626, %get3A_2627] {strides = array<i32>} : memref<128x16xf32, #tpu.memory_space<vmem>>, vector<1x16xf32>,
      %get3A_2629 = vector.shape_cast %get3A_2628 : vector<1x16xf32> to vector<16xf32>
      %slice3A_2630 = vector.extract_strided_slice %get3A_2579 {offsets = [3], sizes = [1], strides = [1]} : vector<16xf32> to vector<1xf32>
      %squeeze3A_2631 = vector.extract %slice3A_2630[0] : f32 from vector<1xf32>
      %mul3A_2632 = vector.broadcast %squeeze3A_2631 : f32 to vector<16xf32>
      %mul3A_2633 = arith.mulf %get3A_2629, %mul3A_2632 : vector<16xf32>
      %swap3A_2634 = arith.constant 35 : i32
      %swap3A_2635 = arith.index_cast %swap3A_2634 : i32 to index
      %swap3A_2636 = arith.constant 0 : index
      %swap3A_2637 = tpu.vector_load %arg14[%swap3A_2635, %swap3A_2636] {strides = array<i32>} : memref<128x16xf32, #tpu.memory_space<vmem>>, vector<1x16xf32>,
      %swap3A_2638 = vector.shape_cast %swap3A_2637 : vector<1x16xf32> to vector<16xf32>
      %swap3A_2639 = vector.shape_cast %mul3A_2633 : vector<16xf32> to vector<1x16xf32>
      tpu.vector_store %arg14[%swap3A_2635, %swap3A_2636], %swap3A_2639 {strides = array<i32>} : memref<128x16xf32, #tpu.memory_space<vmem>>, vector<1x16xf32>,
      %get3A_2640 = arith.constant 36 : i32
      %get3A_2641 = arith.index_cast %get3A_2640 : i32 to index
      %get3A_2642 = arith.constant 0 : index
      %get3A_2643 = tpu.vector_load %arg12[%get3A_2641, %get3A_2642] {strides = array<i32>} : memref<128x16xf32, #tpu.memory_space<vmem>>, vector<1x16xf32>,
      %get3A_2644 = vector.shape_cast %get3A_2643 : vector<1x16xf32> to vector<16xf32>
      %slice3A_2645 = vector.extract_strided_slice %get3A_2579 {offsets = [4], sizes = [1], strides = [1]} : vector<16xf32> to vector<1xf32>
      %squeeze3A_2646 = vector.extract %slice3A_2645[0] : f32 from vector<1xf32>
      %mul3A_2647 = vector.broadcast %squeeze3A_2646 : f32 to vector<16xf32>
      %mul3A_2648 = arith.mulf %get3A_2644, %mul3A_2647 : vector<16xf32>
      %swap3A_2649 = arith.constant 36 : i32
      %swap3A_2650 = arith.index_cast %swap3A_2649 : i32 to index
      %swap3A_2651 = arith.constant 0 : index
      %swap3A_2652 = tpu.vector_load %arg14[%swap3A_2650, %swap3A_2651] {strides = array<i32>} : memref<128x16xf32, #tpu.memory_space<vmem>>, vector<1x16xf32>,
      %swap3A_2653 = vector.shape_cast %swap3A_2652 : vector<1x16xf32> to vector<16xf32>
      %swap3A_2654 = vector.shape_cast %mul3A_2648 : vector<16xf32> to vector<1x16xf32>
      tpu.vector_store %arg14[%swap3A_2650, %swap3A_2651], %swap3A_2654 {strides = array<i32>} : memref<128x16xf32, #tpu.memory_space<vmem>>, vector<1x16xf32>,
      %get3A_2655 = arith.constant 37 : i32
      %get3A_2656 = arith.index_cast %get3A_2655 : i32 to index
      %get3A_2657 = arith.constant 0 : index
      %get3A_2658 = tpu.vector_load %arg12[%get3A_2656, %get3A_2657] {strides = array<i32>} : memref<128x16xf32, #tpu.memory_space<vmem>>, vector<1x16xf32>,
      %get3A_2659 = vector.shape_cast %get3A_2658 : vector<1x16xf32> to vector<16xf32>
      %slice3A_2660 = vector.extract_strided_slice %get3A_2579 {offsets = [5], sizes = [1], strides = [1]} : vector<16xf32> to vector<1xf32>
      %squeeze3A_2661 = vector.extract %slice3A_2660[0] : f32 from vector<1xf32>
      %mul3A_2662 = vector.broadcast %squeeze3A_2661 : f32 to vector<16xf32>
      %mul3A_2663 = arith.mulf %get3A_2659, %mul3A_2662 : vector<16xf32>
      %swap3A_2664 = arith.constant 37 : i32
      %swap3A_2665 = arith.index_cast %swap3A_2664 : i32 to index
      %swap3A_2666 = arith.constant 0 : index
      %swap3A_2667 = tpu.vector_load %arg14[%swap3A_2665, %swap3A_2666] {strides = array<i32>} : memref<128x16xf32, #tpu.memory_space<vmem>>, vector<1x16xf32>,
      %swap3A_2668 = vector.shape_cast %swap3A_2667 : vector<1x16xf32> to vector<16xf32>
      %swap3A_2669 = vector.shape_cast %mul3A_2663 : vector<16xf32> to vector<1x16xf32>
      tpu.vector_store %arg14[%swap3A_2665, %swap3A_2666], %swap3A_2669 {strides = array<i32>} : memref<128x16xf32, #tpu.memory_space<vmem>>, vector<1x16xf32>,
      %get3A_2670 = arith.constant 38 : i32
      %get3A_2671 = arith.index_cast %get3A_2670 : i32 to index
      %get3A_2672 = arith.constant 0 : index
      %get3A_2673 = tpu.vector_load %arg12[%get3A_2671, %get3A_2672] {strides = array<i32>} : memref<128x16xf32, #tpu.memory_space<vmem>>, vector<1x16xf32>,
      %get3A_2674 = vector.shape_cast %get3A_2673 : vector<1x16xf32> to vector<16xf32>
      %slice3A_2675 = vector.extract_strided_slice %get3A_2579 {offsets = [6], sizes = [1], strides = [1]} : vector<16xf32> to vector<1xf32>
      %squeeze3A_2676 = vector.extract %slice3A_2675[0] : f32 from vector<1xf32>
      %mul3A_2677 = vector.broadcast %squeeze3A_2676 : f32 to vector<16xf32>
      %mul3A_2678 = arith.mulf %get3A_2674, %mul3A_2677 : vector<16xf32>
      %swap3A_2679 = arith.constant 38 : i32
      %swap3A_2680 = arith.index_cast %swap3A_2679 : i32 to index
      %swap3A_2681 = arith.constant 0 : index
      %swap3A_2682 = tpu.vector_load %arg14[%swap3A_2680, %swap3A_2681] {strides = array<i32>} : memref<128x16xf32, #tpu.memory_space<vmem>>, vector<1x16xf32>,
      %swap3A_2683 = vector.shape_cast %swap3A_2682 : vector<1x16xf32> to vector<16xf32>
      %swap3A_2684 = vector.shape_cast %mul3A_2678 : vector<16xf32> to vector<1x16xf32>
      tpu.vector_store %arg14[%swap3A_2680, %swap3A_2681], %swap3A_2684 {strides = array<i32>} : memref<128x16xf32, #tpu.memory_space<vmem>>, vector<1x16xf32>,
      %get3A_2685 = arith.constant 39 : i32
      %get3A_2686 = arith.index_cast %get3A_2685 : i32 to index
      %get3A_2687 = arith.constant 0 : index
      %get3A_2688 = tpu.vector_load %arg12[%get3A_2686, %get3A_2687] {strides = array<i32>} : memref<128x16xf32, #tpu.memory_space<vmem>>, vector<1x16xf32>,
      %get3A_2689 = vector.shape_cast %get3A_2688 : vector<1x16xf32> to vector<16xf32>
      %slice3A_2690 = vector.extract_strided_slice %get3A_2579 {offsets = [7], sizes = [1], strides = [1]} : vector<16xf32> to vector<1xf32>
      %squeeze3A_2691 = vector.extract %slice3A_2690[0] : f32 from vector<1xf32>
      %mul3A_2692 = vector.broadcast %squeeze3A_2691 : f32 to vector<16xf32>
      %mul3A_2693 = arith.mulf %get3A_2689, %mul3A_2692 : vector<16xf32>
      %swap3A_2694 = arith.constant 39 : i32
      %swap3A_2695 = arith.index_cast %swap3A_2694 : i32 to index
      %swap3A_2696 = arith.constant 0 : index
      %swap3A_2697 = tpu.vector_load %arg14[%swap3A_2695, %swap3A_2696] {strides = array<i32>} : memref<128x16xf32, #tpu.memory_space<vmem>>, vector<1x16xf32>,
      %swap3A_2698 = vector.shape_cast %swap3A_2697 : vector<1x16xf32> to vector<16xf32>
      %swap3A_2699 = vector.shape_cast %mul3A_2693 : vector<16xf32> to vector<1x16xf32>
      tpu.vector_store %arg14[%swap3A_2695, %swap3A_2696], %swap3A_2699 {strides = array<i32>} : memref<128x16xf32, #tpu.memory_space<vmem>>, vector<1x16xf32>,
      %get3A_2700 = arith.constant 40 : i32
      %get3A_2701 = arith.index_cast %get3A_2700 : i32 to index
      %get3A_2702 = arith.constant 0 : index
      %get3A_2703 = tpu.vector_load %arg12[%get3A_2701, %get3A_2702] {strides = array<i32>} : memref<128x16xf32, #tpu.memory_space<vmem>>, vector<1x16xf32>,
      %get3A_2704 = vector.shape_cast %get3A_2703 : vector<1x16xf32> to vector<16xf32>
      %slice3A_2705 = vector.extract_strided_slice %get3A_2579 {offsets = [8], sizes = [1], strides = [1]} : vector<16xf32> to vector<1xf32>
      %squeeze3A_2706 = vector.extract %slice3A_2705[0] : f32 from vector<1xf32>
      %mul3A_2707 = vector.broadcast %squeeze3A_2706 : f32 to vector<16xf32>
      %mul3A_2708 = arith.mulf %get3A_2704, %mul3A_2707 : vector<16xf32>
      %swap3A_2709 = arith.constant 40 : i32
      %swap3A_2710 = arith.index_cast %swap3A_2709 : i32 to index
      %swap3A_2711 = arith.constant 0 : index
      %swap3A_2712 = tpu.vector_load %arg14[%swap3A_2710, %swap3A_2711] {strides = array<i32>} : memref<128x16xf32, #tpu.memory_space<vmem>>, vector<1x16xf32>,
      %swap3A_2713 = vector.shape_cast %swap3A_2712 : vector<1x16xf32> to vector<16xf32>
      %swap3A_2714 = vector.shape_cast %mul3A_2708 : vector<16xf32> to vector<1x16xf32>
      tpu.vector_store %arg14[%swap3A_2710, %swap3A_2711], %swap3A_2714 {strides = array<i32>} : memref<128x16xf32, #tpu.memory_space<vmem>>, vector<1x16xf32>,
      %get3A_2715 = arith.constant 41 : i32
      %get3A_2716 = arith.index_cast %get3A_2715 : i32 to index
      %get3A_2717 = arith.constant 0 : index
      %get3A_2718 = tpu.vector_load %arg12[%get3A_2716, %get3A_2717] {strides = array<i32>} : memref<128x16xf32, #tpu.memory_space<vmem>>, vector<1x16xf32>,
      %get3A_2719 = vector.shape_cast %get3A_2718 : vector<1x16xf32> to vector<16xf32>
      %slice3A_2720 = vector.extract_strided_slice %get3A_2579 {offsets = [9], sizes = [1], strides = [1]} : vector<16xf32> to vector<1xf32>
      %squeeze3A_2721 = vector.extract %slice3A_2720[0] : f32 from vector<1xf32>
      %mul3A_2722 = vector.broadcast %squeeze3A_2721 : f32 to vector<16xf32>
      %mul3A_2723 = arith.mulf %get3A_2719, %mul3A_2722 : vector<16xf32>
      %swap3A_2724 = arith.constant 41 : i32
      %swap3A_2725 = arith.index_cast %swap3A_2724 : i32 to index
      %swap3A_2726 = arith.constant 0 : index
      %swap3A_2727 = tpu.vector_load %arg14[%swap3A_2725, %swap3A_2726] {strides = array<i32>} : memref<128x16xf32, #tpu.memory_space<vmem>>, vector<1x16xf32>,
      %swap3A_2728 = vector.shape_cast %swap3A_2727 : vector<1x16xf32> to vector<16xf32>
      %swap3A_2729 = vector.shape_cast %mul3A_2723 : vector<16xf32> to vector<1x16xf32>
      tpu.vector_store %arg14[%swap3A_2725, %swap3A_2726], %swap3A_2729 {strides = array<i32>} : memref<128x16xf32, #tpu.memory_space<vmem>>, vector<1x16xf32>,
      %get3A_2730 = arith.constant 42 : i32
      %get3A_2731 = arith.index_cast %get3A_2730 : i32 to index
      %get3A_2732 = arith.constant 0 : index
      %get3A_2733 = tpu.vector_load %arg12[%get3A_2731, %get3A_2732] {strides = array<i32>} : memref<128x16xf32, #tpu.memory_space<vmem>>, vector<1x16xf32>,
      %get3A_2734 = vector.shape_cast %get3A_2733 : vector<1x16xf32> to vector<16xf32>
      %slice3A_2735 = vector.extract_strided_slice %get3A_2579 {offsets = [10], sizes = [1], strides = [1]} : vector<16xf32> to vector<1xf32>
      %squeeze3A_2736 = vector.extract %slice3A_2735[0] : f32 from vector<1xf32>
      %mul3A_2737 = vector.broadcast %squeeze3A_2736 : f32 to vector<16xf32>
      %mul3A_2738 = arith.mulf %get3A_2734, %mul3A_2737 : vector<16xf32>
      %swap3A_2739 = arith.constant 42 : i32
      %swap3A_2740 = arith.index_cast %swap3A_2739 : i32 to index
      %swap3A_2741 = arith.constant 0 : index
      %swap3A_2742 = tpu.vector_load %arg14[%swap3A_2740, %swap3A_2741] {strides = array<i32>} : memref<128x16xf32, #tpu.memory_space<vmem>>, vector<1x16xf32>,
      %swap3A_2743 = vector.shape_cast %swap3A_2742 : vector<1x16xf32> to vector<16xf32>
      %swap3A_2744 = vector.shape_cast %mul3A_2738 : vector<16xf32> to vector<1x16xf32>
      tpu.vector_store %arg14[%swap3A_2740, %swap3A_2741], %swap3A_2744 {strides = array<i32>} : memref<128x16xf32, #tpu.memory_space<vmem>>, vector<1x16xf32>,
      %get3A_2745 = arith.constant 43 : i32
      %get3A_2746 = arith.index_cast %get3A_2745 : i32 to index
      %get3A_2747 = arith.constant 0 : index
      %get3A_2748 = tpu.vector_load %arg12[%get3A_2746, %get3A_2747] {strides = array<i32>} : memref<128x16xf32, #tpu.memory_space<vmem>>, vector<1x16xf32>,
      %get3A_2749 = vector.shape_cast %get3A_2748 : vector<1x16xf32> to vector<16xf32>
      %slice3A_2750 = vector.extract_strided_slice %get3A_2579 {offsets = [11], sizes = [1], strides = [1]} : vector<16xf32> to vector<1xf32>
      %squeeze3A_2751 = vector.extract %slice3A_2750[0] : f32 from vector<1xf32>
      %mul3A_2752 = vector.broadcast %squeeze3A_2751 : f32 to vector<16xf32>
      %mul3A_2753 = arith.mulf %get3A_2749, %mul3A_2752 : vector<16xf32>
      %swap3A_2754 = arith.constant 43 : i32
      %swap3A_2755 = arith.index_cast %swap3A_2754 : i32 to index
      %swap3A_2756 = arith.constant 0 : index
      %swap3A_2757 = tpu.vector_load %arg14[%swap3A_2755, %swap3A_2756] {strides = array<i32>} : memref<128x16xf32, #tpu.memory_space<vmem>>, vector<1x16xf32>,
      %swap3A_2758 = vector.shape_cast %swap3A_2757 : vector<1x16xf32> to vector<16xf32>
      %swap3A_2759 = vector.shape_cast %mul3A_2753 : vector<16xf32> to vector<1x16xf32>
      tpu.vector_store %arg14[%swap3A_2755, %swap3A_2756], %swap3A_2759 {strides = array<i32>} : memref<128x16xf32, #tpu.memory_space<vmem>>, vector<1x16xf32>,
      %get3A_2760 = arith.constant 44 : i32
      %get3A_2761 = arith.index_cast %get3A_2760 : i32 to index
      %get3A_2762 = arith.constant 0 : index
      %get3A_2763 = tpu.vector_load %arg12[%get3A_2761, %get3A_2762] {strides = array<i32>} : memref<128x16xf32, #tpu.memory_space<vmem>>, vector<1x16xf32>,
      %get3A_2764 = vector.shape_cast %get3A_2763 : vector<1x16xf32> to vector<16xf32>
      %slice3A_2765 = vector.extract_strided_slice %get3A_2579 {offsets = [12], sizes = [1], strides = [1]} : vector<16xf32> to vector<1xf32>
      %squeeze3A_2766 = vector.extract %slice3A_2765[0] : f32 from vector<1xf32>
      %mul3A_2767 = vector.broadcast %squeeze3A_2766 : f32 to vector<16xf32>
      %mul3A_2768 = arith.mulf %get3A_2764, %mul3A_2767 : vector<16xf32>
      %swap3A_2769 = arith.constant 44 : i32
      %swap3A_2770 = arith.index_cast %swap3A_2769 : i32 to index
      %swap3A_2771 = arith.constant 0 : index
      %swap3A_2772 = tpu.vector_load %arg14[%swap3A_2770, %swap3A_2771] {strides = array<i32>} : memref<128x16xf32, #tpu.memory_space<vmem>>, vector<1x16xf32>,
      %swap3A_2773 = vector.shape_cast %swap3A_2772 : vector<1x16xf32> to vector<16xf32>
      %swap3A_2774 = vector.shape_cast %mul3A_2768 : vector<16xf32> to vector<1x16xf32>
      tpu.vector_store %arg14[%swap3A_2770, %swap3A_2771], %swap3A_2774 {strides = array<i32>} : memref<128x16xf32, #tpu.memory_space<vmem>>, vector<1x16xf32>,
      %get3A_2775 = arith.constant 45 : i32
      %get3A_2776 = arith.index_cast %get3A_2775 : i32 to index
      %get3A_2777 = arith.constant 0 : index
      %get3A_2778 = tpu.vector_load %arg12[%get3A_2776, %get3A_2777] {strides = array<i32>} : memref<128x16xf32, #tpu.memory_space<vmem>>, vector<1x16xf32>,
      %get3A_2779 = vector.shape_cast %get3A_2778 : vector<1x16xf32> to vector<16xf32>
      %slice3A_2780 = vector.extract_strided_slice %get3A_2579 {offsets = [13], sizes = [1], strides = [1]} : vector<16xf32> to vector<1xf32>
      %squeeze3A_2781 = vector.extract %slice3A_2780[0] : f32 from vector<1xf32>
      %mul3A_2782 = vector.broadcast %squeeze3A_2781 : f32 to vector<16xf32>
      %mul3A_2783 = arith.mulf %get3A_2779, %mul3A_2782 : vector<16xf32>
      %swap3A_2784 = arith.constant 45 : i32
      %swap3A_2785 = arith.index_cast %swap3A_2784 : i32 to index
      %swap3A_2786 = arith.constant 0 : index
      %swap3A_2787 = tpu.vector_load %arg14[%swap3A_2785, %swap3A_2786] {strides = array<i32>} : memref<128x16xf32, #tpu.memory_space<vmem>>, vector<1x16xf32>,
      %swap3A_2788 = vector.shape_cast %swap3A_2787 : vector<1x16xf32> to vector<16xf32>
      %swap3A_2789 = vector.shape_cast %mul3A_2783 : vector<16xf32> to vector<1x16xf32>
      tpu.vector_store %arg14[%swap3A_2785, %swap3A_2786], %swap3A_2789 {strides = array<i32>} : memref<128x16xf32, #tpu.memory_space<vmem>>, vector<1x16xf32>,
      %get3A_2790 = arith.constant 46 : i32
      %get3A_2791 = arith.index_cast %get3A_2790 : i32 to index
      %get3A_2792 = arith.constant 0 : index
      %get3A_2793 = tpu.vector_load %arg12[%get3A_2791, %get3A_2792] {strides = array<i32>} : memref<128x16xf32, #tpu.memory_space<vmem>>, vector<1x16xf32>,
      %get3A_2794 = vector.shape_cast %get3A_2793 : vector<1x16xf32> to vector<16xf32>
      %slice3A_2795 = vector.extract_strided_slice %get3A_2579 {offsets = [14], sizes = [1], strides = [1]} : vector<16xf32> to vector<1xf32>
      %squeeze3A_2796 = vector.extract %slice3A_2795[0] : f32 from vector<1xf32>
      %mul3A_2797 = vector.broadcast %squeeze3A_2796 : f32 to vector<16xf32>
      %mul3A_2798 = arith.mulf %get3A_2794, %mul3A_2797 : vector<16xf32>
      %swap3A_2799 = arith.constant 46 : i32
      %swap3A_2800 = arith.index_cast %swap3A_2799 : i32 to index
      %swap3A_2801 = arith.constant 0 : index
      %swap3A_2802 = tpu.vector_load %arg14[%swap3A_2800, %swap3A_2801] {strides = array<i32>} : memref<128x16xf32, #tpu.memory_space<vmem>>, vector<1x16xf32>,
      %swap3A_2803 = vector.shape_cast %swap3A_2802 : vector<1x16xf32> to vector<16xf32>
      %swap3A_2804 = vector.shape_cast %mul3A_2798 : vector<16xf32> to vector<1x16xf32>
      tpu.vector_store %arg14[%swap3A_2800, %swap3A_2801], %swap3A_2804 {strides = array<i32>} : memref<128x16xf32, #tpu.memory_space<vmem>>, vector<1x16xf32>,
      %get3A_2805 = arith.constant 47 : i32
      %get3A_2806 = arith.index_cast %get3A_2805 : i32 to index
      %get3A_2807 = arith.constant 0 : index
      %get3A_2808 = tpu.vector_load %arg12[%get3A_2806, %get3A_2807] {strides = array<i32>} : memref<128x16xf32, #tpu.memory_space<vmem>>, vector<1x16xf32>,
      %get3A_2809 = vector.shape_cast %get3A_2808 : vector<1x16xf32> to vector<16xf32>
      %slice3A_2810 = vector.extract_strided_slice %get3A_2579 {offsets = [15], sizes = [1], strides = [1]} : vector<16xf32> to vector<1xf32>
      %squeeze3A_2811 = vector.extract %slice3A_2810[0] : f32 from vector<1xf32>
      %mul3A_2812 = vector.broadcast %squeeze3A_2811 : f32 to vector<16xf32>
      %mul3A_2813 = arith.mulf %get3A_2809, %mul3A_2812 : vector<16xf32>
      %swap3A_2814 = arith.constant 47 : i32
      %swap3A_2815 = arith.index_cast %swap3A_2814 : i32 to index
      %swap3A_2816 = arith.constant 0 : index
      %swap3A_2817 = tpu.vector_load %arg14[%swap3A_2815, %swap3A_2816] {strides = array<i32>} : memref<128x16xf32, #tpu.memory_space<vmem>>, vector<1x16xf32>,
      %swap3A_2818 = vector.shape_cast %swap3A_2817 : vector<1x16xf32> to vector<16xf32>
      %swap3A_2819 = vector.shape_cast %mul3A_2813 : vector<16xf32> to vector<1x16xf32>
      tpu.vector_store %arg14[%swap3A_2815, %swap3A_2816], %swap3A_2819 {strides = array<i32>} : memref<128x16xf32, #tpu.memory_space<vmem>>, vector<1x16xf32>,
      %get3A_2820 = arith.index_cast %add3A_100 : i32 to index
      %get3A_2821 = arith.constant 48 : index
      %get3A_2822 = tpu.vector_load %arg10[%get3A_2820, %get3A_2821] {strides = array<i32>} : memref<66x128xf32, #tpu.memory_space<vmem>>, vector<1x16xf32>,
      %get3A_2823 = vector.shape_cast %get3A_2822 : vector<1x16xf32> to vector<16xf32>
      %get3A_2824 = arith.constant 48 : i32
      %get3A_2825 = arith.index_cast %get3A_2824 : i32 to index
      %get3A_2826 = arith.constant 0 : index
      %get3A_2827 = tpu.vector_load %arg12[%get3A_2825, %get3A_2826] {strides = array<i32>} : memref<128x16xf32, #tpu.memory_space<vmem>>, vector<1x16xf32>,
      %get3A_2828 = vector.shape_cast %get3A_2827 : vector<1x16xf32> to vector<16xf32>
      %slice3A_2829 = vector.extract_strided_slice %get3A_2823 {offsets = [0], sizes = [1], strides = [1]} : vector<16xf32> to vector<1xf32>
      %squeeze3A_2830 = vector.extract %slice3A_2829[0] : f32 from vector<1xf32>
      %mul3A_2831 = vector.broadcast %squeeze3A_2830 : f32 to vector<16xf32>
      %mul3A_2832 = arith.mulf %get3A_2828, %mul3A_2831 : vector<16xf32>
      %swap3A_2833 = arith.constant 48 : i32
      %swap3A_2834 = arith.index_cast %swap3A_2833 : i32 to index
      %swap3A_2835 = arith.constant 0 : index
      %swap3A_2836 = tpu.vector_load %arg14[%swap3A_2834, %swap3A_2835] {strides = array<i32>} : memref<128x16xf32, #tpu.memory_space<vmem>>, vector<1x16xf32>,
      %swap3A_2837 = vector.shape_cast %swap3A_2836 : vector<1x16xf32> to vector<16xf32>
      %swap3A_2838 = vector.shape_cast %mul3A_2832 : vector<16xf32> to vector<1x16xf32>
      tpu.vector_store %arg14[%swap3A_2834, %swap3A_2835], %swap3A_2838 {strides = array<i32>} : memref<128x16xf32, #tpu.memory_space<vmem>>, vector<1x16xf32>,
      %get3A_2839 = arith.constant 49 : i32
      %get3A_2840 = arith.index_cast %get3A_2839 : i32 to index
      %get3A_2841 = arith.constant 0 : index
      %get3A_2842 = tpu.vector_load %arg12[%get3A_2840, %get3A_2841] {strides = array<i32>} : memref<128x16xf32, #tpu.memory_space<vmem>>, vector<1x16xf32>,
      %get3A_2843 = vector.shape_cast %get3A_2842 : vector<1x16xf32> to vector<16xf32>
      %slice3A_2844 = vector.extract_strided_slice %get3A_2823 {offsets = [1], sizes = [1], strides = [1]} : vector<16xf32> to vector<1xf32>
      %squeeze3A_2845 = vector.extract %slice3A_2844[0] : f32 from vector<1xf32>
      %mul3A_2846 = vector.broadcast %squeeze3A_2845 : f32 to vector<16xf32>
      %mul3A_2847 = arith.mulf %get3A_2843, %mul3A_2846 : vector<16xf32>
      %swap3A_2848 = arith.constant 49 : i32
      %swap3A_2849 = arith.index_cast %swap3A_2848 : i32 to index
      %swap3A_2850 = arith.constant 0 : index
      %swap3A_2851 = tpu.vector_load %arg14[%swap3A_2849, %swap3A_2850] {strides = array<i32>} : memref<128x16xf32, #tpu.memory_space<vmem>>, vector<1x16xf32>,
      %swap3A_2852 = vector.shape_cast %swap3A_2851 : vector<1x16xf32> to vector<16xf32>
      %swap3A_2853 = vector.shape_cast %mul3A_2847 : vector<16xf32> to vector<1x16xf32>
      tpu.vector_store %arg14[%swap3A_2849, %swap3A_2850], %swap3A_2853 {strides = array<i32>} : memref<128x16xf32, #tpu.memory_space<vmem>>, vector<1x16xf32>,
      %get3A_2854 = arith.constant 50 : i32
      %get3A_2855 = arith.index_cast %get3A_2854 : i32 to index
      %get3A_2856 = arith.constant 0 : index
      %get3A_2857 = tpu.vector_load %arg12[%get3A_2855, %get3A_2856] {strides = array<i32>} : memref<128x16xf32, #tpu.memory_space<vmem>>, vector<1x16xf32>,
      %get3A_2858 = vector.shape_cast %get3A_2857 : vector<1x16xf32> to vector<16xf32>
      %slice3A_2859 = vector.extract_strided_slice %get3A_2823 {offsets = [2], sizes = [1], strides = [1]} : vector<16xf32> to vector<1xf32>
      %squeeze3A_2860 = vector.extract %slice3A_2859[0] : f32 from vector<1xf32>
      %mul3A_2861 = vector.broadcast %squeeze3A_2860 : f32 to vector<16xf32>
      %mul3A_2862 = arith.mulf %get3A_2858, %mul3A_2861 : vector<16xf32>
      %swap3A_2863 = arith.constant 50 : i32
      %swap3A_2864 = arith.index_cast %swap3A_2863 : i32 to index
      %swap3A_2865 = arith.constant 0 : index
      %swap3A_2866 = tpu.vector_load %arg14[%swap3A_2864, %swap3A_2865] {strides = array<i32>} : memref<128x16xf32, #tpu.memory_space<vmem>>, vector<1x16xf32>,
      %swap3A_2867 = vector.shape_cast %swap3A_2866 : vector<1x16xf32> to vector<16xf32>
      %swap3A_2868 = vector.shape_cast %mul3A_2862 : vector<16xf32> to vector<1x16xf32>
      tpu.vector_store %arg14[%swap3A_2864, %swap3A_2865], %swap3A_2868 {strides = array<i32>} : memref<128x16xf32, #tpu.memory_space<vmem>>, vector<1x16xf32>,
      %get3A_2869 = arith.constant 51 : i32
      %get3A_2870 = arith.index_cast %get3A_2869 : i32 to index
      %get3A_2871 = arith.constant 0 : index
      %get3A_2872 = tpu.vector_load %arg12[%get3A_2870, %get3A_2871] {strides = array<i32>} : memref<128x16xf32, #tpu.memory_space<vmem>>, vector<1x16xf32>,
      %get3A_2873 = vector.shape_cast %get3A_2872 : vector<1x16xf32> to vector<16xf32>
      %slice3A_2874 = vector.extract_strided_slice %get3A_2823 {offsets = [3], sizes = [1], strides = [1]} : vector<16xf32> to vector<1xf32>
      %squeeze3A_2875 = vector.extract %slice3A_2874[0] : f32 from vector<1xf32>
      %mul3A_2876 = vector.broadcast %squeeze3A_2875 : f32 to vector<16xf32>
      %mul3A_2877 = arith.mulf %get3A_2873, %mul3A_2876 : vector<16xf32>
      %swap3A_2878 = arith.constant 51 : i32
      %swap3A_2879 = arith.index_cast %swap3A_2878 : i32 to index
      %swap3A_2880 = arith.constant 0 : index
      %swap3A_2881 = tpu.vector_load %arg14[%swap3A_2879, %swap3A_2880] {strides = array<i32>} : memref<128x16xf32, #tpu.memory_space<vmem>>, vector<1x16xf32>,
      %swap3A_2882 = vector.shape_cast %swap3A_2881 : vector<1x16xf32> to vector<16xf32>
      %swap3A_2883 = vector.shape_cast %mul3A_2877 : vector<16xf32> to vector<1x16xf32>
      tpu.vector_store %arg14[%swap3A_2879, %swap3A_2880], %swap3A_2883 {strides = array<i32>} : memref<128x16xf32, #tpu.memory_space<vmem>>, vector<1x16xf32>,
      %get3A_2884 = arith.constant 52 : i32
      %get3A_2885 = arith.index_cast %get3A_2884 : i32 to index
      %get3A_2886 = arith.constant 0 : index
      %get3A_2887 = tpu.vector_load %arg12[%get3A_2885, %get3A_2886] {strides = array<i32>} : memref<128x16xf32, #tpu.memory_space<vmem>>, vector<1x16xf32>,
      %get3A_2888 = vector.shape_cast %get3A_2887 : vector<1x16xf32> to vector<16xf32>
      %slice3A_2889 = vector.extract_strided_slice %get3A_2823 {offsets = [4], sizes = [1], strides = [1]} : vector<16xf32> to vector<1xf32>
      %squeeze3A_2890 = vector.extract %slice3A_2889[0] : f32 from vector<1xf32>
      %mul3A_2891 = vector.broadcast %squeeze3A_2890 : f32 to vector<16xf32>
      %mul3A_2892 = arith.mulf %get3A_2888, %mul3A_2891 : vector<16xf32>
      %swap3A_2893 = arith.constant 52 : i32
      %swap3A_2894 = arith.index_cast %swap3A_2893 : i32 to index
      %swap3A_2895 = arith.constant 0 : index
      %swap3A_2896 = tpu.vector_load %arg14[%swap3A_2894, %swap3A_2895] {strides = array<i32>} : memref<128x16xf32, #tpu.memory_space<vmem>>, vector<1x16xf32>,
      %swap3A_2897 = vector.shape_cast %swap3A_2896 : vector<1x16xf32> to vector<16xf32>
      %swap3A_2898 = vector.shape_cast %mul3A_2892 : vector<16xf32> to vector<1x16xf32>
      tpu.vector_store %arg14[%swap3A_2894, %swap3A_2895], %swap3A_2898 {strides = array<i32>} : memref<128x16xf32, #tpu.memory_space<vmem>>, vector<1x16xf32>,
      %get3A_2899 = arith.constant 53 : i32
      %get3A_2900 = arith.index_cast %get3A_2899 : i32 to index
      %get3A_2901 = arith.constant 0 : index
      %get3A_2902 = tpu.vector_load %arg12[%get3A_2900, %get3A_2901] {strides = array<i32>} : memref<128x16xf32, #tpu.memory_space<vmem>>, vector<1x16xf32>,
      %get3A_2903 = vector.shape_cast %get3A_2902 : vector<1x16xf32> to vector<16xf32>
      %slice3A_2904 = vector.extract_strided_slice %get3A_2823 {offsets = [5], sizes = [1], strides = [1]} : vector<16xf32> to vector<1xf32>
      %squeeze3A_2905 = vector.extract %slice3A_2904[0] : f32 from vector<1xf32>
      %mul3A_2906 = vector.broadcast %squeeze3A_2905 : f32 to vector<16xf32>
      %mul3A_2907 = arith.mulf %get3A_2903, %mul3A_2906 : vector<16xf32>
      %swap3A_2908 = arith.constant 53 : i32
      %swap3A_2909 = arith.index_cast %swap3A_2908 : i32 to index
      %swap3A_2910 = arith.constant 0 : index
      %swap3A_2911 = tpu.vector_load %arg14[%swap3A_2909, %swap3A_2910] {strides = array<i32>} : memref<128x16xf32, #tpu.memory_space<vmem>>, vector<1x16xf32>,
      %swap3A_2912 = vector.shape_cast %swap3A_2911 : vector<1x16xf32> to vector<16xf32>
      %swap3A_2913 = vector.shape_cast %mul3A_2907 : vector<16xf32> to vector<1x16xf32>
      tpu.vector_store %arg14[%swap3A_2909, %swap3A_2910], %swap3A_2913 {strides = array<i32>} : memref<128x16xf32, #tpu.memory_space<vmem>>, vector<1x16xf32>,
      %get3A_2914 = arith.constant 54 : i32
      %get3A_2915 = arith.index_cast %get3A_2914 : i32 to index
      %get3A_2916 = arith.constant 0 : index
      %get3A_2917 = tpu.vector_load %arg12[%get3A_2915, %get3A_2916] {strides = array<i32>} : memref<128x16xf32, #tpu.memory_space<vmem>>, vector<1x16xf32>,
      %get3A_2918 = vector.shape_cast %get3A_2917 : vector<1x16xf32> to vector<16xf32>
      %slice3A_2919 = vector.extract_strided_slice %get3A_2823 {offsets = [6], sizes = [1], strides = [1]} : vector<16xf32> to vector<1xf32>
      %squeeze3A_2920 = vector.extract %slice3A_2919[0] : f32 from vector<1xf32>
      %mul3A_2921 = vector.broadcast %squeeze3A_2920 : f32 to vector<16xf32>
      %mul3A_2922 = arith.mulf %get3A_2918, %mul3A_2921 : vector<16xf32>
      %swap3A_2923 = arith.constant 54 : i32
      %swap3A_2924 = arith.index_cast %swap3A_2923 : i32 to index
      %swap3A_2925 = arith.constant 0 : index
      %swap3A_2926 = tpu.vector_load %arg14[%swap3A_2924, %swap3A_2925] {strides = array<i32>} : memref<128x16xf32, #tpu.memory_space<vmem>>, vector<1x16xf32>,
      %swap3A_2927 = vector.shape_cast %swap3A_2926 : vector<1x16xf32> to vector<16xf32>
      %swap3A_2928 = vector.shape_cast %mul3A_2922 : vector<16xf32> to vector<1x16xf32>
      tpu.vector_store %arg14[%swap3A_2924, %swap3A_2925], %swap3A_2928 {strides = array<i32>} : memref<128x16xf32, #tpu.memory_space<vmem>>, vector<1x16xf32>,
      %get3A_2929 = arith.constant 55 : i32
      %get3A_2930 = arith.index_cast %get3A_2929 : i32 to index
      %get3A_2931 = arith.constant 0 : index
      %get3A_2932 = tpu.vector_load %arg12[%get3A_2930, %get3A_2931] {strides = array<i32>} : memref<128x16xf32, #tpu.memory_space<vmem>>, vector<1x16xf32>,
      %get3A_2933 = vector.shape_cast %get3A_2932 : vector<1x16xf32> to vector<16xf32>
      %slice3A_2934 = vector.extract_strided_slice %get3A_2823 {offsets = [7], sizes = [1], strides = [1]} : vector<16xf32> to vector<1xf32>
      %squeeze3A_2935 = vector.extract %slice3A_2934[0] : f32 from vector<1xf32>
      %mul3A_2936 = vector.broadcast %squeeze3A_2935 : f32 to vector<16xf32>
      %mul3A_2937 = arith.mulf %get3A_2933, %mul3A_2936 : vector<16xf32>
      %swap3A_2938 = arith.constant 55 : i32
      %swap3A_2939 = arith.index_cast %swap3A_2938 : i32 to index
      %swap3A_2940 = arith.constant 0 : index
      %swap3A_2941 = tpu.vector_load %arg14[%swap3A_2939, %swap3A_2940] {strides = array<i32>} : memref<128x16xf32, #tpu.memory_space<vmem>>, vector<1x16xf32>,
      %swap3A_2942 = vector.shape_cast %swap3A_2941 : vector<1x16xf32> to vector<16xf32>
      %swap3A_2943 = vector.shape_cast %mul3A_2937 : vector<16xf32> to vector<1x16xf32>
      tpu.vector_store %arg14[%swap3A_2939, %swap3A_2940], %swap3A_2943 {strides = array<i32>} : memref<128x16xf32, #tpu.memory_space<vmem>>, vector<1x16xf32>,
      %get3A_2944 = arith.constant 56 : i32
      %get3A_2945 = arith.index_cast %get3A_2944 : i32 to index
      %get3A_2946 = arith.constant 0 : index
      %get3A_2947 = tpu.vector_load %arg12[%get3A_2945, %get3A_2946] {strides = array<i32>} : memref<128x16xf32, #tpu.memory_space<vmem>>, vector<1x16xf32>,
      %get3A_2948 = vector.shape_cast %get3A_2947 : vector<1x16xf32> to vector<16xf32>
      %slice3A_2949 = vector.extract_strided_slice %get3A_2823 {offsets = [8], sizes = [1], strides = [1]} : vector<16xf32> to vector<1xf32>
      %squeeze3A_2950 = vector.extract %slice3A_2949[0] : f32 from vector<1xf32>
      %mul3A_2951 = vector.broadcast %squeeze3A_2950 : f32 to vector<16xf32>
      %mul3A_2952 = arith.mulf %get3A_2948, %mul3A_2951 : vector<16xf32>
      %swap3A_2953 = arith.constant 56 : i32
      %swap3A_2954 = arith.index_cast %swap3A_2953 : i32 to index
      %swap3A_2955 = arith.constant 0 : index
      %swap3A_2956 = tpu.vector_load %arg14[%swap3A_2954, %swap3A_2955] {strides = array<i32>} : memref<128x16xf32, #tpu.memory_space<vmem>>, vector<1x16xf32>,
      %swap3A_2957 = vector.shape_cast %swap3A_2956 : vector<1x16xf32> to vector<16xf32>
      %swap3A_2958 = vector.shape_cast %mul3A_2952 : vector<16xf32> to vector<1x16xf32>
      tpu.vector_store %arg14[%swap3A_2954, %swap3A_2955], %swap3A_2958 {strides = array<i32>} : memref<128x16xf32, #tpu.memory_space<vmem>>, vector<1x16xf32>,
      %get3A_2959 = arith.constant 57 : i32
      %get3A_2960 = arith.index_cast %get3A_2959 : i32 to index
      %get3A_2961 = arith.constant 0 : index
      %get3A_2962 = tpu.vector_load %arg12[%get3A_2960, %get3A_2961] {strides = array<i32>} : memref<128x16xf32, #tpu.memory_space<vmem>>, vector<1x16xf32>,
      %get3A_2963 = vector.shape_cast %get3A_2962 : vector<1x16xf32> to vector<16xf32>
      %slice3A_2964 = vector.extract_strided_slice %get3A_2823 {offsets = [9], sizes = [1], strides = [1]} : vector<16xf32> to vector<1xf32>
      %squeeze3A_2965 = vector.extract %slice3A_2964[0] : f32 from vector<1xf32>
      %mul3A_2966 = vector.broadcast %squeeze3A_2965 : f32 to vector<16xf32>
      %mul3A_2967 = arith.mulf %get3A_2963, %mul3A_2966 : vector<16xf32>
      %swap3A_2968 = arith.constant 57 : i32
      %swap3A_2969 = arith.index_cast %swap3A_2968 : i32 to index
      %swap3A_2970 = arith.constant 0 : index
      %swap3A_2971 = tpu.vector_load %arg14[%swap3A_2969, %swap3A_2970] {strides = array<i32>} : memref<128x16xf32, #tpu.memory_space<vmem>>, vector<1x16xf32>,
      %swap3A_2972 = vector.shape_cast %swap3A_2971 : vector<1x16xf32> to vector<16xf32>
      %swap3A_2973 = vector.shape_cast %mul3A_2967 : vector<16xf32> to vector<1x16xf32>
      tpu.vector_store %arg14[%swap3A_2969, %swap3A_2970], %swap3A_2973 {strides = array<i32>} : memref<128x16xf32, #tpu.memory_space<vmem>>, vector<1x16xf32>,
      %get3A_2974 = arith.constant 58 : i32
      %get3A_2975 = arith.index_cast %get3A_2974 : i32 to index
      %get3A_2976 = arith.constant 0 : index
      %get3A_2977 = tpu.vector_load %arg12[%get3A_2975, %get3A_2976] {strides = array<i32>} : memref<128x16xf32, #tpu.memory_space<vmem>>, vector<1x16xf32>,
      %get3A_2978 = vector.shape_cast %get3A_2977 : vector<1x16xf32> to vector<16xf32>
      %slice3A_2979 = vector.extract_strided_slice %get3A_2823 {offsets = [10], sizes = [1], strides = [1]} : vector<16xf32> to vector<1xf32>
      %squeeze3A_2980 = vector.extract %slice3A_2979[0] : f32 from vector<1xf32>
      %mul3A_2981 = vector.broadcast %squeeze3A_2980 : f32 to vector<16xf32>
      %mul3A_2982 = arith.mulf %get3A_2978, %mul3A_2981 : vector<16xf32>
      %swap3A_2983 = arith.constant 58 : i32
      %swap3A_2984 = arith.index_cast %swap3A_2983 : i32 to index
      %swap3A_2985 = arith.constant 0 : index
      %swap3A_2986 = tpu.vector_load %arg14[%swap3A_2984, %swap3A_2985] {strides = array<i32>} : memref<128x16xf32, #tpu.memory_space<vmem>>, vector<1x16xf32>,
      %swap3A_2987 = vector.shape_cast %swap3A_2986 : vector<1x16xf32> to vector<16xf32>
      %swap3A_2988 = vector.shape_cast %mul3A_2982 : vector<16xf32> to vector<1x16xf32>
      tpu.vector_store %arg14[%swap3A_2984, %swap3A_2985], %swap3A_2988 {strides = array<i32>} : memref<128x16xf32, #tpu.memory_space<vmem>>, vector<1x16xf32>,
      %get3A_2989 = arith.constant 59 : i32
      %get3A_2990 = arith.index_cast %get3A_2989 : i32 to index
      %get3A_2991 = arith.constant 0 : index
      %get3A_2992 = tpu.vector_load %arg12[%get3A_2990, %get3A_2991] {strides = array<i32>} : memref<128x16xf32, #tpu.memory_space<vmem>>, vector<1x16xf32>,
      %get3A_2993 = vector.shape_cast %get3A_2992 : vector<1x16xf32> to vector<16xf32>
      %slice3A_2994 = vector.extract_strided_slice %get3A_2823 {offsets = [11], sizes = [1], strides = [1]} : vector<16xf32> to vector<1xf32>
      %squeeze3A_2995 = vector.extract %slice3A_2994[0] : f32 from vector<1xf32>
      %mul3A_2996 = vector.broadcast %squeeze3A_2995 : f32 to vector<16xf32>
      %mul3A_2997 = arith.mulf %get3A_2993, %mul3A_2996 : vector<16xf32>
      %swap3A_2998 = arith.constant 59 : i32
      %swap3A_2999 = arith.index_cast %swap3A_2998 : i32 to index
      %swap3A_3000 = arith.constant 0 : index
      %swap3A_3001 = tpu.vector_load %arg14[%swap3A_2999, %swap3A_3000] {strides = array<i32>} : memref<128x16xf32, #tpu.memory_space<vmem>>, vector<1x16xf32>,
      %swap3A_3002 = vector.shape_cast %swap3A_3001 : vector<1x16xf32> to vector<16xf32>
      %swap3A_3003 = vector.shape_cast %mul3A_2997 : vector<16xf32> to vector<1x16xf32>
      tpu.vector_store %arg14[%swap3A_2999, %swap3A_3000], %swap3A_3003 {strides = array<i32>} : memref<128x16xf32, #tpu.memory_space<vmem>>, vector<1x16xf32>,
      %get3A_3004 = arith.constant 60 : i32
      %get3A_3005 = arith.index_cast %get3A_3004 : i32 to index
      %get3A_3006 = arith.constant 0 : index
      %get3A_3007 = tpu.vector_load %arg12[%get3A_3005, %get3A_3006] {strides = array<i32>} : memref<128x16xf32, #tpu.memory_space<vmem>>, vector<1x16xf32>,
      %get3A_3008 = vector.shape_cast %get3A_3007 : vector<1x16xf32> to vector<16xf32>
      %slice3A_3009 = vector.extract_strided_slice %get3A_2823 {offsets = [12], sizes = [1], strides = [1]} : vector<16xf32> to vector<1xf32>
      %squeeze3A_3010 = vector.extract %slice3A_3009[0] : f32 from vector<1xf32>
      %mul3A_3011 = vector.broadcast %squeeze3A_3010 : f32 to vector<16xf32>
      %mul3A_3012 = arith.mulf %get3A_3008, %mul3A_3011 : vector<16xf32>
      %swap3A_3013 = arith.constant 60 : i32
      %swap3A_3014 = arith.index_cast %swap3A_3013 : i32 to index
      %swap3A_3015 = arith.constant 0 : index
      %swap3A_3016 = tpu.vector_load %arg14[%swap3A_3014, %swap3A_3015] {strides = array<i32>} : memref<128x16xf32, #tpu.memory_space<vmem>>, vector<1x16xf32>,
      %swap3A_3017 = vector.shape_cast %swap3A_3016 : vector<1x16xf32> to vector<16xf32>
      %swap3A_3018 = vector.shape_cast %mul3A_3012 : vector<16xf32> to vector<1x16xf32>
      tpu.vector_store %arg14[%swap3A_3014, %swap3A_3015], %swap3A_3018 {strides = array<i32>} : memref<128x16xf32, #tpu.memory_space<vmem>>, vector<1x16xf32>,
      %get3A_3019 = arith.constant 61 : i32
      %get3A_3020 = arith.index_cast %get3A_3019 : i32 to index
      %get3A_3021 = arith.constant 0 : index
      %get3A_3022 = tpu.vector_load %arg12[%get3A_3020, %get3A_3021] {strides = array<i32>} : memref<128x16xf32, #tpu.memory_space<vmem>>, vector<1x16xf32>,
      %get3A_3023 = vector.shape_cast %get3A_3022 : vector<1x16xf32> to vector<16xf32>
      %slice3A_3024 = vector.extract_strided_slice %get3A_2823 {offsets = [13], sizes = [1], strides = [1]} : vector<16xf32> to vector<1xf32>
      %squeeze3A_3025 = vector.extract %slice3A_3024[0] : f32 from vector<1xf32>
      %mul3A_3026 = vector.broadcast %squeeze3A_3025 : f32 to vector<16xf32>
      %mul3A_3027 = arith.mulf %get3A_3023, %mul3A_3026 : vector<16xf32>
      %swap3A_3028 = arith.constant 61 : i32
      %swap3A_3029 = arith.index_cast %swap3A_3028 : i32 to index
      %swap3A_3030 = arith.constant 0 : index
      %swap3A_3031 = tpu.vector_load %arg14[%swap3A_3029, %swap3A_3030] {strides = array<i32>} : memref<128x16xf32, #tpu.memory_space<vmem>>, vector<1x16xf32>,
      %swap3A_3032 = vector.shape_cast %swap3A_3031 : vector<1x16xf32> to vector<16xf32>
      %swap3A_3033 = vector.shape_cast %mul3A_3027 : vector<16xf32> to vector<1x16xf32>
      tpu.vector_store %arg14[%swap3A_3029, %swap3A_3030], %swap3A_3033 {strides = array<i32>} : memref<128x16xf32, #tpu.memory_space<vmem>>, vector<1x16xf32>,
      %get3A_3034 = arith.constant 62 : i32
      %get3A_3035 = arith.index_cast %get3A_3034 : i32 to index
      %get3A_3036 = arith.constant 0 : index
      %get3A_3037 = tpu.vector_load %arg12[%get3A_3035, %get3A_3036] {strides = array<i32>} : memref<128x16xf32, #tpu.memory_space<vmem>>, vector<1x16xf32>,
      %get3A_3038 = vector.shape_cast %get3A_3037 : vector<1x16xf32> to vector<16xf32>
      %slice3A_3039 = vector.extract_strided_slice %get3A_2823 {offsets = [14], sizes = [1], strides = [1]} : vector<16xf32> to vector<1xf32>
      %squeeze3A_3040 = vector.extract %slice3A_3039[0] : f32 from vector<1xf32>
      %mul3A_3041 = vector.broadcast %squeeze3A_3040 : f32 to vector<16xf32>
      %mul3A_3042 = arith.mulf %get3A_3038, %mul3A_3041 : vector<16xf32>
      %swap3A_3043 = arith.constant 62 : i32
      %swap3A_3044 = arith.index_cast %swap3A_3043 : i32 to index
      %swap3A_3045 = arith.constant 0 : index
      %swap3A_3046 = tpu.vector_load %arg14[%swap3A_3044, %swap3A_3045] {strides = array<i32>} : memref<128x16xf32, #tpu.memory_space<vmem>>, vector<1x16xf32>,
      %swap3A_3047 = vector.shape_cast %swap3A_3046 : vector<1x16xf32> to vector<16xf32>
      %swap3A_3048 = vector.shape_cast %mul3A_3042 : vector<16xf32> to vector<1x16xf32>
      tpu.vector_store %arg14[%swap3A_3044, %swap3A_3045], %swap3A_3048 {strides = array<i32>} : memref<128x16xf32, #tpu.memory_space<vmem>>, vector<1x16xf32>,
      %get3A_3049 = arith.constant 63 : i32
      %get3A_3050 = arith.index_cast %get3A_3049 : i32 to index
      %get3A_3051 = arith.constant 0 : index
      %get3A_3052 = tpu.vector_load %arg12[%get3A_3050, %get3A_3051] {strides = array<i32>} : memref<128x16xf32, #tpu.memory_space<vmem>>, vector<1x16xf32>,
      %get3A_3053 = vector.shape_cast %get3A_3052 : vector<1x16xf32> to vector<16xf32>
      %slice3A_3054 = vector.extract_strided_slice %get3A_2823 {offsets = [15], sizes = [1], strides = [1]} : vector<16xf32> to vector<1xf32>
      %squeeze3A_3055 = vector.extract %slice3A_3054[0] : f32 from vector<1xf32>
      %mul3A_3056 = vector.broadcast %squeeze3A_3055 : f32 to vector<16xf32>
      %mul3A_3057 = arith.mulf %get3A_3053, %mul3A_3056 : vector<16xf32>
      %swap3A_3058 = arith.constant 63 : i32
      %swap3A_3059 = arith.index_cast %swap3A_3058 : i32 to index
      %swap3A_3060 = arith.constant 0 : index
      %swap3A_3061 = tpu.vector_load %arg14[%swap3A_3059, %swap3A_3060] {strides = array<i32>} : memref<128x16xf32, #tpu.memory_space<vmem>>, vector<1x16xf32>,
      %swap3A_3062 = vector.shape_cast %swap3A_3061 : vector<1x16xf32> to vector<16xf32>
      %swap3A_3063 = vector.shape_cast %mul3A_3057 : vector<16xf32> to vector<1x16xf32>
      tpu.vector_store %arg14[%swap3A_3059, %swap3A_3060], %swap3A_3063 {strides = array<i32>} : memref<128x16xf32, #tpu.memory_space<vmem>>, vector<1x16xf32>,
      %get3A_3064 = arith.index_cast %add3A_100 : i32 to index
      %get3A_3065 = arith.constant 64 : index
      %get3A_3066 = tpu.vector_load %arg10[%get3A_3064, %get3A_3065] {strides = array<i32>} : memref<66x128xf32, #tpu.memory_space<vmem>>, vector<1x16xf32>,
      %get3A_3067 = vector.shape_cast %get3A_3066 : vector<1x16xf32> to vector<16xf32>
      %get3A_3068 = arith.constant 64 : i32
      %get3A_3069 = arith.index_cast %get3A_3068 : i32 to index
      %get3A_3070 = arith.constant 0 : index
      %get3A_3071 = tpu.vector_load %arg12[%get3A_3069, %get3A_3070] {strides = array<i32>} : memref<128x16xf32, #tpu.memory_space<vmem>>, vector<1x16xf32>,
      %get3A_3072 = vector.shape_cast %get3A_3071 : vector<1x16xf32> to vector<16xf32>
      %slice3A_3073 = vector.extract_strided_slice %get3A_3067 {offsets = [0], sizes = [1], strides = [1]} : vector<16xf32> to vector<1xf32>
      %squeeze3A_3074 = vector.extract %slice3A_3073[0] : f32 from vector<1xf32>
      %mul3A_3075 = vector.broadcast %squeeze3A_3074 : f32 to vector<16xf32>
      %mul3A_3076 = arith.mulf %get3A_3072, %mul3A_3075 : vector<16xf32>
      %swap3A_3077 = arith.constant 64 : i32
      %swap3A_3078 = arith.index_cast %swap3A_3077 : i32 to index
      %swap3A_3079 = arith.constant 0 : index
      %swap3A_3080 = tpu.vector_load %arg14[%swap3A_3078, %swap3A_3079] {strides = array<i32>} : memref<128x16xf32, #tpu.memory_space<vmem>>, vector<1x16xf32>,
      %swap3A_3081 = vector.shape_cast %swap3A_3080 : vector<1x16xf32> to vector<16xf32>
      %swap3A_3082 = vector.shape_cast %mul3A_3076 : vector<16xf32> to vector<1x16xf32>
      tpu.vector_store %arg14[%swap3A_3078, %swap3A_3079], %swap3A_3082 {strides = array<i32>} : memref<128x16xf32, #tpu.memory_space<vmem>>, vector<1x16xf32>,
      %get3A_3083 = arith.constant 65 : i32
      %get3A_3084 = arith.index_cast %get3A_3083 : i32 to index
      %get3A_3085 = arith.constant 0 : index
      %get3A_3086 = tpu.vector_load %arg12[%get3A_3084, %get3A_3085] {strides = array<i32>} : memref<128x16xf32, #tpu.memory_space<vmem>>, vector<1x16xf32>,
      %get3A_3087 = vector.shape_cast %get3A_3086 : vector<1x16xf32> to vector<16xf32>
      %slice3A_3088 = vector.extract_strided_slice %get3A_3067 {offsets = [1], sizes = [1], strides = [1]} : vector<16xf32> to vector<1xf32>
      %squeeze3A_3089 = vector.extract %slice3A_3088[0] : f32 from vector<1xf32>
      %mul3A_3090 = vector.broadcast %squeeze3A_3089 : f32 to vector<16xf32>
      %mul3A_3091 = arith.mulf %get3A_3087, %mul3A_3090 : vector<16xf32>
      %swap3A_3092 = arith.constant 65 : i32
      %swap3A_3093 = arith.index_cast %swap3A_3092 : i32 to index
      %swap3A_3094 = arith.constant 0 : index
      %swap3A_3095 = tpu.vector_load %arg14[%swap3A_3093, %swap3A_3094] {strides = array<i32>} : memref<128x16xf32, #tpu.memory_space<vmem>>, vector<1x16xf32>,
      %swap3A_3096 = vector.shape_cast %swap3A_3095 : vector<1x16xf32> to vector<16xf32>
      %swap3A_3097 = vector.shape_cast %mul3A_3091 : vector<16xf32> to vector<1x16xf32>
      tpu.vector_store %arg14[%swap3A_3093, %swap3A_3094], %swap3A_3097 {strides = array<i32>} : memref<128x16xf32, #tpu.memory_space<vmem>>, vector<1x16xf32>,
      %get3A_3098 = arith.constant 66 : i32
      %get3A_3099 = arith.index_cast %get3A_3098 : i32 to index
      %get3A_3100 = arith.constant 0 : index
      %get3A_3101 = tpu.vector_load %arg12[%get3A_3099, %get3A_3100] {strides = array<i32>} : memref<128x16xf32, #tpu.memory_space<vmem>>, vector<1x16xf32>,
      %get3A_3102 = vector.shape_cast %get3A_3101 : vector<1x16xf32> to vector<16xf32>
      %slice3A_3103 = vector.extract_strided_slice %get3A_3067 {offsets = [2], sizes = [1], strides = [1]} : vector<16xf32> to vector<1xf32>
      %squeeze3A_3104 = vector.extract %slice3A_3103[0] : f32 from vector<1xf32>
      %mul3A_3105 = vector.broadcast %squeeze3A_3104 : f32 to vector<16xf32>
      %mul3A_3106 = arith.mulf %get3A_3102, %mul3A_3105 : vector<16xf32>
      %swap3A_3107 = arith.constant 66 : i32
      %swap3A_3108 = arith.index_cast %swap3A_3107 : i32 to index
      %swap3A_3109 = arith.constant 0 : index
      %swap3A_3110 = tpu.vector_load %arg14[%swap3A_3108, %swap3A_3109] {strides = array<i32>} : memref<128x16xf32, #tpu.memory_space<vmem>>, vector<1x16xf32>,
      %swap3A_3111 = vector.shape_cast %swap3A_3110 : vector<1x16xf32> to vector<16xf32>
      %swap3A_3112 = vector.shape_cast %mul3A_3106 : vector<16xf32> to vector<1x16xf32>
      tpu.vector_store %arg14[%swap3A_3108, %swap3A_3109], %swap3A_3112 {strides = array<i32>} : memref<128x16xf32, #tpu.memory_space<vmem>>, vector<1x16xf32>,
      %get3A_3113 = arith.constant 67 : i32
      %get3A_3114 = arith.index_cast %get3A_3113 : i32 to index
      %get3A_3115 = arith.constant 0 : index
      %get3A_3116 = tpu.vector_load %arg12[%get3A_3114, %get3A_3115] {strides = array<i32>} : memref<128x16xf32, #tpu.memory_space<vmem>>, vector<1x16xf32>,
      %get3A_3117 = vector.shape_cast %get3A_3116 : vector<1x16xf32> to vector<16xf32>
      %slice3A_3118 = vector.extract_strided_slice %get3A_3067 {offsets = [3], sizes = [1], strides = [1]} : vector<16xf32> to vector<1xf32>
      %squeeze3A_3119 = vector.extract %slice3A_3118[0] : f32 from vector<1xf32>
      %mul3A_3120 = vector.broadcast %squeeze3A_3119 : f32 to vector<16xf32>
      %mul3A_3121 = arith.mulf %get3A_3117, %mul3A_3120 : vector<16xf32>
      %swap3A_3122 = arith.constant 67 : i32
      %swap3A_3123 = arith.index_cast %swap3A_3122 : i32 to index
      %swap3A_3124 = arith.constant 0 : index
      %swap3A_3125 = tpu.vector_load %arg14[%swap3A_3123, %swap3A_3124] {strides = array<i32>} : memref<128x16xf32, #tpu.memory_space<vmem>>, vector<1x16xf32>,
      %swap3A_3126 = vector.shape_cast %swap3A_3125 : vector<1x16xf32> to vector<16xf32>
      %swap3A_3127 = vector.shape_cast %mul3A_3121 : vector<16xf32> to vector<1x16xf32>
      tpu.vector_store %arg14[%swap3A_3123, %swap3A_3124], %swap3A_3127 {strides = array<i32>} : memref<128x16xf32, #tpu.memory_space<vmem>>, vector<1x16xf32>,
      %get3A_3128 = arith.constant 68 : i32
      %get3A_3129 = arith.index_cast %get3A_3128 : i32 to index
      %get3A_3130 = arith.constant 0 : index
      %get3A_3131 = tpu.vector_load %arg12[%get3A_3129, %get3A_3130] {strides = array<i32>} : memref<128x16xf32, #tpu.memory_space<vmem>>, vector<1x16xf32>,
      %get3A_3132 = vector.shape_cast %get3A_3131 : vector<1x16xf32> to vector<16xf32>
      %slice3A_3133 = vector.extract_strided_slice %get3A_3067 {offsets = [4], sizes = [1], strides = [1]} : vector<16xf32> to vector<1xf32>
      %squeeze3A_3134 = vector.extract %slice3A_3133[0] : f32 from vector<1xf32>
      %mul3A_3135 = vector.broadcast %squeeze3A_3134 : f32 to vector<16xf32>
      %mul3A_3136 = arith.mulf %get3A_3132, %mul3A_3135 : vector<16xf32>
      %swap3A_3137 = arith.constant 68 : i32
      %swap3A_3138 = arith.index_cast %swap3A_3137 : i32 to index
      %swap3A_3139 = arith.constant 0 : index
      %swap3A_3140 = tpu.vector_load %arg14[%swap3A_3138, %swap3A_3139] {strides = array<i32>} : memref<128x16xf32, #tpu.memory_space<vmem>>, vector<1x16xf32>,
      %swap3A_3141 = vector.shape_cast %swap3A_3140 : vector<1x16xf32> to vector<16xf32>
      %swap3A_3142 = vector.shape_cast %mul3A_3136 : vector<16xf32> to vector<1x16xf32>
      tpu.vector_store %arg14[%swap3A_3138, %swap3A_3139], %swap3A_3142 {strides = array<i32>} : memref<128x16xf32, #tpu.memory_space<vmem>>, vector<1x16xf32>,
      %get3A_3143 = arith.constant 69 : i32
      %get3A_3144 = arith.index_cast %get3A_3143 : i32 to index
      %get3A_3145 = arith.constant 0 : index
      %get3A_3146 = tpu.vector_load %arg12[%get3A_3144, %get3A_3145] {strides = array<i32>} : memref<128x16xf32, #tpu.memory_space<vmem>>, vector<1x16xf32>,
      %get3A_3147 = vector.shape_cast %get3A_3146 : vector<1x16xf32> to vector<16xf32>
      %slice3A_3148 = vector.extract_strided_slice %get3A_3067 {offsets = [5], sizes = [1], strides = [1]} : vector<16xf32> to vector<1xf32>
      %squeeze3A_3149 = vector.extract %slice3A_3148[0] : f32 from vector<1xf32>
      %mul3A_3150 = vector.broadcast %squeeze3A_3149 : f32 to vector<16xf32>
      %mul3A_3151 = arith.mulf %get3A_3147, %mul3A_3150 : vector<16xf32>
      %swap3A_3152 = arith.constant 69 : i32
      %swap3A_3153 = arith.index_cast %swap3A_3152 : i32 to index
      %swap3A_3154 = arith.constant 0 : index
      %swap3A_3155 = tpu.vector_load %arg14[%swap3A_3153, %swap3A_3154] {strides = array<i32>} : memref<128x16xf32, #tpu.memory_space<vmem>>, vector<1x16xf32>,
      %swap3A_3156 = vector.shape_cast %swap3A_3155 : vector<1x16xf32> to vector<16xf32>
      %swap3A_3157 = vector.shape_cast %mul3A_3151 : vector<16xf32> to vector<1x16xf32>
      tpu.vector_store %arg14[%swap3A_3153, %swap3A_3154], %swap3A_3157 {strides = array<i32>} : memref<128x16xf32, #tpu.memory_space<vmem>>, vector<1x16xf32>,
      %get3A_3158 = arith.constant 70 : i32
      %get3A_3159 = arith.index_cast %get3A_3158 : i32 to index
      %get3A_3160 = arith.constant 0 : index
      %get3A_3161 = tpu.vector_load %arg12[%get3A_3159, %get3A_3160] {strides = array<i32>} : memref<128x16xf32, #tpu.memory_space<vmem>>, vector<1x16xf32>,
      %get3A_3162 = vector.shape_cast %get3A_3161 : vector<1x16xf32> to vector<16xf32>
      %slice3A_3163 = vector.extract_strided_slice %get3A_3067 {offsets = [6], sizes = [1], strides = [1]} : vector<16xf32> to vector<1xf32>
      %squeeze3A_3164 = vector.extract %slice3A_3163[0] : f32 from vector<1xf32>
      %mul3A_3165 = vector.broadcast %squeeze3A_3164 : f32 to vector<16xf32>
      %mul3A_3166 = arith.mulf %get3A_3162, %mul3A_3165 : vector<16xf32>
      %swap3A_3167 = arith.constant 70 : i32
      %swap3A_3168 = arith.index_cast %swap3A_3167 : i32 to index
      %swap3A_3169 = arith.constant 0 : index
      %swap3A_3170 = tpu.vector_load %arg14[%swap3A_3168, %swap3A_3169] {strides = array<i32>} : memref<128x16xf32, #tpu.memory_space<vmem>>, vector<1x16xf32>,
      %swap3A_3171 = vector.shape_cast %swap3A_3170 : vector<1x16xf32> to vector<16xf32>
      %swap3A_3172 = vector.shape_cast %mul3A_3166 : vector<16xf32> to vector<1x16xf32>
      tpu.vector_store %arg14[%swap3A_3168, %swap3A_3169], %swap3A_3172 {strides = array<i32>} : memref<128x16xf32, #tpu.memory_space<vmem>>, vector<1x16xf32>,
      %get3A_3173 = arith.constant 71 : i32
      %get3A_3174 = arith.index_cast %get3A_3173 : i32 to index
      %get3A_3175 = arith.constant 0 : index
      %get3A_3176 = tpu.vector_load %arg12[%get3A_3174, %get3A_3175] {strides = array<i32>} : memref<128x16xf32, #tpu.memory_space<vmem>>, vector<1x16xf32>,
      %get3A_3177 = vector.shape_cast %get3A_3176 : vector<1x16xf32> to vector<16xf32>
      %slice3A_3178 = vector.extract_strided_slice %get3A_3067 {offsets = [7], sizes = [1], strides = [1]} : vector<16xf32> to vector<1xf32>
      %squeeze3A_3179 = vector.extract %slice3A_3178[0] : f32 from vector<1xf32>
      %mul3A_3180 = vector.broadcast %squeeze3A_3179 : f32 to vector<16xf32>
      %mul3A_3181 = arith.mulf %get3A_3177, %mul3A_3180 : vector<16xf32>
      %swap3A_3182 = arith.constant 71 : i32
      %swap3A_3183 = arith.index_cast %swap3A_3182 : i32 to index
      %swap3A_3184 = arith.constant 0 : index
      %swap3A_3185 = tpu.vector_load %arg14[%swap3A_3183, %swap3A_3184] {strides = array<i32>} : memref<128x16xf32, #tpu.memory_space<vmem>>, vector<1x16xf32>,
      %swap3A_3186 = vector.shape_cast %swap3A_3185 : vector<1x16xf32> to vector<16xf32>
      %swap3A_3187 = vector.shape_cast %mul3A_3181 : vector<16xf32> to vector<1x16xf32>
      tpu.vector_store %arg14[%swap3A_3183, %swap3A_3184], %swap3A_3187 {strides = array<i32>} : memref<128x16xf32, #tpu.memory_space<vmem>>, vector<1x16xf32>,
      %get3A_3188 = arith.constant 72 : i32
      %get3A_3189 = arith.index_cast %get3A_3188 : i32 to index
      %get3A_3190 = arith.constant 0 : index
      %get3A_3191 = tpu.vector_load %arg12[%get3A_3189, %get3A_3190] {strides = array<i32>} : memref<128x16xf32, #tpu.memory_space<vmem>>, vector<1x16xf32>,
      %get3A_3192 = vector.shape_cast %get3A_3191 : vector<1x16xf32> to vector<16xf32>
      %slice3A_3193 = vector.extract_strided_slice %get3A_3067 {offsets = [8], sizes = [1], strides = [1]} : vector<16xf32> to vector<1xf32>
      %squeeze3A_3194 = vector.extract %slice3A_3193[0] : f32 from vector<1xf32>
      %mul3A_3195 = vector.broadcast %squeeze3A_3194 : f32 to vector<16xf32>
      %mul3A_3196 = arith.mulf %get3A_3192, %mul3A_3195 : vector<16xf32>
      %swap3A_3197 = arith.constant 72 : i32
      %swap3A_3198 = arith.index_cast %swap3A_3197 : i32 to index
      %swap3A_3199 = arith.constant 0 : index
      %swap3A_3200 = tpu.vector_load %arg14[%swap3A_3198, %swap3A_3199] {strides = array<i32>} : memref<128x16xf32, #tpu.memory_space<vmem>>, vector<1x16xf32>,
      %swap3A_3201 = vector.shape_cast %swap3A_3200 : vector<1x16xf32> to vector<16xf32>
      %swap3A_3202 = vector.shape_cast %mul3A_3196 : vector<16xf32> to vector<1x16xf32>
      tpu.vector_store %arg14[%swap3A_3198, %swap3A_3199], %swap3A_3202 {strides = array<i32>} : memref<128x16xf32, #tpu.memory_space<vmem>>, vector<1x16xf32>,
      %get3A_3203 = arith.constant 73 : i32
      %get3A_3204 = arith.index_cast %get3A_3203 : i32 to index
      %get3A_3205 = arith.constant 0 : index
      %get3A_3206 = tpu.vector_load %arg12[%get3A_3204, %get3A_3205] {strides = array<i32>} : memref<128x16xf32, #tpu.memory_space<vmem>>, vector<1x16xf32>,
      %get3A_3207 = vector.shape_cast %get3A_3206 : vector<1x16xf32> to vector<16xf32>
      %slice3A_3208 = vector.extract_strided_slice %get3A_3067 {offsets = [9], sizes = [1], strides = [1]} : vector<16xf32> to vector<1xf32>
      %squeeze3A_3209 = vector.extract %slice3A_3208[0] : f32 from vector<1xf32>
      %mul3A_3210 = vector.broadcast %squeeze3A_3209 : f32 to vector<16xf32>
      %mul3A_3211 = arith.mulf %get3A_3207, %mul3A_3210 : vector<16xf32>
      %swap3A_3212 = arith.constant 73 : i32
      %swap3A_3213 = arith.index_cast %swap3A_3212 : i32 to index
      %swap3A_3214 = arith.constant 0 : index
      %swap3A_3215 = tpu.vector_load %arg14[%swap3A_3213, %swap3A_3214] {strides = array<i32>} : memref<128x16xf32, #tpu.memory_space<vmem>>, vector<1x16xf32>,
      %swap3A_3216 = vector.shape_cast %swap3A_3215 : vector<1x16xf32> to vector<16xf32>
      %swap3A_3217 = vector.shape_cast %mul3A_3211 : vector<16xf32> to vector<1x16xf32>
      tpu.vector_store %arg14[%swap3A_3213, %swap3A_3214], %swap3A_3217 {strides = array<i32>} : memref<128x16xf32, #tpu.memory_space<vmem>>, vector<1x16xf32>,
      %get3A_3218 = arith.constant 74 : i32
      %get3A_3219 = arith.index_cast %get3A_3218 : i32 to index
      %get3A_3220 = arith.constant 0 : index
      %get3A_3221 = tpu.vector_load %arg12[%get3A_3219, %get3A_3220] {strides = array<i32>} : memref<128x16xf32, #tpu.memory_space<vmem>>, vector<1x16xf32>,
      %get3A_3222 = vector.shape_cast %get3A_3221 : vector<1x16xf32> to vector<16xf32>
      %slice3A_3223 = vector.extract_strided_slice %get3A_3067 {offsets = [10], sizes = [1], strides = [1]} : vector<16xf32> to vector<1xf32>
      %squeeze3A_3224 = vector.extract %slice3A_3223[0] : f32 from vector<1xf32>
      %mul3A_3225 = vector.broadcast %squeeze3A_3224 : f32 to vector<16xf32>
      %mul3A_3226 = arith.mulf %get3A_3222, %mul3A_3225 : vector<16xf32>
      %swap3A_3227 = arith.constant 74 : i32
      %swap3A_3228 = arith.index_cast %swap3A_3227 : i32 to index
      %swap3A_3229 = arith.constant 0 : index
      %swap3A_3230 = tpu.vector_load %arg14[%swap3A_3228, %swap3A_3229] {strides = array<i32>} : memref<128x16xf32, #tpu.memory_space<vmem>>, vector<1x16xf32>,
      %swap3A_3231 = vector.shape_cast %swap3A_3230 : vector<1x16xf32> to vector<16xf32>
      %swap3A_3232 = vector.shape_cast %mul3A_3226 : vector<16xf32> to vector<1x16xf32>
      tpu.vector_store %arg14[%swap3A_3228, %swap3A_3229], %swap3A_3232 {strides = array<i32>} : memref<128x16xf32, #tpu.memory_space<vmem>>, vector<1x16xf32>,
      %get3A_3233 = arith.constant 75 : i32
      %get3A_3234 = arith.index_cast %get3A_3233 : i32 to index
      %get3A_3235 = arith.constant 0 : index
      %get3A_3236 = tpu.vector_load %arg12[%get3A_3234, %get3A_3235] {strides = array<i32>} : memref<128x16xf32, #tpu.memory_space<vmem>>, vector<1x16xf32>,
      %get3A_3237 = vector.shape_cast %get3A_3236 : vector<1x16xf32> to vector<16xf32>
      %slice3A_3238 = vector.extract_strided_slice %get3A_3067 {offsets = [11], sizes = [1], strides = [1]} : vector<16xf32> to vector<1xf32>
      %squeeze3A_3239 = vector.extract %slice3A_3238[0] : f32 from vector<1xf32>
      %mul3A_3240 = vector.broadcast %squeeze3A_3239 : f32 to vector<16xf32>
      %mul3A_3241 = arith.mulf %get3A_3237, %mul3A_3240 : vector<16xf32>
      %swap3A_3242 = arith.constant 75 : i32
      %swap3A_3243 = arith.index_cast %swap3A_3242 : i32 to index
      %swap3A_3244 = arith.constant 0 : index
      %swap3A_3245 = tpu.vector_load %arg14[%swap3A_3243, %swap3A_3244] {strides = array<i32>} : memref<128x16xf32, #tpu.memory_space<vmem>>, vector<1x16xf32>,
      %swap3A_3246 = vector.shape_cast %swap3A_3245 : vector<1x16xf32> to vector<16xf32>
      %swap3A_3247 = vector.shape_cast %mul3A_3241 : vector<16xf32> to vector<1x16xf32>
      tpu.vector_store %arg14[%swap3A_3243, %swap3A_3244], %swap3A_3247 {strides = array<i32>} : memref<128x16xf32, #tpu.memory_space<vmem>>, vector<1x16xf32>,
      %get3A_3248 = arith.constant 76 : i32
      %get3A_3249 = arith.index_cast %get3A_3248 : i32 to index
      %get3A_3250 = arith.constant 0 : index
      %get3A_3251 = tpu.vector_load %arg12[%get3A_3249, %get3A_3250] {strides = array<i32>} : memref<128x16xf32, #tpu.memory_space<vmem>>, vector<1x16xf32>,
      %get3A_3252 = vector.shape_cast %get3A_3251 : vector<1x16xf32> to vector<16xf32>
      %slice3A_3253 = vector.extract_strided_slice %get3A_3067 {offsets = [12], sizes = [1], strides = [1]} : vector<16xf32> to vector<1xf32>
      %squeeze3A_3254 = vector.extract %slice3A_3253[0] : f32 from vector<1xf32>
      %mul3A_3255 = vector.broadcast %squeeze3A_3254 : f32 to vector<16xf32>
      %mul3A_3256 = arith.mulf %get3A_3252, %mul3A_3255 : vector<16xf32>
      %swap3A_3257 = arith.constant 76 : i32
      %swap3A_3258 = arith.index_cast %swap3A_3257 : i32 to index
      %swap3A_3259 = arith.constant 0 : index
      %swap3A_3260 = tpu.vector_load %arg14[%swap3A_3258, %swap3A_3259] {strides = array<i32>} : memref<128x16xf32, #tpu.memory_space<vmem>>, vector<1x16xf32>,
      %swap3A_3261 = vector.shape_cast %swap3A_3260 : vector<1x16xf32> to vector<16xf32>
      %swap3A_3262 = vector.shape_cast %mul3A_3256 : vector<16xf32> to vector<1x16xf32>
      tpu.vector_store %arg14[%swap3A_3258, %swap3A_3259], %swap3A_3262 {strides = array<i32>} : memref<128x16xf32, #tpu.memory_space<vmem>>, vector<1x16xf32>,
      %get3A_3263 = arith.constant 77 : i32
      %get3A_3264 = arith.index_cast %get3A_3263 : i32 to index
      %get3A_3265 = arith.constant 0 : index
      %get3A_3266 = tpu.vector_load %arg12[%get3A_3264, %get3A_3265] {strides = array<i32>} : memref<128x16xf32, #tpu.memory_space<vmem>>, vector<1x16xf32>,
      %get3A_3267 = vector.shape_cast %get3A_3266 : vector<1x16xf32> to vector<16xf32>
      %slice3A_3268 = vector.extract_strided_slice %get3A_3067 {offsets = [13], sizes = [1], strides = [1]} : vector<16xf32> to vector<1xf32>
      %squeeze3A_3269 = vector.extract %slice3A_3268[0] : f32 from vector<1xf32>
      %mul3A_3270 = vector.broadcast %squeeze3A_3269 : f32 to vector<16xf32>
      %mul3A_3271 = arith.mulf %get3A_3267, %mul3A_3270 : vector<16xf32>
      %swap3A_3272 = arith.constant 77 : i32
      %swap3A_3273 = arith.index_cast %swap3A_3272 : i32 to index
      %swap3A_3274 = arith.constant 0 : index
      %swap3A_3275 = tpu.vector_load %arg14[%swap3A_3273, %swap3A_3274] {strides = array<i32>} : memref<128x16xf32, #tpu.memory_space<vmem>>, vector<1x16xf32>,
      %swap3A_3276 = vector.shape_cast %swap3A_3275 : vector<1x16xf32> to vector<16xf32>
      %swap3A_3277 = vector.shape_cast %mul3A_3271 : vector<16xf32> to vector<1x16xf32>
      tpu.vector_store %arg14[%swap3A_3273, %swap3A_3274], %swap3A_3277 {strides = array<i32>} : memref<128x16xf32, #tpu.memory_space<vmem>>, vector<1x16xf32>,
      %get3A_3278 = arith.constant 78 : i32
      %get3A_3279 = arith.index_cast %get3A_3278 : i32 to index
      %get3A_3280 = arith.constant 0 : index
      %get3A_3281 = tpu.vector_load %arg12[%get3A_3279, %get3A_3280] {strides = array<i32>} : memref<128x16xf32, #tpu.memory_space<vmem>>, vector<1x16xf32>,
      %get3A_3282 = vector.shape_cast %get3A_3281 : vector<1x16xf32> to vector<16xf32>
      %slice3A_3283 = vector.extract_strided_slice %get3A_3067 {offsets = [14], sizes = [1], strides = [1]} : vector<16xf32> to vector<1xf32>
      %squeeze3A_3284 = vector.extract %slice3A_3283[0] : f32 from vector<1xf32>
      %mul3A_3285 = vector.broadcast %squeeze3A_3284 : f32 to vector<16xf32>
      %mul3A_3286 = arith.mulf %get3A_3282, %mul3A_3285 : vector<16xf32>
      %swap3A_3287 = arith.constant 78 : i32
      %swap3A_3288 = arith.index_cast %swap3A_3287 : i32 to index
      %swap3A_3289 = arith.constant 0 : index
      %swap3A_3290 = tpu.vector_load %arg14[%swap3A_3288, %swap3A_3289] {strides = array<i32>} : memref<128x16xf32, #tpu.memory_space<vmem>>, vector<1x16xf32>,
      %swap3A_3291 = vector.shape_cast %swap3A_3290 : vector<1x16xf32> to vector<16xf32>
      %swap3A_3292 = vector.shape_cast %mul3A_3286 : vector<16xf32> to vector<1x16xf32>
      tpu.vector_store %arg14[%swap3A_3288, %swap3A_3289], %swap3A_3292 {strides = array<i32>} : memref<128x16xf32, #tpu.memory_space<vmem>>, vector<1x16xf32>,
      %get3A_3293 = arith.constant 79 : i32
      %get3A_3294 = arith.index_cast %get3A_3293 : i32 to index
      %get3A_3295 = arith.constant 0 : index
      %get3A_3296 = tpu.vector_load %arg12[%get3A_3294, %get3A_3295] {strides = array<i32>} : memref<128x16xf32, #tpu.memory_space<vmem>>, vector<1x16xf32>,
      %get3A_3297 = vector.shape_cast %get3A_3296 : vector<1x16xf32> to vector<16xf32>
      %slice3A_3298 = vector.extract_strided_slice %get3A_3067 {offsets = [15], sizes = [1], strides = [1]} : vector<16xf32> to vector<1xf32>
      %squeeze3A_3299 = vector.extract %slice3A_3298[0] : f32 from vector<1xf32>
      %mul3A_3300 = vector.broadcast %squeeze3A_3299 : f32 to vector<16xf32>
      %mul3A_3301 = arith.mulf %get3A_3297, %mul3A_3300 : vector<16xf32>
      %swap3A_3302 = arith.constant 79 : i32
      %swap3A_3303 = arith.index_cast %swap3A_3302 : i32 to index
      %swap3A_3304 = arith.constant 0 : index
      %swap3A_3305 = tpu.vector_load %arg14[%swap3A_3303, %swap3A_3304] {strides = array<i32>} : memref<128x16xf32, #tpu.memory_space<vmem>>, vector<1x16xf32>,
      %swap3A_3306 = vector.shape_cast %swap3A_3305 : vector<1x16xf32> to vector<16xf32>
      %swap3A_3307 = vector.shape_cast %mul3A_3301 : vector<16xf32> to vector<1x16xf32>
      tpu.vector_store %arg14[%swap3A_3303, %swap3A_3304], %swap3A_3307 {strides = array<i32>} : memref<128x16xf32, #tpu.memory_space<vmem>>, vector<1x16xf32>,
      %get3A_3308 = arith.index_cast %add3A_100 : i32 to index
      %get3A_3309 = arith.constant 80 : index
      %get3A_3310 = tpu.vector_load %arg10[%get3A_3308, %get3A_3309] {strides = array<i32>} : memref<66x128xf32, #tpu.memory_space<vmem>>, vector<1x16xf32>,
      %get3A_3311 = vector.shape_cast %get3A_3310 : vector<1x16xf32> to vector<16xf32>
      %get3A_3312 = arith.constant 80 : i32
      %get3A_3313 = arith.index_cast %get3A_3312 : i32 to index
      %get3A_3314 = arith.constant 0 : index
      %get3A_3315 = tpu.vector_load %arg12[%get3A_3313, %get3A_3314] {strides = array<i32>} : memref<128x16xf32, #tpu.memory_space<vmem>>, vector<1x16xf32>,
      %get3A_3316 = vector.shape_cast %get3A_3315 : vector<1x16xf32> to vector<16xf32>
      %slice3A_3317 = vector.extract_strided_slice %get3A_3311 {offsets = [0], sizes = [1], strides = [1]} : vector<16xf32> to vector<1xf32>
      %squeeze3A_3318 = vector.extract %slice3A_3317[0] : f32 from vector<1xf32>
      %mul3A_3319 = vector.broadcast %squeeze3A_3318 : f32 to vector<16xf32>
      %mul3A_3320 = arith.mulf %get3A_3316, %mul3A_3319 : vector<16xf32>
      %swap3A_3321 = arith.constant 80 : i32
      %swap3A_3322 = arith.index_cast %swap3A_3321 : i32 to index
      %swap3A_3323 = arith.constant 0 : index
      %swap3A_3324 = tpu.vector_load %arg14[%swap3A_3322, %swap3A_3323] {strides = array<i32>} : memref<128x16xf32, #tpu.memory_space<vmem>>, vector<1x16xf32>,
      %swap3A_3325 = vector.shape_cast %swap3A_3324 : vector<1x16xf32> to vector<16xf32>
      %swap3A_3326 = vector.shape_cast %mul3A_3320 : vector<16xf32> to vector<1x16xf32>
      tpu.vector_store %arg14[%swap3A_3322, %swap3A_3323], %swap3A_3326 {strides = array<i32>} : memref<128x16xf32, #tpu.memory_space<vmem>>, vector<1x16xf32>,
      %get3A_3327 = arith.constant 81 : i32
      %get3A_3328 = arith.index_cast %get3A_3327 : i32 to index
      %get3A_3329 = arith.constant 0 : index
      %get3A_3330 = tpu.vector_load %arg12[%get3A_3328, %get3A_3329] {strides = array<i32>} : memref<128x16xf32, #tpu.memory_space<vmem>>, vector<1x16xf32>,
      %get3A_3331 = vector.shape_cast %get3A_3330 : vector<1x16xf32> to vector<16xf32>
      %slice3A_3332 = vector.extract_strided_slice %get3A_3311 {offsets = [1], sizes = [1], strides = [1]} : vector<16xf32> to vector<1xf32>
      %squeeze3A_3333 = vector.extract %slice3A_3332[0] : f32 from vector<1xf32>
      %mul3A_3334 = vector.broadcast %squeeze3A_3333 : f32 to vector<16xf32>
      %mul3A_3335 = arith.mulf %get3A_3331, %mul3A_3334 : vector<16xf32>
      %swap3A_3336 = arith.constant 81 : i32
      %swap3A_3337 = arith.index_cast %swap3A_3336 : i32 to index
      %swap3A_3338 = arith.constant 0 : index
      %swap3A_3339 = tpu.vector_load %arg14[%swap3A_3337, %swap3A_3338] {strides = array<i32>} : memref<128x16xf32, #tpu.memory_space<vmem>>, vector<1x16xf32>,
      %swap3A_3340 = vector.shape_cast %swap3A_3339 : vector<1x16xf32> to vector<16xf32>
      %swap3A_3341 = vector.shape_cast %mul3A_3335 : vector<16xf32> to vector<1x16xf32>
      tpu.vector_store %arg14[%swap3A_3337, %swap3A_3338], %swap3A_3341 {strides = array<i32>} : memref<128x16xf32, #tpu.memory_space<vmem>>, vector<1x16xf32>,
      %get3A_3342 = arith.constant 82 : i32
      %get3A_3343 = arith.index_cast %get3A_3342 : i32 to index
      %get3A_3344 = arith.constant 0 : index
      %get3A_3345 = tpu.vector_load %arg12[%get3A_3343, %get3A_3344] {strides = array<i32>} : memref<128x16xf32, #tpu.memory_space<vmem>>, vector<1x16xf32>,
      %get3A_3346 = vector.shape_cast %get3A_3345 : vector<1x16xf32> to vector<16xf32>
      %slice3A_3347 = vector.extract_strided_slice %get3A_3311 {offsets = [2], sizes = [1], strides = [1]} : vector<16xf32> to vector<1xf32>
      %squeeze3A_3348 = vector.extract %slice3A_3347[0] : f32 from vector<1xf32>
      %mul3A_3349 = vector.broadcast %squeeze3A_3348 : f32 to vector<16xf32>
      %mul3A_3350 = arith.mulf %get3A_3346, %mul3A_3349 : vector<16xf32>
      %swap3A_3351 = arith.constant 82 : i32
      %swap3A_3352 = arith.index_cast %swap3A_3351 : i32 to index
      %swap3A_3353 = arith.constant 0 : index
      %swap3A_3354 = tpu.vector_load %arg14[%swap3A_3352, %swap3A_3353] {strides = array<i32>} : memref<128x16xf32, #tpu.memory_space<vmem>>, vector<1x16xf32>,
      %swap3A_3355 = vector.shape_cast %swap3A_3354 : vector<1x16xf32> to vector<16xf32>
      %swap3A_3356 = vector.shape_cast %mul3A_3350 : vector<16xf32> to vector<1x16xf32>
      tpu.vector_store %arg14[%swap3A_3352, %swap3A_3353], %swap3A_3356 {strides = array<i32>} : memref<128x16xf32, #tpu.memory_space<vmem>>, vector<1x16xf32>,
      %get3A_3357 = arith.constant 83 : i32
      %get3A_3358 = arith.index_cast %get3A_3357 : i32 to index
      %get3A_3359 = arith.constant 0 : index
      %get3A_3360 = tpu.vector_load %arg12[%get3A_3358, %get3A_3359] {strides = array<i32>} : memref<128x16xf32, #tpu.memory_space<vmem>>, vector<1x16xf32>,
      %get3A_3361 = vector.shape_cast %get3A_3360 : vector<1x16xf32> to vector<16xf32>
      %slice3A_3362 = vector.extract_strided_slice %get3A_3311 {offsets = [3], sizes = [1], strides = [1]} : vector<16xf32> to vector<1xf32>
      %squeeze3A_3363 = vector.extract %slice3A_3362[0] : f32 from vector<1xf32>
      %mul3A_3364 = vector.broadcast %squeeze3A_3363 : f32 to vector<16xf32>
      %mul3A_3365 = arith.mulf %get3A_3361, %mul3A_3364 : vector<16xf32>
      %swap3A_3366 = arith.constant 83 : i32
      %swap3A_3367 = arith.index_cast %swap3A_3366 : i32 to index
      %swap3A_3368 = arith.constant 0 : index
      %swap3A_3369 = tpu.vector_load %arg14[%swap3A_3367, %swap3A_3368] {strides = array<i32>} : memref<128x16xf32, #tpu.memory_space<vmem>>, vector<1x16xf32>,
      %swap3A_3370 = vector.shape_cast %swap3A_3369 : vector<1x16xf32> to vector<16xf32>
      %swap3A_3371 = vector.shape_cast %mul3A_3365 : vector<16xf32> to vector<1x16xf32>
      tpu.vector_store %arg14[%swap3A_3367, %swap3A_3368], %swap3A_3371 {strides = array<i32>} : memref<128x16xf32, #tpu.memory_space<vmem>>, vector<1x16xf32>,
      %get3A_3372 = arith.constant 84 : i32
      %get3A_3373 = arith.index_cast %get3A_3372 : i32 to index
      %get3A_3374 = arith.constant 0 : index
      %get3A_3375 = tpu.vector_load %arg12[%get3A_3373, %get3A_3374] {strides = array<i32>} : memref<128x16xf32, #tpu.memory_space<vmem>>, vector<1x16xf32>,
      %get3A_3376 = vector.shape_cast %get3A_3375 : vector<1x16xf32> to vector<16xf32>
      %slice3A_3377 = vector.extract_strided_slice %get3A_3311 {offsets = [4], sizes = [1], strides = [1]} : vector<16xf32> to vector<1xf32>
      %squeeze3A_3378 = vector.extract %slice3A_3377[0] : f32 from vector<1xf32>
      %mul3A_3379 = vector.broadcast %squeeze3A_3378 : f32 to vector<16xf32>
      %mul3A_3380 = arith.mulf %get3A_3376, %mul3A_3379 : vector<16xf32>
      %swap3A_3381 = arith.constant 84 : i32
      %swap3A_3382 = arith.index_cast %swap3A_3381 : i32 to index
      %swap3A_3383 = arith.constant 0 : index
      %swap3A_3384 = tpu.vector_load %arg14[%swap3A_3382, %swap3A_3383] {strides = array<i32>} : memref<128x16xf32, #tpu.memory_space<vmem>>, vector<1x16xf32>,
      %swap3A_3385 = vector.shape_cast %swap3A_3384 : vector<1x16xf32> to vector<16xf32>
      %swap3A_3386 = vector.shape_cast %mul3A_3380 : vector<16xf32> to vector<1x16xf32>
      tpu.vector_store %arg14[%swap3A_3382, %swap3A_3383], %swap3A_3386 {strides = array<i32>} : memref<128x16xf32, #tpu.memory_space<vmem>>, vector<1x16xf32>,
      %get3A_3387 = arith.constant 85 : i32
      %get3A_3388 = arith.index_cast %get3A_3387 : i32 to index
      %get3A_3389 = arith.constant 0 : index
      %get3A_3390 = tpu.vector_load %arg12[%get3A_3388, %get3A_3389] {strides = array<i32>} : memref<128x16xf32, #tpu.memory_space<vmem>>, vector<1x16xf32>,
      %get3A_3391 = vector.shape_cast %get3A_3390 : vector<1x16xf32> to vector<16xf32>
      %slice3A_3392 = vector.extract_strided_slice %get3A_3311 {offsets = [5], sizes = [1], strides = [1]} : vector<16xf32> to vector<1xf32>
      %squeeze3A_3393 = vector.extract %slice3A_3392[0] : f32 from vector<1xf32>
      %mul3A_3394 = vector.broadcast %squeeze3A_3393 : f32 to vector<16xf32>
      %mul3A_3395 = arith.mulf %get3A_3391, %mul3A_3394 : vector<16xf32>
      %swap3A_3396 = arith.constant 85 : i32
      %swap3A_3397 = arith.index_cast %swap3A_3396 : i32 to index
      %swap3A_3398 = arith.constant 0 : index
      %swap3A_3399 = tpu.vector_load %arg14[%swap3A_3397, %swap3A_3398] {strides = array<i32>} : memref<128x16xf32, #tpu.memory_space<vmem>>, vector<1x16xf32>,
      %swap3A_3400 = vector.shape_cast %swap3A_3399 : vector<1x16xf32> to vector<16xf32>
      %swap3A_3401 = vector.shape_cast %mul3A_3395 : vector<16xf32> to vector<1x16xf32>
      tpu.vector_store %arg14[%swap3A_3397, %swap3A_3398], %swap3A_3401 {strides = array<i32>} : memref<128x16xf32, #tpu.memory_space<vmem>>, vector<1x16xf32>,
      %get3A_3402 = arith.constant 86 : i32
      %get3A_3403 = arith.index_cast %get3A_3402 : i32 to index
      %get3A_3404 = arith.constant 0 : index
      %get3A_3405 = tpu.vector_load %arg12[%get3A_3403, %get3A_3404] {strides = array<i32>} : memref<128x16xf32, #tpu.memory_space<vmem>>, vector<1x16xf32>,
      %get3A_3406 = vector.shape_cast %get3A_3405 : vector<1x16xf32> to vector<16xf32>
      %slice3A_3407 = vector.extract_strided_slice %get3A_3311 {offsets = [6], sizes = [1], strides = [1]} : vector<16xf32> to vector<1xf32>
      %squeeze3A_3408 = vector.extract %slice3A_3407[0] : f32 from vector<1xf32>
      %mul3A_3409 = vector.broadcast %squeeze3A_3408 : f32 to vector<16xf32>
      %mul3A_3410 = arith.mulf %get3A_3406, %mul3A_3409 : vector<16xf32>
      %swap3A_3411 = arith.constant 86 : i32
      %swap3A_3412 = arith.index_cast %swap3A_3411 : i32 to index
      %swap3A_3413 = arith.constant 0 : index
      %swap3A_3414 = tpu.vector_load %arg14[%swap3A_3412, %swap3A_3413] {strides = array<i32>} : memref<128x16xf32, #tpu.memory_space<vmem>>, vector<1x16xf32>,
      %swap3A_3415 = vector.shape_cast %swap3A_3414 : vector<1x16xf32> to vector<16xf32>
      %swap3A_3416 = vector.shape_cast %mul3A_3410 : vector<16xf32> to vector<1x16xf32>
      tpu.vector_store %arg14[%swap3A_3412, %swap3A_3413], %swap3A_3416 {strides = array<i32>} : memref<128x16xf32, #tpu.memory_space<vmem>>, vector<1x16xf32>,
      %get3A_3417 = arith.constant 87 : i32
      %get3A_3418 = arith.index_cast %get3A_3417 : i32 to index
      %get3A_3419 = arith.constant 0 : index
      %get3A_3420 = tpu.vector_load %arg12[%get3A_3418, %get3A_3419] {strides = array<i32>} : memref<128x16xf32, #tpu.memory_space<vmem>>, vector<1x16xf32>,
      %get3A_3421 = vector.shape_cast %get3A_3420 : vector<1x16xf32> to vector<16xf32>
      %slice3A_3422 = vector.extract_strided_slice %get3A_3311 {offsets = [7], sizes = [1], strides = [1]} : vector<16xf32> to vector<1xf32>
      %squeeze3A_3423 = vector.extract %slice3A_3422[0] : f32 from vector<1xf32>
      %mul3A_3424 = vector.broadcast %squeeze3A_3423 : f32 to vector<16xf32>
      %mul3A_3425 = arith.mulf %get3A_3421, %mul3A_3424 : vector<16xf32>
      %swap3A_3426 = arith.constant 87 : i32
      %swap3A_3427 = arith.index_cast %swap3A_3426 : i32 to index
      %swap3A_3428 = arith.constant 0 : index
      %swap3A_3429 = tpu.vector_load %arg14[%swap3A_3427, %swap3A_3428] {strides = array<i32>} : memref<128x16xf32, #tpu.memory_space<vmem>>, vector<1x16xf32>,
      %swap3A_3430 = vector.shape_cast %swap3A_3429 : vector<1x16xf32> to vector<16xf32>
      %swap3A_3431 = vector.shape_cast %mul3A_3425 : vector<16xf32> to vector<1x16xf32>
      tpu.vector_store %arg14[%swap3A_3427, %swap3A_3428], %swap3A_3431 {strides = array<i32>} : memref<128x16xf32, #tpu.memory_space<vmem>>, vector<1x16xf32>,
      %get3A_3432 = arith.constant 88 : i32
      %get3A_3433 = arith.index_cast %get3A_3432 : i32 to index
      %get3A_3434 = arith.constant 0 : index
      %get3A_3435 = tpu.vector_load %arg12[%get3A_3433, %get3A_3434] {strides = array<i32>} : memref<128x16xf32, #tpu.memory_space<vmem>>, vector<1x16xf32>,
      %get3A_3436 = vector.shape_cast %get3A_3435 : vector<1x16xf32> to vector<16xf32>
      %slice3A_3437 = vector.extract_strided_slice %get3A_3311 {offsets = [8], sizes = [1], strides = [1]} : vector<16xf32> to vector<1xf32>
      %squeeze3A_3438 = vector.extract %slice3A_3437[0] : f32 from vector<1xf32>
      %mul3A_3439 = vector.broadcast %squeeze3A_3438 : f32 to vector<16xf32>
      %mul3A_3440 = arith.mulf %get3A_3436, %mul3A_3439 : vector<16xf32>
      %swap3A_3441 = arith.constant 88 : i32
      %swap3A_3442 = arith.index_cast %swap3A_3441 : i32 to index
      %swap3A_3443 = arith.constant 0 : index
      %swap3A_3444 = tpu.vector_load %arg14[%swap3A_3442, %swap3A_3443] {strides = array<i32>} : memref<128x16xf32, #tpu.memory_space<vmem>>, vector<1x16xf32>,
      %swap3A_3445 = vector.shape_cast %swap3A_3444 : vector<1x16xf32> to vector<16xf32>
      %swap3A_3446 = vector.shape_cast %mul3A_3440 : vector<16xf32> to vector<1x16xf32>
      tpu.vector_store %arg14[%swap3A_3442, %swap3A_3443], %swap3A_3446 {strides = array<i32>} : memref<128x16xf32, #tpu.memory_space<vmem>>, vector<1x16xf32>,
      %get3A_3447 = arith.constant 89 : i32
      %get3A_3448 = arith.index_cast %get3A_3447 : i32 to index
      %get3A_3449 = arith.constant 0 : index
      %get3A_3450 = tpu.vector_load %arg12[%get3A_3448, %get3A_3449] {strides = array<i32>} : memref<128x16xf32, #tpu.memory_space<vmem>>, vector<1x16xf32>,
      %get3A_3451 = vector.shape_cast %get3A_3450 : vector<1x16xf32> to vector<16xf32>
      %slice3A_3452 = vector.extract_strided_slice %get3A_3311 {offsets = [9], sizes = [1], strides = [1]} : vector<16xf32> to vector<1xf32>
      %squeeze3A_3453 = vector.extract %slice3A_3452[0] : f32 from vector<1xf32>
      %mul3A_3454 = vector.broadcast %squeeze3A_3453 : f32 to vector<16xf32>
      %mul3A_3455 = arith.mulf %get3A_3451, %mul3A_3454 : vector<16xf32>
      %swap3A_3456 = arith.constant 89 : i32
      %swap3A_3457 = arith.index_cast %swap3A_3456 : i32 to index
      %swap3A_3458 = arith.constant 0 : index
      %swap3A_3459 = tpu.vector_load %arg14[%swap3A_3457, %swap3A_3458] {strides = array<i32>} : memref<128x16xf32, #tpu.memory_space<vmem>>, vector<1x16xf32>,
      %swap3A_3460 = vector.shape_cast %swap3A_3459 : vector<1x16xf32> to vector<16xf32>
      %swap3A_3461 = vector.shape_cast %mul3A_3455 : vector<16xf32> to vector<1x16xf32>
      tpu.vector_store %arg14[%swap3A_3457, %swap3A_3458], %swap3A_3461 {strides = array<i32>} : memref<128x16xf32, #tpu.memory_space<vmem>>, vector<1x16xf32>,
      %get3A_3462 = arith.constant 90 : i32
      %get3A_3463 = arith.index_cast %get3A_3462 : i32 to index
      %get3A_3464 = arith.constant 0 : index
      %get3A_3465 = tpu.vector_load %arg12[%get3A_3463, %get3A_3464] {strides = array<i32>} : memref<128x16xf32, #tpu.memory_space<vmem>>, vector<1x16xf32>,
      %get3A_3466 = vector.shape_cast %get3A_3465 : vector<1x16xf32> to vector<16xf32>
      %slice3A_3467 = vector.extract_strided_slice %get3A_3311 {offsets = [10], sizes = [1], strides = [1]} : vector<16xf32> to vector<1xf32>
      %squeeze3A_3468 = vector.extract %slice3A_3467[0] : f32 from vector<1xf32>
      %mul3A_3469 = vector.broadcast %squeeze3A_3468 : f32 to vector<16xf32>
      %mul3A_3470 = arith.mulf %get3A_3466, %mul3A_3469 : vector<16xf32>
      %swap3A_3471 = arith.constant 90 : i32
      %swap3A_3472 = arith.index_cast %swap3A_3471 : i32 to index
      %swap3A_3473 = arith.constant 0 : index
      %swap3A_3474 = tpu.vector_load %arg14[%swap3A_3472, %swap3A_3473] {strides = array<i32>} : memref<128x16xf32, #tpu.memory_space<vmem>>, vector<1x16xf32>,
      %swap3A_3475 = vector.shape_cast %swap3A_3474 : vector<1x16xf32> to vector<16xf32>
      %swap3A_3476 = vector.shape_cast %mul3A_3470 : vector<16xf32> to vector<1x16xf32>
      tpu.vector_store %arg14[%swap3A_3472, %swap3A_3473], %swap3A_3476 {strides = array<i32>} : memref<128x16xf32, #tpu.memory_space<vmem>>, vector<1x16xf32>,
      %get3A_3477 = arith.constant 91 : i32
      %get3A_3478 = arith.index_cast %get3A_3477 : i32 to index
      %get3A_3479 = arith.constant 0 : index
      %get3A_3480 = tpu.vector_load %arg12[%get3A_3478, %get3A_3479] {strides = array<i32>} : memref<128x16xf32, #tpu.memory_space<vmem>>, vector<1x16xf32>,
      %get3A_3481 = vector.shape_cast %get3A_3480 : vector<1x16xf32> to vector<16xf32>
      %slice3A_3482 = vector.extract_strided_slice %get3A_3311 {offsets = [11], sizes = [1], strides = [1]} : vector<16xf32> to vector<1xf32>
      %squeeze3A_3483 = vector.extract %slice3A_3482[0] : f32 from vector<1xf32>
      %mul3A_3484 = vector.broadcast %squeeze3A_3483 : f32 to vector<16xf32>
      %mul3A_3485 = arith.mulf %get3A_3481, %mul3A_3484 : vector<16xf32>
      %swap3A_3486 = arith.constant 91 : i32
      %swap3A_3487 = arith.index_cast %swap3A_3486 : i32 to index
      %swap3A_3488 = arith.constant 0 : index
      %swap3A_3489 = tpu.vector_load %arg14[%swap3A_3487, %swap3A_3488] {strides = array<i32>} : memref<128x16xf32, #tpu.memory_space<vmem>>, vector<1x16xf32>,
      %swap3A_3490 = vector.shape_cast %swap3A_3489 : vector<1x16xf32> to vector<16xf32>
      %swap3A_3491 = vector.shape_cast %mul3A_3485 : vector<16xf32> to vector<1x16xf32>
      tpu.vector_store %arg14[%swap3A_3487, %swap3A_3488], %swap3A_3491 {strides = array<i32>} : memref<128x16xf32, #tpu.memory_space<vmem>>, vector<1x16xf32>,
      %get3A_3492 = arith.constant 92 : i32
      %get3A_3493 = arith.index_cast %get3A_3492 : i32 to index
      %get3A_3494 = arith.constant 0 : index
      %get3A_3495 = tpu.vector_load %arg12[%get3A_3493, %get3A_3494] {strides = array<i32>} : memref<128x16xf32, #tpu.memory_space<vmem>>, vector<1x16xf32>,
      %get3A_3496 = vector.shape_cast %get3A_3495 : vector<1x16xf32> to vector<16xf32>
      %slice3A_3497 = vector.extract_strided_slice %get3A_3311 {offsets = [12], sizes = [1], strides = [1]} : vector<16xf32> to vector<1xf32>
      %squeeze3A_3498 = vector.extract %slice3A_3497[0] : f32 from vector<1xf32>
      %mul3A_3499 = vector.broadcast %squeeze3A_3498 : f32 to vector<16xf32>
      %mul3A_3500 = arith.mulf %get3A_3496, %mul3A_3499 : vector<16xf32>
      %swap3A_3501 = arith.constant 92 : i32
      %swap3A_3502 = arith.index_cast %swap3A_3501 : i32 to index
      %swap3A_3503 = arith.constant 0 : index
      %swap3A_3504 = tpu.vector_load %arg14[%swap3A_3502, %swap3A_3503] {strides = array<i32>} : memref<128x16xf32, #tpu.memory_space<vmem>>, vector<1x16xf32>,
      %swap3A_3505 = vector.shape_cast %swap3A_3504 : vector<1x16xf32> to vector<16xf32>
      %swap3A_3506 = vector.shape_cast %mul3A_3500 : vector<16xf32> to vector<1x16xf32>
      tpu.vector_store %arg14[%swap3A_3502, %swap3A_3503], %swap3A_3506 {strides = array<i32>} : memref<128x16xf32, #tpu.memory_space<vmem>>, vector<1x16xf32>,
      %get3A_3507 = arith.constant 93 : i32
      %get3A_3508 = arith.index_cast %get3A_3507 : i32 to index
      %get3A_3509 = arith.constant 0 : index
      %get3A_3510 = tpu.vector_load %arg12[%get3A_3508, %get3A_3509] {strides = array<i32>} : memref<128x16xf32, #tpu.memory_space<vmem>>, vector<1x16xf32>,
      %get3A_3511 = vector.shape_cast %get3A_3510 : vector<1x16xf32> to vector<16xf32>
      %slice3A_3512 = vector.extract_strided_slice %get3A_3311 {offsets = [13], sizes = [1], strides = [1]} : vector<16xf32> to vector<1xf32>
      %squeeze3A_3513 = vector.extract %slice3A_3512[0] : f32 from vector<1xf32>
      %mul3A_3514 = vector.broadcast %squeeze3A_3513 : f32 to vector<16xf32>
      %mul3A_3515 = arith.mulf %get3A_3511, %mul3A_3514 : vector<16xf32>
      %swap3A_3516 = arith.constant 93 : i32
      %swap3A_3517 = arith.index_cast %swap3A_3516 : i32 to index
      %swap3A_3518 = arith.constant 0 : index
      %swap3A_3519 = tpu.vector_load %arg14[%swap3A_3517, %swap3A_3518] {strides = array<i32>} : memref<128x16xf32, #tpu.memory_space<vmem>>, vector<1x16xf32>,
      %swap3A_3520 = vector.shape_cast %swap3A_3519 : vector<1x16xf32> to vector<16xf32>
      %swap3A_3521 = vector.shape_cast %mul3A_3515 : vector<16xf32> to vector<1x16xf32>
      tpu.vector_store %arg14[%swap3A_3517, %swap3A_3518], %swap3A_3521 {strides = array<i32>} : memref<128x16xf32, #tpu.memory_space<vmem>>, vector<1x16xf32>,
      %get3A_3522 = arith.constant 94 : i32
      %get3A_3523 = arith.index_cast %get3A_3522 : i32 to index
      %get3A_3524 = arith.constant 0 : index
      %get3A_3525 = tpu.vector_load %arg12[%get3A_3523, %get3A_3524] {strides = array<i32>} : memref<128x16xf32, #tpu.memory_space<vmem>>, vector<1x16xf32>,
      %get3A_3526 = vector.shape_cast %get3A_3525 : vector<1x16xf32> to vector<16xf32>
      %slice3A_3527 = vector.extract_strided_slice %get3A_3311 {offsets = [14], sizes = [1], strides = [1]} : vector<16xf32> to vector<1xf32>
      %squeeze3A_3528 = vector.extract %slice3A_3527[0] : f32 from vector<1xf32>
      %mul3A_3529 = vector.broadcast %squeeze3A_3528 : f32 to vector<16xf32>
      %mul3A_3530 = arith.mulf %get3A_3526, %mul3A_3529 : vector<16xf32>
      %swap3A_3531 = arith.constant 94 : i32
      %swap3A_3532 = arith.index_cast %swap3A_3531 : i32 to index
      %swap3A_3533 = arith.constant 0 : index
      %swap3A_3534 = tpu.vector_load %arg14[%swap3A_3532, %swap3A_3533] {strides = array<i32>} : memref<128x16xf32, #tpu.memory_space<vmem>>, vector<1x16xf32>,
      %swap3A_3535 = vector.shape_cast %swap3A_3534 : vector<1x16xf32> to vector<16xf32>
      %swap3A_3536 = vector.shape_cast %mul3A_3530 : vector<16xf32> to vector<1x16xf32>
      tpu.vector_store %arg14[%swap3A_3532, %swap3A_3533], %swap3A_3536 {strides = array<i32>} : memref<128x16xf32, #tpu.memory_space<vmem>>, vector<1x16xf32>,
      %get3A_3537 = arith.constant 95 : i32
      %get3A_3538 = arith.index_cast %get3A_3537 : i32 to index
      %get3A_3539 = arith.constant 0 : index
      %get3A_3540 = tpu.vector_load %arg12[%get3A_3538, %get3A_3539] {strides = array<i32>} : memref<128x16xf32, #tpu.memory_space<vmem>>, vector<1x16xf32>,
      %get3A_3541 = vector.shape_cast %get3A_3540 : vector<1x16xf32> to vector<16xf32>
      %slice3A_3542 = vector.extract_strided_slice %get3A_3311 {offsets = [15], sizes = [1], strides = [1]} : vector<16xf32> to vector<1xf32>
      %squeeze3A_3543 = vector.extract %slice3A_3542[0] : f32 from vector<1xf32>
      %mul3A_3544 = vector.broadcast %squeeze3A_3543 : f32 to vector<16xf32>
      %mul3A_3545 = arith.mulf %get3A_3541, %mul3A_3544 : vector<16xf32>
      %swap3A_3546 = arith.constant 95 : i32
      %swap3A_3547 = arith.index_cast %swap3A_3546 : i32 to index
      %swap3A_3548 = arith.constant 0 : index
      %swap3A_3549 = tpu.vector_load %arg14[%swap3A_3547, %swap3A_3548] {strides = array<i32>} : memref<128x16xf32, #tpu.memory_space<vmem>>, vector<1x16xf32>,
      %swap3A_3550 = vector.shape_cast %swap3A_3549 : vector<1x16xf32> to vector<16xf32>
      %swap3A_3551 = vector.shape_cast %mul3A_3545 : vector<16xf32> to vector<1x16xf32>
      tpu.vector_store %arg14[%swap3A_3547, %swap3A_3548], %swap3A_3551 {strides = array<i32>} : memref<128x16xf32, #tpu.memory_space<vmem>>, vector<1x16xf32>,
      %get3A_3552 = arith.index_cast %add3A_100 : i32 to index
      %get3A_3553 = arith.constant 96 : index
      %get3A_3554 = tpu.vector_load %arg10[%get3A_3552, %get3A_3553] {strides = array<i32>} : memref<66x128xf32, #tpu.memory_space<vmem>>, vector<1x16xf32>,
      %get3A_3555 = vector.shape_cast %get3A_3554 : vector<1x16xf32> to vector<16xf32>
      %get3A_3556 = arith.constant 96 : i32
      %get3A_3557 = arith.index_cast %get3A_3556 : i32 to index
      %get3A_3558 = arith.constant 0 : index
      %get3A_3559 = tpu.vector_load %arg12[%get3A_3557, %get3A_3558] {strides = array<i32>} : memref<128x16xf32, #tpu.memory_space<vmem>>, vector<1x16xf32>,
      %get3A_3560 = vector.shape_cast %get3A_3559 : vector<1x16xf32> to vector<16xf32>
      %slice3A_3561 = vector.extract_strided_slice %get3A_3555 {offsets = [0], sizes = [1], strides = [1]} : vector<16xf32> to vector<1xf32>
      %squeeze3A_3562 = vector.extract %slice3A_3561[0] : f32 from vector<1xf32>
      %mul3A_3563 = vector.broadcast %squeeze3A_3562 : f32 to vector<16xf32>
      %mul3A_3564 = arith.mulf %get3A_3560, %mul3A_3563 : vector<16xf32>
      %swap3A_3565 = arith.constant 96 : i32
      %swap3A_3566 = arith.index_cast %swap3A_3565 : i32 to index
      %swap3A_3567 = arith.constant 0 : index
      %swap3A_3568 = tpu.vector_load %arg14[%swap3A_3566, %swap3A_3567] {strides = array<i32>} : memref<128x16xf32, #tpu.memory_space<vmem>>, vector<1x16xf32>,
      %swap3A_3569 = vector.shape_cast %swap3A_3568 : vector<1x16xf32> to vector<16xf32>
      %swap3A_3570 = vector.shape_cast %mul3A_3564 : vector<16xf32> to vector<1x16xf32>
      tpu.vector_store %arg14[%swap3A_3566, %swap3A_3567], %swap3A_3570 {strides = array<i32>} : memref<128x16xf32, #tpu.memory_space<vmem>>, vector<1x16xf32>,
      %get3A_3571 = arith.constant 97 : i32
      %get3A_3572 = arith.index_cast %get3A_3571 : i32 to index
      %get3A_3573 = arith.constant 0 : index
      %get3A_3574 = tpu.vector_load %arg12[%get3A_3572, %get3A_3573] {strides = array<i32>} : memref<128x16xf32, #tpu.memory_space<vmem>>, vector<1x16xf32>,
      %get3A_3575 = vector.shape_cast %get3A_3574 : vector<1x16xf32> to vector<16xf32>
      %slice3A_3576 = vector.extract_strided_slice %get3A_3555 {offsets = [1], sizes = [1], strides = [1]} : vector<16xf32> to vector<1xf32>
      %squeeze3A_3577 = vector.extract %slice3A_3576[0] : f32 from vector<1xf32>
      %mul3A_3578 = vector.broadcast %squeeze3A_3577 : f32 to vector<16xf32>
      %mul3A_3579 = arith.mulf %get3A_3575, %mul3A_3578 : vector<16xf32>
      %swap3A_3580 = arith.constant 97 : i32
      %swap3A_3581 = arith.index_cast %swap3A_3580 : i32 to index
      %swap3A_3582 = arith.constant 0 : index
      %swap3A_3583 = tpu.vector_load %arg14[%swap3A_3581, %swap3A_3582] {strides = array<i32>} : memref<128x16xf32, #tpu.memory_space<vmem>>, vector<1x16xf32>,
      %swap3A_3584 = vector.shape_cast %swap3A_3583 : vector<1x16xf32> to vector<16xf32>
      %swap3A_3585 = vector.shape_cast %mul3A_3579 : vector<16xf32> to vector<1x16xf32>
      tpu.vector_store %arg14[%swap3A_3581, %swap3A_3582], %swap3A_3585 {strides = array<i32>} : memref<128x16xf32, #tpu.memory_space<vmem>>, vector<1x16xf32>,
      %get3A_3586 = arith.constant 98 : i32
      %get3A_3587 = arith.index_cast %get3A_3586 : i32 to index
      %get3A_3588 = arith.constant 0 : index
      %get3A_3589 = tpu.vector_load %arg12[%get3A_3587, %get3A_3588] {strides = array<i32>} : memref<128x16xf32, #tpu.memory_space<vmem>>, vector<1x16xf32>,
      %get3A_3590 = vector.shape_cast %get3A_3589 : vector<1x16xf32> to vector<16xf32>
      %slice3A_3591 = vector.extract_strided_slice %get3A_3555 {offsets = [2], sizes = [1], strides = [1]} : vector<16xf32> to vector<1xf32>
      %squeeze3A_3592 = vector.extract %slice3A_3591[0] : f32 from vector<1xf32>
      %mul3A_3593 = vector.broadcast %squeeze3A_3592 : f32 to vector<16xf32>
      %mul3A_3594 = arith.mulf %get3A_3590, %mul3A_3593 : vector<16xf32>
      %swap3A_3595 = arith.constant 98 : i32
      %swap3A_3596 = arith.index_cast %swap3A_3595 : i32 to index
      %swap3A_3597 = arith.constant 0 : index
      %swap3A_3598 = tpu.vector_load %arg14[%swap3A_3596, %swap3A_3597] {strides = array<i32>} : memref<128x16xf32, #tpu.memory_space<vmem>>, vector<1x16xf32>,
      %swap3A_3599 = vector.shape_cast %swap3A_3598 : vector<1x16xf32> to vector<16xf32>
      %swap3A_3600 = vector.shape_cast %mul3A_3594 : vector<16xf32> to vector<1x16xf32>
      tpu.vector_store %arg14[%swap3A_3596, %swap3A_3597], %swap3A_3600 {strides = array<i32>} : memref<128x16xf32, #tpu.memory_space<vmem>>, vector<1x16xf32>,
      %get3A_3601 = arith.constant 99 : i32
      %get3A_3602 = arith.index_cast %get3A_3601 : i32 to index
      %get3A_3603 = arith.constant 0 : index
      %get3A_3604 = tpu.vector_load %arg12[%get3A_3602, %get3A_3603] {strides = array<i32>} : memref<128x16xf32, #tpu.memory_space<vmem>>, vector<1x16xf32>,
      %get3A_3605 = vector.shape_cast %get3A_3604 : vector<1x16xf32> to vector<16xf32>
      %slice3A_3606 = vector.extract_strided_slice %get3A_3555 {offsets = [3], sizes = [1], strides = [1]} : vector<16xf32> to vector<1xf32>
      %squeeze3A_3607 = vector.extract %slice3A_3606[0] : f32 from vector<1xf32>
      %mul3A_3608 = vector.broadcast %squeeze3A_3607 : f32 to vector<16xf32>
      %mul3A_3609 = arith.mulf %get3A_3605, %mul3A_3608 : vector<16xf32>
      %swap3A_3610 = arith.constant 99 : i32
      %swap3A_3611 = arith.index_cast %swap3A_3610 : i32 to index
      %swap3A_3612 = arith.constant 0 : index
      %swap3A_3613 = tpu.vector_load %arg14[%swap3A_3611, %swap3A_3612] {strides = array<i32>} : memref<128x16xf32, #tpu.memory_space<vmem>>, vector<1x16xf32>,
      %swap3A_3614 = vector.shape_cast %swap3A_3613 : vector<1x16xf32> to vector<16xf32>
      %swap3A_3615 = vector.shape_cast %mul3A_3609 : vector<16xf32> to vector<1x16xf32>
      tpu.vector_store %arg14[%swap3A_3611, %swap3A_3612], %swap3A_3615 {strides = array<i32>} : memref<128x16xf32, #tpu.memory_space<vmem>>, vector<1x16xf32>,
      %get3A_3616 = arith.constant 100 : i32
      %get3A_3617 = arith.index_cast %get3A_3616 : i32 to index
      %get3A_3618 = arith.constant 0 : index
      %get3A_3619 = tpu.vector_load %arg12[%get3A_3617, %get3A_3618] {strides = array<i32>} : memref<128x16xf32, #tpu.memory_space<vmem>>, vector<1x16xf32>,
      %get3A_3620 = vector.shape_cast %get3A_3619 : vector<1x16xf32> to vector<16xf32>
      %slice3A_3621 = vector.extract_strided_slice %get3A_3555 {offsets = [4], sizes = [1], strides = [1]} : vector<16xf32> to vector<1xf32>
      %squeeze3A_3622 = vector.extract %slice3A_3621[0] : f32 from vector<1xf32>
      %mul3A_3623 = vector.broadcast %squeeze3A_3622 : f32 to vector<16xf32>
      %mul3A_3624 = arith.mulf %get3A_3620, %mul3A_3623 : vector<16xf32>
      %swap3A_3625 = arith.constant 100 : i32
      %swap3A_3626 = arith.index_cast %swap3A_3625 : i32 to index
      %swap3A_3627 = arith.constant 0 : index
      %swap3A_3628 = tpu.vector_load %arg14[%swap3A_3626, %swap3A_3627] {strides = array<i32>} : memref<128x16xf32, #tpu.memory_space<vmem>>, vector<1x16xf32>,
      %swap3A_3629 = vector.shape_cast %swap3A_3628 : vector<1x16xf32> to vector<16xf32>
      %swap3A_3630 = vector.shape_cast %mul3A_3624 : vector<16xf32> to vector<1x16xf32>
      tpu.vector_store %arg14[%swap3A_3626, %swap3A_3627], %swap3A_3630 {strides = array<i32>} : memref<128x16xf32, #tpu.memory_space<vmem>>, vector<1x16xf32>,
      %get3A_3631 = arith.constant 101 : i32
      %get3A_3632 = arith.index_cast %get3A_3631 : i32 to index
      %get3A_3633 = arith.constant 0 : index
      %get3A_3634 = tpu.vector_load %arg12[%get3A_3632, %get3A_3633] {strides = array<i32>} : memref<128x16xf32, #tpu.memory_space<vmem>>, vector<1x16xf32>,
      %get3A_3635 = vector.shape_cast %get3A_3634 : vector<1x16xf32> to vector<16xf32>
      %slice3A_3636 = vector.extract_strided_slice %get3A_3555 {offsets = [5], sizes = [1], strides = [1]} : vector<16xf32> to vector<1xf32>
      %squeeze3A_3637 = vector.extract %slice3A_3636[0] : f32 from vector<1xf32>
      %mul3A_3638 = vector.broadcast %squeeze3A_3637 : f32 to vector<16xf32>
      %mul3A_3639 = arith.mulf %get3A_3635, %mul3A_3638 : vector<16xf32>
      %swap3A_3640 = arith.constant 101 : i32
      %swap3A_3641 = arith.index_cast %swap3A_3640 : i32 to index
      %swap3A_3642 = arith.constant 0 : index
      %swap3A_3643 = tpu.vector_load %arg14[%swap3A_3641, %swap3A_3642] {strides = array<i32>} : memref<128x16xf32, #tpu.memory_space<vmem>>, vector<1x16xf32>,
      %swap3A_3644 = vector.shape_cast %swap3A_3643 : vector<1x16xf32> to vector<16xf32>
      %swap3A_3645 = vector.shape_cast %mul3A_3639 : vector<16xf32> to vector<1x16xf32>
      tpu.vector_store %arg14[%swap3A_3641, %swap3A_3642], %swap3A_3645 {strides = array<i32>} : memref<128x16xf32, #tpu.memory_space<vmem>>, vector<1x16xf32>,
      %get3A_3646 = arith.constant 102 : i32
      %get3A_3647 = arith.index_cast %get3A_3646 : i32 to index
      %get3A_3648 = arith.constant 0 : index
      %get3A_3649 = tpu.vector_load %arg12[%get3A_3647, %get3A_3648] {strides = array<i32>} : memref<128x16xf32, #tpu.memory_space<vmem>>, vector<1x16xf32>,
      %get3A_3650 = vector.shape_cast %get3A_3649 : vector<1x16xf32> to vector<16xf32>
      %slice3A_3651 = vector.extract_strided_slice %get3A_3555 {offsets = [6], sizes = [1], strides = [1]} : vector<16xf32> to vector<1xf32>
      %squeeze3A_3652 = vector.extract %slice3A_3651[0] : f32 from vector<1xf32>
      %mul3A_3653 = vector.broadcast %squeeze3A_3652 : f32 to vector<16xf32>
      %mul3A_3654 = arith.mulf %get3A_3650, %mul3A_3653 : vector<16xf32>
      %swap3A_3655 = arith.constant 102 : i32
      %swap3A_3656 = arith.index_cast %swap3A_3655 : i32 to index
      %swap3A_3657 = arith.constant 0 : index
      %swap3A_3658 = tpu.vector_load %arg14[%swap3A_3656, %swap3A_3657] {strides = array<i32>} : memref<128x16xf32, #tpu.memory_space<vmem>>, vector<1x16xf32>,
      %swap3A_3659 = vector.shape_cast %swap3A_3658 : vector<1x16xf32> to vector<16xf32>
      %swap3A_3660 = vector.shape_cast %mul3A_3654 : vector<16xf32> to vector<1x16xf32>
      tpu.vector_store %arg14[%swap3A_3656, %swap3A_3657], %swap3A_3660 {strides = array<i32>} : memref<128x16xf32, #tpu.memory_space<vmem>>, vector<1x16xf32>,
      %get3A_3661 = arith.constant 103 : i32
      %get3A_3662 = arith.index_cast %get3A_3661 : i32 to index
      %get3A_3663 = arith.constant 0 : index
      %get3A_3664 = tpu.vector_load %arg12[%get3A_3662, %get3A_3663] {strides = array<i32>} : memref<128x16xf32, #tpu.memory_space<vmem>>, vector<1x16xf32>,
      %get3A_3665 = vector.shape_cast %get3A_3664 : vector<1x16xf32> to vector<16xf32>
      %slice3A_3666 = vector.extract_strided_slice %get3A_3555 {offsets = [7], sizes = [1], strides = [1]} : vector<16xf32> to vector<1xf32>
      %squeeze3A_3667 = vector.extract %slice3A_3666[0] : f32 from vector<1xf32>
      %mul3A_3668 = vector.broadcast %squeeze3A_3667 : f32 to vector<16xf32>
      %mul3A_3669 = arith.mulf %get3A_3665, %mul3A_3668 : vector<16xf32>
      %swap3A_3670 = arith.constant 103 : i32
      %swap3A_3671 = arith.index_cast %swap3A_3670 : i32 to index
      %swap3A_3672 = arith.constant 0 : index
      %swap3A_3673 = tpu.vector_load %arg14[%swap3A_3671, %swap3A_3672] {strides = array<i32>} : memref<128x16xf32, #tpu.memory_space<vmem>>, vector<1x16xf32>,
      %swap3A_3674 = vector.shape_cast %swap3A_3673 : vector<1x16xf32> to vector<16xf32>
      %swap3A_3675 = vector.shape_cast %mul3A_3669 : vector<16xf32> to vector<1x16xf32>
      tpu.vector_store %arg14[%swap3A_3671, %swap3A_3672], %swap3A_3675 {strides = array<i32>} : memref<128x16xf32, #tpu.memory_space<vmem>>, vector<1x16xf32>,
      %get3A_3676 = arith.constant 104 : i32
      %get3A_3677 = arith.index_cast %get3A_3676 : i32 to index
      %get3A_3678 = arith.constant 0 : index
      %get3A_3679 = tpu.vector_load %arg12[%get3A_3677, %get3A_3678] {strides = array<i32>} : memref<128x16xf32, #tpu.memory_space<vmem>>, vector<1x16xf32>,
      %get3A_3680 = vector.shape_cast %get3A_3679 : vector<1x16xf32> to vector<16xf32>
      %slice3A_3681 = vector.extract_strided_slice %get3A_3555 {offsets = [8], sizes = [1], strides = [1]} : vector<16xf32> to vector<1xf32>
      %squeeze3A_3682 = vector.extract %slice3A_3681[0] : f32 from vector<1xf32>
      %mul3A_3683 = vector.broadcast %squeeze3A_3682 : f32 to vector<16xf32>
      %mul3A_3684 = arith.mulf %get3A_3680, %mul3A_3683 : vector<16xf32>
      %swap3A_3685 = arith.constant 104 : i32
      %swap3A_3686 = arith.index_cast %swap3A_3685 : i32 to index
      %swap3A_3687 = arith.constant 0 : index
      %swap3A_3688 = tpu.vector_load %arg14[%swap3A_3686, %swap3A_3687] {strides = array<i32>} : memref<128x16xf32, #tpu.memory_space<vmem>>, vector<1x16xf32>,
      %swap3A_3689 = vector.shape_cast %swap3A_3688 : vector<1x16xf32> to vector<16xf32>
      %swap3A_3690 = vector.shape_cast %mul3A_3684 : vector<16xf32> to vector<1x16xf32>
      tpu.vector_store %arg14[%swap3A_3686, %swap3A_3687], %swap3A_3690 {strides = array<i32>} : memref<128x16xf32, #tpu.memory_space<vmem>>, vector<1x16xf32>,
      %get3A_3691 = arith.constant 105 : i32
      %get3A_3692 = arith.index_cast %get3A_3691 : i32 to index
      %get3A_3693 = arith.constant 0 : index
      %get3A_3694 = tpu.vector_load %arg12[%get3A_3692, %get3A_3693] {strides = array<i32>} : memref<128x16xf32, #tpu.memory_space<vmem>>, vector<1x16xf32>,
      %get3A_3695 = vector.shape_cast %get3A_3694 : vector<1x16xf32> to vector<16xf32>
      %slice3A_3696 = vector.extract_strided_slice %get3A_3555 {offsets = [9], sizes = [1], strides = [1]} : vector<16xf32> to vector<1xf32>
      %squeeze3A_3697 = vector.extract %slice3A_3696[0] : f32 from vector<1xf32>
      %mul3A_3698 = vector.broadcast %squeeze3A_3697 : f32 to vector<16xf32>
      %mul3A_3699 = arith.mulf %get3A_3695, %mul3A_3698 : vector<16xf32>
      %swap3A_3700 = arith.constant 105 : i32
      %swap3A_3701 = arith.index_cast %swap3A_3700 : i32 to index
      %swap3A_3702 = arith.constant 0 : index
      %swap3A_3703 = tpu.vector_load %arg14[%swap3A_3701, %swap3A_3702] {strides = array<i32>} : memref<128x16xf32, #tpu.memory_space<vmem>>, vector<1x16xf32>,
      %swap3A_3704 = vector.shape_cast %swap3A_3703 : vector<1x16xf32> to vector<16xf32>
      %swap3A_3705 = vector.shape_cast %mul3A_3699 : vector<16xf32> to vector<1x16xf32>
      tpu.vector_store %arg14[%swap3A_3701, %swap3A_3702], %swap3A_3705 {strides = array<i32>} : memref<128x16xf32, #tpu.memory_space<vmem>>, vector<1x16xf32>,
      %get3A_3706 = arith.constant 106 : i32
      %get3A_3707 = arith.index_cast %get3A_3706 : i32 to index
      %get3A_3708 = arith.constant 0 : index
      %get3A_3709 = tpu.vector_load %arg12[%get3A_3707, %get3A_3708] {strides = array<i32>} : memref<128x16xf32, #tpu.memory_space<vmem>>, vector<1x16xf32>,
      %get3A_3710 = vector.shape_cast %get3A_3709 : vector<1x16xf32> to vector<16xf32>
      %slice3A_3711 = vector.extract_strided_slice %get3A_3555 {offsets = [10], sizes = [1], strides = [1]} : vector<16xf32> to vector<1xf32>
      %squeeze3A_3712 = vector.extract %slice3A_3711[0] : f32 from vector<1xf32>
      %mul3A_3713 = vector.broadcast %squeeze3A_3712 : f32 to vector<16xf32>
      %mul3A_3714 = arith.mulf %get3A_3710, %mul3A_3713 : vector<16xf32>
      %swap3A_3715 = arith.constant 106 : i32
      %swap3A_3716 = arith.index_cast %swap3A_3715 : i32 to index
      %swap3A_3717 = arith.constant 0 : index
      %swap3A_3718 = tpu.vector_load %arg14[%swap3A_3716, %swap3A_3717] {strides = array<i32>} : memref<128x16xf32, #tpu.memory_space<vmem>>, vector<1x16xf32>,
      %swap3A_3719 = vector.shape_cast %swap3A_3718 : vector<1x16xf32> to vector<16xf32>
      %swap3A_3720 = vector.shape_cast %mul3A_3714 : vector<16xf32> to vector<1x16xf32>
      tpu.vector_store %arg14[%swap3A_3716, %swap3A_3717], %swap3A_3720 {strides = array<i32>} : memref<128x16xf32, #tpu.memory_space<vmem>>, vector<1x16xf32>,
      %get3A_3721 = arith.constant 107 : i32
      %get3A_3722 = arith.index_cast %get3A_3721 : i32 to index
      %get3A_3723 = arith.constant 0 : index
      %get3A_3724 = tpu.vector_load %arg12[%get3A_3722, %get3A_3723] {strides = array<i32>} : memref<128x16xf32, #tpu.memory_space<vmem>>, vector<1x16xf32>,
      %get3A_3725 = vector.shape_cast %get3A_3724 : vector<1x16xf32> to vector<16xf32>
      %slice3A_3726 = vector.extract_strided_slice %get3A_3555 {offsets = [11], sizes = [1], strides = [1]} : vector<16xf32> to vector<1xf32>
      %squeeze3A_3727 = vector.extract %slice3A_3726[0] : f32 from vector<1xf32>
      %mul3A_3728 = vector.broadcast %squeeze3A_3727 : f32 to vector<16xf32>
      %mul3A_3729 = arith.mulf %get3A_3725, %mul3A_3728 : vector<16xf32>
      %swap3A_3730 = arith.constant 107 : i32
      %swap3A_3731 = arith.index_cast %swap3A_3730 : i32 to index
      %swap3A_3732 = arith.constant 0 : index
      %swap3A_3733 = tpu.vector_load %arg14[%swap3A_3731, %swap3A_3732] {strides = array<i32>} : memref<128x16xf32, #tpu.memory_space<vmem>>, vector<1x16xf32>,
      %swap3A_3734 = vector.shape_cast %swap3A_3733 : vector<1x16xf32> to vector<16xf32>
      %swap3A_3735 = vector.shape_cast %mul3A_3729 : vector<16xf32> to vector<1x16xf32>
      tpu.vector_store %arg14[%swap3A_3731, %swap3A_3732], %swap3A_3735 {strides = array<i32>} : memref<128x16xf32, #tpu.memory_space<vmem>>, vector<1x16xf32>,
      %get3A_3736 = arith.constant 108 : i32
      %get3A_3737 = arith.index_cast %get3A_3736 : i32 to index
      %get3A_3738 = arith.constant 0 : index
      %get3A_3739 = tpu.vector_load %arg12[%get3A_3737, %get3A_3738] {strides = array<i32>} : memref<128x16xf32, #tpu.memory_space<vmem>>, vector<1x16xf32>,
      %get3A_3740 = vector.shape_cast %get3A_3739 : vector<1x16xf32> to vector<16xf32>
      %slice3A_3741 = vector.extract_strided_slice %get3A_3555 {offsets = [12], sizes = [1], strides = [1]} : vector<16xf32> to vector<1xf32>
      %squeeze3A_3742 = vector.extract %slice3A_3741[0] : f32 from vector<1xf32>
      %mul3A_3743 = vector.broadcast %squeeze3A_3742 : f32 to vector<16xf32>
      %mul3A_3744 = arith.mulf %get3A_3740, %mul3A_3743 : vector<16xf32>
      %swap3A_3745 = arith.constant 108 : i32
      %swap3A_3746 = arith.index_cast %swap3A_3745 : i32 to index
      %swap3A_3747 = arith.constant 0 : index
      %swap3A_3748 = tpu.vector_load %arg14[%swap3A_3746, %swap3A_3747] {strides = array<i32>} : memref<128x16xf32, #tpu.memory_space<vmem>>, vector<1x16xf32>,
      %swap3A_3749 = vector.shape_cast %swap3A_3748 : vector<1x16xf32> to vector<16xf32>
      %swap3A_3750 = vector.shape_cast %mul3A_3744 : vector<16xf32> to vector<1x16xf32>
      tpu.vector_store %arg14[%swap3A_3746, %swap3A_3747], %swap3A_3750 {strides = array<i32>} : memref<128x16xf32, #tpu.memory_space<vmem>>, vector<1x16xf32>,
      %get3A_3751 = arith.constant 109 : i32
      %get3A_3752 = arith.index_cast %get3A_3751 : i32 to index
      %get3A_3753 = arith.constant 0 : index
      %get3A_3754 = tpu.vector_load %arg12[%get3A_3752, %get3A_3753] {strides = array<i32>} : memref<128x16xf32, #tpu.memory_space<vmem>>, vector<1x16xf32>,
      %get3A_3755 = vector.shape_cast %get3A_3754 : vector<1x16xf32> to vector<16xf32>
      %slice3A_3756 = vector.extract_strided_slice %get3A_3555 {offsets = [13], sizes = [1], strides = [1]} : vector<16xf32> to vector<1xf32>
      %squeeze3A_3757 = vector.extract %slice3A_3756[0] : f32 from vector<1xf32>
      %mul3A_3758 = vector.broadcast %squeeze3A_3757 : f32 to vector<16xf32>
      %mul3A_3759 = arith.mulf %get3A_3755, %mul3A_3758 : vector<16xf32>
      %swap3A_3760 = arith.constant 109 : i32
      %swap3A_3761 = arith.index_cast %swap3A_3760 : i32 to index
      %swap3A_3762 = arith.constant 0 : index
      %swap3A_3763 = tpu.vector_load %arg14[%swap3A_3761, %swap3A_3762] {strides = array<i32>} : memref<128x16xf32, #tpu.memory_space<vmem>>, vector<1x16xf32>,
      %swap3A_3764 = vector.shape_cast %swap3A_3763 : vector<1x16xf32> to vector<16xf32>
      %swap3A_3765 = vector.shape_cast %mul3A_3759 : vector<16xf32> to vector<1x16xf32>
      tpu.vector_store %arg14[%swap3A_3761, %swap3A_3762], %swap3A_3765 {strides = array<i32>} : memref<128x16xf32, #tpu.memory_space<vmem>>, vector<1x16xf32>,
      %get3A_3766 = arith.constant 110 : i32
      %get3A_3767 = arith.index_cast %get3A_3766 : i32 to index
      %get3A_3768 = arith.constant 0 : index
      %get3A_3769 = tpu.vector_load %arg12[%get3A_3767, %get3A_3768] {strides = array<i32>} : memref<128x16xf32, #tpu.memory_space<vmem>>, vector<1x16xf32>,
      %get3A_3770 = vector.shape_cast %get3A_3769 : vector<1x16xf32> to vector<16xf32>
      %slice3A_3771 = vector.extract_strided_slice %get3A_3555 {offsets = [14], sizes = [1], strides = [1]} : vector<16xf32> to vector<1xf32>
      %squeeze3A_3772 = vector.extract %slice3A_3771[0] : f32 from vector<1xf32>
      %mul3A_3773 = vector.broadcast %squeeze3A_3772 : f32 to vector<16xf32>
      %mul3A_3774 = arith.mulf %get3A_3770, %mul3A_3773 : vector<16xf32>
      %swap3A_3775 = arith.constant 110 : i32
      %swap3A_3776 = arith.index_cast %swap3A_3775 : i32 to index
      %swap3A_3777 = arith.constant 0 : index
      %swap3A_3778 = tpu.vector_load %arg14[%swap3A_3776, %swap3A_3777] {strides = array<i32>} : memref<128x16xf32, #tpu.memory_space<vmem>>, vector<1x16xf32>,
      %swap3A_3779 = vector.shape_cast %swap3A_3778 : vector<1x16xf32> to vector<16xf32>
      %swap3A_3780 = vector.shape_cast %mul3A_3774 : vector<16xf32> to vector<1x16xf32>
      tpu.vector_store %arg14[%swap3A_3776, %swap3A_3777], %swap3A_3780 {strides = array<i32>} : memref<128x16xf32, #tpu.memory_space<vmem>>, vector<1x16xf32>,
      %get3A_3781 = arith.constant 111 : i32
      %get3A_3782 = arith.index_cast %get3A_3781 : i32 to index
      %get3A_3783 = arith.constant 0 : index
      %get3A_3784 = tpu.vector_load %arg12[%get3A_3782, %get3A_3783] {strides = array<i32>} : memref<128x16xf32, #tpu.memory_space<vmem>>, vector<1x16xf32>,
      %get3A_3785 = vector.shape_cast %get3A_3784 : vector<1x16xf32> to vector<16xf32>
      %slice3A_3786 = vector.extract_strided_slice %get3A_3555 {offsets = [15], sizes = [1], strides = [1]} : vector<16xf32> to vector<1xf32>
      %squeeze3A_3787 = vector.extract %slice3A_3786[0] : f32 from vector<1xf32>
      %mul3A_3788 = vector.broadcast %squeeze3A_3787 : f32 to vector<16xf32>
      %mul3A_3789 = arith.mulf %get3A_3785, %mul3A_3788 : vector<16xf32>
      %swap3A_3790 = arith.constant 111 : i32
      %swap3A_3791 = arith.index_cast %swap3A_3790 : i32 to index
      %swap3A_3792 = arith.constant 0 : index
      %swap3A_3793 = tpu.vector_load %arg14[%swap3A_3791, %swap3A_3792] {strides = array<i32>} : memref<128x16xf32, #tpu.memory_space<vmem>>, vector<1x16xf32>,
      %swap3A_3794 = vector.shape_cast %swap3A_3793 : vector<1x16xf32> to vector<16xf32>
      %swap3A_3795 = vector.shape_cast %mul3A_3789 : vector<16xf32> to vector<1x16xf32>
      tpu.vector_store %arg14[%swap3A_3791, %swap3A_3792], %swap3A_3795 {strides = array<i32>} : memref<128x16xf32, #tpu.memory_space<vmem>>, vector<1x16xf32>,
      %get3A_3796 = arith.index_cast %add3A_100 : i32 to index
      %get3A_3797 = arith.constant 112 : index
      %get3A_3798 = tpu.vector_load %arg10[%get3A_3796, %get3A_3797] {strides = array<i32>} : memref<66x128xf32, #tpu.memory_space<vmem>>, vector<1x16xf32>,
      %get3A_3799 = vector.shape_cast %get3A_3798 : vector<1x16xf32> to vector<16xf32>
      %get3A_3800 = arith.constant 112 : i32
      %get3A_3801 = arith.index_cast %get3A_3800 : i32 to index
      %get3A_3802 = arith.constant 0 : index
      %get3A_3803 = tpu.vector_load %arg12[%get3A_3801, %get3A_3802] {strides = array<i32>} : memref<128x16xf32, #tpu.memory_space<vmem>>, vector<1x16xf32>,
      %get3A_3804 = vector.shape_cast %get3A_3803 : vector<1x16xf32> to vector<16xf32>
      %slice3A_3805 = vector.extract_strided_slice %get3A_3799 {offsets = [0], sizes = [1], strides = [1]} : vector<16xf32> to vector<1xf32>
      %squeeze3A_3806 = vector.extract %slice3A_3805[0] : f32 from vector<1xf32>
      %mul3A_3807 = vector.broadcast %squeeze3A_3806 : f32 to vector<16xf32>
      %mul3A_3808 = arith.mulf %get3A_3804, %mul3A_3807 : vector<16xf32>
      %swap3A_3809 = arith.constant 112 : i32
      %swap3A_3810 = arith.index_cast %swap3A_3809 : i32 to index
      %swap3A_3811 = arith.constant 0 : index
      %swap3A_3812 = tpu.vector_load %arg14[%swap3A_3810, %swap3A_3811] {strides = array<i32>} : memref<128x16xf32, #tpu.memory_space<vmem>>, vector<1x16xf32>,
      %swap3A_3813 = vector.shape_cast %swap3A_3812 : vector<1x16xf32> to vector<16xf32>
      %swap3A_3814 = vector.shape_cast %mul3A_3808 : vector<16xf32> to vector<1x16xf32>
      tpu.vector_store %arg14[%swap3A_3810, %swap3A_3811], %swap3A_3814 {strides = array<i32>} : memref<128x16xf32, #tpu.memory_space<vmem>>, vector<1x16xf32>,
      %get3A_3815 = arith.constant 113 : i32
      %get3A_3816 = arith.index_cast %get3A_3815 : i32 to index
      %get3A_3817 = arith.constant 0 : index
      %get3A_3818 = tpu.vector_load %arg12[%get3A_3816, %get3A_3817] {strides = array<i32>} : memref<128x16xf32, #tpu.memory_space<vmem>>, vector<1x16xf32>,
      %get3A_3819 = vector.shape_cast %get3A_3818 : vector<1x16xf32> to vector<16xf32>
      %slice3A_3820 = vector.extract_strided_slice %get3A_3799 {offsets = [1], sizes = [1], strides = [1]} : vector<16xf32> to vector<1xf32>
      %squeeze3A_3821 = vector.extract %slice3A_3820[0] : f32 from vector<1xf32>
      %mul3A_3822 = vector.broadcast %squeeze3A_3821 : f32 to vector<16xf32>
      %mul3A_3823 = arith.mulf %get3A_3819, %mul3A_3822 : vector<16xf32>
      %swap3A_3824 = arith.constant 113 : i32
      %swap3A_3825 = arith.index_cast %swap3A_3824 : i32 to index
      %swap3A_3826 = arith.constant 0 : index
      %swap3A_3827 = tpu.vector_load %arg14[%swap3A_3825, %swap3A_3826] {strides = array<i32>} : memref<128x16xf32, #tpu.memory_space<vmem>>, vector<1x16xf32>,
      %swap3A_3828 = vector.shape_cast %swap3A_3827 : vector<1x16xf32> to vector<16xf32>
      %swap3A_3829 = vector.shape_cast %mul3A_3823 : vector<16xf32> to vector<1x16xf32>
      tpu.vector_store %arg14[%swap3A_3825, %swap3A_3826], %swap3A_3829 {strides = array<i32>} : memref<128x16xf32, #tpu.memory_space<vmem>>, vector<1x16xf32>,
      %get3A_3830 = arith.constant 114 : i32
      %get3A_3831 = arith.index_cast %get3A_3830 : i32 to index
      %get3A_3832 = arith.constant 0 : index
      %get3A_3833 = tpu.vector_load %arg12[%get3A_3831, %get3A_3832] {strides = array<i32>} : memref<128x16xf32, #tpu.memory_space<vmem>>, vector<1x16xf32>,
      %get3A_3834 = vector.shape_cast %get3A_3833 : vector<1x16xf32> to vector<16xf32>
      %slice3A_3835 = vector.extract_strided_slice %get3A_3799 {offsets = [2], sizes = [1], strides = [1]} : vector<16xf32> to vector<1xf32>
      %squeeze3A_3836 = vector.extract %slice3A_3835[0] : f32 from vector<1xf32>
      %mul3A_3837 = vector.broadcast %squeeze3A_3836 : f32 to vector<16xf32>
      %mul3A_3838 = arith.mulf %get3A_3834, %mul3A_3837 : vector<16xf32>
      %swap3A_3839 = arith.constant 114 : i32
      %swap3A_3840 = arith.index_cast %swap3A_3839 : i32 to index
      %swap3A_3841 = arith.constant 0 : index
      %swap3A_3842 = tpu.vector_load %arg14[%swap3A_3840, %swap3A_3841] {strides = array<i32>} : memref<128x16xf32, #tpu.memory_space<vmem>>, vector<1x16xf32>,
      %swap3A_3843 = vector.shape_cast %swap3A_3842 : vector<1x16xf32> to vector<16xf32>
      %swap3A_3844 = vector.shape_cast %mul3A_3838 : vector<16xf32> to vector<1x16xf32>
      tpu.vector_store %arg14[%swap3A_3840, %swap3A_3841], %swap3A_3844 {strides = array<i32>} : memref<128x16xf32, #tpu.memory_space<vmem>>, vector<1x16xf32>,
      %get3A_3845 = arith.constant 115 : i32
      %get3A_3846 = arith.index_cast %get3A_3845 : i32 to index
      %get3A_3847 = arith.constant 0 : index
      %get3A_3848 = tpu.vector_load %arg12[%get3A_3846, %get3A_3847] {strides = array<i32>} : memref<128x16xf32, #tpu.memory_space<vmem>>, vector<1x16xf32>,
      %get3A_3849 = vector.shape_cast %get3A_3848 : vector<1x16xf32> to vector<16xf32>
      %slice3A_3850 = vector.extract_strided_slice %get3A_3799 {offsets = [3], sizes = [1], strides = [1]} : vector<16xf32> to vector<1xf32>
      %squeeze3A_3851 = vector.extract %slice3A_3850[0] : f32 from vector<1xf32>
      %mul3A_3852 = vector.broadcast %squeeze3A_3851 : f32 to vector<16xf32>
      %mul3A_3853 = arith.mulf %get3A_3849, %mul3A_3852 : vector<16xf32>
      %swap3A_3854 = arith.constant 115 : i32
      %swap3A_3855 = arith.index_cast %swap3A_3854 : i32 to index
      %swap3A_3856 = arith.constant 0 : index
      %swap3A_3857 = tpu.vector_load %arg14[%swap3A_3855, %swap3A_3856] {strides = array<i32>} : memref<128x16xf32, #tpu.memory_space<vmem>>, vector<1x16xf32>,
      %swap3A_3858 = vector.shape_cast %swap3A_3857 : vector<1x16xf32> to vector<16xf32>
      %swap3A_3859 = vector.shape_cast %mul3A_3853 : vector<16xf32> to vector<1x16xf32>
      tpu.vector_store %arg14[%swap3A_3855, %swap3A_3856], %swap3A_3859 {strides = array<i32>} : memref<128x16xf32, #tpu.memory_space<vmem>>, vector<1x16xf32>,
      %get3A_3860 = arith.constant 116 : i32
      %get3A_3861 = arith.index_cast %get3A_3860 : i32 to index
      %get3A_3862 = arith.constant 0 : index
      %get3A_3863 = tpu.vector_load %arg12[%get3A_3861, %get3A_3862] {strides = array<i32>} : memref<128x16xf32, #tpu.memory_space<vmem>>, vector<1x16xf32>,
      %get3A_3864 = vector.shape_cast %get3A_3863 : vector<1x16xf32> to vector<16xf32>
      %slice3A_3865 = vector.extract_strided_slice %get3A_3799 {offsets = [4], sizes = [1], strides = [1]} : vector<16xf32> to vector<1xf32>
      %squeeze3A_3866 = vector.extract %slice3A_3865[0] : f32 from vector<1xf32>
      %mul3A_3867 = vector.broadcast %squeeze3A_3866 : f32 to vector<16xf32>
      %mul3A_3868 = arith.mulf %get3A_3864, %mul3A_3867 : vector<16xf32>
      %swap3A_3869 = arith.constant 116 : i32
      %swap3A_3870 = arith.index_cast %swap3A_3869 : i32 to index
      %swap3A_3871 = arith.constant 0 : index
      %swap3A_3872 = tpu.vector_load %arg14[%swap3A_3870, %swap3A_3871] {strides = array<i32>} : memref<128x16xf32, #tpu.memory_space<vmem>>, vector<1x16xf32>,
      %swap3A_3873 = vector.shape_cast %swap3A_3872 : vector<1x16xf32> to vector<16xf32>
      %swap3A_3874 = vector.shape_cast %mul3A_3868 : vector<16xf32> to vector<1x16xf32>
      tpu.vector_store %arg14[%swap3A_3870, %swap3A_3871], %swap3A_3874 {strides = array<i32>} : memref<128x16xf32, #tpu.memory_space<vmem>>, vector<1x16xf32>,
      %get3A_3875 = arith.constant 117 : i32
      %get3A_3876 = arith.index_cast %get3A_3875 : i32 to index
      %get3A_3877 = arith.constant 0 : index
      %get3A_3878 = tpu.vector_load %arg12[%get3A_3876, %get3A_3877] {strides = array<i32>} : memref<128x16xf32, #tpu.memory_space<vmem>>, vector<1x16xf32>,
      %get3A_3879 = vector.shape_cast %get3A_3878 : vector<1x16xf32> to vector<16xf32>
      %slice3A_3880 = vector.extract_strided_slice %get3A_3799 {offsets = [5], sizes = [1], strides = [1]} : vector<16xf32> to vector<1xf32>
      %squeeze3A_3881 = vector.extract %slice3A_3880[0] : f32 from vector<1xf32>
      %mul3A_3882 = vector.broadcast %squeeze3A_3881 : f32 to vector<16xf32>
      %mul3A_3883 = arith.mulf %get3A_3879, %mul3A_3882 : vector<16xf32>
      %swap3A_3884 = arith.constant 117 : i32
      %swap3A_3885 = arith.index_cast %swap3A_3884 : i32 to index
      %swap3A_3886 = arith.constant 0 : index
      %swap3A_3887 = tpu.vector_load %arg14[%swap3A_3885, %swap3A_3886] {strides = array<i32>} : memref<128x16xf32, #tpu.memory_space<vmem>>, vector<1x16xf32>,
      %swap3A_3888 = vector.shape_cast %swap3A_3887 : vector<1x16xf32> to vector<16xf32>
      %swap3A_3889 = vector.shape_cast %mul3A_3883 : vector<16xf32> to vector<1x16xf32>
      tpu.vector_store %arg14[%swap3A_3885, %swap3A_3886], %swap3A_3889 {strides = array<i32>} : memref<128x16xf32, #tpu.memory_space<vmem>>, vector<1x16xf32>,
      %get3A_3890 = arith.constant 118 : i32
      %get3A_3891 = arith.index_cast %get3A_3890 : i32 to index
      %get3A_3892 = arith.constant 0 : index
      %get3A_3893 = tpu.vector_load %arg12[%get3A_3891, %get3A_3892] {strides = array<i32>} : memref<128x16xf32, #tpu.memory_space<vmem>>, vector<1x16xf32>,
      %get3A_3894 = vector.shape_cast %get3A_3893 : vector<1x16xf32> to vector<16xf32>
      %slice3A_3895 = vector.extract_strided_slice %get3A_3799 {offsets = [6], sizes = [1], strides = [1]} : vector<16xf32> to vector<1xf32>
      %squeeze3A_3896 = vector.extract %slice3A_3895[0] : f32 from vector<1xf32>
      %mul3A_3897 = vector.broadcast %squeeze3A_3896 : f32 to vector<16xf32>
      %mul3A_3898 = arith.mulf %get3A_3894, %mul3A_3897 : vector<16xf32>
      %swap3A_3899 = arith.constant 118 : i32
      %swap3A_3900 = arith.index_cast %swap3A_3899 : i32 to index
      %swap3A_3901 = arith.constant 0 : index
      %swap3A_3902 = tpu.vector_load %arg14[%swap3A_3900, %swap3A_3901] {strides = array<i32>} : memref<128x16xf32, #tpu.memory_space<vmem>>, vector<1x16xf32>,
      %swap3A_3903 = vector.shape_cast %swap3A_3902 : vector<1x16xf32> to vector<16xf32>
      %swap3A_3904 = vector.shape_cast %mul3A_3898 : vector<16xf32> to vector<1x16xf32>
      tpu.vector_store %arg14[%swap3A_3900, %swap3A_3901], %swap3A_3904 {strides = array<i32>} : memref<128x16xf32, #tpu.memory_space<vmem>>, vector<1x16xf32>,
      %get3A_3905 = arith.constant 119 : i32
      %get3A_3906 = arith.index_cast %get3A_3905 : i32 to index
      %get3A_3907 = arith.constant 0 : index
      %get3A_3908 = tpu.vector_load %arg12[%get3A_3906, %get3A_3907] {strides = array<i32>} : memref<128x16xf32, #tpu.memory_space<vmem>>, vector<1x16xf32>,
      %get3A_3909 = vector.shape_cast %get3A_3908 : vector<1x16xf32> to vector<16xf32>
      %slice3A_3910 = vector.extract_strided_slice %get3A_3799 {offsets = [7], sizes = [1], strides = [1]} : vector<16xf32> to vector<1xf32>
      %squeeze3A_3911 = vector.extract %slice3A_3910[0] : f32 from vector<1xf32>
      %mul3A_3912 = vector.broadcast %squeeze3A_3911 : f32 to vector<16xf32>
      %mul3A_3913 = arith.mulf %get3A_3909, %mul3A_3912 : vector<16xf32>
      %swap3A_3914 = arith.constant 119 : i32
      %swap3A_3915 = arith.index_cast %swap3A_3914 : i32 to index
      %swap3A_3916 = arith.constant 0 : index
      %swap3A_3917 = tpu.vector_load %arg14[%swap3A_3915, %swap3A_3916] {strides = array<i32>} : memref<128x16xf32, #tpu.memory_space<vmem>>, vector<1x16xf32>,
      %swap3A_3918 = vector.shape_cast %swap3A_3917 : vector<1x16xf32> to vector<16xf32>
      %swap3A_3919 = vector.shape_cast %mul3A_3913 : vector<16xf32> to vector<1x16xf32>
      tpu.vector_store %arg14[%swap3A_3915, %swap3A_3916], %swap3A_3919 {strides = array<i32>} : memref<128x16xf32, #tpu.memory_space<vmem>>, vector<1x16xf32>,
      %get3A_3920 = arith.constant 120 : i32
      %get3A_3921 = arith.index_cast %get3A_3920 : i32 to index
      %get3A_3922 = arith.constant 0 : index
      %get3A_3923 = tpu.vector_load %arg12[%get3A_3921, %get3A_3922] {strides = array<i32>} : memref<128x16xf32, #tpu.memory_space<vmem>>, vector<1x16xf32>,
      %get3A_3924 = vector.shape_cast %get3A_3923 : vector<1x16xf32> to vector<16xf32>
      %slice3A_3925 = vector.extract_strided_slice %get3A_3799 {offsets = [8], sizes = [1], strides = [1]} : vector<16xf32> to vector<1xf32>
      %squeeze3A_3926 = vector.extract %slice3A_3925[0] : f32 from vector<1xf32>
      %mul3A_3927 = vector.broadcast %squeeze3A_3926 : f32 to vector<16xf32>
      %mul3A_3928 = arith.mulf %get3A_3924, %mul3A_3927 : vector<16xf32>
      %swap3A_3929 = arith.constant 120 : i32
      %swap3A_3930 = arith.index_cast %swap3A_3929 : i32 to index
      %swap3A_3931 = arith.constant 0 : index
      %swap3A_3932 = tpu.vector_load %arg14[%swap3A_3930, %swap3A_3931] {strides = array<i32>} : memref<128x16xf32, #tpu.memory_space<vmem>>, vector<1x16xf32>,
      %swap3A_3933 = vector.shape_cast %swap3A_3932 : vector<1x16xf32> to vector<16xf32>
      %swap3A_3934 = vector.shape_cast %mul3A_3928 : vector<16xf32> to vector<1x16xf32>
      tpu.vector_store %arg14[%swap3A_3930, %swap3A_3931], %swap3A_3934 {strides = array<i32>} : memref<128x16xf32, #tpu.memory_space<vmem>>, vector<1x16xf32>,
      %get3A_3935 = arith.constant 121 : i32
      %get3A_3936 = arith.index_cast %get3A_3935 : i32 to index
      %get3A_3937 = arith.constant 0 : index
      %get3A_3938 = tpu.vector_load %arg12[%get3A_3936, %get3A_3937] {strides = array<i32>} : memref<128x16xf32, #tpu.memory_space<vmem>>, vector<1x16xf32>,
      %get3A_3939 = vector.shape_cast %get3A_3938 : vector<1x16xf32> to vector<16xf32>
      %slice3A_3940 = vector.extract_strided_slice %get3A_3799 {offsets = [9], sizes = [1], strides = [1]} : vector<16xf32> to vector<1xf32>
      %squeeze3A_3941 = vector.extract %slice3A_3940[0] : f32 from vector<1xf32>
      %mul3A_3942 = vector.broadcast %squeeze3A_3941 : f32 to vector<16xf32>
      %mul3A_3943 = arith.mulf %get3A_3939, %mul3A_3942 : vector<16xf32>
      %swap3A_3944 = arith.constant 121 : i32
      %swap3A_3945 = arith.index_cast %swap3A_3944 : i32 to index
      %swap3A_3946 = arith.constant 0 : index
      %swap3A_3947 = tpu.vector_load %arg14[%swap3A_3945, %swap3A_3946] {strides = array<i32>} : memref<128x16xf32, #tpu.memory_space<vmem>>, vector<1x16xf32>,
      %swap3A_3948 = vector.shape_cast %swap3A_3947 : vector<1x16xf32> to vector<16xf32>
      %swap3A_3949 = vector.shape_cast %mul3A_3943 : vector<16xf32> to vector<1x16xf32>
      tpu.vector_store %arg14[%swap3A_3945, %swap3A_3946], %swap3A_3949 {strides = array<i32>} : memref<128x16xf32, #tpu.memory_space<vmem>>, vector<1x16xf32>,
      %get3A_3950 = arith.constant 122 : i32
      %get3A_3951 = arith.index_cast %get3A_3950 : i32 to index
      %get3A_3952 = arith.constant 0 : index
      %get3A_3953 = tpu.vector_load %arg12[%get3A_3951, %get3A_3952] {strides = array<i32>} : memref<128x16xf32, #tpu.memory_space<vmem>>, vector<1x16xf32>,
      %get3A_3954 = vector.shape_cast %get3A_3953 : vector<1x16xf32> to vector<16xf32>
      %slice3A_3955 = vector.extract_strided_slice %get3A_3799 {offsets = [10], sizes = [1], strides = [1]} : vector<16xf32> to vector<1xf32>
      %squeeze3A_3956 = vector.extract %slice3A_3955[0] : f32 from vector<1xf32>
      %mul3A_3957 = vector.broadcast %squeeze3A_3956 : f32 to vector<16xf32>
      %mul3A_3958 = arith.mulf %get3A_3954, %mul3A_3957 : vector<16xf32>
      %swap3A_3959 = arith.constant 122 : i32
      %swap3A_3960 = arith.index_cast %swap3A_3959 : i32 to index
      %swap3A_3961 = arith.constant 0 : index
      %swap3A_3962 = tpu.vector_load %arg14[%swap3A_3960, %swap3A_3961] {strides = array<i32>} : memref<128x16xf32, #tpu.memory_space<vmem>>, vector<1x16xf32>,
      %swap3A_3963 = vector.shape_cast %swap3A_3962 : vector<1x16xf32> to vector<16xf32>
      %swap3A_3964 = vector.shape_cast %mul3A_3958 : vector<16xf32> to vector<1x16xf32>
      tpu.vector_store %arg14[%swap3A_3960, %swap3A_3961], %swap3A_3964 {strides = array<i32>} : memref<128x16xf32, #tpu.memory_space<vmem>>, vector<1x16xf32>,
      %get3A_3965 = arith.constant 123 : i32
      %get3A_3966 = arith.index_cast %get3A_3965 : i32 to index
      %get3A_3967 = arith.constant 0 : index
      %get3A_3968 = tpu.vector_load %arg12[%get3A_3966, %get3A_3967] {strides = array<i32>} : memref<128x16xf32, #tpu.memory_space<vmem>>, vector<1x16xf32>,
      %get3A_3969 = vector.shape_cast %get3A_3968 : vector<1x16xf32> to vector<16xf32>
      %slice3A_3970 = vector.extract_strided_slice %get3A_3799 {offsets = [11], sizes = [1], strides = [1]} : vector<16xf32> to vector<1xf32>
      %squeeze3A_3971 = vector.extract %slice3A_3970[0] : f32 from vector<1xf32>
      %mul3A_3972 = vector.broadcast %squeeze3A_3971 : f32 to vector<16xf32>
      %mul3A_3973 = arith.mulf %get3A_3969, %mul3A_3972 : vector<16xf32>
      %swap3A_3974 = arith.constant 123 : i32
      %swap3A_3975 = arith.index_cast %swap3A_3974 : i32 to index
      %swap3A_3976 = arith.constant 0 : index
      %swap3A_3977 = tpu.vector_load %arg14[%swap3A_3975, %swap3A_3976] {strides = array<i32>} : memref<128x16xf32, #tpu.memory_space<vmem>>, vector<1x16xf32>,
      %swap3A_3978 = vector.shape_cast %swap3A_3977 : vector<1x16xf32> to vector<16xf32>
      %swap3A_3979 = vector.shape_cast %mul3A_3973 : vector<16xf32> to vector<1x16xf32>
      tpu.vector_store %arg14[%swap3A_3975, %swap3A_3976], %swap3A_3979 {strides = array<i32>} : memref<128x16xf32, #tpu.memory_space<vmem>>, vector<1x16xf32>,
      %get3A_3980 = arith.constant 124 : i32
      %get3A_3981 = arith.index_cast %get3A_3980 : i32 to index
      %get3A_3982 = arith.constant 0 : index
      %get3A_3983 = tpu.vector_load %arg12[%get3A_3981, %get3A_3982] {strides = array<i32>} : memref<128x16xf32, #tpu.memory_space<vmem>>, vector<1x16xf32>,
      %get3A_3984 = vector.shape_cast %get3A_3983 : vector<1x16xf32> to vector<16xf32>
      %slice3A_3985 = vector.extract_strided_slice %get3A_3799 {offsets = [12], sizes = [1], strides = [1]} : vector<16xf32> to vector<1xf32>
      %squeeze3A_3986 = vector.extract %slice3A_3985[0] : f32 from vector<1xf32>
      %mul3A_3987 = vector.broadcast %squeeze3A_3986 : f32 to vector<16xf32>
      %mul3A_3988 = arith.mulf %get3A_3984, %mul3A_3987 : vector<16xf32>
      %swap3A_3989 = arith.constant 124 : i32
      %swap3A_3990 = arith.index_cast %swap3A_3989 : i32 to index
      %swap3A_3991 = arith.constant 0 : index
      %swap3A_3992 = tpu.vector_load %arg14[%swap3A_3990, %swap3A_3991] {strides = array<i32>} : memref<128x16xf32, #tpu.memory_space<vmem>>, vector<1x16xf32>,
      %swap3A_3993 = vector.shape_cast %swap3A_3992 : vector<1x16xf32> to vector<16xf32>
      %swap3A_3994 = vector.shape_cast %mul3A_3988 : vector<16xf32> to vector<1x16xf32>
      tpu.vector_store %arg14[%swap3A_3990, %swap3A_3991], %swap3A_3994 {strides = array<i32>} : memref<128x16xf32, #tpu.memory_space<vmem>>, vector<1x16xf32>,
      %get3A_3995 = arith.constant 125 : i32
      %get3A_3996 = arith.index_cast %get3A_3995 : i32 to index
      %get3A_3997 = arith.constant 0 : index
      %get3A_3998 = tpu.vector_load %arg12[%get3A_3996, %get3A_3997] {strides = array<i32>} : memref<128x16xf32, #tpu.memory_space<vmem>>, vector<1x16xf32>,
      %get3A_3999 = vector.shape_cast %get3A_3998 : vector<1x16xf32> to vector<16xf32>
      %slice3A_4000 = vector.extract_strided_slice %get3A_3799 {offsets = [13], sizes = [1], strides = [1]} : vector<16xf32> to vector<1xf32>
      %squeeze3A_4001 = vector.extract %slice3A_4000[0] : f32 from vector<1xf32>
      %mul3A_4002 = vector.broadcast %squeeze3A_4001 : f32 to vector<16xf32>
      %mul3A_4003 = arith.mulf %get3A_3999, %mul3A_4002 : vector<16xf32>
      %swap3A_4004 = arith.constant 125 : i32
      %swap3A_4005 = arith.index_cast %swap3A_4004 : i32 to index
      %swap3A_4006 = arith.constant 0 : index
      %swap3A_4007 = tpu.vector_load %arg14[%swap3A_4005, %swap3A_4006] {strides = array<i32>} : memref<128x16xf32, #tpu.memory_space<vmem>>, vector<1x16xf32>,
      %swap3A_4008 = vector.shape_cast %swap3A_4007 : vector<1x16xf32> to vector<16xf32>
      %swap3A_4009 = vector.shape_cast %mul3A_4003 : vector<16xf32> to vector<1x16xf32>
      tpu.vector_store %arg14[%swap3A_4005, %swap3A_4006], %swap3A_4009 {strides = array<i32>} : memref<128x16xf32, #tpu.memory_space<vmem>>, vector<1x16xf32>,
      %get3A_4010 = arith.constant 126 : i32
      %get3A_4011 = arith.index_cast %get3A_4010 : i32 to index
      %get3A_4012 = arith.constant 0 : index
      %get3A_4013 = tpu.vector_load %arg12[%get3A_4011, %get3A_4012] {strides = array<i32>} : memref<128x16xf32, #tpu.memory_space<vmem>>, vector<1x16xf32>,
      %get3A_4014 = vector.shape_cast %get3A_4013 : vector<1x16xf32> to vector<16xf32>
      %slice3A_4015 = vector.extract_strided_slice %get3A_3799 {offsets = [14], sizes = [1], strides = [1]} : vector<16xf32> to vector<1xf32>
      %squeeze3A_4016 = vector.extract %slice3A_4015[0] : f32 from vector<1xf32>
      %mul3A_4017 = vector.broadcast %squeeze3A_4016 : f32 to vector<16xf32>
      %mul3A_4018 = arith.mulf %get3A_4014, %mul3A_4017 : vector<16xf32>
      %swap3A_4019 = arith.constant 126 : i32
      %swap3A_4020 = arith.index_cast %swap3A_4019 : i32 to index
      %swap3A_4021 = arith.constant 0 : index
      %swap3A_4022 = tpu.vector_load %arg14[%swap3A_4020, %swap3A_4021] {strides = array<i32>} : memref<128x16xf32, #tpu.memory_space<vmem>>, vector<1x16xf32>,
      %swap3A_4023 = vector.shape_cast %swap3A_4022 : vector<1x16xf32> to vector<16xf32>
      %swap3A_4024 = vector.shape_cast %mul3A_4018 : vector<16xf32> to vector<1x16xf32>
      tpu.vector_store %arg14[%swap3A_4020, %swap3A_4021], %swap3A_4024 {strides = array<i32>} : memref<128x16xf32, #tpu.memory_space<vmem>>, vector<1x16xf32>,
      %get3A_4025 = arith.constant 127 : i32
      %get3A_4026 = arith.index_cast %get3A_4025 : i32 to index
      %get3A_4027 = arith.constant 0 : index
      %get3A_4028 = tpu.vector_load %arg12[%get3A_4026, %get3A_4027] {strides = array<i32>} : memref<128x16xf32, #tpu.memory_space<vmem>>, vector<1x16xf32>,
      %get3A_4029 = vector.shape_cast %get3A_4028 : vector<1x16xf32> to vector<16xf32>
      %slice3A_4030 = vector.extract_strided_slice %get3A_3799 {offsets = [15], sizes = [1], strides = [1]} : vector<16xf32> to vector<1xf32>
      %squeeze3A_4031 = vector.extract %slice3A_4030[0] : f32 from vector<1xf32>
      %mul3A_4032 = vector.broadcast %squeeze3A_4031 : f32 to vector<16xf32>
      %mul3A_4033 = arith.mulf %get3A_4029, %mul3A_4032 : vector<16xf32>
      %swap3A_4034 = arith.constant 127 : i32
      %swap3A_4035 = arith.index_cast %swap3A_4034 : i32 to index
      %swap3A_4036 = arith.constant 0 : index
      %swap3A_4037 = tpu.vector_load %arg14[%swap3A_4035, %swap3A_4036] {strides = array<i32>} : memref<128x16xf32, #tpu.memory_space<vmem>>, vector<1x16xf32>,
      %swap3A_4038 = vector.shape_cast %swap3A_4037 : vector<1x16xf32> to vector<16xf32>
      %swap3A_4039 = vector.shape_cast %mul3A_4033 : vector<16xf32> to vector<1x16xf32>
      tpu.vector_store %arg14[%swap3A_4035, %swap3A_4036], %swap3A_4039 {strides = array<i32>} : memref<128x16xf32, #tpu.memory_space<vmem>>, vector<1x16xf32>,
      %dma_start3A_4040 = arith.constant 0 : i32
      %dma_start3A_4041 = tpu.memref_slice %arg9[%add3A_100, %dma_start3A_4040] : memref<66x128xi32, #tpu.memory_space<vmem>> -> memref<1x128xi32, #tpu.memory_space<vmem>>
      %dma_start3A_4042 = tpu.memref_squeeze %dma_start3A_4041 : memref<1x128xi32, #tpu.memory_space<vmem>> -> memref<128xi32, #tpu.memory_space<vmem>>
      %dma_start3A_4043 = arith.constant 0 : i32
      %dma_start3A_4044 = arith.constant 0 : i32
      %dma_start3A_4045 = tpu.memref_slice %arg15[%dma_start3A_4043, %dma_start3A_4044] : memref<16384x16xf32, #tpu.memory_space<vmem_shared>> -> memref<16384x16xf32, #tpu.memory_space<vmem_shared>>
      tpu.enqueue_indirect_dma source(%arg14 : memref<128x16xf32, #tpu.memory_space<vmem>>) target(%dma_start3A_4045 : memref<16384x16xf32, #tpu.memory_space<vmem_shared>>) offsets(%dma_start3A_4042 : memref<128xi32, #tpu.memory_space<vmem>>) semaphore(%arg20 : memref<!tpu.dma_semaphore, #tpu.memory_space<semaphore_mem>>) {add = true}
    }
    %scan3A_73 = arith.constant 33 : i32
    %dma_wait3A_74 = arith.constant 0 : i32
    %dma_wait3A_75 = arith.constant 0 : i32
    %dma_wait3A_76 = tpu.memref_slice %arg9[%dma_wait3A_74, %dma_wait3A_75] : memref<66x128xi32, #tpu.memory_space<vmem>> -> memref<1x128xi32, #tpu.memory_space<vmem>>
    %dma_wait3A_77 = tpu.memref_squeeze %dma_wait3A_76 : memref<1x128xi32, #tpu.memory_space<vmem>> -> memref<128xi32, #tpu.memory_space<vmem>>
    %dma_wait3A_78 = arith.constant 0 : i32
    %dma_wait3A_79 = arith.constant 0 : i32
    %dma_wait3A_80 = tpu.memref_slice %arg15[%dma_wait3A_78, %dma_wait3A_79] : memref<16384x16xf32, #tpu.memory_space<vmem_shared>> -> memref<16384x16xf32, #tpu.memory_space<vmem_shared>>
    tpu.wait_indirect_dma semaphore(%arg19 : memref<!tpu.dma_semaphore, #tpu.memory_space<semaphore_mem>>) src(%arg13 : memref<128x16xf32, #tpu.memory_space<vmem>>) dst(%dma_wait3A_80 : memref<16384x16xf32, #tpu.memory_space<vmem_shared>>)
    %dma_wait3A_81 = arith.constant 0 : i32
    %dma_wait3A_82 = arith.constant 0 : i32
    %dma_wait3A_83 = tpu.memref_slice %arg9[%dma_wait3A_81, %dma_wait3A_82] : memref<66x128xi32, #tpu.memory_space<vmem>> -> memref<1x128xi32, #tpu.memory_space<vmem>>
    %dma_wait3A_84 = tpu.memref_squeeze %dma_wait3A_83 : memref<1x128xi32, #tpu.memory_space<vmem>> -> memref<128xi32, #tpu.memory_space<vmem>>
    %dma_wait3A_85 = arith.constant 0 : i32
    %dma_wait3A_86 = arith.constant 0 : i32
    %dma_wait3A_87 = tpu.memref_slice %arg15[%dma_wait3A_85, %dma_wait3A_86] : memref<16384x16xf32, #tpu.memory_space<vmem_shared>> -> memref<16384x16xf32, #tpu.memory_space<vmem_shared>>
    tpu.wait_indirect_dma semaphore(%arg20 : memref<!tpu.dma_semaphore, #tpu.memory_space<semaphore_mem>>) src(%arg14 : memref<128x16xf32, #tpu.memory_space<vmem>>) dst(%dma_wait3A_87 : memref<16384x16xf32, #tpu.memory_space<vmem_shared>>)
    %barrier3A_88 = arith.constant 0 : index
    tpu.barrier barrier_id(%barrier3A_88)
    %mul3A_89 = arith.constant 1024 : i32
    %mul3A_90 = arith.muli %arg1, %mul3A_89 : i32
    %mul3A_91 = arith.constant 16384 : i32
    %mul3A_92 = arith.muli %arg0, %mul3A_91 : i32
    %mul3A_93 = arith.constant 1024 : i32
    %mul3A_94 = arith.muli %arg1, %mul3A_93 : i32
    %add3A_95 = arith.addi %mul3A_92, %mul3A_94 : i32
    "tpu.region"() ({
      %run_scoped3A = tpu.sem_alloc : memref<!tpu.dma_semaphore, #tpu.memory_space<semaphore_mem>>
      %dma_start3A_96 = arith.constant 0 : i32
      %dma_start3A_97 = tpu.memref_slice %arg7[%add3A_95, %dma_start3A_96] : memref<32768x16xf32, #tpu.memory_space<hbm>> -> memref<1024x16xf32, #tpu.memory_space<hbm>>
      %dma_start3A_98 = arith.constant 0 : i32
      %dma_start3A_99 = tpu.memref_slice %arg15[%mul3A_90, %dma_start3A_98] : memref<16384x16xf32, #tpu.memory_space<vmem_shared>> -> memref<1024x16xf32, #tpu.memory_space<vmem_shared>>
      tpu.enqueue_dma source(%dma_start3A_99 : memref<1024x16xf32, #tpu.memory_space<vmem_shared>>) target(%dma_start3A_97 : memref<1024x16xf32, #tpu.memory_space<hbm>>) target_semaphore(%run_scoped3A : memref<!tpu.dma_semaphore, #tpu.memory_space<semaphore_mem>>)
      %dma_wait3A_100 = arith.constant 0 : i32
      %dma_wait3A_101 = tpu.memref_slice %arg7[%add3A_95, %dma_wait3A_100] : memref<32768x16xf32, #tpu.memory_space<hbm>> -> memref<1024x16xf32, #tpu.memory_space<hbm>>
      %dma_wait3A_102 = arith.constant 0 : i32
      %dma_wait3A_103 = tpu.memref_slice %arg15[%mul3A_90, %dma_wait3A_102] : memref<16384x16xf32, #tpu.memory_space<vmem_shared>> -> memref<1024x16xf32, #tpu.memory_space<vmem_shared>>
      tpu.wait_dma2 semaphore(%run_scoped3A : memref<!tpu.dma_semaphore, #tpu.memory_space<semaphore_mem>>) src(%dma_wait3A_103 : memref<1024x16xf32, #tpu.memory_space<vmem_shared>>) dst(%dma_wait3A_101 : memref<1024x16xf32, #tpu.memory_space<hbm>>)
      tpu.yield
    }) : () -> ()
    return
  }
}

module attributes {stable_mosaic.version = 14 : i64} {
  func.func @_mm_body(%arg0: i32, %arg1: memref<16384x16xf32, #tpu.memory_space<vmem>>, %arg2: memref<128x16384xf32, #tpu.memory_space<vmem>>, %arg3: memref<128x16xf32, #tpu.memory_space<vmem>>) attributes {dimension_semantics = [#tpu.dimension_semantics<arbitrary>], iteration_bounds = array<i64: 128>, scalar_prefetch = 0 : i64, scratch_operands = 0 : i64, tpu.core_type = #tpu.core_type<tc>, window_params = [{pipeline_mode = #tpu.pipeline_mode<synchronous>, transform_indices = @transform_0, window_bounds = array<i64: 16384, 16>}, {transform_indices = @transform_1, window_bounds = array<i64: 128, 16384>}, {transform_indices = @transform_2, window_bounds = array<i64: 128, 16>}]} {
    %get3A = arith.constant 0 : index
    %get3A_0 = arith.constant 0 : index
    %get3A_1 = vector.load %arg2[%get3A, %get3A_0] : memref<128x16384xf32, #tpu.memory_space<vmem>>, vector<128x16384xf32>
    %get3A_2 = arith.constant 0 : index
    %get3A_3 = arith.constant 0 : index
    %get3A_4 = vector.load %arg1[%get3A_2, %get3A_3] : memref<16384x16xf32, #tpu.memory_space<vmem>>, vector<16384x16xf32>
    %dot_general3A = arith.constant dense<0.000000e+00> : vector<128x16xf32>
    %dot_general3A_5 = tpu.matmul %get3A_1, %get3A_4, %dot_general3A {dimension_numbers = #tpu.dot_dimension_numbers<[1], [0], [0], [1], [0, 0, 1, 1], [], []>, transpose_lhs_hint = false} : vector<128x16384xf32>, vector<16384x16xf32>, vector<128x16xf32> -> vector<128x16xf32>
    %swap3A = arith.constant 0 : index
    %swap3A_6 = arith.constant 0 : index
    %swap3A_7 = vector.load %arg3[%swap3A, %swap3A_6] : memref<128x16xf32, #tpu.memory_space<vmem>>, vector<128x16xf32>
    tpu.vector_store %arg3[%swap3A, %swap3A_6], %dot_general3A_5 {strides = array<i32>} : memref<128x16xf32, #tpu.memory_space<vmem>>, vector<128x16xf32>,
    return
  }
  func.func @transform_0(%arg0: i32) -> (i32, i32) {
    %c0_i32 = arith.constant 0 : i32
    %c0_i32_0 = arith.constant 0 : i32
    %c0_i32_1 = arith.constant 0 : i32
    return %c0_i32, %c0_i32_0 : i32, i32
  }
  func.func @transform_1(%arg0: i32) -> (i32, i32) {
    %c0_i32 = arith.constant 0 : i32
    %c0_i32_0 = arith.constant 0 : i32
    return %arg0, %c0_i32 : i32, i32
  }
  func.func @transform_2(%arg0: i32) -> (i32, i32) {
    %c0_i32 = arith.constant 0 : i32
    %c0_i32_0 = arith.constant 0 : i32
    return %arg0, %c0_i32 : i32, i32
  }
}

module attributes {stable_mosaic.version = 14 : i64} {
  func.func @_body(%arg0: i32, %arg1: memref<2x2048x16xf32, #tpu.memory_space<vmem>>, %arg2: memref<8x2048xf32, #tpu.memory_space<vmem>>) attributes {dimension_semantics = [#tpu.dimension_semantics<arbitrary>], iteration_bounds = array<i64: 8>, scalar_prefetch = 0 : i64, scratch_operands = 0 : i64, tpu.core_type = #tpu.core_type<tc>, window_params = [{transform_indices = @transform_0, window_bounds = array<i64: 2, 2048, 16>}, {transform_indices = @transform_1, window_bounds = array<i64: 8, 2048>}]} {
    %get3A = arith.constant 0 : index
    %get3A_0 = arith.constant 0 : index
    %get3A_1 = arith.constant 0 : index
    %get3A_2 = vector.load %arg1[%get3A, %get3A_0, %get3A_1] : memref<2x2048x16xf32, #tpu.memory_space<vmem>>, vector<1x2048x16xf32>
    %get3A_3 = vector.shape_cast %get3A_2 : vector<1x2048x16xf32> to vector<2048x16xf32>
    %get3A_4 = arith.constant 1 : index
    %get3A_5 = arith.constant 0 : index
    %get3A_6 = arith.constant 0 : index
    %get3A_7 = vector.load %arg1[%get3A_4, %get3A_5, %get3A_6] : memref<2x2048x16xf32, #tpu.memory_space<vmem>>, vector<1x2048x16xf32>
    %get3A_8 = vector.shape_cast %get3A_7 : vector<1x2048x16xf32> to vector<2048x16xf32>
    %add3A = arith.addf %get3A_3, %get3A_8 : vector<2048x16xf32>
    %ge3A = arith.constant 0.000000e+00 : f32
    %ge3A_9 = vector.broadcast %ge3A : f32 to vector<2048x16xf32>
    %ge3A_10 = arith.cmpf oge, %add3A, %ge3A_9 : vector<2048x16xf32>
    %mul3A = arith.constant 1.000000e-03 : f32
    %mul3A_11 = vector.broadcast %mul3A : f32 to vector<2048x16xf32>
    %mul3A_12 = arith.mulf %mul3A_11, %add3A : vector<2048x16xf32>
    %select_n3A = arith.select %ge3A_10, %add3A, %mul3A_12 : vector<2048x16xi1>, vector<2048x16xf32>
    %iota3A = tpu.iota {dimensions = array<i32: 0>} : vector<8x8xi32>
    %iota3A_13 = tpu.iota {dimensions = array<i32: 1>} : vector<8x8xi32>
    %add3A_14 = arith.constant 0 : i32
    %add3A_15 = vector.broadcast %add3A_14 : i32 to vector<8x8xi32>
    %add3A_16 = arith.addi %iota3A, %add3A_15 : vector<8x8xi32>
    %eq3A = arith.cmpi eq, %add3A_16, %iota3A_13 : vector<8x8xi32>
    %convert_element_type3A = arith.extui %eq3A : vector<8x8xi1> to vector<8x8xi32>
    %convert_element_type3A_17 = arith.sitofp %convert_element_type3A : vector<8x8xi32> to vector<8x8xf32>
    %slice3A = vector.extract_strided_slice %select_n3A {offsets = [0, 0], sizes = [2048, 8], strides = [1, 1]} : vector<2048x16xf32> to vector<2048x8xf32>
    %dot_general3A = arith.constant dense<0.000000e+00> : vector<8x2048xf32>
    %dot_general3A_18 = tpu.matmul %convert_element_type3A_17, %slice3A, %dot_general3A {dimension_numbers = #tpu.dot_dimension_numbers<[1], [1], [0], [0], [0, 0, 1, 0], [], []>, transpose_lhs_hint = false} : vector<8x8xf32>, vector<2048x8xf32>, vector<8x2048xf32> -> vector<8x2048xf32>
    %swap3A = arith.constant 0 : index
    %swap3A_19 = arith.constant 0 : index
    %swap3A_20 = vector.load %arg2[%swap3A, %swap3A_19] : memref<8x2048xf32, #tpu.memory_space<vmem>>, vector<8x2048xf32>
    tpu.vector_store %arg2[%swap3A, %swap3A_19], %dot_general3A_18 {strides = array<i32>} : memref<8x2048xf32, #tpu.memory_space<vmem>>, vector<8x2048xf32>,
    return
  }
  func.func @transform_0(%arg0: i32) -> (i32, i32, i32) {
    %c0_i32 = arith.constant 0 : i32
    %c0_i32_0 = arith.constant 0 : i32
    %c0_i32_1 = arith.constant 0 : i32
    return %c0_i32, %arg0, %c0_i32_0 : i32, i32, i32
  }
  func.func @transform_1(%arg0: i32) -> (i32, i32) {
    %c0_i32 = arith.constant 0 : i32
    %c0_i32_0 = arith.constant 0 : i32
    return %c0_i32, %arg0 : i32, i32
  }
}

</mosaic_0001>

<sc_bundles>
// kernel: kernel.5.cloned.1.call-start
scs
__scs_entry_jumppad:
0x0: {  	(pc) =	sbr.rel $0x88, $3  }
0x1: {  	(tag) =	ssettag $0x0;
	lr =	simm.s32 $0x1  }
0x2: {  	[smem:$0x3F9C] =	sst lr;
	_ =	strace $0xD0000000  }
0x3: {  	_ = 	snop  }
0x4: {  	_ = 	snop  }
0x5: {  	_ = 	snop  }
0x6: {  	_ = 	snop  }
0x7: {  	_ = 	snop  }
__scs_overlays_trampoline_lowered:
0x8: {  	[smem:$0x3FAB] =	sst s0  }
0x9: {  	[smem:$0x3FAC] =	sst s1  }
0xa: {  	[smem:$0x3FAD] =	sst s2  }
0xb: {  	[smem:$0x3FAE] =	sst s3  }
0xc: {  	[smem:$0x3FAF] =	sst s4  }
0xd: {  	[smem:$0x3FB0] =	sst s5  }
0xe: {  	[smem:$0x3FB1] =	sst s6  }
0xf: {  	[smem:$0x3FB2] =	sst s7  }
0x10: {  	[smem:$0x3FB3] =	sst s8  }
0x11: {  	[smem:$0x3FB4] =	sst s9;
	s0 =	simm.s32 @!p0 $0x0  }
0x12: {  	s1 =	sld [smem:$0x3F9A];
	s0 =	simm.s32 @p0 $0x1  }
0x13: {  	[smem:$0x3FB5] =	sst s0;
	s0 =	simm.s32 @!p1 $0x0  }
0x14: {  	s2 =	sld [smem:$0x3F99];
	s0 =	simm.s32 @p1 $0x1  }
0x15: {  	[smem:$0x3FB6] =	sst s0;
	s0 =	simm.s32 @!p2 $0x0  }
0x16: {  	s3 =	sld [smem:$0x3FDB];
	s0 =	simm.s32 @p2 $0x1  }
0x17: {  	s4 =	simm.s32 $0x1BF5;
	[smem:$0x3FB8] =	sst s0  }
0x18: {  	s0 =	sld [smem:$0x3F9B];
	_ =	swait.ge [sflag:s4], $0x0  }
0x19: {  	s7 =	sld [smem:$0x3F9C]  }
0x1a: {  	s8 =	sadd.s32 $0xFFFFE003, lr  }
0x1b: {  	s9 =	sadd.s32 $0xFFFFFEF7, lr;
	s5 =	simm.s32 $0xFFFFFFFF;
	p2 =	slt.u32 s8, $0xFFFFF086  }
0x1c: {  	p1 =	slt.u32 s9, $0xF7A;
	s5 =	simm.s32 @!p2 $0x0  }
0x1d: {  	s5 =	simm.s32 @p1 $0x1;
	p0 =	seq.s32 s7, s2  }
0x1e: {  	s7 =	smul.u32 @!p0 $0xF7A, s2;
	p2 =	seq.s32 @!p0 s5, $0x0  }
0x1f: {  	s9 =	smul.u32 $0xF7A, s1;
	s8 =	simm.s32 @!p0 $0x1BF5;
	p2 =	por !p2, p0  }
0x20: {  	[sflag:s8] =	ssyncset.s32 @!p0 $0xFFFFF086;
	s6 =	sadd.s32 @!p0 s3, s7;
	s7 =	simm.s32 @!p0 $0x108  }
0x21: {  	s3 =	sadd.s32 s3, s9;
	s6 =	sadd.s32 @!p0 $0x88, s6;
	s7 =	simm.s32 @p2 $0x1082  }
0x22: {  	[simem:s7], [sflag:s8] =	dma.local @!p0 [hbm:s6], $0xF7A  }
0x23: {  	s9 =	sor.u32 $0xD0000000, s2;
	s6 =	simm.s32 $0x108;
	_ =	swait.ge @!p0 [sflag:s8], $0x0  }
0x24: {  	s3 =	sadd.s32 $0x88, s3;
	s6 =	simm.s32 @!p1 $0x1082;
	[sflag:s4] =	ssyncset.s32 $0xFFFFF086  }
0x25: {  	[simem:s6], [sflag:s4] =	dma.local [hbm:s3], $0xF7A  }
0x26: {  	[smem:$0x3F9C] =	sst s1;
	(tag) =	ssettag s2;
	_ =	strace s9  }
0x27: {  	s1 =	sld [smem:$0x3FAC]  }
0x28: {  	s2 =	sld [smem:$0x3FAD]  }
0x29: {  	s4 =	sld [smem:$0x3FAF]  }
0x2a: {  	p0 =	seq.s32 s5, $0x0;
	s5 =	sld [smem:$0x3FB0]  }
0x2b: {  	s6 =	sld [smem:$0x3FB1]  }
0x2c: {  	s7 =	sld [smem:$0x3FB2]  }
0x2d: {  	s3 =	simm.s32 $0x108;
	s8 =	sld [smem:$0x3FB3]  }
0x2e: {  	s3 =	simm.s32 @!p0 $0x1082;
	s9 =	sld [smem:$0x3FB4]  }
0x2f: {  	lr =	sadd.s32 s0, s3;
	s0 =	sld [smem:$0x3FAB]  }
0x30: {  	s3 =	sld [smem:$0x3FAE]  }
0x31: {  	[smem:$0x3FB7] =	sst s10  }
0x32: {  	s10 =	sld [smem:$0x3FB5];
	_ =	sdelay $0x3  }
0x33: {  	p0 =	seq.s32 s10, $0x1;
	s10 =	sld [smem:$0x3FB7];
	_ =	sdelay $0x3  }
0x34: {  	[smem:$0x3FB7] =	sst s10  }
0x35: {  	s10 =	sld [smem:$0x3FB6];
	_ =	sdelay $0x3  }
0x36: {  	p1 =	seq.s32 s10, $0x1;
	s10 =	sld [smem:$0x3FB7];
	_ =	sdelay $0x3  }
0x37: {  	[smem:$0x3FB7] =	sst s10  }
0x38: {  	s10 =	sld [smem:$0x3FB8]  }
0x39: {  	_ = 	snop;
	(pc) =	sbr.ind lr, $3  }
0x3a: {  	_ = 	snop  }
0x3b: {  	_ = 	snop  }
0x3c: {  	p2 =	seq.s32 s10, $0x1;
	s10 =	sld [smem:$0x3FB7]  }
0x3d: {  	_ =	shalt  }
0x3e: {  	_ =	shalt  }
0x3f: {  	_ =	shalt  }
0x40: {  	_ =	shalt  }
0x41: {  	_ =	shalt  }
0x42: {  	_ =	shalt  }
0x43: {  	_ =	shalt  }
0x44: {  	_ =	shalt  }
0x45: {  	_ =	shalt  }
0x46: {  	_ =	shalt  }
0x47: {  	_ =	shalt  }
0x48: {  	_ =	shalt  }
0x49: {  	_ =	shalt  }
0x4a: {  	_ =	shalt  }
0x4b: {  	_ =	shalt  }
0x4c: {  	_ =	shalt  }
0x4d: {  	_ =	shalt  }
0x4e: {  	_ =	shalt  }
0x4f: {  	_ =	shalt  }
0x50: {  	_ =	shalt  }
0x51: {  	_ =	shalt  }
0x52: {  	_ =	shalt  }
0x53: {  	_ =	shalt  }
0x54: {  	_ =	shalt  }
0x55: {  	_ =	shalt  }
0x56: {  	_ =	shalt  }
0x57: {  	_ =	shalt  }
0x58: {  	_ =	shalt  }
0x59: {  	_ =	shalt  }
0x5a: {  	_ =	shalt  }
0x5b: {  	_ =	shalt  }
0x5c: {  	_ =	shalt  }
0x5d: {  	_ =	shalt  }
0x5e: {  	_ =	shalt  }
0x5f: {  	_ =	shalt  }
0x60: {  	_ =	shalt  }
0x61: {  	_ =	shalt  }
0x62: {  	_ =	shalt  }
0x63: {  	_ =	shalt  }
0x64: {  	_ =	shalt  }
0x65: {  	_ =	shalt  }
0x66: {  	_ =	shalt  }
0x67: {  	_ =	shalt  }
0x68: {  	_ =	shalt  }
0x69: {  	_ =	shalt  }
0x6a: {  	_ =	shalt  }
0x6b: {  	_ =	shalt  }
0x6c: {  	_ =	shalt  }
0x6d: {  	_ =	shalt  }
0x6e: {  	_ =	shalt  }
0x6f: {  	_ =	shalt  }
0x70: {  	_ =	shalt  }
0x71: {  	_ =	shalt  }
0x72: {  	_ =	shalt  }
0x73: {  	_ =	shalt  }
0x74: {  	_ =	shalt  }
0x75: {  	_ =	shalt  }
0x76: {  	_ =	shalt  }
0x77: {  	_ =	shalt  }
0x78: {  	_ =	shalt  }
0x79: {  	_ =	shalt  }
0x7a: {  	_ =	shalt  }
0x7b: {  	_ =	shalt  }
0x7c: {  	_ =	shalt  }
0x7d: {  	_ =	shalt  }
0x7e: {  	_ =	shalt  }
0x7f: {  	_ =	shalt  }
0x80: {  	_ =	shalt  }
0x81: {  	_ =	shalt  }
0x82: {  	_ =	shalt  }
0x83: {  	_ =	shalt  }
0x84: {  	_ =	shalt  }
0x85: {  	_ =	shalt  }
0x86: {  	_ =	shalt  }
0x87: {  	_ =	shalt  }
.Lfunc_end0:
.L_simem_size_0:
called_computation_lowered:
.L_overlay_start_0:
0x88: {  	s2 =	sld [smem:$0x3FD9]  }
0x89: {  	s3 =	sld [smem:$0x3FFE];
	_ =	sdelay $0x1  }
0x8a: {  	s1 =	srdreg.scid  }
0x8b: {  	s0 =	sand.u32 $0x1, s1  }
0x8c: {  	s16 =	sshll.u32 s0, $0xA;
	s2 =	sadd.s32 s3, s2  }
0x8d: {  	s2 =	sadd.s32 s2, s16  }
0x8e: {  	[smem:$0x3FC3] =	sst s2  }
0x8f: {  	_ = 	snop  }
0x90: {  	(tm) =	ssettm $0x1  }
0x91: {  	s17 =	sld [smem:$0x3FFB];
	_ =	sdelay $0x3  }
0x92: {  	_ =	strace s17  }
0x93: {  	s2 =	sld [smem:$0x3FFC];
	_ =	sdelay $0x3  }
0x94: {  	_ =	strace s2  }
0x95: {  	s2 =	sld [smem:$0x3FFD];
	_ =	sdelay $0x3  }
0x96: {  	_ =	strace s2  }
0x97: {  	_ =	strace $0x8FFFFFFF  }
0x98: {  	s18 =	sld [smem:$0x3FDB];
	_ =	sdelay $0x1  }
0x99: {  	s19 =	simm.s32 $_scs_section_size  }
0x9a: {  	s4 =	simm.s32 $_size__tile_overlayer_lowered;
	s5 =	simm.s32 $_tile_overlayer_lowered  }
0x9b: {  	s22 =	simm.s32 $0x1BFF;
	s21 =	sshll.u32 s5, $0x1;
	s2 =	sadd.s32 s19, s18  }
0x9c: {  	s6 =	simm.s32 $0x0;
	s20 =	sshll.u32 s4, $0x1;
	s4 =	sadd.s32 s21, s2  }
0x9d: {  	[timem:s6], [sflag:s22] =	dma.local [hbm:s4], s20  }
0x9e: {  	_ =	swait.ge [sflag:s22], s20  }
0x9f: {  	s3 =	ssub.s32 $0x0, s20;
	[sflag:s22] =	ssyncset.done $0x0  }
0xa0: {  	[sflag:s22] =	ssyncadd.s32 s3;
	_ =	sdelay $0x1  }
0xa1: {  	s23 =	simm.s32 $0x1B8B  }
0xa2: {  	_ =	swait.ge [sflag:s23], $0x1  }
0xa3: {  	[sflag:s23] =	ssyncset.done $0x0  }
0xa4: {  	s25 =	simm.s32 $0x1B8E;
	s24 =	sld [smem:$0x3FFE];
	[sflag:s23] =	ssyncadd.s32 $0xFFFFFFFF  }
0xa5: {  	s26 =	simm.s32 $execute0_lowered;
	[smem:$0x3FD2] =	sst s25  }
0xa6: {  	s4 =	sshll.u32 s26, $0x1;
	_ =	strace $0x80000046;
	[dreg:$0x1] =	wrdreg $0xFFFFFFFF  }
0xa7: {  	s28 =	simm.s32 $_size_execute0_lowered;
	s2 =	sadd.s32 s2, s4;
	[dreg:$0x0] =	wrdreg $0x0  }
0xa8: {  	s4 =	sshll.u32 s28, $0x1;
	[dreg:$0x2] =	wrdreg s2  }
0xa9: {  	[dreg:$0x3] =	wrdreg s4  }
0xaa: {  	[dreg:$0x4] =	wrdreg $0xC0  }
0xab: {  	_ =	task [dreg:s6], $0x5FFFF  }
0xac: {  	[dreg:$0x1] =	wrdreg $0xFFFFFFFF  }
0xad: {  	[dreg:$0x0] =	wrdreg $0x60  }
0xae: {  	[dreg:$0x2] =	wrdreg s24  }
0xaf: {  	[dreg:$0x3] =	wrdreg $0x83000  }
0xb0: {  	[dreg:$0x4] =	wrdreg $0x9  }
0xb1: {  	_ =	task.clear_ibuf [dreg:s6], $0x5FFFF;
	_ =	strace $0x90000046  }
0xb2: {  	s29 =	simm.s32 $0x9;
	_ =	strace $0x80000048  }
0xb3: {  	_ =	swait.ge [sflag:s29], $0x1  }
0xb4: {  	[sflag:s29] =	ssyncadd.s32 $0xFFFFFFFF  }
0xb5: {  	_ =	strace $0x90000048  }
0xb6: {  	_ =	sfence  }
0xb7: {  	s30 =	sld [smem:$0x0];
	_ =	sdelay $0x2  }
0xb8: {  	s31 =	sshll.u32 s1, $0xD;
	s1 =	sshrl.u32 s1, $0x2  }
0xb9: {  	s3 =	sand.u32 $0x4000, s31;
	s1 =	sadd.s32 s1, s30  }
0xba: {  	s0 =	sor.u32 s3, s0;
	s1 =	sshll.u32 s1, $0x11  }
0xbb: {  	s0 =	sor.u32 s1, s0  }
0xbc: {  	s0 =	sadd.s32 $0x8F2B, s0  }
0xbd: {  	[sflag:s0] =	ssyncadd.remote.s32 $0x1  }
0xbe: {  	_ =	sfence.sel $0xFFFF  }
0xbf: {  	[dreg:$0x0] =	wrdreg $0xFFFFFFFF;
	(pc) =	sbr.abs _section_cstart, $3  }
0xc0: {  	[dreg:$0x1] =	wrdreg $0xFFFFFFFF  }
0xc1: {  	_ =	task.clear_ibuf [dreg:s6], $0x2FFFF;
	_ =	strace $0x9FFFFFFF  }
0xc2: {  	(tm) =	ssettm $0x7FFFFFFF  }
0xc3: {  	_ =	shalt  }
tec
execute0_lowered:
.L_overlay_start_1:
0x0: {  	(tag) =	ssettag $0x1  }
0x1: {  	s5 =	rddreg [dreg:$0x0]  }
0x2: {  	s1 =	rddreg [dreg:$0x1]  }
0x3: {  	s2 =	srdreg.scid;
	s0 =	rddreg [dreg:$0x2];
	s3 =	simm.s32 $0x0  }
0x4: {  	s13 =	simm.s32 $0x2100;
	s14 =	simm.s32 $0x4200;
	s16 =	simm.s32 $0x1  }
0x5: {  	s17 =	simm.s32 $0x80;
	s18 =	simm.s32 $0x6300;
	s19 =	simm.s32 $0x6B00  }
0x6: {  	s20 =	simm.s32 $0x2;
	s21 =	simm.s32 $0x7300;
	s22 =	simm.s32 $0x3  }
0x7: {  	s23 =	simm.s32 $0x5;
	s24 =	simm.s32 $0x7B00;
	s25 =	simm.s32 $0x4  }
0x8: {  	s26 =	simm.s32 $0x6;
	s28 =	simm.s32 $0x0;
	s6 =	sand.u32 $0x1, s2  }
0x9: {  	s2 =	stileid.u32;
	[smem:$0x7FF] =	sst s3;
	s4 =	sshll.u32 s6, $0x4  }
0xa: {  	_ =	strace $0x80000047;
	s8 =	sshll.u32 s6, $0xF;
	s9 =	sshll.u32 s2, $0xB  }
0xb: {  	s6 =	ssub.s32 $0x2, s6;
	s31 =	sshll.u32 s2, $0xE;
	s7 =	sor.u32 s2, s4  }
0xc: {  	s4 =	sadd.s32 $0x600, s5;
	s8 =	sor.u32 s9, s8;
	s30 =	sshrl.u32 s6, $0x1  }
.Ltmp0:
0xd: {  	s15 =	sadd.s32 s31, s1;
	s9 =	sshll.u32 s2, $0x6;
	(pc) =	sbr.rel .LBB2_1-.Ltmp0, $4  }
0xe: {  	s7 =	smul.u32 $0x420, s7;
	s11 =	sadd.s32 s8, s5;
	s12 =	ssub.s32 s6, s30  }
0xf: {  	s10 =	sor.u32 $0x1C01, s9;
	s15 =	sshrl.u32 s15, $0x3;
	s8 =	sadd.s32 $0x21200, s11  }
0x10: {  	s11 =	sadd.s32 $0x31200, s11;
	s12 =	smax.u32 s12, $0x1;
	s7 =	sadd.s32 s7, s5  }
0x11: {  	s5 =	sadd.s32 $0x18E00, s7;
	s6 =	sadd.s32 $0x10A00, s7;
	s7 =	sadd.s32 $0x8600, s7  }
.LBB2_7:
0x12: {  	_ =	swait.ge [sflag:s25], $0x800  }
0x13: {  	[sflag:s25] =	ssyncset.done $0x0  }
0x14: {  	[sflag:s25] =	ssyncadd.s32 $0xFFFFF800  }
0x15: {  	_ =	swait.ge [sflag:s23], $0x800  }
0x16: {  	s28 =	sadd.s32 $0x1, s28;
	[sflag:s23] =	ssyncset.done $0x0  }
0x17: {  	p0 =	sne.s32 s28, s12;
	[sflag:s23] =	ssyncadd.s32 $0xFFFFF800  }
.Ltmp1:
0x18: {  	s29 =	sor.u32 $0x1C06, s9;
	[bflag:$0x0] =	sbarrier.arrive $0xFFFF;
	(pc) =	sbr.rel @!p0 .LBB2_8-.Ltmp1, $4  }
0x19: {  	[hbm:s11], [sflag:s29] =	dma.local [spmem:s15], $0x800  }
0x1a: {  	_ =	swait.ge [sflag:s26], $0x800  }
0x1b: {  	[sflag:s26] =	ssyncset.done $0x0  }
0x1c: {  	[sflag:s26] =	ssyncadd.s32 $0xFFFFF800  }
.LBB2_1:
0x1d: {  	[tilespmem:s3], [sflag:$0x1] =	stream.linear.gather [hbm4b:s5+s3], $0x2100, $0x38;
	[tilespmem:$0xC300] =	vst v63  }
0x1e: {  	_ = 	snop  }
0x1f: {  	[tilespmem:s13], [sflag:$0x1] =	stream.linear.gather [hbm4b:s6+s3], $0x2100, $0x38;
	[tilespmem:$0xC300] =	vst v63  }
0x20: {  	_ = 	snop  }
0x21: {  	[tilespmem:s14], [sflag:$0x1] =	stream.linear.gather [hbm4b:s7+s3], $0x2100, $0x38;
	[tilespmem:$0xC300] =	vst v63  }
0x22: {  	[spmem:s15], [sflag:s10] =	dma.local [hbm:s8], $0x800  }
0x23: {  	_ =	swait.ge [sflag:s16], $0x2100  }
0x24: {  	[sflag:s16] =	ssyncset.done $0x0  }
0x25: {  	[sflag:s16] =	ssyncadd.s32 $0xFFFFDF00  }
0x26: {  	_ =	swait.ge [sflag:s16], $0x2100  }
0x27: {  	[sflag:s16] =	ssyncset.done $0x0  }
0x28: {  	[sflag:s16] =	ssyncadd.s32 $0xFFFFDF00  }
0x29: {  	_ =	swait.ge [sflag:s16], $0x2100  }
0x2a: {  	[sflag:s16] =	ssyncset.done $0x0  }
0x2b: {  	[sflag:s16] =	ssyncadd.s32 $0xFFFFDF00  }
.Ltmp2:
0x2c: {  	_ =	swait.ge [sflag:s16], $0x800;
	(pc) =	sbr.rel .LBB2_2-.Ltmp2, $4  }
0x2d: {  	[sflag:s16] =	ssyncset.done $0x0  }
0x2e: {  	[sflag:s16] =	ssyncadd.s32 $0xFFFFF800  }
0x2f: {  	s29 =	simm.s32 $0x0;
	[bflag:$0x0] =	sbarrier.arrive $0xFFFF  }
0x30: {  	[tilespmem:s18], [sflag:$0x2] =	stream.indirect.gather [hbm4b:s4+s17], $0x10, s3, s17, $0xb8;
	[tilespmem:$0xC300] =	vst v63  }
.LBB2_3:
0x31: {  	_ =	swait.ge [sflag:s22], $0x800  }
0x32: {  	[sflag:s22] =	ssyncset.done $0x0  }
0x33: {  	[sflag:s22] =	ssyncadd.s32 $0xFFFFF800  }
.LBB2_5:
0x34: {  	_ =	swait.ge [sflag:s23], $0x800  }
0x35: {  	[sflag:s23] =	ssyncset.done $0x0  }
0x36: {  	[sflag:s23] =	ssyncadd.s32 $0xFFFFF800  }
.LBB2_6:
0x37: {  	v0 =	vld [tilespmem:s30+$0x4280];
	_ =	sdelay $0x1  }
0x38: {  	v1 =	vld [tilespmem:$0x6B00]  }
0x39: {  	v2 =	vld [tilespmem:$0x6B10]  }
0x3a: {  	v3 =	vld [tilespmem:$0x6B20]  }
0x3b: {  	v5 =	vld [tilespmem:$0x6B30];
	v4 =	vbroadcast v0, $0x0  }
0x3c: {  	v7 =	vld [tilespmem:$0x6B40];
	v6 =	vbroadcast v0, $0x1  }
0x3d: {  	v8 =	vld [tilespmem:$0x6B50];
	v35 =	vbroadcast v0, $0x2;
	v1 =	vmul.f32 v4, v1  }
0x3e: {  	v9 =	vld [tilespmem:$0x6B60];
	v36 =	vbroadcast v0, $0x3;
	v2 =	vmul.f32 v2, v6  }
0x3f: {  	v39 =	vld [tilespmem:$0x6B70];
	v38 =	vbroadcast v0, $0x4;
	v37 =	vmul.f32 v3, v35;
	[tilespmem:$0x7B00] =	vst v1  }
0x40: {  	v42 =	vld [tilespmem:$0x6B80];
	v41 =	vbroadcast v0, $0x5;
	v40 =	vmul.f32 v5, v36;
	[tilespmem:$0x7B10] =	vst v2  }
0x41: {  	v45 =	vld [tilespmem:$0x6B90];
	v44 =	vbroadcast v0, $0x6;
	v43 =	vmul.f32 v7, v38;
	[tilespmem:$0x7B20] =	vst v37  }
0x42: {  	v48 =	vld [tilespmem:$0x6BA0];
	v47 =	vbroadcast v0, $0x7;
	v46 =	vmul.f32 v8, v41;
	[tilespmem:$0x7B30] =	vst v40  }
0x43: {  	v51 =	vld [tilespmem:$0x6BB0];
	v50 =	vbroadcast v0, $0x8;
	v49 =	vmul.f32 v9, v44;
	[tilespmem:$0x7B40] =	vst v43  }
0x44: {  	v54 =	vld [tilespmem:$0x6BC0];
	v53 =	vbroadcast v0, $0x9;
	v52 =	vmul.f32 v39, v47;
	[tilespmem:$0x7B50] =	vst v46  }
0x45: {  	v57 =	vld [tilespmem:$0x6BD0];
	v56 =	vbroadcast v0, $0xA;
	v55 =	vmul.f32 v42, v50;
	[tilespmem:$0x7B60] =	vst v49  }
0x46: {  	v60 =	vld [tilespmem:$0x6BE0];
	v59 =	vbroadcast v0, $0xB;
	v58 =	vmul.f32 v45, v53;
	[tilespmem:$0x7B70] =	vst v52  }
0x47: {  	v63 =	vld [tilespmem:$0x6BF0];
	v62 =	vbroadcast v0, $0xC;
	v61 =	vmul.f32 v48, v56;
	[tilespmem:$0x7B80] =	vst v55  }
0x48: {  	v13 =	vbroadcast v0, $0xD;
	v12 =	vmul.f32 v51, v59;
	[tilespmem:$0x7B90] =	vst v58  }
0x49: {  	v15 =	vbroadcast v0, $0xE;
	v14 =	vmul.f32 v54, v62;
	[tilespmem:$0x7BA0] =	vst v61  }
0x4a: {  	v0 =	vbroadcast v0, $0xF;
	v16 =	vmul.f32 v57, v13;
	[tilespmem:$0x7BB0] =	vst v12  }
0x4b: {  	v17 =	vmul.f32 v60, v15;
	[tilespmem:$0x7BC0] =	vst v14  }
0x4c: {  	v0 =	vmul.f32 v63, v0;
	[tilespmem:$0x7BD0] =	vst v16  }
0x4d: {  	[tilespmem:$0x7BE0] =	vst v17  }
0x4e: {  	[tilespmem:$0x7BF0] =	vst v0  }
0x4f: {  	v0 =	vld [tilespmem:s30+$0x4290];
	_ =	sdelay $0x1  }
0x50: {  	v18 =	vld [tilespmem:$0x6C00]  }
0x51: {  	v19 =	vld [tilespmem:$0x6C10]  }
0x52: {  	v20 =	vld [tilespmem:$0x6C20]  }
0x53: {  	v22 =	vld [tilespmem:$0x6C30];
	v21 =	vbroadcast v0, $0x0  }
0x54: {  	v24 =	vld [tilespmem:$0x6C40];
	v23 =	vbroadcast v0, $0x1  }
0x55: {  	v26 =	vld [tilespmem:$0x6C50];
	v25 =	vbroadcast v0, $0x2;
	v1 =	vmul.f32 v21, v18  }
0x56: {  	v28 =	vld [tilespmem:$0x6C60];
	v27 =	vbroadcast v0, $0x3;
	v2 =	vmul.f32 v19, v23  }
0x57: {  	v31 =	vld [tilespmem:$0x6C70];
	v30 =	vbroadcast v0, $0x4;
	v29 =	vmul.f32 v20, v25;
	[tilespmem:$0x7C00] =	vst v1  }
0x58: {  	v34 =	vld [tilespmem:$0x6C80];
	v33 =	vbroadcast v0, $0x5;
	v32 =	vmul.f32 v22, v27;
	[tilespmem:$0x7C10] =	vst v2  }
0x59: {  	v37 =	vld [tilespmem:$0x6C90];
	v36 =	vbroadcast v0, $0x6;
	v35 =	vmul.f32 v24, v30;
	[tilespmem:$0x7C20] =	vst v29  }
0x5a: {  	v40 =	vld [tilespmem:$0x6CA0];
	v39 =	vbroadcast v0, $0x7;
	v38 =	vmul.f32 v26, v33;
	[tilespmem:$0x7C30] =	vst v32  }
0x5b: {  	v43 =	vld [tilespmem:$0x6CB0];
	v42 =	vbroadcast v0, $0x8;
	v41 =	vmul.f32 v28, v36;
	[tilespmem:$0x7C40] =	vst v35  }
0x5c: {  	v46 =	vld [tilespmem:$0x6CC0];
	v45 =	vbroadcast v0, $0x9;
	v44 =	vmul.f32 v31, v39;
	[tilespmem:$0x7C50] =	vst v38  }
0x5d: {  	v49 =	vld [tilespmem:$0x6CD0];
	v48 =	vbroadcast v0, $0xA;
	v47 =	vmul.f32 v34, v42;
	[tilespmem:$0x7C60] =	vst v41  }
0x5e: {  	v52 =	vld [tilespmem:$0x6CE0];
	v51 =	vbroadcast v0, $0xB;
	v50 =	vmul.f32 v37, v45;
	[tilespmem:$0x7C70] =	vst v44  }
0x5f: {  	v55 =	vld [tilespmem:$0x6CF0];
	v54 =	vbroadcast v0, $0xC;
	v53 =	vmul.f32 v40, v48;
	[tilespmem:$0x7C80] =	vst v47  }
0x60: {  	v57 =	vbroadcast v0, $0xD;
	v56 =	vmul.f32 v43, v51;
	[tilespmem:$0x7C90] =	vst v50  }
0x61: {  	v59 =	vbroadcast v0, $0xE;
	v58 =	vmul.f32 v46, v54;
	[tilespmem:$0x7CA0] =	vst v53  }
0x62: {  	v0 =	vbroadcast v0, $0xF;
	v60 =	vmul.f32 v49, v57;
	[tilespmem:$0x7CB0] =	vst v56  }
0x63: {  	v61 =	vmul.f32 v52, v59;
	[tilespmem:$0x7CC0] =	vst v58  }
0x64: {  	v0 =	vmul.f32 v55, v0;
	[tilespmem:$0x7CD0] =	vst v60  }
0x65: {  	[tilespmem:$0x7CE0] =	vst v61  }
0x66: {  	[tilespmem:$0x7CF0] =	vst v0  }
0x67: {  	v0 =	vld [tilespmem:s30+$0x42A0];
	_ =	sdelay $0x1  }
0x68: {  	v62 =	vld [tilespmem:$0x6D00]  }
0x69: {  	v63 =	vld [tilespmem:$0x6D10]  }
0x6a: {  	v12 =	vld [tilespmem:$0x6D20]  }
0x6b: {  	v14 =	vld [tilespmem:$0x6D30];
	v13 =	vbroadcast v0, $0x0  }
0x6c: {  	v16 =	vld [tilespmem:$0x6D40];
	v15 =	vbroadcast v0, $0x1  }
0x6d: {  	v18 =	vld [tilespmem:$0x6D50];
	v17 =	vbroadcast v0, $0x2;
	v1 =	vmul.f32 v13, v62  }
0x6e: {  	v20 =	vld [tilespmem:$0x6D60];
	v19 =	vbroadcast v0, $0x3;
	v2 =	vmul.f32 v63, v15  }
0x6f: {  	v23 =	vld [tilespmem:$0x6D70];
	v22 =	vbroadcast v0, $0x4;
	v21 =	vmul.f32 v12, v17;
	[tilespmem:$0x7D00] =	vst v1  }
0x70: {  	v26 =	vld [tilespmem:$0x6D80];
	v25 =	vbroadcast v0, $0x5;
	v24 =	vmul.f32 v14, v19;
	[tilespmem:$0x7D10] =	vst v2  }
0x71: {  	v29 =	vld [tilespmem:$0x6D90];
	v28 =	vbroadcast v0, $0x6;
	v27 =	vmul.f32 v16, v22;
	[tilespmem:$0x7D20] =	vst v21  }
0x72: {  	v32 =	vld [tilespmem:$0x6DA0];
	v31 =	vbroadcast v0, $0x7;
	v30 =	vmul.f32 v18, v25;
	[tilespmem:$0x7D30] =	vst v24  }
0x73: {  	v35 =	vld [tilespmem:$0x6DB0];
	v34 =	vbroadcast v0, $0x8;
	v33 =	vmul.f32 v20, v28;
	[tilespmem:$0x7D40] =	vst v27  }
0x74: {  	v38 =	vld [tilespmem:$0x6DC0];
	v37 =	vbroadcast v0, $0x9;
	v36 =	vmul.f32 v23, v31;
	[tilespmem:$0x7D50] =	vst v30  }
0x75: {  	v41 =	vld [tilespmem:$0x6DD0];
	v40 =	vbroadcast v0, $0xA;
	v39 =	vmul.f32 v26, v34;
	[tilespmem:$0x7D60] =	vst v33  }
0x76: {  	v44 =	vld [tilespmem:$0x6DE0];
	v43 =	vbroadcast v0, $0xB;
	v42 =	vmul.f32 v29, v37;
	[tilespmem:$0x7D70] =	vst v36  }
0x77: {  	v47 =	vld [tilespmem:$0x6DF0];
	v46 =	vbroadcast v0, $0xC;
	v45 =	vmul.f32 v32, v40;
	[tilespmem:$0x7D80] =	vst v39  }
0x78: {  	v49 =	vbroadcast v0, $0xD;
	v48 =	vmul.f32 v35, v43;
	[tilespmem:$0x7D90] =	vst v42  }
0x79: {  	v51 =	vbroadcast v0, $0xE;
	v50 =	vmul.f32 v38, v46;
	[tilespmem:$0x7DA0] =	vst v45  }
0x7a: {  	v0 =	vbroadcast v0, $0xF;
	v52 =	vmul.f32 v41, v49;
	[tilespmem:$0x7DB0] =	vst v48  }
0x7b: {  	v53 =	vmul.f32 v44, v51;
	[tilespmem:$0x7DC0] =	vst v50  }
0x7c: {  	v0 =	vmul.f32 v47, v0;
	[tilespmem:$0x7DD0] =	vst v52  }
0x7d: {  	[tilespmem:$0x7DE0] =	vst v53  }
0x7e: {  	[tilespmem:$0x7DF0] =	vst v0  }
0x7f: {  	v0 =	vld [tilespmem:s30+$0x42B0];
	_ =	sdelay $0x1  }
0x80: {  	v54 =	vld [tilespmem:$0x6E00]  }
0x81: {  	v55 =	vld [tilespmem:$0x6E10]  }
0x82: {  	v56 =	vld [tilespmem:$0x6E20]  }
0x83: {  	v58 =	vld [tilespmem:$0x6E30];
	v57 =	vbroadcast v0, $0x0  }
0x84: {  	v60 =	vld [tilespmem:$0x6E40];
	v59 =	vbroadcast v0, $0x1  }
0x85: {  	v62 =	vld [tilespmem:$0x6E50];
	v61 =	vbroadcast v0, $0x2;
	v1 =	vmul.f32 v57, v54  }
0x86: {  	v12 =	vld [tilespmem:$0x6E60];
	v63 =	vbroadcast v0, $0x3;
	v2 =	vmul.f32 v55, v59  }
0x87: {  	v15 =	vld [tilespmem:$0x6E70];
	v14 =	vbroadcast v0, $0x4;
	v13 =	vmul.f32 v56, v61;
	[tilespmem:$0x7E00] =	vst v1  }
0x88: {  	v18 =	vld [tilespmem:$0x6E80];
	v17 =	vbroadcast v0, $0x5;
	v16 =	vmul.f32 v58, v63;
	[tilespmem:$0x7E10] =	vst v2  }
0x89: {  	v21 =	vld [tilespmem:$0x6E90];
	v20 =	vbroadcast v0, $0x6;
	v19 =	vmul.f32 v60, v14;
	[tilespmem:$0x7E20] =	vst v13  }
0x8a: {  	v24 =	vld [tilespmem:$0x6EA0];
	v23 =	vbroadcast v0, $0x7;
	v22 =	vmul.f32 v62, v17;
	[tilespmem:$0x7E30] =	vst v16  }
0x8b: {  	v27 =	vld [tilespmem:$0x6EB0];
	v26 =	vbroadcast v0, $0x8;
	v25 =	vmul.f32 v12, v20;
	[tilespmem:$0x7E40] =	vst v19  }
0x8c: {  	v30 =	vld [tilespmem:$0x6EC0];
	v29 =	vbroadcast v0, $0x9;
	v28 =	vmul.f32 v15, v23;
	[tilespmem:$0x7E50] =	vst v22  }
0x8d: {  	v33 =	vld [tilespmem:$0x6ED0];
	v32 =	vbroadcast v0, $0xA;
	v31 =	vmul.f32 v18, v26;
	[tilespmem:$0x7E60] =	vst v25  }
0x8e: {  	v36 =	vld [tilespmem:$0x6EE0];
	v35 =	vbroadcast v0, $0xB;
	v34 =	vmul.f32 v21, v29;
	[tilespmem:$0x7E70] =	vst v28  }
0x8f: {  	v39 =	vld [tilespmem:$0x6EF0];
	v38 =	vbroadcast v0, $0xC;
	v37 =	vmul.f32 v24, v32;
	[tilespmem:$0x7E80] =	vst v31  }
0x90: {  	v41 =	vbroadcast v0, $0xD;
	v40 =	vmul.f32 v27, v35;
	[tilespmem:$0x7E90] =	vst v34  }
0x91: {  	v43 =	vbroadcast v0, $0xE;
	v42 =	vmul.f32 v30, v38;
	[tilespmem:$0x7EA0] =	vst v37  }
0x92: {  	v0 =	vbroadcast v0, $0xF;
	v44 =	vmul.f32 v33, v41;
	[tilespmem:$0x7EB0] =	vst v40  }
0x93: {  	v45 =	vmul.f32 v36, v43;
	[tilespmem:$0x7EC0] =	vst v42  }
0x94: {  	v0 =	vmul.f32 v39, v0;
	[tilespmem:$0x7ED0] =	vst v44  }
0x95: {  	[tilespmem:$0x7EE0] =	vst v45  }
0x96: {  	[tilespmem:$0x7EF0] =	vst v0  }
0x97: {  	v0 =	vld [tilespmem:s30+$0x42C0];
	_ =	sdelay $0x1  }
0x98: {  	v46 =	vld [tilespmem:$0x6F00]  }
0x99: {  	v47 =	vld [tilespmem:$0x6F10]  }
0x9a: {  	v48 =	vld [tilespmem:$0x6F20]  }
0x9b: {  	v50 =	vld [tilespmem:$0x6F30];
	v49 =	vbroadcast v0, $0x0  }
0x9c: {  	v52 =	vld [tilespmem:$0x6F40];
	v51 =	vbroadcast v0, $0x1  }
0x9d: {  	v54 =	vld [tilespmem:$0x6F50];
	v53 =	vbroadcast v0, $0x2;
	v1 =	vmul.f32 v49, v46  }
0x9e: {  	v56 =	vld [tilespmem:$0x6F60];
	v55 =	vbroadcast v0, $0x3;
	v2 =	vmul.f32 v47, v51  }
0x9f: {  	v59 =	vld [tilespmem:$0x6F70];
	v58 =	vbroadcast v0, $0x4;
	v57 =	vmul.f32 v48, v53;
	[tilespmem:$0x7F00] =	vst v1  }
0xa0: {  	v62 =	vld [tilespmem:$0x6F80];
	v61 =	vbroadcast v0, $0x5;
	v60 =	vmul.f32 v50, v55;
	[tilespmem:$0x7F10] =	vst v2  }
0xa1: {  	v13 =	vld [tilespmem:$0x6F90];
	v12 =	vbroadcast v0, $0x6;
	v63 =	vmul.f32 v52, v58;
	[tilespmem:$0x7F20] =	vst v57  }
0xa2: {  	v16 =	vld [tilespmem:$0x6FA0];
	v15 =	vbroadcast v0, $0x7;
	v14 =	vmul.f32 v54, v61;
	[tilespmem:$0x7F30] =	vst v60  }
0xa3: {  	v19 =	vld [tilespmem:$0x6FB0];
	v18 =	vbroadcast v0, $0x8;
	v17 =	vmul.f32 v56, v12;
	[tilespmem:$0x7F40] =	vst v63  }
0xa4: {  	v22 =	vld [tilespmem:$0x6FC0];
	v21 =	vbroadcast v0, $0x9;
	v20 =	vmul.f32 v59, v15;
	[tilespmem:$0x7F50] =	vst v14  }
0xa5: {  	v25 =	vld [tilespmem:$0x6FD0];
	v24 =	vbroadcast v0, $0xA;
	v23 =	vmul.f32 v62, v18;
	[tilespmem:$0x7F60] =	vst v17  }
0xa6: {  	v28 =	vld [tilespmem:$0x6FE0];
	v27 =	vbroadcast v0, $0xB;
	v26 =	vmul.f32 v13, v21;
	[tilespmem:$0x7F70] =	vst v20  }
0xa7: {  	v31 =	vld [tilespmem:$0x6FF0];
	v30 =	vbroadcast v0, $0xC;
	v29 =	vmul.f32 v16, v24;
	[tilespmem:$0x7F80] =	vst v23  }
0xa8: {  	v33 =	vbroadcast v0, $0xD;
	v32 =	vmul.f32 v19, v27;
	[tilespmem:$0x7F90] =	vst v26  }
0xa9: {  	v35 =	vbroadcast v0, $0xE;
	v34 =	vmul.f32 v22, v30;
	[tilespmem:$0x7FA0] =	vst v29  }
0xaa: {  	v0 =	vbroadcast v0, $0xF;
	v36 =	vmul.f32 v25, v33;
	[tilespmem:$0x7FB0] =	vst v32  }
0xab: {  	v37 =	vmul.f32 v28, v35;
	[tilespmem:$0x7FC0] =	vst v34  }
0xac: {  	v0 =	vmul.f32 v31, v0;
	[tilespmem:$0x7FD0] =	vst v36  }
0xad: {  	[tilespmem:$0x7FE0] =	vst v37  }
0xae: {  	[tilespmem:$0x7FF0] =	vst v0  }
0xaf: {  	v0 =	vld [tilespmem:s30+$0x42D0];
	_ =	sdelay $0x1  }
0xb0: {  	v38 =	vld [tilespmem:$0x7000]  }
0xb1: {  	v39 =	vld [tilespmem:$0x7010]  }
0xb2: {  	v40 =	vld [tilespmem:$0x7020]  }
0xb3: {  	v42 =	vld [tilespmem:$0x7030];
	v41 =	vbroadcast v0, $0x0  }
0xb4: {  	v44 =	vld [tilespmem:$0x7040];
	v43 =	vbroadcast v0, $0x1  }
0xb5: {  	v46 =	vld [tilespmem:$0x7050];
	v45 =	vbroadcast v0, $0x2;
	v1 =	vmul.f32 v41, v38  }
0xb6: {  	v48 =	vld [tilespmem:$0x7060];
	v47 =	vbroadcast v0, $0x3;
	v2 =	vmul.f32 v39, v43  }
0xb7: {  	v51 =	vld [tilespmem:$0x7070];
	v50 =	vbroadcast v0, $0x4;
	v49 =	vmul.f32 v40, v45;
	[tilespmem:$0x8000] =	vst v1  }
0xb8: {  	v54 =	vld [tilespmem:$0x7080];
	v53 =	vbroadcast v0, $0x5;
	v52 =	vmul.f32 v42, v47;
	[tilespmem:$0x8010] =	vst v2  }
0xb9: {  	v57 =	vld [tilespmem:$0x7090];
	v56 =	vbroadcast v0, $0x6;
	v55 =	vmul.f32 v44, v50;
	[tilespmem:$0x8020] =	vst v49  }
0xba: {  	v60 =	vld [tilespmem:$0x70A0];
	v59 =	vbroadcast v0, $0x7;
	v58 =	vmul.f32 v46, v53;
	[tilespmem:$0x8030] =	vst v52  }
0xbb: {  	v63 =	vld [tilespmem:$0x70B0];
	v62 =	vbroadcast v0, $0x8;
	v61 =	vmul.f32 v48, v56;
	[tilespmem:$0x8040] =	vst v55  }
0xbc: {  	v12 =	vld [tilespmem:$0x70C0];
	v11 =	vbroadcast v0, $0x9;
	v10 =	vmul.f32 v51, v59;
	[tilespmem:$0x8050] =	vst v58  }
0xbd: {  	v15 =	vld [tilespmem:$0x70D0];
	v14 =	vbroadcast v0, $0xA;
	v13 =	vmul.f32 v54, v62;
	[tilespmem:$0x8060] =	vst v61  }
0xbe: {  	v18 =	vld [tilespmem:$0x70E0];
	v17 =	vbroadcast v0, $0xB;
	v16 =	vmul.f32 v57, v11;
	[tilespmem:$0x8070] =	vst v10  }
0xbf: {  	v21 =	vld [tilespmem:$0x70F0];
	v20 =	vbroadcast v0, $0xC;
	v19 =	vmul.f32 v60, v14;
	[tilespmem:$0x8080] =	vst v13  }
0xc0: {  	v23 =	vbroadcast v0, $0xD;
	v22 =	vmul.f32 v63, v17;
	[tilespmem:$0x8090] =	vst v16  }
0xc1: {  	v25 =	vbroadcast v0, $0xE;
	v24 =	vmul.f32 v12, v20;
	[tilespmem:$0x80A0] =	vst v19  }
0xc2: {  	v0 =	vbroadcast v0, $0xF;
	v26 =	vmul.f32 v15, v23;
	[tilespmem:$0x80B0] =	vst v22  }
0xc3: {  	v27 =	vmul.f32 v18, v25;
	[tilespmem:$0x80C0] =	vst v24  }
0xc4: {  	v0 =	vmul.f32 v21, v0;
	[tilespmem:$0x80D0] =	vst v26  }
0xc5: {  	[tilespmem:$0x80E0] =	vst v27  }
0xc6: {  	[tilespmem:$0x80F0] =	vst v0  }
0xc7: {  	v0 =	vld [tilespmem:s30+$0x42E0];
	_ =	sdelay $0x1  }
0xc8: {  	v28 =	vld [tilespmem:$0x7100]  }
0xc9: {  	v29 =	vld [tilespmem:$0x7110]  }
0xca: {  	v30 =	vld [tilespmem:$0x7120]  }
0xcb: {  	v32 =	vld [tilespmem:$0x7130];
	v31 =	vbroadcast v0, $0x0  }
0xcc: {  	v34 =	vld [tilespmem:$0x7140];
	v33 =	vbroadcast v0, $0x1  }
0xcd: {  	v36 =	vld [tilespmem:$0x7150];
	v35 =	vbroadcast v0, $0x2;
	v1 =	vmul.f32 v31, v28  }
0xce: {  	v38 =	vld [tilespmem:$0x7160];
	v37 =	vbroadcast v0, $0x3;
	v2 =	vmul.f32 v29, v33  }
0xcf: {  	v41 =	vld [tilespmem:$0x7170];
	v40 =	vbroadcast v0, $0x4;
	v39 =	vmul.f32 v30, v35;
	[tilespmem:$0x8100] =	vst v1  }
0xd0: {  	v44 =	vld [tilespmem:$0x7180];
	v43 =	vbroadcast v0, $0x5;
	v42 =	vmul.f32 v32, v37;
	[tilespmem:$0x8110] =	vst v2  }
0xd1: {  	v47 =	vld [tilespmem:$0x7190];
	v46 =	vbroadcast v0, $0x6;
	v45 =	vmul.f32 v34, v40;
	[tilespmem:$0x8120] =	vst v39  }
0xd2: {  	v50 =	vld [tilespmem:$0x71A0];
	v49 =	vbroadcast v0, $0x7;
	v48 =	vmul.f32 v36, v43;
	[tilespmem:$0x8130] =	vst v42  }
0xd3: {  	v53 =	vld [tilespmem:$0x71B0];
	v52 =	vbroadcast v0, $0x8;
	v51 =	vmul.f32 v38, v46;
	[tilespmem:$0x8140] =	vst v45  }
0xd4: {  	v56 =	vld [tilespmem:$0x71C0];
	v55 =	vbroadcast v0, $0x9;
	v54 =	vmul.f32 v41, v49;
	[tilespmem:$0x8150] =	vst v48  }
0xd5: {  	v59 =	vld [tilespmem:$0x71D0];
	v58 =	vbroadcast v0, $0xA;
	v57 =	vmul.f32 v44, v52;
	[tilespmem:$0x8160] =	vst v51  }
0xd6: {  	v62 =	vld [tilespmem:$0x71E0];
	v61 =	vbroadcast v0, $0xB;
	v60 =	vmul.f32 v47, v55;
	[tilespmem:$0x8170] =	vst v54  }
0xd7: {  	v13 =	vld [tilespmem:$0x71F0];
	v12 =	vbroadcast v0, $0xC;
	v63 =	vmul.f32 v50, v58;
	[tilespmem:$0x8180] =	vst v57  }
0xd8: {  	v15 =	vbroadcast v0, $0xD;
	v14 =	vmul.f32 v53, v61;
	[tilespmem:$0x8190] =	vst v60  }
0xd9: {  	v17 =	vbroadcast v0, $0xE;
	v16 =	vmul.f32 v56, v12;
	[tilespmem:$0x81A0] =	vst v63  }
0xda: {  	v0 =	vbroadcast v0, $0xF;
	v18 =	vmul.f32 v59, v15;
	[tilespmem:$0x81B0] =	vst v14  }
0xdb: {  	v19 =	vmul.f32 v62, v17;
	[tilespmem:$0x81C0] =	vst v16  }
0xdc: {  	v0 =	vmul.f32 v13, v0;
	[tilespmem:$0x81D0] =	vst v18  }
0xdd: {  	[tilespmem:$0x81E0] =	vst v19  }
0xde: {  	[tilespmem:$0x81F0] =	vst v0  }
0xdf: {  	v0 =	vld [tilespmem:s30+$0x42F0];
	_ =	sdelay $0x1  }
0xe0: {  	v20 =	vld [tilespmem:$0x7200]  }
0xe1: {  	v21 =	vld [tilespmem:$0x7210]  }
0xe2: {  	v22 =	vld [tilespmem:$0x7220]  }
0xe3: {  	v24 =	vld [tilespmem:$0x7230];
	v23 =	vbroadcast v0, $0x0  }
0xe4: {  	v26 =	vld [tilespmem:$0x7240];
	v25 =	vbroadcast v0, $0x1  }
0xe5: {  	v28 =	vld [tilespmem:$0x7250];
	v27 =	vbroadcast v0, $0x2;
	v1 =	vmul.f32 v23, v20  }
0xe6: {  	v30 =	vld [tilespmem:$0x7260];
	v29 =	vbroadcast v0, $0x3;
	v2 =	vmul.f32 v21, v25  }
0xe7: {  	v33 =	vld [tilespmem:$0x7270];
	v32 =	vbroadcast v0, $0x4;
	v31 =	vmul.f32 v22, v27;
	[tilespmem:$0x8200] =	vst v1  }
0xe8: {  	v36 =	vld [tilespmem:$0x7280];
	v35 =	vbroadcast v0, $0x5;
	v34 =	vmul.f32 v24, v29;
	[tilespmem:$0x8210] =	vst v2  }
0xe9: {  	v39 =	vld [tilespmem:$0x7290];
	v38 =	vbroadcast v0, $0x6;
	v37 =	vmul.f32 v26, v32;
	[tilespmem:$0x8220] =	vst v31  }
0xea: {  	v42 =	vld [tilespmem:$0x72A0];
	v41 =	vbroadcast v0, $0x7;
	v40 =	vmul.f32 v28, v35;
	[tilespmem:$0x8230] =	vst v34  }
0xeb: {  	v45 =	vld [tilespmem:$0x72B0];
	v44 =	vbroadcast v0, $0x8;
	v43 =	vmul.f32 v30, v38;
	[tilespmem:$0x8240] =	vst v37  }
0xec: {  	v48 =	vld [tilespmem:$0x72C0];
	v47 =	vbroadcast v0, $0x9;
	v46 =	vmul.f32 v33, v41;
	[tilespmem:$0x8250] =	vst v40  }
0xed: {  	v51 =	vld [tilespmem:$0x72D0];
	v50 =	vbroadcast v0, $0xA;
	v49 =	vmul.f32 v36, v44;
	[tilespmem:$0x8260] =	vst v43  }
0xee: {  	v54 =	vld [tilespmem:$0x72E0];
	v53 =	vbroadcast v0, $0xB;
	v52 =	vmul.f32 v39, v47;
	[tilespmem:$0x8270] =	vst v46  }
0xef: {  	v57 =	vld [tilespmem:$0x72F0];
	v56 =	vbroadcast v0, $0xC;
	v55 =	vmul.f32 v42, v50;
	[tilespmem:$0x8280] =	vst v49  }
0xf0: {  	v59 =	vbroadcast v0, $0xD;
	v58 =	vmul.f32 v45, v53;
	[tilespmem:$0x8290] =	vst v52  }
0xf1: {  	s29 =	sadd.s32 $0x400, s29;
	v61 =	vbroadcast v0, $0xE;
	v60 =	vmul.f32 v48, v56;
	[tilespmem:$0x82A0] =	vst v55  }
0xf2: {  	p0 =	sne.s32 s29, $0x8400;
	v0 =	vbroadcast v0, $0xF;
	v62 =	vmul.f32 v51, v59;
	[tilespmem:$0x82B0] =	vst v58  }
.Ltmp3:
0xf3: {  	v63 =	vmul.f32 v54, v61;
	[tilespmem:$0x82C0] =	vst v60;
	(pc) =	sbr.rel @!p0 .LBB2_7-.Ltmp3, $4  }
0xf4: {  	v0 =	vmul.f32 v57, v0;
	[tilespmem:$0x82D0] =	vst v62  }
0xf5: {  	[tilespmem:$0x82E0] =	vst v63  }
0xf6: {  	s31 =	sadd.s32 $0x2180, s30;
	[tilespmem:$0x82F0] =	vst v0  }
0xf7: {  	[spmem:s1] =	stream.indirect.scatter.add.f32 [tilespmem:s24], [sflag:$0x5], $0x10, s31, s17, $0xb8;
	[tilespmem:$0xC300] =	vst v63  }
.LBB2_2:
0xf8: {  	s30 =	sshra.s32 s29, $0x2  }
0xf9: {  	s31 =	sadd.s32 $0x80, s30  }
0xfa: {  	[tilespmem:s19], [sflag:$0x3] =	stream.indirect.gather [hbm4b:s4+s17], $0x10, s31, s17, $0xb8;
	[tilespmem:$0xC300] =	vst v63  }
0xfb: {  	_ =	swait.ge [sflag:s20], $0x800  }
0xfc: {  	p0 =	seq.s32 s29, $0x0;
	[sflag:s20] =	ssyncset.done $0x0  }
0xfd: {  	s31 =	simm.s32 @!p0 $0x4;
	[sflag:s20] =	ssyncadd.s32 $0xFFFFF800  }
0xfe: {  	_ =	swait.ge @!p0 [sflag:s31], $0x800  }
0xff: {  	[sflag:s31] =	ssyncset.done @!p0 $0x0  }
0x100: {  	[sflag:s31] =	ssyncadd.s32 @!p0 $0xFFFFF800  }
0x101: {  	v0 =	vld [tilespmem:s30+$0x4200];
	_ =	sdelay $0x1  }
0x102: {  	v1 =	vld [tilespmem:$0x6300]  }
0x103: {  	v2 =	vld [tilespmem:$0x6310]  }
0x104: {  	v3 =	vld [tilespmem:$0x6320]  }
0x105: {  	v5 =	vld [tilespmem:$0x6330];
	v4 =	vbroadcast v0, $0x0  }
0x106: {  	v7 =	vld [tilespmem:$0x6340];
	v6 =	vbroadcast v0, $0x1  }
0x107: {  	v8 =	vld [tilespmem:$0x6350];
	v35 =	vbroadcast v0, $0x2;
	v1 =	vmul.f32 v4, v1  }
0x108: {  	v9 =	vld [tilespmem:$0x6360];
	v36 =	vbroadcast v0, $0x3;
	v2 =	vmul.f32 v2, v6  }
0x109: {  	v39 =	vld [tilespmem:$0x6370];
	v38 =	vbroadcast v0, $0x4;
	v37 =	vmul.f32 v3, v35;
	[tilespmem:$0x7300] =	vst v1  }
0x10a: {  	v42 =	vld [tilespmem:$0x6380];
	v41 =	vbroadcast v0, $0x5;
	v40 =	vmul.f32 v5, v36;
	[tilespmem:$0x7310] =	vst v2  }
0x10b: {  	v45 =	vld [tilespmem:$0x6390];
	v44 =	vbroadcast v0, $0x6;
	v43 =	vmul.f32 v7, v38;
	[tilespmem:$0x7320] =	vst v37  }
0x10c: {  	v48 =	vld [tilespmem:$0x63A0];
	v47 =	vbroadcast v0, $0x7;
	v46 =	vmul.f32 v8, v41;
	[tilespmem:$0x7330] =	vst v40  }
0x10d: {  	v51 =	vld [tilespmem:$0x63B0];
	v50 =	vbroadcast v0, $0x8;
	v49 =	vmul.f32 v9, v44;
	[tilespmem:$0x7340] =	vst v43  }
0x10e: {  	v54 =	vld [tilespmem:$0x63C0];
	v53 =	vbroadcast v0, $0x9;
	v52 =	vmul.f32 v39, v47;
	[tilespmem:$0x7350] =	vst v46  }
0x10f: {  	v57 =	vld [tilespmem:$0x63D0];
	v56 =	vbroadcast v0, $0xA;
	v55 =	vmul.f32 v42, v50;
	[tilespmem:$0x7360] =	vst v49  }
0x110: {  	v60 =	vld [tilespmem:$0x63E0];
	v59 =	vbroadcast v0, $0xB;
	v58 =	vmul.f32 v45, v53;
	[tilespmem:$0x7370] =	vst v52  }
0x111: {  	v63 =	vld [tilespmem:$0x63F0];
	v62 =	vbroadcast v0, $0xC;
	v61 =	vmul.f32 v48, v56;
	[tilespmem:$0x7380] =	vst v55  }
0x112: {  	v13 =	vbroadcast v0, $0xD;
	v12 =	vmul.f32 v51, v59;
	[tilespmem:$0x7390] =	vst v58  }
0x113: {  	v15 =	vbroadcast v0, $0xE;
	v14 =	vmul.f32 v54, v62;
	[tilespmem:$0x73A0] =	vst v61  }
0x114: {  	v0 =	vbroadcast v0, $0xF;
	v16 =	vmul.f32 v57, v13;
	[tilespmem:$0x73B0] =	vst v12  }
0x115: {  	v17 =	vmul.f32 v60, v15;
	[tilespmem:$0x73C0] =	vst v14  }
0x116: {  	v0 =	vmul.f32 v63, v0;
	[tilespmem:$0x73D0] =	vst v16  }
0x117: {  	[tilespmem:$0x73E0] =	vst v17  }
0x118: {  	[tilespmem:$0x73F0] =	vst v0  }
0x119: {  	v0 =	vld [tilespmem:s30+$0x4210];
	_ =	sdelay $0x1  }
0x11a: {  	v18 =	vld [tilespmem:$0x6400]  }
0x11b: {  	v19 =	vld [tilespmem:$0x6410]  }
0x11c: {  	v20 =	vld [tilespmem:$0x6420]  }
0x11d: {  	v22 =	vld [tilespmem:$0x6430];
	v21 =	vbroadcast v0, $0x0  }
0x11e: {  	v24 =	vld [tilespmem:$0x6440];
	v23 =	vbroadcast v0, $0x1  }
0x11f: {  	v26 =	vld [tilespmem:$0x6450];
	v25 =	vbroadcast v0, $0x2;
	v1 =	vmul.f32 v21, v18  }
0x120: {  	v28 =	vld [tilespmem:$0x6460];
	v27 =	vbroadcast v0, $0x3;
	v2 =	vmul.f32 v19, v23  }
0x121: {  	v31 =	vld [tilespmem:$0x6470];
	v30 =	vbroadcast v0, $0x4;
	v29 =	vmul.f32 v20, v25;
	[tilespmem:$0x7400] =	vst v1  }
0x122: {  	v34 =	vld [tilespmem:$0x6480];
	v33 =	vbroadcast v0, $0x5;
	v32 =	vmul.f32 v22, v27;
	[tilespmem:$0x7410] =	vst v2  }
0x123: {  	v37 =	vld [tilespmem:$0x6490];
	v36 =	vbroadcast v0, $0x6;
	v35 =	vmul.f32 v24, v30;
	[tilespmem:$0x7420] =	vst v29  }
0x124: {  	v40 =	vld [tilespmem:$0x64A0];
	v39 =	vbroadcast v0, $0x7;
	v38 =	vmul.f32 v26, v33;
	[tilespmem:$0x7430] =	vst v32  }
0x125: {  	v43 =	vld [tilespmem:$0x64B0];
	v42 =	vbroadcast v0, $0x8;
	v41 =	vmul.f32 v28, v36;
	[tilespmem:$0x7440] =	vst v35  }
0x126: {  	v46 =	vld [tilespmem:$0x64C0];
	v45 =	vbroadcast v0, $0x9;
	v44 =	vmul.f32 v31, v39;
	[tilespmem:$0x7450] =	vst v38  }
0x127: {  	v49 =	vld [tilespmem:$0x64D0];
	v48 =	vbroadcast v0, $0xA;
	v47 =	vmul.f32 v34, v42;
	[tilespmem:$0x7460] =	vst v41  }
0x128: {  	v52 =	vld [tilespmem:$0x64E0];
	v51 =	vbroadcast v0, $0xB;
	v50 =	vmul.f32 v37, v45;
	[tilespmem:$0x7470] =	vst v44  }
0x129: {  	v55 =	vld [tilespmem:$0x64F0];
	v54 =	vbroadcast v0, $0xC;
	v53 =	vmul.f32 v40, v48;
	[tilespmem:$0x7480] =	vst v47  }
0x12a: {  	v57 =	vbroadcast v0, $0xD;
	v56 =	vmul.f32 v43, v51;
	[tilespmem:$0x7490] =	vst v50  }
0x12b: {  	v59 =	vbroadcast v0, $0xE;
	v58 =	vmul.f32 v46, v54;
	[tilespmem:$0x74A0] =	vst v53  }
0x12c: {  	v0 =	vbroadcast v0, $0xF;
	v60 =	vmul.f32 v49, v57;
	[tilespmem:$0x74B0] =	vst v56  }
0x12d: {  	v61 =	vmul.f32 v52, v59;
	[tilespmem:$0x74C0] =	vst v58  }
0x12e: {  	v0 =	vmul.f32 v55, v0;
	[tilespmem:$0x74D0] =	vst v60  }
0x12f: {  	[tilespmem:$0x74E0] =	vst v61  }
0x130: {  	[tilespmem:$0x74F0] =	vst v0  }
0x131: {  	v0 =	vld [tilespmem:s30+$0x4220];
	_ =	sdelay $0x1  }
0x132: {  	v62 =	vld [tilespmem:$0x6500]  }
0x133: {  	v63 =	vld [tilespmem:$0x6510]  }
0x134: {  	v12 =	vld [tilespmem:$0x6520]  }
0x135: {  	v14 =	vld [tilespmem:$0x6530];
	v13 =	vbroadcast v0, $0x0  }
0x136: {  	v16 =	vld [tilespmem:$0x6540];
	v15 =	vbroadcast v0, $0x1  }
0x137: {  	v18 =	vld [tilespmem:$0x6550];
	v17 =	vbroadcast v0, $0x2;
	v1 =	vmul.f32 v13, v62  }
0x138: {  	v20 =	vld [tilespmem:$0x6560];
	v19 =	vbroadcast v0, $0x3;
	v2 =	vmul.f32 v63, v15  }
0x139: {  	v23 =	vld [tilespmem:$0x6570];
	v22 =	vbroadcast v0, $0x4;
	v21 =	vmul.f32 v12, v17;
	[tilespmem:$0x7500] =	vst v1  }
0x13a: {  	v26 =	vld [tilespmem:$0x6580];
	v25 =	vbroadcast v0, $0x5;
	v24 =	vmul.f32 v14, v19;
	[tilespmem:$0x7510] =	vst v2  }
0x13b: {  	v29 =	vld [tilespmem:$0x6590];
	v28 =	vbroadcast v0, $0x6;
	v27 =	vmul.f32 v16, v22;
	[tilespmem:$0x7520] =	vst v21  }
0x13c: {  	v32 =	vld [tilespmem:$0x65A0];
	v31 =	vbroadcast v0, $0x7;
	v30 =	vmul.f32 v18, v25;
	[tilespmem:$0x7530] =	vst v24  }
0x13d: {  	v35 =	vld [tilespmem:$0x65B0];
	v34 =	vbroadcast v0, $0x8;
	v33 =	vmul.f32 v20, v28;
	[tilespmem:$0x7540] =	vst v27  }
0x13e: {  	v38 =	vld [tilespmem:$0x65C0];
	v37 =	vbroadcast v0, $0x9;
	v36 =	vmul.f32 v23, v31;
	[tilespmem:$0x7550] =	vst v30  }
0x13f: {  	v41 =	vld [tilespmem:$0x65D0];
	v40 =	vbroadcast v0, $0xA;
	v39 =	vmul.f32 v26, v34;
	[tilespmem:$0x7560] =	vst v33  }
0x140: {  	v44 =	vld [tilespmem:$0x65E0];
	v43 =	vbroadcast v0, $0xB;
	v42 =	vmul.f32 v29, v37;
	[tilespmem:$0x7570] =	vst v36  }
0x141: {  	v47 =	vld [tilespmem:$0x65F0];
	v46 =	vbroadcast v0, $0xC;
	v45 =	vmul.f32 v32, v40;
	[tilespmem:$0x7580] =	vst v39  }
0x142: {  	v49 =	vbroadcast v0, $0xD;
	v48 =	vmul.f32 v35, v43;
	[tilespmem:$0x7590] =	vst v42  }
0x143: {  	v51 =	vbroadcast v0, $0xE;
	v50 =	vmul.f32 v38, v46;
	[tilespmem:$0x75A0] =	vst v45  }
0x144: {  	v0 =	vbroadcast v0, $0xF;
	v52 =	vmul.f32 v41, v49;
	[tilespmem:$0x75B0] =	vst v48  }
0x145: {  	v53 =	vmul.f32 v44, v51;
	[tilespmem:$0x75C0] =	vst v50  }
0x146: {  	v0 =	vmul.f32 v47, v0;
	[tilespmem:$0x75D0] =	vst v52  }
0x147: {  	[tilespmem:$0x75E0] =	vst v53  }
0x148: {  	[tilespmem:$0x75F0] =	vst v0  }
0x149: {  	v0 =	vld [tilespmem:s30+$0x4230];
	_ =	sdelay $0x1  }
0x14a: {  	v54 =	vld [tilespmem:$0x6600]  }
0x14b: {  	v55 =	vld [tilespmem:$0x6610]  }
0x14c: {  	v56 =	vld [tilespmem:$0x6620]  }
0x14d: {  	v58 =	vld [tilespmem:$0x6630];
	v57 =	vbroadcast v0, $0x0  }
0x14e: {  	v60 =	vld [tilespmem:$0x6640];
	v59 =	vbroadcast v0, $0x1  }
0x14f: {  	v62 =	vld [tilespmem:$0x6650];
	v61 =	vbroadcast v0, $0x2;
	v1 =	vmul.f32 v57, v54  }
0x150: {  	v12 =	vld [tilespmem:$0x6660];
	v63 =	vbroadcast v0, $0x3;
	v2 =	vmul.f32 v55, v59  }
0x151: {  	v15 =	vld [tilespmem:$0x6670];
	v14 =	vbroadcast v0, $0x4;
	v13 =	vmul.f32 v56, v61;
	[tilespmem:$0x7600] =	vst v1  }
0x152: {  	v18 =	vld [tilespmem:$0x6680];
	v17 =	vbroadcast v0, $0x5;
	v16 =	vmul.f32 v58, v63;
	[tilespmem:$0x7610] =	vst v2  }
0x153: {  	v21 =	vld [tilespmem:$0x6690];
	v20 =	vbroadcast v0, $0x6;
	v19 =	vmul.f32 v60, v14;
	[tilespmem:$0x7620] =	vst v13  }
0x154: {  	v24 =	vld [tilespmem:$0x66A0];
	v23 =	vbroadcast v0, $0x7;
	v22 =	vmul.f32 v62, v17;
	[tilespmem:$0x7630] =	vst v16  }
0x155: {  	v27 =	vld [tilespmem:$0x66B0];
	v26 =	vbroadcast v0, $0x8;
	v25 =	vmul.f32 v12, v20;
	[tilespmem:$0x7640] =	vst v19  }
0x156: {  	v30 =	vld [tilespmem:$0x66C0];
	v29 =	vbroadcast v0, $0x9;
	v28 =	vmul.f32 v15, v23;
	[tilespmem:$0x7650] =	vst v22  }
0x157: {  	v33 =	vld [tilespmem:$0x66D0];
	v32 =	vbroadcast v0, $0xA;
	v31 =	vmul.f32 v18, v26;
	[tilespmem:$0x7660] =	vst v25  }
0x158: {  	v36 =	vld [tilespmem:$0x66E0];
	v35 =	vbroadcast v0, $0xB;
	v34 =	vmul.f32 v21, v29;
	[tilespmem:$0x7670] =	vst v28  }
0x159: {  	v39 =	vld [tilespmem:$0x66F0];
	v38 =	vbroadcast v0, $0xC;
	v37 =	vmul.f32 v24, v32;
	[tilespmem:$0x7680] =	vst v31  }
0x15a: {  	v41 =	vbroadcast v0, $0xD;
	v40 =	vmul.f32 v27, v35;
	[tilespmem:$0x7690] =	vst v34  }
0x15b: {  	v43 =	vbroadcast v0, $0xE;
	v42 =	vmul.f32 v30, v38;
	[tilespmem:$0x76A0] =	vst v37  }
0x15c: {  	v0 =	vbroadcast v0, $0xF;
	v44 =	vmul.f32 v33, v41;
	[tilespmem:$0x76B0] =	vst v40  }
0x15d: {  	v45 =	vmul.f32 v36, v43;
	[tilespmem:$0x76C0] =	vst v42  }
0x15e: {  	v0 =	vmul.f32 v39, v0;
	[tilespmem:$0x76D0] =	vst v44  }
0x15f: {  	[tilespmem:$0x76E0] =	vst v45  }
0x160: {  	[tilespmem:$0x76F0] =	vst v0  }
0x161: {  	v0 =	vld [tilespmem:s30+$0x4240];
	_ =	sdelay $0x1  }
0x162: {  	v46 =	vld [tilespmem:$0x6700]  }
0x163: {  	v47 =	vld [tilespmem:$0x6710]  }
0x164: {  	v48 =	vld [tilespmem:$0x6720]  }
0x165: {  	v50 =	vld [tilespmem:$0x6730];
	v49 =	vbroadcast v0, $0x0  }
0x166: {  	v52 =	vld [tilespmem:$0x6740];
	v51 =	vbroadcast v0, $0x1  }
0x167: {  	v54 =	vld [tilespmem:$0x6750];
	v53 =	vbroadcast v0, $0x2;
	v1 =	vmul.f32 v49, v46  }
0x168: {  	v56 =	vld [tilespmem:$0x6760];
	v55 =	vbroadcast v0, $0x3;
	v2 =	vmul.f32 v47, v51  }
0x169: {  	v59 =	vld [tilespmem:$0x6770];
	v58 =	vbroadcast v0, $0x4;
	v57 =	vmul.f32 v48, v53;
	[tilespmem:$0x7700] =	vst v1  }
0x16a: {  	v62 =	vld [tilespmem:$0x6780];
	v61 =	vbroadcast v0, $0x5;
	v60 =	vmul.f32 v50, v55;
	[tilespmem:$0x7710] =	vst v2  }
0x16b: {  	v13 =	vld [tilespmem:$0x6790];
	v12 =	vbroadcast v0, $0x6;
	v63 =	vmul.f32 v52, v58;
	[tilespmem:$0x7720] =	vst v57  }
0x16c: {  	v16 =	vld [tilespmem:$0x67A0];
	v15 =	vbroadcast v0, $0x7;
	v14 =	vmul.f32 v54, v61;
	[tilespmem:$0x7730] =	vst v60  }
0x16d: {  	v19 =	vld [tilespmem:$0x67B0];
	v18 =	vbroadcast v0, $0x8;
	v17 =	vmul.f32 v56, v12;
	[tilespmem:$0x7740] =	vst v63  }
0x16e: {  	v22 =	vld [tilespmem:$0x67C0];
	v21 =	vbroadcast v0, $0x9;
	v20 =	vmul.f32 v59, v15;
	[tilespmem:$0x7750] =	vst v14  }
0x16f: {  	v25 =	vld [tilespmem:$0x67D0];
	v24 =	vbroadcast v0, $0xA;
	v23 =	vmul.f32 v62, v18;
	[tilespmem:$0x7760] =	vst v17  }
0x170: {  	v28 =	vld [tilespmem:$0x67E0];
	v27 =	vbroadcast v0, $0xB;
	v26 =	vmul.f32 v13, v21;
	[tilespmem:$0x7770] =	vst v20  }
0x171: {  	v31 =	vld [tilespmem:$0x67F0];
	v30 =	vbroadcast v0, $0xC;
	v29 =	vmul.f32 v16, v24;
	[tilespmem:$0x7780] =	vst v23  }
0x172: {  	v33 =	vbroadcast v0, $0xD;
	v32 =	vmul.f32 v19, v27;
	[tilespmem:$0x7790] =	vst v26  }
0x173: {  	v35 =	vbroadcast v0, $0xE;
	v34 =	vmul.f32 v22, v30;
	[tilespmem:$0x77A0] =	vst v29  }
0x174: {  	v0 =	vbroadcast v0, $0xF;
	v36 =	vmul.f32 v25, v33;
	[tilespmem:$0x77B0] =	vst v32  }
0x175: {  	v37 =	vmul.f32 v28, v35;
	[tilespmem:$0x77C0] =	vst v34  }
0x176: {  	v0 =	vmul.f32 v31, v0;
	[tilespmem:$0x77D0] =	vst v36  }
0x177: {  	[tilespmem:$0x77E0] =	vst v37  }
0x178: {  	[tilespmem:$0x77F0] =	vst v0  }
0x179: {  	v0 =	vld [tilespmem:s30+$0x4250];
	_ =	sdelay $0x1  }
0x17a: {  	v38 =	vld [tilespmem:$0x6800]  }
0x17b: {  	v39 =	vld [tilespmem:$0x6810]  }
0x17c: {  	v40 =	vld [tilespmem:$0x6820]  }
0x17d: {  	v42 =	vld [tilespmem:$0x6830];
	v41 =	vbroadcast v0, $0x0  }
0x17e: {  	v44 =	vld [tilespmem:$0x6840];
	v43 =	vbroadcast v0, $0x1  }
0x17f: {  	v46 =	vld [tilespmem:$0x6850];
	v45 =	vbroadcast v0, $0x2;
	v1 =	vmul.f32 v41, v38  }
0x180: {  	v48 =	vld [tilespmem:$0x6860];
	v47 =	vbroadcast v0, $0x3;
	v2 =	vmul.f32 v39, v43  }
0x181: {  	v51 =	vld [tilespmem:$0x6870];
	v50 =	vbroadcast v0, $0x4;
	v49 =	vmul.f32 v40, v45;
	[tilespmem:$0x7800] =	vst v1  }
0x182: {  	v54 =	vld [tilespmem:$0x6880];
	v53 =	vbroadcast v0, $0x5;
	v52 =	vmul.f32 v42, v47;
	[tilespmem:$0x7810] =	vst v2  }
0x183: {  	v57 =	vld [tilespmem:$0x6890];
	v56 =	vbroadcast v0, $0x6;
	v55 =	vmul.f32 v44, v50;
	[tilespmem:$0x7820] =	vst v49  }
0x184: {  	v60 =	vld [tilespmem:$0x68A0];
	v59 =	vbroadcast v0, $0x7;
	v58 =	vmul.f32 v46, v53;
	[tilespmem:$0x7830] =	vst v52  }
0x185: {  	v63 =	vld [tilespmem:$0x68B0];
	v62 =	vbroadcast v0, $0x8;
	v61 =	vmul.f32 v48, v56;
	[tilespmem:$0x7840] =	vst v55  }
0x186: {  	v12 =	vld [tilespmem:$0x68C0];
	v11 =	vbroadcast v0, $0x9;
	v10 =	vmul.f32 v51, v59;
	[tilespmem:$0x7850] =	vst v58  }
0x187: {  	v15 =	vld [tilespmem:$0x68D0];
	v14 =	vbroadcast v0, $0xA;
	v13 =	vmul.f32 v54, v62;
	[tilespmem:$0x7860] =	vst v61  }
0x188: {  	v18 =	vld [tilespmem:$0x68E0];
	v17 =	vbroadcast v0, $0xB;
	v16 =	vmul.f32 v57, v11;
	[tilespmem:$0x7870] =	vst v10  }
0x189: {  	v21 =	vld [tilespmem:$0x68F0];
	v20 =	vbroadcast v0, $0xC;
	v19 =	vmul.f32 v60, v14;
	[tilespmem:$0x7880] =	vst v13  }
0x18a: {  	v23 =	vbroadcast v0, $0xD;
	v22 =	vmul.f32 v63, v17;
	[tilespmem:$0x7890] =	vst v16  }
0x18b: {  	v25 =	vbroadcast v0, $0xE;
	v24 =	vmul.f32 v12, v20;
	[tilespmem:$0x78A0] =	vst v19  }
0x18c: {  	v0 =	vbroadcast v0, $0xF;
	v26 =	vmul.f32 v15, v23;
	[tilespmem:$0x78B0] =	vst v22  }
0x18d: {  	v27 =	vmul.f32 v18, v25;
	[tilespmem:$0x78C0] =	vst v24  }
0x18e: {  	v0 =	vmul.f32 v21, v0;
	[tilespmem:$0x78D0] =	vst v26  }
0x18f: {  	[tilespmem:$0x78E0] =	vst v27  }
0x190: {  	[tilespmem:$0x78F0] =	vst v0  }
0x191: {  	v0 =	vld [tilespmem:s30+$0x4260];
	_ =	sdelay $0x1  }
0x192: {  	v28 =	vld [tilespmem:$0x6900]  }
0x193: {  	v29 =	vld [tilespmem:$0x6910]  }
0x194: {  	v30 =	vld [tilespmem:$0x6920]  }
0x195: {  	v32 =	vld [tilespmem:$0x6930];
	v31 =	vbroadcast v0, $0x0  }
0x196: {  	v34 =	vld [tilespmem:$0x6940];
	v33 =	vbroadcast v0, $0x1  }
0x197: {  	v36 =	vld [tilespmem:$0x6950];
	v35 =	vbroadcast v0, $0x2;
	v1 =	vmul.f32 v31, v28  }
0x198: {  	v38 =	vld [tilespmem:$0x6960];
	v37 =	vbroadcast v0, $0x3;
	v2 =	vmul.f32 v29, v33  }
0x199: {  	v41 =	vld [tilespmem:$0x6970];
	v40 =	vbroadcast v0, $0x4;
	v39 =	vmul.f32 v30, v35;
	[tilespmem:$0x7900] =	vst v1  }
0x19a: {  	v44 =	vld [tilespmem:$0x6980];
	v43 =	vbroadcast v0, $0x5;
	v42 =	vmul.f32 v32, v37;
	[tilespmem:$0x7910] =	vst v2  }
0x19b: {  	v47 =	vld [tilespmem:$0x6990];
	v46 =	vbroadcast v0, $0x6;
	v45 =	vmul.f32 v34, v40;
	[tilespmem:$0x7920] =	vst v39  }
0x19c: {  	v50 =	vld [tilespmem:$0x69A0];
	v49 =	vbroadcast v0, $0x7;
	v48 =	vmul.f32 v36, v43;
	[tilespmem:$0x7930] =	vst v42  }
0x19d: {  	v53 =	vld [tilespmem:$0x69B0];
	v52 =	vbroadcast v0, $0x8;
	v51 =	vmul.f32 v38, v46;
	[tilespmem:$0x7940] =	vst v45  }
0x19e: {  	v56 =	vld [tilespmem:$0x69C0];
	v55 =	vbroadcast v0, $0x9;
	v54 =	vmul.f32 v41, v49;
	[tilespmem:$0x7950] =	vst v48  }
0x19f: {  	v59 =	vld [tilespmem:$0x69D0];
	v58 =	vbroadcast v0, $0xA;
	v57 =	vmul.f32 v44, v52;
	[tilespmem:$0x7960] =	vst v51  }
0x1a0: {  	v62 =	vld [tilespmem:$0x69E0];
	v61 =	vbroadcast v0, $0xB;
	v60 =	vmul.f32 v47, v55;
	[tilespmem:$0x7970] =	vst v54  }
0x1a1: {  	v13 =	vld [tilespmem:$0x69F0];
	v12 =	vbroadcast v0, $0xC;
	v63 =	vmul.f32 v50, v58;
	[tilespmem:$0x7980] =	vst v57  }
0x1a2: {  	v15 =	vbroadcast v0, $0xD;
	v14 =	vmul.f32 v53, v61;
	[tilespmem:$0x7990] =	vst v60  }
0x1a3: {  	v17 =	vbroadcast v0, $0xE;
	v16 =	vmul.f32 v56, v12;
	[tilespmem:$0x79A0] =	vst v63  }
0x1a4: {  	v0 =	vbroadcast v0, $0xF;
	v18 =	vmul.f32 v59, v15;
	[tilespmem:$0x79B0] =	vst v14  }
0x1a5: {  	v19 =	vmul.f32 v62, v17;
	[tilespmem:$0x79C0] =	vst v16  }
0x1a6: {  	v0 =	vmul.f32 v13, v0;
	[tilespmem:$0x79D0] =	vst v18  }
0x1a7: {  	[tilespmem:$0x79E0] =	vst v19  }
0x1a8: {  	[tilespmem:$0x79F0] =	vst v0  }
0x1a9: {  	v0 =	vld [tilespmem:s30+$0x4270];
	_ =	sdelay $0x1  }
0x1aa: {  	v20 =	vld [tilespmem:$0x6A00]  }
0x1ab: {  	v21 =	vld [tilespmem:$0x6A10]  }
0x1ac: {  	v22 =	vld [tilespmem:$0x6A20]  }
0x1ad: {  	v24 =	vld [tilespmem:$0x6A30];
	v23 =	vbroadcast v0, $0x0  }
0x1ae: {  	v26 =	vld [tilespmem:$0x6A40];
	v25 =	vbroadcast v0, $0x1  }
0x1af: {  	v28 =	vld [tilespmem:$0x6A50];
	v27 =	vbroadcast v0, $0x2;
	v1 =	vmul.f32 v23, v20  }
0x1b0: {  	v30 =	vld [tilespmem:$0x6A60];
	v29 =	vbroadcast v0, $0x3;
	v2 =	vmul.f32 v21, v25  }
0x1b1: {  	v33 =	vld [tilespmem:$0x6A70];
	v32 =	vbroadcast v0, $0x4;
	v31 =	vmul.f32 v22, v27;
	[tilespmem:$0x7A00] =	vst v1  }
0x1b2: {  	v36 =	vld [tilespmem:$0x6A80];
	v35 =	vbroadcast v0, $0x5;
	v34 =	vmul.f32 v24, v29;
	[tilespmem:$0x7A10] =	vst v2  }
0x1b3: {  	v39 =	vld [tilespmem:$0x6A90];
	v38 =	vbroadcast v0, $0x6;
	v37 =	vmul.f32 v26, v32;
	[tilespmem:$0x7A20] =	vst v31  }
0x1b4: {  	v42 =	vld [tilespmem:$0x6AA0];
	v41 =	vbroadcast v0, $0x7;
	v40 =	vmul.f32 v28, v35;
	[tilespmem:$0x7A30] =	vst v34  }
0x1b5: {  	v45 =	vld [tilespmem:$0x6AB0];
	v44 =	vbroadcast v0, $0x8;
	v43 =	vmul.f32 v30, v38;
	[tilespmem:$0x7A40] =	vst v37  }
0x1b6: {  	v48 =	vld [tilespmem:$0x6AC0];
	v47 =	vbroadcast v0, $0x9;
	v46 =	vmul.f32 v33, v41;
	[tilespmem:$0x7A50] =	vst v40  }
0x1b7: {  	v51 =	vld [tilespmem:$0x6AD0];
	v50 =	vbroadcast v0, $0xA;
	v49 =	vmul.f32 v36, v44;
	[tilespmem:$0x7A60] =	vst v43  }
0x1b8: {  	v54 =	vld [tilespmem:$0x6AE0];
	v53 =	vbroadcast v0, $0xB;
	v52 =	vmul.f32 v39, v47;
	[tilespmem:$0x7A70] =	vst v46  }
0x1b9: {  	v57 =	vld [tilespmem:$0x6AF0];
	v56 =	vbroadcast v0, $0xC;
	v55 =	vmul.f32 v42, v50;
	[tilespmem:$0x7A80] =	vst v49  }
0x1ba: {  	v59 =	vbroadcast v0, $0xD;
	v58 =	vmul.f32 v45, v53;
	[tilespmem:$0x7A90] =	vst v52  }
0x1bb: {  	v61 =	vbroadcast v0, $0xE;
	v60 =	vmul.f32 v48, v56;
	[tilespmem:$0x7AA0] =	vst v55  }
0x1bc: {  	p1 =	sne.s32 s29, $0x8000;
	v0 =	vbroadcast v0, $0xF;
	v62 =	vmul.f32 v51, v59;
	[tilespmem:$0x7AB0] =	vst v58  }
.Ltmp4:
0x1bd: {  	v63 =	vmul.f32 v54, v61;
	[tilespmem:$0x7AC0] =	vst v60;
	(pc) =	sbr.rel @!p1 .LBB2_3-.Ltmp4, $4  }
0x1be: {  	v0 =	vmul.f32 v57, v0;
	[tilespmem:$0x7AD0] =	vst v62  }
0x1bf: {  	[tilespmem:$0x7AE0] =	vst v63  }
0x1c0: {  	s31 =	sadd.s32 $0x2100, s30;
	[tilespmem:$0x7AF0] =	vst v0  }
0x1c1: {  	[spmem:s1] =	stream.indirect.scatter.add.f32 [tilespmem:s21], [sflag:$0x4], $0x10, s31, s17, $0xb8;
	[tilespmem:$0xC300] =	vst v63  }
0x1c2: {  	s31 =	sadd.s32 $0x100, s30  }
0x1c3: {  	[tilespmem:s18], [sflag:$0x2] =	stream.indirect.gather [hbm4b:s4+s17], $0x10, s31, s17, $0xb8;
	[tilespmem:$0xC300] =	vst v63  }
.Ltmp5:
0x1c4: {  	_ = 	snop;
	(pc) =	sbr.rel @!p0 .LBB2_5-.Ltmp5, $4  }
.Ltmp6:
0x1c5: {  	_ = 	snop;
	(pc) =	sbr.rel @p0 .LBB2_6-.Ltmp6, $4  }
0x1c6: {  	_ =	swait.ge [sflag:s22], $0x800  }
0x1c7: {  	[sflag:s22] =	ssyncset.done $0x0  }
0x1c8: {  	[sflag:s22] =	ssyncadd.s32 $0xFFFFF800  }
0x1c9: {  	_ = 	snop  }
.LBB2_8:
0x1ca: {  	_ =	sfence.sel $0x180000  }
0x1cb: {  	[bflag:$0x0] =	sbarrier.arrive $0xFFFF  }
0x1cc: {  	p0 =	sne.s32 s2, $0x0;
	_ =	strace $0x90000047  }
0x1cd: {  	s0 =	sadd.s32 @!p0 $0x100000, s0;
	[bflag:$0x2] =	sbarrier.arrive $0xFFFF  }
0x1ce: {  	[sflag:s0] =	ssyncadd.tile.s32 @!p0 $0x1;
	_ =	shalt  }
.Lfunc_end2:
_tile_overlayer_lowered:
.L_overlay_start_2:
0x1cf: {  	(tag) =	ssettag $0x2  }
0x1d0: {  	s0 =	rddreg [dreg:$0x0];
	s2 =	stileid.u32  }
0x1d1: {  	s1 =	rddreg [dreg:$0x1];
	p0 =	sne.s32 s2, $0x0  }
0x1d2: {  	s3 =	rddreg [dreg:$0x2];
	[bflag:$0x3] =	sbarrier.arrive $0xFFFF;
	s2 =	simm.s32 @!p0 $0x1C06  }
0x1d3: {  	[timem:s3], [sflag:s2] =	dma.local @!p0 [hbm:s0], s1  }
0x1d4: {  	s0 =	simm.s32 @!p0 $0x6  }
0x1d5: {  	_ =	swait.ge @!p0 [sflag:s0], s1  }
0x1d6: {  	s1 =	ssub.s32 @!p0 $0x0, s1;
	[sflag:s0] =	ssyncset.done @!p0 $0x0  }
0x1d7: {  	[sflag:s0] =	ssyncadd.s32 @!p0 s1  }
0x1d8: {  	[bflag:$0x3] =	sbarrier.arrive $0xFFFF  }
0x1d9: {  	_ =	shalt  }

</sc_bundles>
